<compile_context>
chip_gen: v7x
topology: tpu7x:2x2x1
jax: 0.10.2.dev20260603
libtpu: 0.0.44.dev20260713+nightly
codegen_flags: <defaults>
</compile_context>

<pallas_src>
import functools

import jax
import jax.numpy as jnp
from jax import lax
from jax.experimental import pallas as pl
from jax.experimental.pallas import tpu as pltpu
from jax.experimental.pallas import tpu_sc as plsc

SEQ = 50
BATCH = 1024
EMBED = 300
HIDDEN = 100
GP = 128
G4 = 4 * GP
NUM_CLASS = 10
TOTAL = SEQ * BATCH

_NC = 2
_NS = 16
_NW = _NC * _NS
_PER_W = TOTAL // _NW
_CH = 80
_NCH = _PER_W // _CH
EPAD = 384


def _sc_gather_body(table_hbm, idx_hbm, out_hbm, idx_v, rows0, rows1, sem0,
                    sem1):
    wid = lax.axis_index("s") * _NC + lax.axis_index("c")
    base = wid * _PER_W
    pltpu.sync_copy(idx_hbm.at[pl.ds(base, _PER_W)], idx_v)
    bufs = (rows0, rows1)
    sems = (sem0, sem1)

    def _gather(j, buf, sem):
        return pltpu.make_async_copy(
            table_hbm.at[idx_v.at[pl.ds(j * _CH, _CH)]], buf, sem)

    _gather(0, bufs[0], sems[0]).start()
    for j in range(_NCH):
        cur, csem = bufs[j % 2], sems[j % 2]
        if j + 1 < _NCH:
            _gather(j + 1, bufs[(j + 1) % 2], sems[(j + 1) % 2]).start()
        _gather(j, cur, csem).wait()
        pltpu.sync_copy(cur, out_hbm.at[pl.ds(base + j * _CH, _CH)])


def _sc_gather(emb384, idx):
    mesh = plsc.VectorSubcoreMesh(core_axis_name="c", subcore_axis_name="s")
    call = pl.kernel(
        _sc_gather_body,
        out_type=jax.ShapeDtypeStruct((TOTAL, EPAD), jnp.float32),
        mesh=mesh,
        scratch_types=[
            pltpu.VMEM((_PER_W,), jnp.int32),
            pltpu.VMEM((_CH, EPAD), jnp.float32),
            pltpu.VMEM((_CH, EPAD), jnp.float32),
            pltpu.SemaphoreType.DMA,
            pltpu.SemaphoreType.DMA,
        ],
    )
    return call(emb384, idx)


_TB = 4096
VOCAB_N = 100000


def _transpose_body(xt_ref, o_ref):
    xp = jnp.concatenate(
        [xt_ref[...], jnp.zeros((EPAD - EMBED, _TB), jnp.float32)], axis=0)
    o_ref[...] = xp.T


def _transpose_table(embT):
    grid = (VOCAB_N + _TB - 1) // _TB
    return pl.pallas_call(
        _transpose_body,
        grid=(grid,),
        in_specs=[pl.BlockSpec((EMBED, _TB), lambda i: (0, i))],
        out_specs=pl.BlockSpec((_TB, EPAD), lambda i: (i, 0)),
        out_shape=jax.ShapeDtypeStruct((VOCAB_N, EPAD), jnp.float32),
        compiler_params=pltpu.CompilerParams(
            dimension_semantics=("arbitrary",)),
    )(embT)


def _layer_body(nparts, last, *refs):
    i = 0
    xf = refs[i:i + nparts]; i += nparts
    xb = refs[i:i + nparts]; i += nparts
    wf = refs[i:i + nparts]; i += nparts
    wb = refs[i:i + nparts]; i += nparts
    whhf, whhb, bf, bb = refs[i:i + 4]; i += 4
    if last:
        h00, h01, h10, h11, fcw, fcb = refs[i:i + 6]; i += 6
        ysf, ysb, hfo, hbo, fco = refs[i:i + 5]; i += 5
    else:
        ysf, ysb, hfo, hbo = refs[i:i + 4]; i += 4
    hf, cf, hb, cb = refs[i:i + 4]

    t = pl.program_id(0)

    @pl.when(t == 0)
    def _():
        hf[...] = jnp.zeros_like(hf)
        cf[...] = jnp.zeros_like(cf)
        hb[...] = jnp.zeros_like(hb)
        cb[...] = jnp.zeros_like(cb)

    def _dot(a, b):
        return jnp.dot(a, b, preferred_element_type=jnp.float32)

    def _step(xparts, wparts, whh, b, h_s, c_s):
        g = _dot(h_s[...], whh[...])
        for xp, wp in zip(xparts, wparts):
            g = g + _dot(xp[0].astype(jnp.bfloat16), wp[...])
        g = g + b[...]

        def _sig(v):
            return 0.5 * jnp.tanh(0.5 * v) + 0.5

        ii = _sig(g[:, 0:GP])
        ff = _sig(g[:, GP:2 * GP])
        gg = jnp.tanh(g[:, 2 * GP:3 * GP])
        oo = _sig(g[:, 3 * GP:4 * GP])
        c2 = ff * c_s[...] + ii * gg
        h2 = oo * jnp.tanh(c2)
        h_s[...] = h2.astype(jnp.bfloat16)
        c_s[...] = c2
        return h2

    h2f = _step(xf, wf, whhf, bf, hf, cf)
    h2b = _step(xb, wb, whhb, bb, hb, cb)
    ysf[0] = h2f[:, :HIDDEN]
    ysb[0] = h2b[:, :HIDDEN]

    @pl.when(t == SEQ - 1)
    def _():
        hfo[...] = h2f[:, :HIDDEN]
        hbo[...] = h2b[:, :HIDDEN]
        if last:
            feats = (h00[...], h01[...], h10[...], h11[...],
                     h2f[:, :HIDDEN], h2b[:, :HIDDEN])
            o = fcb[...]
            for k6 in range(6):
                o = o + _dot(feats[k6], fcw[k6])
            fco[...] = o


def _pad_gates(m):
    k = m.shape[0]
    m = m.reshape(k, 4, HIDDEN)
    m = jnp.pad(m, ((0, 0), (0, 0), (0, GP - HIDDEN)))
    return m.reshape(k, G4)


def _prep_dir(p, in_splits):
    W_ih, W_hh, b_ih, b_hh = p
    wt = _pad_gates(W_ih.T)
    need = sum(in_splits)
    if need > wt.shape[0]:
        wt = jnp.pad(wt, ((0, need - wt.shape[0]), (0, 0)))
    parts = []
    off = 0
    for s in in_splits:
        parts.append(wt[off:off + s].astype(jnp.bfloat16))
        off += s
    whh = _pad_gates(W_hh.T)
    whh = jnp.pad(whh, ((0, GP - HIDDEN), (0, 0)))
    whh = whh.astype(jnp.bfloat16)
    bias = _pad_gates((b_ih + b_hh)[None, :])
    return parts, whh, bias


def _full_spec(a):
    nd = a.ndim
    return pl.BlockSpec(a.shape, lambda t, _n=nd: (0,) * _n)


def _run_layer(xs_f, xs_b, layer, in_splits, fc_extra=None):
    nparts = len(xs_f)
    last = fc_extra is not None
    wfp, whhf, bf = _prep_dir(layer[0], in_splits)
    wbp, whhb, bb = _prep_dir(layer[1], in_splits)

    ins = []
    in_specs = []
    for a in xs_f:
        ins.append(a)
        in_specs.append(pl.BlockSpec((1, BATCH, a.shape[2]),
                                     lambda t: (t, 0, 0)))
    for a in xs_b:
        ins.append(a)
        in_specs.append(pl.BlockSpec((1, BATCH, a.shape[2]),
                                     lambda t: (SEQ - 1 - t, 0, 0)))
    for w in wfp + wbp + [whhf, whhb, bf, bb]:
        ins.append(w)
        in_specs.append(_full_spec(w))
    if last:
        for a in fc_extra:
            ins.append(a)
            in_specs.append(_full_spec(a))

    out_shapes = [
        jax.ShapeDtypeStruct((SEQ, BATCH, HIDDEN), jnp.float32),
        jax.ShapeDtypeStruct((SEQ, BATCH, HIDDEN), jnp.float32),
        jax.ShapeDtypeStruct((BATCH, HIDDEN), jnp.float32),
        jax.ShapeDtypeStruct((BATCH, HIDDEN), jnp.float32),
    ]
    out_specs = [
        pl.BlockSpec((1, BATCH, HIDDEN), lambda t: (t, 0, 0)),
        pl.BlockSpec((1, BATCH, HIDDEN), lambda t: (SEQ - 1 - t, 0, 0)),
        pl.BlockSpec((BATCH, HIDDEN), lambda t: (0, 0)),
        pl.BlockSpec((BATCH, HIDDEN), lambda t: (0, 0)),
    ]
    if last:
        out_shapes.append(jax.ShapeDtypeStruct((BATCH, NUM_CLASS),
                                               jnp.float32))
        out_specs.append(pl.BlockSpec((BATCH, NUM_CLASS), lambda t: (0, 0)))

    call = pl.pallas_call(
        functools.partial(_layer_body, nparts, last),
        grid=(SEQ,),
        in_specs=in_specs,
        out_specs=out_specs,
        out_shape=out_shapes,
        scratch_shapes=[
            pltpu.VMEM((BATCH, GP), jnp.bfloat16),
            pltpu.VMEM((BATCH, GP), jnp.float32),
            pltpu.VMEM((BATCH, GP), jnp.bfloat16),
            pltpu.VMEM((BATCH, GP), jnp.float32),
        ],
        compiler_params=pltpu.CompilerParams(
            dimension_semantics=("arbitrary",)),
    )
    return call(*ins)


def _lstm_tail(E, lstm_params, fc_w, fc_b):
    fcw = fc_w.T.reshape(6, HIDDEN, NUM_CLASS)
    fcb = fc_b.reshape(1, NUM_CLASS)

    ysf, ysb, h00, h01 = _run_layer([E], [E], lstm_params[0], [EPAD])
    ysf, ysb, h10, h11 = _run_layer([ysf, ysb], [ysf, ysb],
                                    lstm_params[1], [HIDDEN, HIDDEN])
    outs = _run_layer([ysf, ysb], [ysf, ysb], lstm_params[2],
                      [HIDDEN, HIDDEN],
                      fc_extra=[h00, h01, h10, h11, fcw, fcb])
    return outs[4]


def kernel(x, emb, lstm_params, fc_w, fc_b):
    idx = x.astype(jnp.int32).reshape(TOTAL)
    emb384 = _transpose_table(emb.T)
    E = _sc_gather(emb384, idx)
    return _lstm_tail(E.reshape(SEQ, BATCH, EPAD), lstm_params, fc_w, fc_b)

# --- scband reference (transcript-rebuilt; emitter-appended) ---
"""Pipeline reference for scband-text-lstm-29008209117811 (READ-ONLY COPY).

The authoritative reference and input builder live on the scoring server;
editing this copy changes nothing except your own understanding.
"""

import jax, jax.numpy as jnp
import numpy as np

VOCAB = 100000
EMBED = 300
HIDDEN = 100
LAYERS = 3
SEQ = 50
BATCH = 1024
NUM_CLASS = 10


def _init_params(key):
    ks = jax.random.split(key, 2 + LAYERS * 8 + 2)
    emb = jax.random.normal(ks[0], (VOCAB, EMBED), jnp.float32) * 0.1
    params = []
    idx = 1
    for l in range(LAYERS):
        in_dim = EMBED if l == 0 else 2 * HIDDEN
        layer = []
        for d in range(2):
            W_ih = jax.random.normal(ks[idx], (4 * HIDDEN, in_dim), jnp.float32) * 0.05; idx += 1
            W_hh = jax.random.normal(ks[idx], (4 * HIDDEN, HIDDEN), jnp.float32) * 0.05; idx += 1
            b_ih = jax.random.normal(ks[idx], (4 * HIDDEN,), jnp.float32) * 0.05; idx += 1
            b_hh = jax.random.normal(ks[idx], (4 * HIDDEN,), jnp.float32) * 0.05; idx += 1
            layer.append((W_ih, W_hh, b_ih, b_hh))
        params.append(layer)
    fc_w = jax.random.normal(ks[idx], (NUM_CLASS, HIDDEN * LAYERS * 2), jnp.float32) * 0.05; idx += 1
    fc_b = jnp.zeros((NUM_CLASS,), jnp.float32)
    return emb, params, fc_w, fc_b


def setup_inputs(seed: int = 0):
    key = jax.random.key(seed)
    kx, kp = jax.random.split(key)
    x = jax.random.randint(kx, (SEQ, BATCH), 0, VOCAB)
    emb, params, fc_w, fc_b = _init_params(kp)
    return {"x": x, "emb": emb, "lstm_params": params, "fc_w": fc_w, "fc_b": fc_b}


def _run_dir(x_seq, p, reverse):
    W_ih, W_hh, b_ih, b_hh = p
    B = x_seq.shape[1]

    def step(carry, xt):
        h, c = carry
        g = xt @ W_ih.T + h @ W_hh.T + b_ih + b_hh
        i, f, gg, o = jnp.split(g, 4, axis=-1)
        i = jax.nn.sigmoid(i)
        f = jax.nn.sigmoid(f)
        o = jax.nn.sigmoid(o)
        gg = jnp.tanh(gg)
        c2 = f * c + i * gg
        h2 = o * jnp.tanh(c2)
        return (h2, c2), h2

    h0 = jnp.zeros((B, HIDDEN), jnp.float32)
    c0 = jnp.zeros((B, HIDDEN), jnp.float32)
    (hT, cT), ys = jax.lax.scan(step, (h0, c0), x_seq, reverse=reverse)
    return ys, hT


def reference(x, emb, lstm_params, fc_w, fc_b):
    # embedding lookup: [S, B] -> [S, B, EMBED] (torch nn.LSTM is seq-first)
    inp = jnp.take(emb, x, axis=0)
    finals = []
    for layer in lstm_params:
        ys_f, hT_f = _run_dir(inp, layer[0], False)
        ys_b, hT_b = _run_dir(inp, layer[1], True)
        inp = jnp.concatenate([ys_f, ys_b], axis=-1)
        finals.append(hT_f)
        finals.append(hT_b)
    # inter-layer dropout is identity at inference time
    h_n = jnp.stack(finals, axis=0)  # [LAYERS*2, B, HIDDEN]
    feat = jnp.concatenate([h_n[i] for i in range(h_n.shape[0])], axis=1)  # [B, 600]
    out = feat @ fc_w.T + fc_b
    return out

if __name__ == "__main__":
    import jax
    _d = setup_inputs()
    print(jax.jit(kernel)(*tuple(_d.values())))

</pallas_src>

<mosaic_0001>
#map = affine_map<(d0, d1) -> (0, 0)>
#map1 = affine_map<(d0, d1) -> (0)>
module attributes {stable_mosaic.version = 14 : i64} {
  func.func @_sc_gather_body(%arg0: i32, %arg1: i32, %arg2: memref<100000x384xf32, #tpu.memory_space<hbm>>, %arg3: memref<51200xi32, #tpu.memory_space<hbm>>, %arg4: memref<51200x384xf32, #tpu.memory_space<hbm>>, %arg5: memref<1600xi32, #tpu.memory_space<vmem>>, %arg6: memref<80x384xf32, #tpu.memory_space<vmem>>, %arg7: memref<80x384xf32, #tpu.memory_space<vmem>>, %arg8: memref<!tpu.dma_semaphore, #tpu.memory_space<semaphore_mem>>, %arg9: memref<!tpu.dma_semaphore, #tpu.memory_space<semaphore_mem>>) attributes {dimension_semantics = [#tpu.dimension_semantics<core_parallel>, #tpu.dimension_semantics<subcore_parallel>], iteration_bounds = array<i64: 2, 16>, scalar_prefetch = 0 : i64, scratch_operands = 5 : i64, tpu.core_type = #tpu.core_type<sc_vector_subcore>, window_params = [{transform_indices = #map}, {transform_indices = #map1}, {transform_indices = #map}]} {
    %mul3A = arith.constant 2 : i32
    %mul3A_0 = arith.muli %arg1, %mul3A : i32
    %add3A = arith.addi %mul3A_0, %arg0 : i32
    %mul3A_1 = arith.constant 1600 : i32
    %mul3A_2 = arith.muli %add3A, %mul3A_1 : i32
    "tpu.region"() ({
      %run_scoped3A = tpu.sem_alloc : memref<!tpu.dma_semaphore, #tpu.memory_space<semaphore_mem>>
      %dma_start3A_241 = tpu.memref_slice %arg3[%mul3A_2] : memref<51200xi32, #tpu.memory_space<hbm>> -> memref<1600xi32, #tpu.memory_space<hbm>>
      %dma_start3A_242 = tpu.memref_slice %arg3[%mul3A_2] : memref<51200xi32, #tpu.memory_space<hbm>> -> memref<1600xi32, #tpu.memory_space<hbm>>
      tpu.enqueue_dma source(%dma_start3A_242 : memref<1600xi32, #tpu.memory_space<hbm>>) target(%arg5 : memref<1600xi32, #tpu.memory_space<vmem>>) target_semaphore(%run_scoped3A : memref<!tpu.dma_semaphore, #tpu.memory_space<semaphore_mem>>)
      %dma_wait3A_243 = tpu.memref_slice %arg3[%mul3A_2] : memref<51200xi32, #tpu.memory_space<hbm>> -> memref<1600xi32, #tpu.memory_space<hbm>>
      %dma_wait3A_244 = tpu.memref_slice %arg3[%mul3A_2] : memref<51200xi32, #tpu.memory_space<hbm>> -> memref<1600xi32, #tpu.memory_space<hbm>>
      tpu.wait_dma2 semaphore(%run_scoped3A : memref<!tpu.dma_semaphore, #tpu.memory_space<semaphore_mem>>) src(%dma_wait3A_244 : memref<1600xi32, #tpu.memory_space<hbm>>) dst(%arg5 : memref<1600xi32, #tpu.memory_space<vmem>>)
      tpu.yield
    }) : () -> ()
    %dma_start3A = arith.constant 0 : i32
    %dma_start3A_3 = tpu.memref_slice %arg5[%dma_start3A] : memref<1600xi32, #tpu.memory_space<vmem>> -> memref<80xi32, #tpu.memory_space<vmem>>
    %dma_start3A_4 = arith.constant 0 : i32
    %dma_start3A_5 = arith.constant 0 : i32
    %dma_start3A_6 = tpu.memref_slice %arg2[%dma_start3A_4, %dma_start3A_5] : memref<100000x384xf32, #tpu.memory_space<hbm>> -> memref<100000x384xf32, #tpu.memory_space<hbm>>
    tpu.enqueue_indirect_dma source(%dma_start3A_6 : memref<100000x384xf32, #tpu.memory_space<hbm>>) target(%arg6 : memref<80x384xf32, #tpu.memory_space<vmem>>) offsets(%dma_start3A_3 : memref<80xi32, #tpu.memory_space<vmem>>) semaphore(%arg8 : memref<!tpu.dma_semaphore, #tpu.memory_space<semaphore_mem>>)
    %dma_start3A_7 = arith.constant 80 : i32
    %dma_start3A_8 = tpu.memref_slice %arg5[%dma_start3A_7] : memref<1600xi32, #tpu.memory_space<vmem>> -> memref<80xi32, #tpu.memory_space<vmem>>
    %dma_start3A_9 = arith.constant 0 : i32
    %dma_start3A_10 = arith.constant 0 : i32
    %dma_start3A_11 = tpu.memref_slice %arg2[%dma_start3A_9, %dma_start3A_10] : memref<100000x384xf32, #tpu.memory_space<hbm>> -> memref<100000x384xf32, #tpu.memory_space<hbm>>
    tpu.enqueue_indirect_dma source(%dma_start3A_11 : memref<100000x384xf32, #tpu.memory_space<hbm>>) target(%arg7 : memref<80x384xf32, #tpu.memory_space<vmem>>) offsets(%dma_start3A_8 : memref<80xi32, #tpu.memory_space<vmem>>) semaphore(%arg9 : memref<!tpu.dma_semaphore, #tpu.memory_space<semaphore_mem>>)
    %dma_wait3A = arith.constant 0 : i32
    %dma_wait3A_12 = tpu.memref_slice %arg5[%dma_wait3A] : memref<1600xi32, #tpu.memory_space<vmem>> -> memref<80xi32, #tpu.memory_space<vmem>>
    %dma_wait3A_13 = arith.constant 0 : i32
    %dma_wait3A_14 = arith.constant 0 : i32
    %dma_wait3A_15 = tpu.memref_slice %arg2[%dma_wait3A_13, %dma_wait3A_14] : memref<100000x384xf32, #tpu.memory_space<hbm>> -> memref<100000x384xf32, #tpu.memory_space<hbm>>
    tpu.wait_indirect_dma semaphore(%arg8 : memref<!tpu.dma_semaphore, #tpu.memory_space<semaphore_mem>>) src(%dma_wait3A_15 : memref<100000x384xf32, #tpu.memory_space<hbm>>) dst(%arg6 : memref<80x384xf32, #tpu.memory_space<vmem>>)
    %add3A_16 = arith.constant 0 : i32
    %add3A_17 = arith.addi %mul3A_2, %add3A_16 : i32
    "tpu.region"() ({
      %run_scoped3A = tpu.sem_alloc : memref<!tpu.dma_semaphore, #tpu.memory_space<semaphore_mem>>
      %dma_start3A_241 = arith.constant 0 : i32
      %dma_start3A_242 = tpu.memref_slice %arg4[%add3A_17, %dma_start3A_241] : memref<51200x384xf32, #tpu.memory_space<hbm>> -> memref<80x384xf32, #tpu.memory_space<hbm>>
      %dma_start3A_243 = arith.constant 0 : i32
      %dma_start3A_244 = tpu.memref_slice %arg4[%add3A_17, %dma_start3A_243] : memref<51200x384xf32, #tpu.memory_space<hbm>> -> memref<80x384xf32, #tpu.memory_space<hbm>>
      tpu.enqueue_dma source(%arg6 : memref<80x384xf32, #tpu.memory_space<vmem>>) target(%dma_start3A_244 : memref<80x384xf32, #tpu.memory_space<hbm>>) target_semaphore(%run_scoped3A : memref<!tpu.dma_semaphore, #tpu.memory_space<semaphore_mem>>)
      %dma_wait3A_245 = arith.constant 0 : i32
      %dma_wait3A_246 = tpu.memref_slice %arg4[%add3A_17, %dma_wait3A_245] : memref<51200x384xf32, #tpu.memory_space<hbm>> -> memref<80x384xf32, #tpu.memory_space<hbm>>
      %dma_wait3A_247 = arith.constant 0 : i32
      %dma_wait3A_248 = tpu.memref_slice %arg4[%add3A_17, %dma_wait3A_247] : memref<51200x384xf32, #tpu.memory_space<hbm>> -> memref<80x384xf32, #tpu.memory_space<hbm>>
      tpu.wait_dma2 semaphore(%run_scoped3A : memref<!tpu.dma_semaphore, #tpu.memory_space<semaphore_mem>>) src(%arg6 : memref<80x384xf32, #tpu.memory_space<vmem>>) dst(%dma_wait3A_248 : memref<80x384xf32, #tpu.memory_space<hbm>>)
      tpu.yield
    }) : () -> ()
    %dma_start3A_18 = arith.constant 160 : i32
    %dma_start3A_19 = tpu.memref_slice %arg5[%dma_start3A_18] : memref<1600xi32, #tpu.memory_space<vmem>> -> memref<80xi32, #tpu.memory_space<vmem>>
    %dma_start3A_20 = arith.constant 0 : i32
    %dma_start3A_21 = arith.constant 0 : i32
    %dma_start3A_22 = tpu.memref_slice %arg2[%dma_start3A_20, %dma_start3A_21] : memref<100000x384xf32, #tpu.memory_space<hbm>> -> memref<100000x384xf32, #tpu.memory_space<hbm>>
    tpu.enqueue_indirect_dma source(%dma_start3A_22 : memref<100000x384xf32, #tpu.memory_space<hbm>>) target(%arg6 : memref<80x384xf32, #tpu.memory_space<vmem>>) offsets(%dma_start3A_19 : memref<80xi32, #tpu.memory_space<vmem>>) semaphore(%arg8 : memref<!tpu.dma_semaphore, #tpu.memory_space<semaphore_mem>>)
    %dma_wait3A_23 = arith.constant 80 : i32
    %dma_wait3A_24 = tpu.memref_slice %arg5[%dma_wait3A_23] : memref<1600xi32, #tpu.memory_space<vmem>> -> memref<80xi32, #tpu.memory_space<vmem>>
    %dma_wait3A_25 = arith.constant 0 : i32
    %dma_wait3A_26 = arith.constant 0 : i32
    %dma_wait3A_27 = tpu.memref_slice %arg2[%dma_wait3A_25, %dma_wait3A_26] : memref<100000x384xf32, #tpu.memory_space<hbm>> -> memref<100000x384xf32, #tpu.memory_space<hbm>>
    tpu.wait_indirect_dma semaphore(%arg9 : memref<!tpu.dma_semaphore, #tpu.memory_space<semaphore_mem>>) src(%dma_wait3A_27 : memref<100000x384xf32, #tpu.memory_space<hbm>>) dst(%arg7 : memref<80x384xf32, #tpu.memory_space<vmem>>)
    %add3A_28 = arith.constant 80 : i32
    %add3A_29 = arith.addi %mul3A_2, %add3A_28 : i32
    "tpu.region"() ({
      %run_scoped3A = tpu.sem_alloc : memref<!tpu.dma_semaphore, #tpu.memory_space<semaphore_mem>>
      %dma_start3A_241 = arith.constant 0 : i32
      %dma_start3A_242 = tpu.memref_slice %arg4[%add3A_29, %dma_start3A_241] : memref<51200x384xf32, #tpu.memory_space<hbm>> -> memref<80x384xf32, #tpu.memory_space<hbm>>
      %dma_start3A_243 = arith.constant 0 : i32
      %dma_start3A_244 = tpu.memref_slice %arg4[%add3A_29, %dma_start3A_243] : memref<51200x384xf32, #tpu.memory_space<hbm>> -> memref<80x384xf32, #tpu.memory_space<hbm>>
      tpu.enqueue_dma source(%arg7 : memref<80x384xf32, #tpu.memory_space<vmem>>) target(%dma_start3A_244 : memref<80x384xf32, #tpu.memory_space<hbm>>) target_semaphore(%run_scoped3A : memref<!tpu.dma_semaphore, #tpu.memory_space<semaphore_mem>>)
      %dma_wait3A_245 = arith.constant 0 : i32
      %dma_wait3A_246 = tpu.memref_slice %arg4[%add3A_29, %dma_wait3A_245] : memref<51200x384xf32, #tpu.memory_space<hbm>> -> memref<80x384xf32, #tpu.memory_space<hbm>>
      %dma_wait3A_247 = arith.constant 0 : i32
      %dma_wait3A_248 = tpu.memref_slice %arg4[%add3A_29, %dma_wait3A_247] : memref<51200x384xf32, #tpu.memory_space<hbm>> -> memref<80x384xf32, #tpu.memory_space<hbm>>
      tpu.wait_dma2 semaphore(%run_scoped3A : memref<!tpu.dma_semaphore, #tpu.memory_space<semaphore_mem>>) src(%arg7 : memref<80x384xf32, #tpu.memory_space<vmem>>) dst(%dma_wait3A_248 : memref<80x384xf32, #tpu.memory_space<hbm>>)
      tpu.yield
    }) : () -> ()
    %dma_start3A_30 = arith.constant 240 : i32
    %dma_start3A_31 = tpu.memref_slice %arg5[%dma_start3A_30] : memref<1600xi32, #tpu.memory_space<vmem>> -> memref<80xi32, #tpu.memory_space<vmem>>
    %dma_start3A_32 = arith.constant 0 : i32
    %dma_start3A_33 = arith.constant 0 : i32
    %dma_start3A_34 = tpu.memref_slice %arg2[%dma_start3A_32, %dma_start3A_33] : memref<100000x384xf32, #tpu.memory_space<hbm>> -> memref<100000x384xf32, #tpu.memory_space<hbm>>
    tpu.enqueue_indirect_dma source(%dma_start3A_34 : memref<100000x384xf32, #tpu.memory_space<hbm>>) target(%arg7 : memref<80x384xf32, #tpu.memory_space<vmem>>) offsets(%dma_start3A_31 : memref<80xi32, #tpu.memory_space<vmem>>) semaphore(%arg9 : memref<!tpu.dma_semaphore, #tpu.memory_space<semaphore_mem>>)
    %dma_wait3A_35 = arith.constant 160 : i32
    %dma_wait3A_36 = tpu.memref_slice %arg5[%dma_wait3A_35] : memref<1600xi32, #tpu.memory_space<vmem>> -> memref<80xi32, #tpu.memory_space<vmem>>
    %dma_wait3A_37 = arith.constant 0 : i32
    %dma_wait3A_38 = arith.constant 0 : i32
    %dma_wait3A_39 = tpu.memref_slice %arg2[%dma_wait3A_37, %dma_wait3A_38] : memref<100000x384xf32, #tpu.memory_space<hbm>> -> memref<100000x384xf32, #tpu.memory_space<hbm>>
    tpu.wait_indirect_dma semaphore(%arg8 : memref<!tpu.dma_semaphore, #tpu.memory_space<semaphore_mem>>) src(%dma_wait3A_39 : memref<100000x384xf32, #tpu.memory_space<hbm>>) dst(%arg6 : memref<80x384xf32, #tpu.memory_space<vmem>>)
    %add3A_40 = arith.constant 160 : i32
    %add3A_41 = arith.addi %mul3A_2, %add3A_40 : i32
    "tpu.region"() ({
      %run_scoped3A = tpu.sem_alloc : memref<!tpu.dma_semaphore, #tpu.memory_space<semaphore_mem>>
      %dma_start3A_241 = arith.constant 0 : i32
      %dma_start3A_242 = tpu.memref_slice %arg4[%add3A_41, %dma_start3A_241] : memref<51200x384xf32, #tpu.memory_space<hbm>> -> memref<80x384xf32, #tpu.memory_space<hbm>>
      %dma_start3A_243 = arith.constant 0 : i32
      %dma_start3A_244 = tpu.memref_slice %arg4[%add3A_41, %dma_start3A_243] : memref<51200x384xf32, #tpu.memory_space<hbm>> -> memref<80x384xf32, #tpu.memory_space<hbm>>
      tpu.enqueue_dma source(%arg6 : memref<80x384xf32, #tpu.memory_space<vmem>>) target(%dma_start3A_244 : memref<80x384xf32, #tpu.memory_space<hbm>>) target_semaphore(%run_scoped3A : memref<!tpu.dma_semaphore, #tpu.memory_space<semaphore_mem>>)
      %dma_wait3A_245 = arith.constant 0 : i32
      %dma_wait3A_246 = tpu.memref_slice %arg4[%add3A_41, %dma_wait3A_245] : memref<51200x384xf32, #tpu.memory_space<hbm>> -> memref<80x384xf32, #tpu.memory_space<hbm>>
      %dma_wait3A_247 = arith.constant 0 : i32
      %dma_wait3A_248 = tpu.memref_slice %arg4[%add3A_41, %dma_wait3A_247] : memref<51200x384xf32, #tpu.memory_space<hbm>> -> memref<80x384xf32, #tpu.memory_space<hbm>>
      tpu.wait_dma2 semaphore(%run_scoped3A : memref<!tpu.dma_semaphore, #tpu.memory_space<semaphore_mem>>) src(%arg6 : memref<80x384xf32, #tpu.memory_space<vmem>>) dst(%dma_wait3A_248 : memref<80x384xf32, #tpu.memory_space<hbm>>)
      tpu.yield
    }) : () -> ()
    %dma_start3A_42 = arith.constant 320 : i32
    %dma_start3A_43 = tpu.memref_slice %arg5[%dma_start3A_42] : memref<1600xi32, #tpu.memory_space<vmem>> -> memref<80xi32, #tpu.memory_space<vmem>>
    %dma_start3A_44 = arith.constant 0 : i32
    %dma_start3A_45 = arith.constant 0 : i32
    %dma_start3A_46 = tpu.memref_slice %arg2[%dma_start3A_44, %dma_start3A_45] : memref<100000x384xf32, #tpu.memory_space<hbm>> -> memref<100000x384xf32, #tpu.memory_space<hbm>>
    tpu.enqueue_indirect_dma source(%dma_start3A_46 : memref<100000x384xf32, #tpu.memory_space<hbm>>) target(%arg6 : memref<80x384xf32, #tpu.memory_space<vmem>>) offsets(%dma_start3A_43 : memref<80xi32, #tpu.memory_space<vmem>>) semaphore(%arg8 : memref<!tpu.dma_semaphore, #tpu.memory_space<semaphore_mem>>)
    %dma_wait3A_47 = arith.constant 240 : i32
    %dma_wait3A_48 = tpu.memref_slice %arg5[%dma_wait3A_47] : memref<1600xi32, #tpu.memory_space<vmem>> -> memref<80xi32, #tpu.memory_space<vmem>>
    %dma_wait3A_49 = arith.constant 0 : i32
    %dma_wait3A_50 = arith.constant 0 : i32
    %dma_wait3A_51 = tpu.memref_slice %arg2[%dma_wait3A_49, %dma_wait3A_50] : memref<100000x384xf32, #tpu.memory_space<hbm>> -> memref<100000x384xf32, #tpu.memory_space<hbm>>
    tpu.wait_indirect_dma semaphore(%arg9 : memref<!tpu.dma_semaphore, #tpu.memory_space<semaphore_mem>>) src(%dma_wait3A_51 : memref<100000x384xf32, #tpu.memory_space<hbm>>) dst(%arg7 : memref<80x384xf32, #tpu.memory_space<vmem>>)
    %add3A_52 = arith.constant 240 : i32
    %add3A_53 = arith.addi %mul3A_2, %add3A_52 : i32
    "tpu.region"() ({
      %run_scoped3A = tpu.sem_alloc : memref<!tpu.dma_semaphore, #tpu.memory_space<semaphore_mem>>
      %dma_start3A_241 = arith.constant 0 : i32
      %dma_start3A_242 = tpu.memref_slice %arg4[%add3A_53, %dma_start3A_241] : memref<51200x384xf32, #tpu.memory_space<hbm>> -> memref<80x384xf32, #tpu.memory_space<hbm>>
      %dma_start3A_243 = arith.constant 0 : i32
      %dma_start3A_244 = tpu.memref_slice %arg4[%add3A_53, %dma_start3A_243] : memref<51200x384xf32, #tpu.memory_space<hbm>> -> memref<80x384xf32, #tpu.memory_space<hbm>>
      tpu.enqueue_dma source(%arg7 : memref<80x384xf32, #tpu.memory_space<vmem>>) target(%dma_start3A_244 : memref<80x384xf32, #tpu.memory_space<hbm>>) target_semaphore(%run_scoped3A : memref<!tpu.dma_semaphore, #tpu.memory_space<semaphore_mem>>)
      %dma_wait3A_245 = arith.constant 0 : i32
      %dma_wait3A_246 = tpu.memref_slice %arg4[%add3A_53, %dma_wait3A_245] : memref<51200x384xf32, #tpu.memory_space<hbm>> -> memref<80x384xf32, #tpu.memory_space<hbm>>
      %dma_wait3A_247 = arith.constant 0 : i32
      %dma_wait3A_248 = tpu.memref_slice %arg4[%add3A_53, %dma_wait3A_247] : memref<51200x384xf32, #tpu.memory_space<hbm>> -> memref<80x384xf32, #tpu.memory_space<hbm>>
      tpu.wait_dma2 semaphore(%run_scoped3A : memref<!tpu.dma_semaphore, #tpu.memory_space<semaphore_mem>>) src(%arg7 : memref<80x384xf32, #tpu.memory_space<vmem>>) dst(%dma_wait3A_248 : memref<80x384xf32, #tpu.memory_space<hbm>>)
      tpu.yield
    }) : () -> ()
    %dma_start3A_54 = arith.constant 400 : i32
    %dma_start3A_55 = tpu.memref_slice %arg5[%dma_start3A_54] : memref<1600xi32, #tpu.memory_space<vmem>> -> memref<80xi32, #tpu.memory_space<vmem>>
    %dma_start3A_56 = arith.constant 0 : i32
    %dma_start3A_57 = arith.constant 0 : i32
    %dma_start3A_58 = tpu.memref_slice %arg2[%dma_start3A_56, %dma_start3A_57] : memref<100000x384xf32, #tpu.memory_space<hbm>> -> memref<100000x384xf32, #tpu.memory_space<hbm>>
    tpu.enqueue_indirect_dma source(%dma_start3A_58 : memref<100000x384xf32, #tpu.memory_space<hbm>>) target(%arg7 : memref<80x384xf32, #tpu.memory_space<vmem>>) offsets(%dma_start3A_55 : memref<80xi32, #tpu.memory_space<vmem>>) semaphore(%arg9 : memref<!tpu.dma_semaphore, #tpu.memory_space<semaphore_mem>>)
    %dma_wait3A_59 = arith.constant 320 : i32
    %dma_wait3A_60 = tpu.memref_slice %arg5[%dma_wait3A_59] : memref<1600xi32, #tpu.memory_space<vmem>> -> memref<80xi32, #tpu.memory_space<vmem>>
    %dma_wait3A_61 = arith.constant 0 : i32
    %dma_wait3A_62 = arith.constant 0 : i32
    %dma_wait3A_63 = tpu.memref_slice %arg2[%dma_wait3A_61, %dma_wait3A_62] : memref<100000x384xf32, #tpu.memory_space<hbm>> -> memref<100000x384xf32, #tpu.memory_space<hbm>>
    tpu.wait_indirect_dma semaphore(%arg8 : memref<!tpu.dma_semaphore, #tpu.memory_space<semaphore_mem>>) src(%dma_wait3A_63 : memref<100000x384xf32, #tpu.memory_space<hbm>>) dst(%arg6 : memref<80x384xf32, #tpu.memory_space<vmem>>)
    %add3A_64 = arith.constant 320 : i32
    %add3A_65 = arith.addi %mul3A_2, %add3A_64 : i32
    "tpu.region"() ({
      %run_scoped3A = tpu.sem_alloc : memref<!tpu.dma_semaphore, #tpu.memory_space<semaphore_mem>>
      %dma_start3A_241 = arith.constant 0 : i32
      %dma_start3A_242 = tpu.memref_slice %arg4[%add3A_65, %dma_start3A_241] : memref<51200x384xf32, #tpu.memory_space<hbm>> -> memref<80x384xf32, #tpu.memory_space<hbm>>
      %dma_start3A_243 = arith.constant 0 : i32
      %dma_start3A_244 = tpu.memref_slice %arg4[%add3A_65, %dma_start3A_243] : memref<51200x384xf32, #tpu.memory_space<hbm>> -> memref<80x384xf32, #tpu.memory_space<hbm>>
      tpu.enqueue_dma source(%arg6 : memref<80x384xf32, #tpu.memory_space<vmem>>) target(%dma_start3A_244 : memref<80x384xf32, #tpu.memory_space<hbm>>) target_semaphore(%run_scoped3A : memref<!tpu.dma_semaphore, #tpu.memory_space<semaphore_mem>>)
      %dma_wait3A_245 = arith.constant 0 : i32
      %dma_wait3A_246 = tpu.memref_slice %arg4[%add3A_65, %dma_wait3A_245] : memref<51200x384xf32, #tpu.memory_space<hbm>> -> memref<80x384xf32, #tpu.memory_space<hbm>>
      %dma_wait3A_247 = arith.constant 0 : i32
      %dma_wait3A_248 = tpu.memref_slice %arg4[%add3A_65, %dma_wait3A_247] : memref<51200x384xf32, #tpu.memory_space<hbm>> -> memref<80x384xf32, #tpu.memory_space<hbm>>
      tpu.wait_dma2 semaphore(%run_scoped3A : memref<!tpu.dma_semaphore, #tpu.memory_space<semaphore_mem>>) src(%arg6 : memref<80x384xf32, #tpu.memory_space<vmem>>) dst(%dma_wait3A_248 : memref<80x384xf32, #tpu.memory_space<hbm>>)
      tpu.yield
    }) : () -> ()
    %dma_start3A_66 = arith.constant 480 : i32
    %dma_start3A_67 = tpu.memref_slice %arg5[%dma_start3A_66] : memref<1600xi32, #tpu.memory_space<vmem>> -> memref<80xi32, #tpu.memory_space<vmem>>
    %dma_start3A_68 = arith.constant 0 : i32
    %dma_start3A_69 = arith.constant 0 : i32
    %dma_start3A_70 = tpu.memref_slice %arg2[%dma_start3A_68, %dma_start3A_69] : memref<100000x384xf32, #tpu.memory_space<hbm>> -> memref<100000x384xf32, #tpu.memory_space<hbm>>
    tpu.enqueue_indirect_dma source(%dma_start3A_70 : memref<100000x384xf32, #tpu.memory_space<hbm>>) target(%arg6 : memref<80x384xf32, #tpu.memory_space<vmem>>) offsets(%dma_start3A_67 : memref<80xi32, #tpu.memory_space<vmem>>) semaphore(%arg8 : memref<!tpu.dma_semaphore, #tpu.memory_space<semaphore_mem>>)
    %dma_wait3A_71 = arith.constant 400 : i32
    %dma_wait3A_72 = tpu.memref_slice %arg5[%dma_wait3A_71] : memref<1600xi32, #tpu.memory_space<vmem>> -> memref<80xi32, #tpu.memory_space<vmem>>
    %dma_wait3A_73 = arith.constant 0 : i32
    %dma_wait3A_74 = arith.constant 0 : i32
    %dma_wait3A_75 = tpu.memref_slice %arg2[%dma_wait3A_73, %dma_wait3A_74] : memref<100000x384xf32, #tpu.memory_space<hbm>> -> memref<100000x384xf32, #tpu.memory_space<hbm>>
    tpu.wait_indirect_dma semaphore(%arg9 : memref<!tpu.dma_semaphore, #tpu.memory_space<semaphore_mem>>) src(%dma_wait3A_75 : memref<100000x384xf32, #tpu.memory_space<hbm>>) dst(%arg7 : memref<80x384xf32, #tpu.memory_space<vmem>>)
    %add3A_76 = arith.constant 400 : i32
    %add3A_77 = arith.addi %mul3A_2, %add3A_76 : i32
    "tpu.region"() ({
      %run_scoped3A = tpu.sem_alloc : memref<!tpu.dma_semaphore, #tpu.memory_space<semaphore_mem>>
      %dma_start3A_241 = arith.constant 0 : i32
      %dma_start3A_242 = tpu.memref_slice %arg4[%add3A_77, %dma_start3A_241] : memref<51200x384xf32, #tpu.memory_space<hbm>> -> memref<80x384xf32, #tpu.memory_space<hbm>>
      %dma_start3A_243 = arith.constant 0 : i32
      %dma_start3A_244 = tpu.memref_slice %arg4[%add3A_77, %dma_start3A_243] : memref<51200x384xf32, #tpu.memory_space<hbm>> -> memref<80x384xf32, #tpu.memory_space<hbm>>
      tpu.enqueue_dma source(%arg7 : memref<80x384xf32, #tpu.memory_space<vmem>>) target(%dma_start3A_244 : memref<80x384xf32, #tpu.memory_space<hbm>>) target_semaphore(%run_scoped3A : memref<!tpu.dma_semaphore, #tpu.memory_space<semaphore_mem>>)
      %dma_wait3A_245 = arith.constant 0 : i32
      %dma_wait3A_246 = tpu.memref_slice %arg4[%add3A_77, %dma_wait3A_245] : memref<51200x384xf32, #tpu.memory_space<hbm>> -> memref<80x384xf32, #tpu.memory_space<hbm>>
      %dma_wait3A_247 = arith.constant 0 : i32
      %dma_wait3A_248 = tpu.memref_slice %arg4[%add3A_77, %dma_wait3A_247] : memref<51200x384xf32, #tpu.memory_space<hbm>> -> memref<80x384xf32, #tpu.memory_space<hbm>>
      tpu.wait_dma2 semaphore(%run_scoped3A : memref<!tpu.dma_semaphore, #tpu.memory_space<semaphore_mem>>) src(%arg7 : memref<80x384xf32, #tpu.memory_space<vmem>>) dst(%dma_wait3A_248 : memref<80x384xf32, #tpu.memory_space<hbm>>)
      tpu.yield
    }) : () -> ()
    %dma_start3A_78 = arith.constant 560 : i32
    %dma_start3A_79 = tpu.memref_slice %arg5[%dma_start3A_78] : memref<1600xi32, #tpu.memory_space<vmem>> -> memref<80xi32, #tpu.memory_space<vmem>>
    %dma_start3A_80 = arith.constant 0 : i32
    %dma_start3A_81 = arith.constant 0 : i32
    %dma_start3A_82 = tpu.memref_slice %arg2[%dma_start3A_80, %dma_start3A_81] : memref<100000x384xf32, #tpu.memory_space<hbm>> -> memref<100000x384xf32, #tpu.memory_space<hbm>>
    tpu.enqueue_indirect_dma source(%dma_start3A_82 : memref<100000x384xf32, #tpu.memory_space<hbm>>) target(%arg7 : memref<80x384xf32, #tpu.memory_space<vmem>>) offsets(%dma_start3A_79 : memref<80xi32, #tpu.memory_space<vmem>>) semaphore(%arg9 : memref<!tpu.dma_semaphore, #tpu.memory_space<semaphore_mem>>)
    %dma_wait3A_83 = arith.constant 480 : i32
    %dma_wait3A_84 = tpu.memref_slice %arg5[%dma_wait3A_83] : memref<1600xi32, #tpu.memory_space<vmem>> -> memref<80xi32, #tpu.memory_space<vmem>>
    %dma_wait3A_85 = arith.constant 0 : i32
    %dma_wait3A_86 = arith.constant 0 : i32
    %dma_wait3A_87 = tpu.memref_slice %arg2[%dma_wait3A_85, %dma_wait3A_86] : memref<100000x384xf32, #tpu.memory_space<hbm>> -> memref<100000x384xf32, #tpu.memory_space<hbm>>
    tpu.wait_indirect_dma semaphore(%arg8 : memref<!tpu.dma_semaphore, #tpu.memory_space<semaphore_mem>>) src(%dma_wait3A_87 : memref<100000x384xf32, #tpu.memory_space<hbm>>) dst(%arg6 : memref<80x384xf32, #tpu.memory_space<vmem>>)
    %add3A_88 = arith.constant 480 : i32
    %add3A_89 = arith.addi %mul3A_2, %add3A_88 : i32
    "tpu.region"() ({
      %run_scoped3A = tpu.sem_alloc : memref<!tpu.dma_semaphore, #tpu.memory_space<semaphore_mem>>
      %dma_start3A_241 = arith.constant 0 : i32
      %dma_start3A_242 = tpu.memref_slice %arg4[%add3A_89, %dma_start3A_241] : memref<51200x384xf32, #tpu.memory_space<hbm>> -> memref<80x384xf32, #tpu.memory_space<hbm>>
      %dma_start3A_243 = arith.constant 0 : i32
      %dma_start3A_244 = tpu.memref_slice %arg4[%add3A_89, %dma_start3A_243] : memref<51200x384xf32, #tpu.memory_space<hbm>> -> memref<80x384xf32, #tpu.memory_space<hbm>>
      tpu.enqueue_dma source(%arg6 : memref<80x384xf32, #tpu.memory_space<vmem>>) target(%dma_start3A_244 : memref<80x384xf32, #tpu.memory_space<hbm>>) target_semaphore(%run_scoped3A : memref<!tpu.dma_semaphore, #tpu.memory_space<semaphore_mem>>)
      %dma_wait3A_245 = arith.constant 0 : i32
      %dma_wait3A_246 = tpu.memref_slice %arg4[%add3A_89, %dma_wait3A_245] : memref<51200x384xf32, #tpu.memory_space<hbm>> -> memref<80x384xf32, #tpu.memory_space<hbm>>
      %dma_wait3A_247 = arith.constant 0 : i32
      %dma_wait3A_248 = tpu.memref_slice %arg4[%add3A_89, %dma_wait3A_247] : memref<51200x384xf32, #tpu.memory_space<hbm>> -> memref<80x384xf32, #tpu.memory_space<hbm>>
      tpu.wait_dma2 semaphore(%run_scoped3A : memref<!tpu.dma_semaphore, #tpu.memory_space<semaphore_mem>>) src(%arg6 : memref<80x384xf32, #tpu.memory_space<vmem>>) dst(%dma_wait3A_248 : memref<80x384xf32, #tpu.memory_space<hbm>>)
      tpu.yield
    }) : () -> ()
    %dma_start3A_90 = arith.constant 640 : i32
    %dma_start3A_91 = tpu.memref_slice %arg5[%dma_start3A_90] : memref<1600xi32, #tpu.memory_space<vmem>> -> memref<80xi32, #tpu.memory_space<vmem>>
    %dma_start3A_92 = arith.constant 0 : i32
    %dma_start3A_93 = arith.constant 0 : i32
    %dma_start3A_94 = tpu.memref_slice %arg2[%dma_start3A_92, %dma_start3A_93] : memref<100000x384xf32, #tpu.memory_space<hbm>> -> memref<100000x384xf32, #tpu.memory_space<hbm>>
    tpu.enqueue_indirect_dma source(%dma_start3A_94 : memref<100000x384xf32, #tpu.memory_space<hbm>>) target(%arg6 : memref<80x384xf32, #tpu.memory_space<vmem>>) offsets(%dma_start3A_91 : memref<80xi32, #tpu.memory_space<vmem>>) semaphore(%arg8 : memref<!tpu.dma_semaphore, #tpu.memory_space<semaphore_mem>>)
    %dma_wait3A_95 = arith.constant 560 : i32
    %dma_wait3A_96 = tpu.memref_slice %arg5[%dma_wait3A_95] : memref<1600xi32, #tpu.memory_space<vmem>> -> memref<80xi32, #tpu.memory_space<vmem>>
    %dma_wait3A_97 = arith.constant 0 : i32
    %dma_wait3A_98 = arith.constant 0 : i32
    %dma_wait3A_99 = tpu.memref_slice %arg2[%dma_wait3A_97, %dma_wait3A_98] : memref<100000x384xf32, #tpu.memory_space<hbm>> -> memref<100000x384xf32, #tpu.memory_space<hbm>>
    tpu.wait_indirect_dma semaphore(%arg9 : memref<!tpu.dma_semaphore, #tpu.memory_space<semaphore_mem>>) src(%dma_wait3A_99 : memref<100000x384xf32, #tpu.memory_space<hbm>>) dst(%arg7 : memref<80x384xf32, #tpu.memory_space<vmem>>)
    %add3A_100 = arith.constant 560 : i32
    %add3A_101 = arith.addi %mul3A_2, %add3A_100 : i32
    "tpu.region"() ({
      %run_scoped3A = tpu.sem_alloc : memref<!tpu.dma_semaphore, #tpu.memory_space<semaphore_mem>>
      %dma_start3A_241 = arith.constant 0 : i32
      %dma_start3A_242 = tpu.memref_slice %arg4[%add3A_101, %dma_start3A_241] : memref<51200x384xf32, #tpu.memory_space<hbm>> -> memref<80x384xf32, #tpu.memory_space<hbm>>
      %dma_start3A_243 = arith.constant 0 : i32
      %dma_start3A_244 = tpu.memref_slice %arg4[%add3A_101, %dma_start3A_243] : memref<51200x384xf32, #tpu.memory_space<hbm>> -> memref<80x384xf32, #tpu.memory_space<hbm>>
      tpu.enqueue_dma source(%arg7 : memref<80x384xf32, #tpu.memory_space<vmem>>) target(%dma_start3A_244 : memref<80x384xf32, #tpu.memory_space<hbm>>) target_semaphore(%run_scoped3A : memref<!tpu.dma_semaphore, #tpu.memory_space<semaphore_mem>>)
      %dma_wait3A_245 = arith.constant 0 : i32
      %dma_wait3A_246 = tpu.memref_slice %arg4[%add3A_101, %dma_wait3A_245] : memref<51200x384xf32, #tpu.memory_space<hbm>> -> memref<80x384xf32, #tpu.memory_space<hbm>>
      %dma_wait3A_247 = arith.constant 0 : i32
      %dma_wait3A_248 = tpu.memref_slice %arg4[%add3A_101, %dma_wait3A_247] : memref<51200x384xf32, #tpu.memory_space<hbm>> -> memref<80x384xf32, #tpu.memory_space<hbm>>
      tpu.wait_dma2 semaphore(%run_scoped3A : memref<!tpu.dma_semaphore, #tpu.memory_space<semaphore_mem>>) src(%arg7 : memref<80x384xf32, #tpu.memory_space<vmem>>) dst(%dma_wait3A_248 : memref<80x384xf32, #tpu.memory_space<hbm>>)
      tpu.yield
    }) : () -> ()
    %dma_start3A_102 = arith.constant 720 : i32
    %dma_start3A_103 = tpu.memref_slice %arg5[%dma_start3A_102] : memref<1600xi32, #tpu.memory_space<vmem>> -> memref<80xi32, #tpu.memory_space<vmem>>
    %dma_start3A_104 = arith.constant 0 : i32
    %dma_start3A_105 = arith.constant 0 : i32
    %dma_start3A_106 = tpu.memref_slice %arg2[%dma_start3A_104, %dma_start3A_105] : memref<100000x384xf32, #tpu.memory_space<hbm>> -> memref<100000x384xf32, #tpu.memory_space<hbm>>
    tpu.enqueue_indirect_dma source(%dma_start3A_106 : memref<100000x384xf32, #tpu.memory_space<hbm>>) target(%arg7 : memref<80x384xf32, #tpu.memory_space<vmem>>) offsets(%dma_start3A_103 : memref<80xi32, #tpu.memory_space<vmem>>) semaphore(%arg9 : memref<!tpu.dma_semaphore, #tpu.memory_space<semaphore_mem>>)
    %dma_wait3A_107 = arith.constant 640 : i32
    %dma_wait3A_108 = tpu.memref_slice %arg5[%dma_wait3A_107] : memref<1600xi32, #tpu.memory_space<vmem>> -> memref<80xi32, #tpu.memory_space<vmem>>
    %dma_wait3A_109 = arith.constant 0 : i32
    %dma_wait3A_110 = arith.constant 0 : i32
    %dma_wait3A_111 = tpu.memref_slice %arg2[%dma_wait3A_109, %dma_wait3A_110] : memref<100000x384xf32, #tpu.memory_space<hbm>> -> memref<100000x384xf32, #tpu.memory_space<hbm>>
    tpu.wait_indirect_dma semaphore(%arg8 : memref<!tpu.dma_semaphore, #tpu.memory_space<semaphore_mem>>) src(%dma_wait3A_111 : memref<100000x384xf32, #tpu.memory_space<hbm>>) dst(%arg6 : memref<80x384xf32, #tpu.memory_space<vmem>>)
    %add3A_112 = arith.constant 640 : i32
    %add3A_113 = arith.addi %mul3A_2, %add3A_112 : i32
    "tpu.region"() ({
      %run_scoped3A = tpu.sem_alloc : memref<!tpu.dma_semaphore, #tpu.memory_space<semaphore_mem>>
      %dma_start3A_241 = arith.constant 0 : i32
      %dma_start3A_242 = tpu.memref_slice %arg4[%add3A_113, %dma_start3A_241] : memref<51200x384xf32, #tpu.memory_space<hbm>> -> memref<80x384xf32, #tpu.memory_space<hbm>>
      %dma_start3A_243 = arith.constant 0 : i32
      %dma_start3A_244 = tpu.memref_slice %arg4[%add3A_113, %dma_start3A_243] : memref<51200x384xf32, #tpu.memory_space<hbm>> -> memref<80x384xf32, #tpu.memory_space<hbm>>
      tpu.enqueue_dma source(%arg6 : memref<80x384xf32, #tpu.memory_space<vmem>>) target(%dma_start3A_244 : memref<80x384xf32, #tpu.memory_space<hbm>>) target_semaphore(%run_scoped3A : memref<!tpu.dma_semaphore, #tpu.memory_space<semaphore_mem>>)
      %dma_wait3A_245 = arith.constant 0 : i32
      %dma_wait3A_246 = tpu.memref_slice %arg4[%add3A_113, %dma_wait3A_245] : memref<51200x384xf32, #tpu.memory_space<hbm>> -> memref<80x384xf32, #tpu.memory_space<hbm>>
      %dma_wait3A_247 = arith.constant 0 : i32
      %dma_wait3A_248 = tpu.memref_slice %arg4[%add3A_113, %dma_wait3A_247] : memref<51200x384xf32, #tpu.memory_space<hbm>> -> memref<80x384xf32, #tpu.memory_space<hbm>>
      tpu.wait_dma2 semaphore(%run_scoped3A : memref<!tpu.dma_semaphore, #tpu.memory_space<semaphore_mem>>) src(%arg6 : memref<80x384xf32, #tpu.memory_space<vmem>>) dst(%dma_wait3A_248 : memref<80x384xf32, #tpu.memory_space<hbm>>)
      tpu.yield
    }) : () -> ()
    %dma_start3A_114 = arith.constant 800 : i32
    %dma_start3A_115 = tpu.memref_slice %arg5[%dma_start3A_114] : memref<1600xi32, #tpu.memory_space<vmem>> -> memref<80xi32, #tpu.memory_space<vmem>>
    %dma_start3A_116 = arith.constant 0 : i32
    %dma_start3A_117 = arith.constant 0 : i32
    %dma_start3A_118 = tpu.memref_slice %arg2[%dma_start3A_116, %dma_start3A_117] : memref<100000x384xf32, #tpu.memory_space<hbm>> -> memref<100000x384xf32, #tpu.memory_space<hbm>>
    tpu.enqueue_indirect_dma source(%dma_start3A_118 : memref<100000x384xf32, #tpu.memory_space<hbm>>) target(%arg6 : memref<80x384xf32, #tpu.memory_space<vmem>>) offsets(%dma_start3A_115 : memref<80xi32, #tpu.memory_space<vmem>>) semaphore(%arg8 : memref<!tpu.dma_semaphore, #tpu.memory_space<semaphore_mem>>)
    %dma_wait3A_119 = arith.constant 720 : i32
    %dma_wait3A_120 = tpu.memref_slice %arg5[%dma_wait3A_119] : memref<1600xi32, #tpu.memory_space<vmem>> -> memref<80xi32, #tpu.memory_space<vmem>>
    %dma_wait3A_121 = arith.constant 0 : i32
    %dma_wait3A_122 = arith.constant 0 : i32
    %dma_wait3A_123 = tpu.memref_slice %arg2[%dma_wait3A_121, %dma_wait3A_122] : memref<100000x384xf32, #tpu.memory_space<hbm>> -> memref<100000x384xf32, #tpu.memory_space<hbm>>
    tpu.wait_indirect_dma semaphore(%arg9 : memref<!tpu.dma_semaphore, #tpu.memory_space<semaphore_mem>>) src(%dma_wait3A_123 : memref<100000x384xf32, #tpu.memory_space<hbm>>) dst(%arg7 : memref<80x384xf32, #tpu.memory_space<vmem>>)
    %add3A_124 = arith.constant 720 : i32
    %add3A_125 = arith.addi %mul3A_2, %add3A_124 : i32
    "tpu.region"() ({
      %run_scoped3A = tpu.sem_alloc : memref<!tpu.dma_semaphore, #tpu.memory_space<semaphore_mem>>
      %dma_start3A_241 = arith.constant 0 : i32
      %dma_start3A_242 = tpu.memref_slice %arg4[%add3A_125, %dma_start3A_241] : memref<51200x384xf32, #tpu.memory_space<hbm>> -> memref<80x384xf32, #tpu.memory_space<hbm>>
      %dma_start3A_243 = arith.constant 0 : i32
      %dma_start3A_244 = tpu.memref_slice %arg4[%add3A_125, %dma_start3A_243] : memref<51200x384xf32, #tpu.memory_space<hbm>> -> memref<80x384xf32, #tpu.memory_space<hbm>>
      tpu.enqueue_dma source(%arg7 : memref<80x384xf32, #tpu.memory_space<vmem>>) target(%dma_start3A_244 : memref<80x384xf32, #tpu.memory_space<hbm>>) target_semaphore(%run_scoped3A : memref<!tpu.dma_semaphore, #tpu.memory_space<semaphore_mem>>)
      %dma_wait3A_245 = arith.constant 0 : i32
      %dma_wait3A_246 = tpu.memref_slice %arg4[%add3A_125, %dma_wait3A_245] : memref<51200x384xf32, #tpu.memory_space<hbm>> -> memref<80x384xf32, #tpu.memory_space<hbm>>
      %dma_wait3A_247 = arith.constant 0 : i32
      %dma_wait3A_248 = tpu.memref_slice %arg4[%add3A_125, %dma_wait3A_247] : memref<51200x384xf32, #tpu.memory_space<hbm>> -> memref<80x384xf32, #tpu.memory_space<hbm>>
      tpu.wait_dma2 semaphore(%run_scoped3A : memref<!tpu.dma_semaphore, #tpu.memory_space<semaphore_mem>>) src(%arg7 : memref<80x384xf32, #tpu.memory_space<vmem>>) dst(%dma_wait3A_248 : memref<80x384xf32, #tpu.memory_space<hbm>>)
      tpu.yield
    }) : () -> ()
    %dma_start3A_126 = arith.constant 880 : i32
    %dma_start3A_127 = tpu.memref_slice %arg5[%dma_start3A_126] : memref<1600xi32, #tpu.memory_space<vmem>> -> memref<80xi32, #tpu.memory_space<vmem>>
    %dma_start3A_128 = arith.constant 0 : i32
    %dma_start3A_129 = arith.constant 0 : i32
    %dma_start3A_130 = tpu.memref_slice %arg2[%dma_start3A_128, %dma_start3A_129] : memref<100000x384xf32, #tpu.memory_space<hbm>> -> memref<100000x384xf32, #tpu.memory_space<hbm>>
    tpu.enqueue_indirect_dma source(%dma_start3A_130 : memref<100000x384xf32, #tpu.memory_space<hbm>>) target(%arg7 : memref<80x384xf32, #tpu.memory_space<vmem>>) offsets(%dma_start3A_127 : memref<80xi32, #tpu.memory_space<vmem>>) semaphore(%arg9 : memref<!tpu.dma_semaphore, #tpu.memory_space<semaphore_mem>>)
    %dma_wait3A_131 = arith.constant 800 : i32
    %dma_wait3A_132 = tpu.memref_slice %arg5[%dma_wait3A_131] : memref<1600xi32, #tpu.memory_space<vmem>> -> memref<80xi32, #tpu.memory_space<vmem>>
    %dma_wait3A_133 = arith.constant 0 : i32
    %dma_wait3A_134 = arith.constant 0 : i32
    %dma_wait3A_135 = tpu.memref_slice %arg2[%dma_wait3A_133, %dma_wait3A_134] : memref<100000x384xf32, #tpu.memory_space<hbm>> -> memref<100000x384xf32, #tpu.memory_space<hbm>>
    tpu.wait_indirect_dma semaphore(%arg8 : memref<!tpu.dma_semaphore, #tpu.memory_space<semaphore_mem>>) src(%dma_wait3A_135 : memref<100000x384xf32, #tpu.memory_space<hbm>>) dst(%arg6 : memref<80x384xf32, #tpu.memory_space<vmem>>)
    %add3A_136 = arith.constant 800 : i32
    %add3A_137 = arith.addi %mul3A_2, %add3A_136 : i32
    "tpu.region"() ({
      %run_scoped3A = tpu.sem_alloc : memref<!tpu.dma_semaphore, #tpu.memory_space<semaphore_mem>>
      %dma_start3A_241 = arith.constant 0 : i32
      %dma_start3A_242 = tpu.memref_slice %arg4[%add3A_137, %dma_start3A_241] : memref<51200x384xf32, #tpu.memory_space<hbm>> -> memref<80x384xf32, #tpu.memory_space<hbm>>
      %dma_start3A_243 = arith.constant 0 : i32
      %dma_start3A_244 = tpu.memref_slice %arg4[%add3A_137, %dma_start3A_243] : memref<51200x384xf32, #tpu.memory_space<hbm>> -> memref<80x384xf32, #tpu.memory_space<hbm>>
      tpu.enqueue_dma source(%arg6 : memref<80x384xf32, #tpu.memory_space<vmem>>) target(%dma_start3A_244 : memref<80x384xf32, #tpu.memory_space<hbm>>) target_semaphore(%run_scoped3A : memref<!tpu.dma_semaphore, #tpu.memory_space<semaphore_mem>>)
      %dma_wait3A_245 = arith.constant 0 : i32
      %dma_wait3A_246 = tpu.memref_slice %arg4[%add3A_137, %dma_wait3A_245] : memref<51200x384xf32, #tpu.memory_space<hbm>> -> memref<80x384xf32, #tpu.memory_space<hbm>>
      %dma_wait3A_247 = arith.constant 0 : i32
      %dma_wait3A_248 = tpu.memref_slice %arg4[%add3A_137, %dma_wait3A_247] : memref<51200x384xf32, #tpu.memory_space<hbm>> -> memref<80x384xf32, #tpu.memory_space<hbm>>
      tpu.wait_dma2 semaphore(%run_scoped3A : memref<!tpu.dma_semaphore, #tpu.memory_space<semaphore_mem>>) src(%arg6 : memref<80x384xf32, #tpu.memory_space<vmem>>) dst(%dma_wait3A_248 : memref<80x384xf32, #tpu.memory_space<hbm>>)
      tpu.yield
    }) : () -> ()
    %dma_start3A_138 = arith.constant 960 : i32
    %dma_start3A_139 = tpu.memref_slice %arg5[%dma_start3A_138] : memref<1600xi32, #tpu.memory_space<vmem>> -> memref<80xi32, #tpu.memory_space<vmem>>
    %dma_start3A_140 = arith.constant 0 : i32
    %dma_start3A_141 = arith.constant 0 : i32
    %dma_start3A_142 = tpu.memref_slice %arg2[%dma_start3A_140, %dma_start3A_141] : memref<100000x384xf32, #tpu.memory_space<hbm>> -> memref<100000x384xf32, #tpu.memory_space<hbm>>
    tpu.enqueue_indirect_dma source(%dma_start3A_142 : memref<100000x384xf32, #tpu.memory_space<hbm>>) target(%arg6 : memref<80x384xf32, #tpu.memory_space<vmem>>) offsets(%dma_start3A_139 : memref<80xi32, #tpu.memory_space<vmem>>) semaphore(%arg8 : memref<!tpu.dma_semaphore, #tpu.memory_space<semaphore_mem>>)
    %dma_wait3A_143 = arith.constant 880 : i32
    %dma_wait3A_144 = tpu.memref_slice %arg5[%dma_wait3A_143] : memref<1600xi32, #tpu.memory_space<vmem>> -> memref<80xi32, #tpu.memory_space<vmem>>
    %dma_wait3A_145 = arith.constant 0 : i32
    %dma_wait3A_146 = arith.constant 0 : i32
    %dma_wait3A_147 = tpu.memref_slice %arg2[%dma_wait3A_145, %dma_wait3A_146] : memref<100000x384xf32, #tpu.memory_space<hbm>> -> memref<100000x384xf32, #tpu.memory_space<hbm>>
    tpu.wait_indirect_dma semaphore(%arg9 : memref<!tpu.dma_semaphore, #tpu.memory_space<semaphore_mem>>) src(%dma_wait3A_147 : memref<100000x384xf32, #tpu.memory_space<hbm>>) dst(%arg7 : memref<80x384xf32, #tpu.memory_space<vmem>>)
    %add3A_148 = arith.constant 880 : i32
    %add3A_149 = arith.addi %mul3A_2, %add3A_148 : i32
    "tpu.region"() ({
      %run_scoped3A = tpu.sem_alloc : memref<!tpu.dma_semaphore, #tpu.memory_space<semaphore_mem>>
      %dma_start3A_241 = arith.constant 0 : i32
      %dma_start3A_242 = tpu.memref_slice %arg4[%add3A_149, %dma_start3A_241] : memref<51200x384xf32, #tpu.memory_space<hbm>> -> memref<80x384xf32, #tpu.memory_space<hbm>>
      %dma_start3A_243 = arith.constant 0 : i32
      %dma_start3A_244 = tpu.memref_slice %arg4[%add3A_149, %dma_start3A_243] : memref<51200x384xf32, #tpu.memory_space<hbm>> -> memref<80x384xf32, #tpu.memory_space<hbm>>
      tpu.enqueue_dma source(%arg7 : memref<80x384xf32, #tpu.memory_space<vmem>>) target(%dma_start3A_244 : memref<80x384xf32, #tpu.memory_space<hbm>>) target_semaphore(%run_scoped3A : memref<!tpu.dma_semaphore, #tpu.memory_space<semaphore_mem>>)
      %dma_wait3A_245 = arith.constant 0 : i32
      %dma_wait3A_246 = tpu.memref_slice %arg4[%add3A_149, %dma_wait3A_245] : memref<51200x384xf32, #tpu.memory_space<hbm>> -> memref<80x384xf32, #tpu.memory_space<hbm>>
      %dma_wait3A_247 = arith.constant 0 : i32
      %dma_wait3A_248 = tpu.memref_slice %arg4[%add3A_149, %dma_wait3A_247] : memref<51200x384xf32, #tpu.memory_space<hbm>> -> memref<80x384xf32, #tpu.memory_space<hbm>>
      tpu.wait_dma2 semaphore(%run_scoped3A : memref<!tpu.dma_semaphore, #tpu.memory_space<semaphore_mem>>) src(%arg7 : memref<80x384xf32, #tpu.memory_space<vmem>>) dst(%dma_wait3A_248 : memref<80x384xf32, #tpu.memory_space<hbm>>)
      tpu.yield
    }) : () -> ()
    %dma_start3A_150 = arith.constant 1040 : i32
    %dma_start3A_151 = tpu.memref_slice %arg5[%dma_start3A_150] : memref<1600xi32, #tpu.memory_space<vmem>> -> memref<80xi32, #tpu.memory_space<vmem>>
    %dma_start3A_152 = arith.constant 0 : i32
    %dma_start3A_153 = arith.constant 0 : i32
    %dma_start3A_154 = tpu.memref_slice %arg2[%dma_start3A_152, %dma_start3A_153] : memref<100000x384xf32, #tpu.memory_space<hbm>> -> memref<100000x384xf32, #tpu.memory_space<hbm>>
    tpu.enqueue_indirect_dma source(%dma_start3A_154 : memref<100000x384xf32, #tpu.memory_space<hbm>>) target(%arg7 : memref<80x384xf32, #tpu.memory_space<vmem>>) offsets(%dma_start3A_151 : memref<80xi32, #tpu.memory_space<vmem>>) semaphore(%arg9 : memref<!tpu.dma_semaphore, #tpu.memory_space<semaphore_mem>>)
    %dma_wait3A_155 = arith.constant 960 : i32
    %dma_wait3A_156 = tpu.memref_slice %arg5[%dma_wait3A_155] : memref<1600xi32, #tpu.memory_space<vmem>> -> memref<80xi32, #tpu.memory_space<vmem>>
    %dma_wait3A_157 = arith.constant 0 : i32
    %dma_wait3A_158 = arith.constant 0 : i32
    %dma_wait3A_159 = tpu.memref_slice %arg2[%dma_wait3A_157, %dma_wait3A_158] : memref<100000x384xf32, #tpu.memory_space<hbm>> -> memref<100000x384xf32, #tpu.memory_space<hbm>>
    tpu.wait_indirect_dma semaphore(%arg8 : memref<!tpu.dma_semaphore, #tpu.memory_space<semaphore_mem>>) src(%dma_wait3A_159 : memref<100000x384xf32, #tpu.memory_space<hbm>>) dst(%arg6 : memref<80x384xf32, #tpu.memory_space<vmem>>)
    %add3A_160 = arith.constant 960 : i32
    %add3A_161 = arith.addi %mul3A_2, %add3A_160 : i32
    "tpu.region"() ({
      %run_scoped3A = tpu.sem_alloc : memref<!tpu.dma_semaphore, #tpu.memory_space<semaphore_mem>>
      %dma_start3A_241 = arith.constant 0 : i32
      %dma_start3A_242 = tpu.memref_slice %arg4[%add3A_161, %dma_start3A_241] : memref<51200x384xf32, #tpu.memory_space<hbm>> -> memref<80x384xf32, #tpu.memory_space<hbm>>
      %dma_start3A_243 = arith.constant 0 : i32
      %dma_start3A_244 = tpu.memref_slice %arg4[%add3A_161, %dma_start3A_243] : memref<51200x384xf32, #tpu.memory_space<hbm>> -> memref<80x384xf32, #tpu.memory_space<hbm>>
      tpu.enqueue_dma source(%arg6 : memref<80x384xf32, #tpu.memory_space<vmem>>) target(%dma_start3A_244 : memref<80x384xf32, #tpu.memory_space<hbm>>) target_semaphore(%run_scoped3A : memref<!tpu.dma_semaphore, #tpu.memory_space<semaphore_mem>>)
      %dma_wait3A_245 = arith.constant 0 : i32
      %dma_wait3A_246 = tpu.memref_slice %arg4[%add3A_161, %dma_wait3A_245] : memref<51200x384xf32, #tpu.memory_space<hbm>> -> memref<80x384xf32, #tpu.memory_space<hbm>>
      %dma_wait3A_247 = arith.constant 0 : i32
      %dma_wait3A_248 = tpu.memref_slice %arg4[%add3A_161, %dma_wait3A_247] : memref<51200x384xf32, #tpu.memory_space<hbm>> -> memref<80x384xf32, #tpu.memory_space<hbm>>
      tpu.wait_dma2 semaphore(%run_scoped3A : memref<!tpu.dma_semaphore, #tpu.memory_space<semaphore_mem>>) src(%arg6 : memref<80x384xf32, #tpu.memory_space<vmem>>) dst(%dma_wait3A_248 : memref<80x384xf32, #tpu.memory_space<hbm>>)
      tpu.yield
    }) : () -> ()
    %dma_start3A_162 = arith.constant 1120 : i32
    %dma_start3A_163 = tpu.memref_slice %arg5[%dma_start3A_162] : memref<1600xi32, #tpu.memory_space<vmem>> -> memref<80xi32, #tpu.memory_space<vmem>>
    %dma_start3A_164 = arith.constant 0 : i32
    %dma_start3A_165 = arith.constant 0 : i32
    %dma_start3A_166 = tpu.memref_slice %arg2[%dma_start3A_164, %dma_start3A_165] : memref<100000x384xf32, #tpu.memory_space<hbm>> -> memref<100000x384xf32, #tpu.memory_space<hbm>>
    tpu.enqueue_indirect_dma source(%dma_start3A_166 : memref<100000x384xf32, #tpu.memory_space<hbm>>) target(%arg6 : memref<80x384xf32, #tpu.memory_space<vmem>>) offsets(%dma_start3A_163 : memref<80xi32, #tpu.memory_space<vmem>>) semaphore(%arg8 : memref<!tpu.dma_semaphore, #tpu.memory_space<semaphore_mem>>)
    %dma_wait3A_167 = arith.constant 1040 : i32
    %dma_wait3A_168 = tpu.memref_slice %arg5[%dma_wait3A_167] : memref<1600xi32, #tpu.memory_space<vmem>> -> memref<80xi32, #tpu.memory_space<vmem>>
    %dma_wait3A_169 = arith.constant 0 : i32
    %dma_wait3A_170 = arith.constant 0 : i32
    %dma_wait3A_171 = tpu.memref_slice %arg2[%dma_wait3A_169, %dma_wait3A_170] : memref<100000x384xf32, #tpu.memory_space<hbm>> -> memref<100000x384xf32, #tpu.memory_space<hbm>>
    tpu.wait_indirect_dma semaphore(%arg9 : memref<!tpu.dma_semaphore, #tpu.memory_space<semaphore_mem>>) src(%dma_wait3A_171 : memref<100000x384xf32, #tpu.memory_space<hbm>>) dst(%arg7 : memref<80x384xf32, #tpu.memory_space<vmem>>)
    %add3A_172 = arith.constant 1040 : i32
    %add3A_173 = arith.addi %mul3A_2, %add3A_172 : i32
    "tpu.region"() ({
      %run_scoped3A = tpu.sem_alloc : memref<!tpu.dma_semaphore, #tpu.memory_space<semaphore_mem>>
      %dma_start3A_241 = arith.constant 0 : i32
      %dma_start3A_242 = tpu.memref_slice %arg4[%add3A_173, %dma_start3A_241] : memref<51200x384xf32, #tpu.memory_space<hbm>> -> memref<80x384xf32, #tpu.memory_space<hbm>>
      %dma_start3A_243 = arith.constant 0 : i32
      %dma_start3A_244 = tpu.memref_slice %arg4[%add3A_173, %dma_start3A_243] : memref<51200x384xf32, #tpu.memory_space<hbm>> -> memref<80x384xf32, #tpu.memory_space<hbm>>
      tpu.enqueue_dma source(%arg7 : memref<80x384xf32, #tpu.memory_space<vmem>>) target(%dma_start3A_244 : memref<80x384xf32, #tpu.memory_space<hbm>>) target_semaphore(%run_scoped3A : memref<!tpu.dma_semaphore, #tpu.memory_space<semaphore_mem>>)
      %dma_wait3A_245 = arith.constant 0 : i32
      %dma_wait3A_246 = tpu.memref_slice %arg4[%add3A_173, %dma_wait3A_245] : memref<51200x384xf32, #tpu.memory_space<hbm>> -> memref<80x384xf32, #tpu.memory_space<hbm>>
      %dma_wait3A_247 = arith.constant 0 : i32
      %dma_wait3A_248 = tpu.memref_slice %arg4[%add3A_173, %dma_wait3A_247] : memref<51200x384xf32, #tpu.memory_space<hbm>> -> memref<80x384xf32, #tpu.memory_space<hbm>>
      tpu.wait_dma2 semaphore(%run_scoped3A : memref<!tpu.dma_semaphore, #tpu.memory_space<semaphore_mem>>) src(%arg7 : memref<80x384xf32, #tpu.memory_space<vmem>>) dst(%dma_wait3A_248 : memref<80x384xf32, #tpu.memory_space<hbm>>)
      tpu.yield
    }) : () -> ()
    %dma_start3A_174 = arith.constant 1200 : i32
    %dma_start3A_175 = tpu.memref_slice %arg5[%dma_start3A_174] : memref<1600xi32, #tpu.memory_space<vmem>> -> memref<80xi32, #tpu.memory_space<vmem>>
    %dma_start3A_176 = arith.constant 0 : i32
    %dma_start3A_177 = arith.constant 0 : i32
    %dma_start3A_178 = tpu.memref_slice %arg2[%dma_start3A_176, %dma_start3A_177] : memref<100000x384xf32, #tpu.memory_space<hbm>> -> memref<100000x384xf32, #tpu.memory_space<hbm>>
    tpu.enqueue_indirect_dma source(%dma_start3A_178 : memref<100000x384xf32, #tpu.memory_space<hbm>>) target(%arg7 : memref<80x384xf32, #tpu.memory_space<vmem>>) offsets(%dma_start3A_175 : memref<80xi32, #tpu.memory_space<vmem>>) semaphore(%arg9 : memref<!tpu.dma_semaphore, #tpu.memory_space<semaphore_mem>>)
    %dma_wait3A_179 = arith.constant 1120 : i32
    %dma_wait3A_180 = tpu.memref_slice %arg5[%dma_wait3A_179] : memref<1600xi32, #tpu.memory_space<vmem>> -> memref<80xi32, #tpu.memory_space<vmem>>
    %dma_wait3A_181 = arith.constant 0 : i32
    %dma_wait3A_182 = arith.constant 0 : i32
    %dma_wait3A_183 = tpu.memref_slice %arg2[%dma_wait3A_181, %dma_wait3A_182] : memref<100000x384xf32, #tpu.memory_space<hbm>> -> memref<100000x384xf32, #tpu.memory_space<hbm>>
    tpu.wait_indirect_dma semaphore(%arg8 : memref<!tpu.dma_semaphore, #tpu.memory_space<semaphore_mem>>) src(%dma_wait3A_183 : memref<100000x384xf32, #tpu.memory_space<hbm>>) dst(%arg6 : memref<80x384xf32, #tpu.memory_space<vmem>>)
    %add3A_184 = arith.constant 1120 : i32
    %add3A_185 = arith.addi %mul3A_2, %add3A_184 : i32
    "tpu.region"() ({
      %run_scoped3A = tpu.sem_alloc : memref<!tpu.dma_semaphore, #tpu.memory_space<semaphore_mem>>
      %dma_start3A_241 = arith.constant 0 : i32
      %dma_start3A_242 = tpu.memref_slice %arg4[%add3A_185, %dma_start3A_241] : memref<51200x384xf32, #tpu.memory_space<hbm>> -> memref<80x384xf32, #tpu.memory_space<hbm>>
      %dma_start3A_243 = arith.constant 0 : i32
      %dma_start3A_244 = tpu.memref_slice %arg4[%add3A_185, %dma_start3A_243] : memref<51200x384xf32, #tpu.memory_space<hbm>> -> memref<80x384xf32, #tpu.memory_space<hbm>>
      tpu.enqueue_dma source(%arg6 : memref<80x384xf32, #tpu.memory_space<vmem>>) target(%dma_start3A_244 : memref<80x384xf32, #tpu.memory_space<hbm>>) target_semaphore(%run_scoped3A : memref<!tpu.dma_semaphore, #tpu.memory_space<semaphore_mem>>)
      %dma_wait3A_245 = arith.constant 0 : i32
      %dma_wait3A_246 = tpu.memref_slice %arg4[%add3A_185, %dma_wait3A_245] : memref<51200x384xf32, #tpu.memory_space<hbm>> -> memref<80x384xf32, #tpu.memory_space<hbm>>
      %dma_wait3A_247 = arith.constant 0 : i32
      %dma_wait3A_248 = tpu.memref_slice %arg4[%add3A_185, %dma_wait3A_247] : memref<51200x384xf32, #tpu.memory_space<hbm>> -> memref<80x384xf32, #tpu.memory_space<hbm>>
      tpu.wait_dma2 semaphore(%run_scoped3A : memref<!tpu.dma_semaphore, #tpu.memory_space<semaphore_mem>>) src(%arg6 : memref<80x384xf32, #tpu.memory_space<vmem>>) dst(%dma_wait3A_248 : memref<80x384xf32, #tpu.memory_space<hbm>>)
      tpu.yield
    }) : () -> ()
    %dma_start3A_186 = arith.constant 1280 : i32
    %dma_start3A_187 = tpu.memref_slice %arg5[%dma_start3A_186] : memref<1600xi32, #tpu.memory_space<vmem>> -> memref<80xi32, #tpu.memory_space<vmem>>
    %dma_start3A_188 = arith.constant 0 : i32
    %dma_start3A_189 = arith.constant 0 : i32
    %dma_start3A_190 = tpu.memref_slice %arg2[%dma_start3A_188, %dma_start3A_189] : memref<100000x384xf32, #tpu.memory_space<hbm>> -> memref<100000x384xf32, #tpu.memory_space<hbm>>
    tpu.enqueue_indirect_dma source(%dma_start3A_190 : memref<100000x384xf32, #tpu.memory_space<hbm>>) target(%arg6 : memref<80x384xf32, #tpu.memory_space<vmem>>) offsets(%dma_start3A_187 : memref<80xi32, #tpu.memory_space<vmem>>) semaphore(%arg8 : memref<!tpu.dma_semaphore, #tpu.memory_space<semaphore_mem>>)
    %dma_wait3A_191 = arith.constant 1200 : i32
    %dma_wait3A_192 = tpu.memref_slice %arg5[%dma_wait3A_191] : memref<1600xi32, #tpu.memory_space<vmem>> -> memref<80xi32, #tpu.memory_space<vmem>>
    %dma_wait3A_193 = arith.constant 0 : i32
    %dma_wait3A_194 = arith.constant 0 : i32
    %dma_wait3A_195 = tpu.memref_slice %arg2[%dma_wait3A_193, %dma_wait3A_194] : memref<100000x384xf32, #tpu.memory_space<hbm>> -> memref<100000x384xf32, #tpu.memory_space<hbm>>
    tpu.wait_indirect_dma semaphore(%arg9 : memref<!tpu.dma_semaphore, #tpu.memory_space<semaphore_mem>>) src(%dma_wait3A_195 : memref<100000x384xf32, #tpu.memory_space<hbm>>) dst(%arg7 : memref<80x384xf32, #tpu.memory_space<vmem>>)
    %add3A_196 = arith.constant 1200 : i32
    %add3A_197 = arith.addi %mul3A_2, %add3A_196 : i32
    "tpu.region"() ({
      %run_scoped3A = tpu.sem_alloc : memref<!tpu.dma_semaphore, #tpu.memory_space<semaphore_mem>>
      %dma_start3A_241 = arith.constant 0 : i32
      %dma_start3A_242 = tpu.memref_slice %arg4[%add3A_197, %dma_start3A_241] : memref<51200x384xf32, #tpu.memory_space<hbm>> -> memref<80x384xf32, #tpu.memory_space<hbm>>
      %dma_start3A_243 = arith.constant 0 : i32
      %dma_start3A_244 = tpu.memref_slice %arg4[%add3A_197, %dma_start3A_243] : memref<51200x384xf32, #tpu.memory_space<hbm>> -> memref<80x384xf32, #tpu.memory_space<hbm>>
      tpu.enqueue_dma source(%arg7 : memref<80x384xf32, #tpu.memory_space<vmem>>) target(%dma_start3A_244 : memref<80x384xf32, #tpu.memory_space<hbm>>) target_semaphore(%run_scoped3A : memref<!tpu.dma_semaphore, #tpu.memory_space<semaphore_mem>>)
      %dma_wait3A_245 = arith.constant 0 : i32
      %dma_wait3A_246 = tpu.memref_slice %arg4[%add3A_197, %dma_wait3A_245] : memref<51200x384xf32, #tpu.memory_space<hbm>> -> memref<80x384xf32, #tpu.memory_space<hbm>>
      %dma_wait3A_247 = arith.constant 0 : i32
      %dma_wait3A_248 = tpu.memref_slice %arg4[%add3A_197, %dma_wait3A_247] : memref<51200x384xf32, #tpu.memory_space<hbm>> -> memref<80x384xf32, #tpu.memory_space<hbm>>
      tpu.wait_dma2 semaphore(%run_scoped3A : memref<!tpu.dma_semaphore, #tpu.memory_space<semaphore_mem>>) src(%arg7 : memref<80x384xf32, #tpu.memory_space<vmem>>) dst(%dma_wait3A_248 : memref<80x384xf32, #tpu.memory_space<hbm>>)
      tpu.yield
    }) : () -> ()
    %dma_start3A_198 = arith.constant 1360 : i32
    %dma_start3A_199 = tpu.memref_slice %arg5[%dma_start3A_198] : memref<1600xi32, #tpu.memory_space<vmem>> -> memref<80xi32, #tpu.memory_space<vmem>>
    %dma_start3A_200 = arith.constant 0 : i32
    %dma_start3A_201 = arith.constant 0 : i32
    %dma_start3A_202 = tpu.memref_slice %arg2[%dma_start3A_200, %dma_start3A_201] : memref<100000x384xf32, #tpu.memory_space<hbm>> -> memref<100000x384xf32, #tpu.memory_space<hbm>>
    tpu.enqueue_indirect_dma source(%dma_start3A_202 : memref<100000x384xf32, #tpu.memory_space<hbm>>) target(%arg7 : memref<80x384xf32, #tpu.memory_space<vmem>>) offsets(%dma_start3A_199 : memref<80xi32, #tpu.memory_space<vmem>>) semaphore(%arg9 : memref<!tpu.dma_semaphore, #tpu.memory_space<semaphore_mem>>)
    %dma_wait3A_203 = arith.constant 1280 : i32
    %dma_wait3A_204 = tpu.memref_slice %arg5[%dma_wait3A_203] : memref<1600xi32, #tpu.memory_space<vmem>> -> memref<80xi32, #tpu.memory_space<vmem>>
    %dma_wait3A_205 = arith.constant 0 : i32
    %dma_wait3A_206 = arith.constant 0 : i32
    %dma_wait3A_207 = tpu.memref_slice %arg2[%dma_wait3A_205, %dma_wait3A_206] : memref<100000x384xf32, #tpu.memory_space<hbm>> -> memref<100000x384xf32, #tpu.memory_space<hbm>>
    tpu.wait_indirect_dma semaphore(%arg8 : memref<!tpu.dma_semaphore, #tpu.memory_space<semaphore_mem>>) src(%dma_wait3A_207 : memref<100000x384xf32, #tpu.memory_space<hbm>>) dst(%arg6 : memref<80x384xf32, #tpu.memory_space<vmem>>)
    %add3A_208 = arith.constant 1280 : i32
    %add3A_209 = arith.addi %mul3A_2, %add3A_208 : i32
    "tpu.region"() ({
      %run_scoped3A = tpu.sem_alloc : memref<!tpu.dma_semaphore, #tpu.memory_space<semaphore_mem>>
      %dma_start3A_241 = arith.constant 0 : i32
      %dma_start3A_242 = tpu.memref_slice %arg4[%add3A_209, %dma_start3A_241] : memref<51200x384xf32, #tpu.memory_space<hbm>> -> memref<80x384xf32, #tpu.memory_space<hbm>>
      %dma_start3A_243 = arith.constant 0 : i32
      %dma_start3A_244 = tpu.memref_slice %arg4[%add3A_209, %dma_start3A_243] : memref<51200x384xf32, #tpu.memory_space<hbm>> -> memref<80x384xf32, #tpu.memory_space<hbm>>
      tpu.enqueue_dma source(%arg6 : memref<80x384xf32, #tpu.memory_space<vmem>>) target(%dma_start3A_244 : memref<80x384xf32, #tpu.memory_space<hbm>>) target_semaphore(%run_scoped3A : memref<!tpu.dma_semaphore, #tpu.memory_space<semaphore_mem>>)
      %dma_wait3A_245 = arith.constant 0 : i32
      %dma_wait3A_246 = tpu.memref_slice %arg4[%add3A_209, %dma_wait3A_245] : memref<51200x384xf32, #tpu.memory_space<hbm>> -> memref<80x384xf32, #tpu.memory_space<hbm>>
      %dma_wait3A_247 = arith.constant 0 : i32
      %dma_wait3A_248 = tpu.memref_slice %arg4[%add3A_209, %dma_wait3A_247] : memref<51200x384xf32, #tpu.memory_space<hbm>> -> memref<80x384xf32, #tpu.memory_space<hbm>>
      tpu.wait_dma2 semaphore(%run_scoped3A : memref<!tpu.dma_semaphore, #tpu.memory_space<semaphore_mem>>) src(%arg6 : memref<80x384xf32, #tpu.memory_space<vmem>>) dst(%dma_wait3A_248 : memref<80x384xf32, #tpu.memory_space<hbm>>)
      tpu.yield
    }) : () -> ()
    %dma_start3A_210 = arith.constant 1440 : i32
    %dma_start3A_211 = tpu.memref_slice %arg5[%dma_start3A_210] : memref<1600xi32, #tpu.memory_space<vmem>> -> memref<80xi32, #tpu.memory_space<vmem>>
    %dma_start3A_212 = arith.constant 0 : i32
    %dma_start3A_213 = arith.constant 0 : i32
    %dma_start3A_214 = tpu.memref_slice %arg2[%dma_start3A_212, %dma_start3A_213] : memref<100000x384xf32, #tpu.memory_space<hbm>> -> memref<100000x384xf32, #tpu.memory_space<hbm>>
    tpu.enqueue_indirect_dma source(%dma_start3A_214 : memref<100000x384xf32, #tpu.memory_space<hbm>>) target(%arg6 : memref<80x384xf32, #tpu.memory_space<vmem>>) offsets(%dma_start3A_211 : memref<80xi32, #tpu.memory_space<vmem>>) semaphore(%arg8 : memref<!tpu.dma_semaphore, #tpu.memory_space<semaphore_mem>>)
    %dma_wait3A_215 = arith.constant 1360 : i32
    %dma_wait3A_216 = tpu.memref_slice %arg5[%dma_wait3A_215] : memref<1600xi32, #tpu.memory_space<vmem>> -> memref<80xi32, #tpu.memory_space<vmem>>
    %dma_wait3A_217 = arith.constant 0 : i32
    %dma_wait3A_218 = arith.constant 0 : i32
    %dma_wait3A_219 = tpu.memref_slice %arg2[%dma_wait3A_217, %dma_wait3A_218] : memref<100000x384xf32, #tpu.memory_space<hbm>> -> memref<100000x384xf32, #tpu.memory_space<hbm>>
    tpu.wait_indirect_dma semaphore(%arg9 : memref<!tpu.dma_semaphore, #tpu.memory_space<semaphore_mem>>) src(%dma_wait3A_219 : memref<100000x384xf32, #tpu.memory_space<hbm>>) dst(%arg7 : memref<80x384xf32, #tpu.memory_space<vmem>>)
    %add3A_220 = arith.constant 1360 : i32
    %add3A_221 = arith.addi %mul3A_2, %add3A_220 : i32
    "tpu.region"() ({
      %run_scoped3A = tpu.sem_alloc : memref<!tpu.dma_semaphore, #tpu.memory_space<semaphore_mem>>
      %dma_start3A_241 = arith.constant 0 : i32
      %dma_start3A_242 = tpu.memref_slice %arg4[%add3A_221, %dma_start3A_241] : memref<51200x384xf32, #tpu.memory_space<hbm>> -> memref<80x384xf32, #tpu.memory_space<hbm>>
      %dma_start3A_243 = arith.constant 0 : i32
      %dma_start3A_244 = tpu.memref_slice %arg4[%add3A_221, %dma_start3A_243] : memref<51200x384xf32, #tpu.memory_space<hbm>> -> memref<80x384xf32, #tpu.memory_space<hbm>>
      tpu.enqueue_dma source(%arg7 : memref<80x384xf32, #tpu.memory_space<vmem>>) target(%dma_start3A_244 : memref<80x384xf32, #tpu.memory_space<hbm>>) target_semaphore(%run_scoped3A : memref<!tpu.dma_semaphore, #tpu.memory_space<semaphore_mem>>)
      %dma_wait3A_245 = arith.constant 0 : i32
      %dma_wait3A_246 = tpu.memref_slice %arg4[%add3A_221, %dma_wait3A_245] : memref<51200x384xf32, #tpu.memory_space<hbm>> -> memref<80x384xf32, #tpu.memory_space<hbm>>
      %dma_wait3A_247 = arith.constant 0 : i32
      %dma_wait3A_248 = tpu.memref_slice %arg4[%add3A_221, %dma_wait3A_247] : memref<51200x384xf32, #tpu.memory_space<hbm>> -> memref<80x384xf32, #tpu.memory_space<hbm>>
      tpu.wait_dma2 semaphore(%run_scoped3A : memref<!tpu.dma_semaphore, #tpu.memory_space<semaphore_mem>>) src(%arg7 : memref<80x384xf32, #tpu.memory_space<vmem>>) dst(%dma_wait3A_248 : memref<80x384xf32, #tpu.memory_space<hbm>>)
      tpu.yield
    }) : () -> ()
    %dma_start3A_222 = arith.constant 1520 : i32
    %dma_start3A_223 = tpu.memref_slice %arg5[%dma_start3A_222] : memref<1600xi32, #tpu.memory_space<vmem>> -> memref<80xi32, #tpu.memory_space<vmem>>
    %dma_start3A_224 = arith.constant 0 : i32
    %dma_start3A_225 = arith.constant 0 : i32
    %dma_start3A_226 = tpu.memref_slice %arg2[%dma_start3A_224, %dma_start3A_225] : memref<100000x384xf32, #tpu.memory_space<hbm>> -> memref<100000x384xf32, #tpu.memory_space<hbm>>
    tpu.enqueue_indirect_dma source(%dma_start3A_226 : memref<100000x384xf32, #tpu.memory_space<hbm>>) target(%arg7 : memref<80x384xf32, #tpu.memory_space<vmem>>) offsets(%dma_start3A_223 : memref<80xi32, #tpu.memory_space<vmem>>) semaphore(%arg9 : memref<!tpu.dma_semaphore, #tpu.memory_space<semaphore_mem>>)
    %dma_wait3A_227 = arith.constant 1440 : i32
    %dma_wait3A_228 = tpu.memref_slice %arg5[%dma_wait3A_227] : memref<1600xi32, #tpu.memory_space<vmem>> -> memref<80xi32, #tpu.memory_space<vmem>>
    %dma_wait3A_229 = arith.constant 0 : i32
    %dma_wait3A_230 = arith.constant 0 : i32
    %dma_wait3A_231 = tpu.memref_slice %arg2[%dma_wait3A_229, %dma_wait3A_230] : memref<100000x384xf32, #tpu.memory_space<hbm>> -> memref<100000x384xf32, #tpu.memory_space<hbm>>
    tpu.wait_indirect_dma semaphore(%arg8 : memref<!tpu.dma_semaphore, #tpu.memory_space<semaphore_mem>>) src(%dma_wait3A_231 : memref<100000x384xf32, #tpu.memory_space<hbm>>) dst(%arg6 : memref<80x384xf32, #tpu.memory_space<vmem>>)
    %add3A_232 = arith.constant 1440 : i32
    %add3A_233 = arith.addi %mul3A_2, %add3A_232 : i32
    "tpu.region"() ({
      %run_scoped3A = tpu.sem_alloc : memref<!tpu.dma_semaphore, #tpu.memory_space<semaphore_mem>>
      %dma_start3A_241 = arith.constant 0 : i32
      %dma_start3A_242 = tpu.memref_slice %arg4[%add3A_233, %dma_start3A_241] : memref<51200x384xf32, #tpu.memory_space<hbm>> -> memref<80x384xf32, #tpu.memory_space<hbm>>
      %dma_start3A_243 = arith.constant 0 : i32
      %dma_start3A_244 = tpu.memref_slice %arg4[%add3A_233, %dma_start3A_243] : memref<51200x384xf32, #tpu.memory_space<hbm>> -> memref<80x384xf32, #tpu.memory_space<hbm>>
      tpu.enqueue_dma source(%arg6 : memref<80x384xf32, #tpu.memory_space<vmem>>) target(%dma_start3A_244 : memref<80x384xf32, #tpu.memory_space<hbm>>) target_semaphore(%run_scoped3A : memref<!tpu.dma_semaphore, #tpu.memory_space<semaphore_mem>>)
      %dma_wait3A_245 = arith.constant 0 : i32
      %dma_wait3A_246 = tpu.memref_slice %arg4[%add3A_233, %dma_wait3A_245] : memref<51200x384xf32, #tpu.memory_space<hbm>> -> memref<80x384xf32, #tpu.memory_space<hbm>>
      %dma_wait3A_247 = arith.constant 0 : i32
      %dma_wait3A_248 = tpu.memref_slice %arg4[%add3A_233, %dma_wait3A_247] : memref<51200x384xf32, #tpu.memory_space<hbm>> -> memref<80x384xf32, #tpu.memory_space<hbm>>
      tpu.wait_dma2 semaphore(%run_scoped3A : memref<!tpu.dma_semaphore, #tpu.memory_space<semaphore_mem>>) src(%arg6 : memref<80x384xf32, #tpu.memory_space<vmem>>) dst(%dma_wait3A_248 : memref<80x384xf32, #tpu.memory_space<hbm>>)
      tpu.yield
    }) : () -> ()
    %dma_wait3A_234 = arith.constant 1520 : i32
    %dma_wait3A_235 = tpu.memref_slice %arg5[%dma_wait3A_234] : memref<1600xi32, #tpu.memory_space<vmem>> -> memref<80xi32, #tpu.memory_space<vmem>>
    %dma_wait3A_236 = arith.constant 0 : i32
    %dma_wait3A_237 = arith.constant 0 : i32
    %dma_wait3A_238 = tpu.memref_slice %arg2[%dma_wait3A_236, %dma_wait3A_237] : memref<100000x384xf32, #tpu.memory_space<hbm>> -> memref<100000x384xf32, #tpu.memory_space<hbm>>
    tpu.wait_indirect_dma semaphore(%arg9 : memref<!tpu.dma_semaphore, #tpu.memory_space<semaphore_mem>>) src(%dma_wait3A_238 : memref<100000x384xf32, #tpu.memory_space<hbm>>) dst(%arg7 : memref<80x384xf32, #tpu.memory_space<vmem>>)
    %add3A_239 = arith.constant 1520 : i32
    %add3A_240 = arith.addi %mul3A_2, %add3A_239 : i32
    "tpu.region"() ({
      %run_scoped3A = tpu.sem_alloc : memref<!tpu.dma_semaphore, #tpu.memory_space<semaphore_mem>>
      %dma_start3A_241 = arith.constant 0 : i32
      %dma_start3A_242 = tpu.memref_slice %arg4[%add3A_240, %dma_start3A_241] : memref<51200x384xf32, #tpu.memory_space<hbm>> -> memref<80x384xf32, #tpu.memory_space<hbm>>
      %dma_start3A_243 = arith.constant 0 : i32
      %dma_start3A_244 = tpu.memref_slice %arg4[%add3A_240, %dma_start3A_243] : memref<51200x384xf32, #tpu.memory_space<hbm>> -> memref<80x384xf32, #tpu.memory_space<hbm>>
      tpu.enqueue_dma source(%arg7 : memref<80x384xf32, #tpu.memory_space<vmem>>) target(%dma_start3A_244 : memref<80x384xf32, #tpu.memory_space<hbm>>) target_semaphore(%run_scoped3A : memref<!tpu.dma_semaphore, #tpu.memory_space<semaphore_mem>>)
      %dma_wait3A_245 = arith.constant 0 : i32
      %dma_wait3A_246 = tpu.memref_slice %arg4[%add3A_240, %dma_wait3A_245] : memref<51200x384xf32, #tpu.memory_space<hbm>> -> memref<80x384xf32, #tpu.memory_space<hbm>>
      %dma_wait3A_247 = arith.constant 0 : i32
      %dma_wait3A_248 = tpu.memref_slice %arg4[%add3A_240, %dma_wait3A_247] : memref<51200x384xf32, #tpu.memory_space<hbm>> -> memref<80x384xf32, #tpu.memory_space<hbm>>
      tpu.wait_dma2 semaphore(%run_scoped3A : memref<!tpu.dma_semaphore, #tpu.memory_space<semaphore_mem>>) src(%arg7 : memref<80x384xf32, #tpu.memory_space<vmem>>) dst(%dma_wait3A_248 : memref<80x384xf32, #tpu.memory_space<hbm>>)
      tpu.yield
    }) : () -> ()
    return
  }
}

module attributes {stable_mosaic.version = 14 : i64} {
  func.func @_transpose_body(%arg0: i32, %arg1: memref<300x4096xf32, #tpu.memory_space<vmem>>, %arg2: memref<4096x384xf32, #tpu.memory_space<vmem>>) attributes {dimension_semantics = [#tpu.dimension_semantics<arbitrary>], iteration_bounds = array<i64: 25>, scalar_prefetch = 0 : i64, scratch_operands = 0 : i64, tpu.core_type = #tpu.core_type<tc>, window_params = [{transform_indices = @transform_0, window_bounds = array<i64: 300, 4096>}, {transform_indices = @transform_1, window_bounds = array<i64: 4096, 384>}]} {
    %get3A = arith.constant 0 : index
    %get3A_0 = arith.constant 0 : index
    %get3A_1 = vector.load %arg1[%get3A, %get3A_0] : memref<300x4096xf32, #tpu.memory_space<vmem>>, vector<300x4096xf32>
    %broadcast_in_dim3A = arith.constant 0.000000e+00 : f32
    %broadcast_in_dim3A_2 = vector.broadcast %broadcast_in_dim3A : f32 to vector<84x4096xf32>
    %concatenate3A = tpu.concatenate %get3A_1, %broadcast_in_dim3A_2 in 0 : vector<300x4096xf32>, vector<84x4096xf32> -> vector<384x4096xf32>
    %transpose3A = tpu.transpose %concatenate3A, [1, 0] : vector<384x4096xf32> -> vector<4096x384xf32>
    %swap3A = arith.constant 0 : index
    %swap3A_3 = arith.constant 0 : index
    %swap3A_4 = vector.load %arg2[%swap3A, %swap3A_3] : memref<4096x384xf32, #tpu.memory_space<vmem>>, vector<4096x384xf32>
    tpu.vector_store %arg2[%swap3A, %swap3A_3], %transpose3A {strides = array<i32>} : memref<4096x384xf32, #tpu.memory_space<vmem>>, vector<4096x384xf32>,
    return
  }
  func.func @transform_0(%arg0: i32) -> (i32, i32) {
    %c0_i32 = arith.constant 0 : i32
    %c0_i32_0 = arith.constant 0 : i32
    return %c0_i32, %arg0 : i32, i32
  }
  func.func @transform_1(%arg0: i32) -> (i32, i32) {
    %c0_i32 = arith.constant 0 : i32
    %c0_i32_0 = arith.constant 0 : i32
    return %arg0, %c0_i32 : i32, i32
  }
}

module attributes {stable_mosaic.version = 14 : i64} {
  func.func @_layer_body(%arg0: i32, %arg1: memref<1x1024x384xf32, #tpu.memory_space<vmem>>, %arg2: memref<1x1024x384xf32, #tpu.memory_space<vmem>>, %arg3: memref<384x512xbf16, #tpu.memory_space<vmem>>, %arg4: memref<384x512xbf16, #tpu.memory_space<vmem>>, %arg5: memref<128x512xbf16, #tpu.memory_space<vmem>>, %arg6: memref<128x512xbf16, #tpu.memory_space<vmem>>, %arg7: memref<1x512xf32, #tpu.memory_space<vmem>>, %arg8: memref<1x512xf32, #tpu.memory_space<vmem>>, %arg9: memref<1x1024x100xf32, #tpu.memory_space<vmem>>, %arg10: memref<1x1024x100xf32, #tpu.memory_space<vmem>>, %arg11: memref<1024x100xf32, #tpu.memory_space<vmem>>, %arg12: memref<1024x100xf32, #tpu.memory_space<vmem>>, %arg13: memref<1024x128xbf16, #tpu.memory_space<vmem>>, %arg14: memref<1024x128xf32, #tpu.memory_space<vmem>>, %arg15: memref<1024x128xbf16, #tpu.memory_space<vmem>>, %arg16: memref<1024x128xf32, #tpu.memory_space<vmem>>) attributes {dimension_semantics = [#tpu.dimension_semantics<arbitrary>], iteration_bounds = array<i64: 50>, scalar_prefetch = 0 : i64, scratch_operands = 4 : i64, tpu.core_type = #tpu.core_type<tc>, window_params = [{transform_indices = @transform_0, window_bounds = array<i64: 1, 1024, 384>}, {transform_indices = @transform_1, window_bounds = array<i64: 1, 1024, 384>}, {pipeline_mode = #tpu.pipeline_mode<synchronous>, transform_indices = @transform_2, window_bounds = array<i64: 384, 512>}, {pipeline_mode = #tpu.pipeline_mode<synchronous>, transform_indices = @transform_3, window_bounds = array<i64: 384, 512>}, {pipeline_mode = #tpu.pipeline_mode<synchronous>, transform_indices = @transform_4, window_bounds = array<i64: 128, 512>}, {pipeline_mode = #tpu.pipeline_mode<synchronous>, transform_indices = @transform_5, window_bounds = array<i64: 128, 512>}, {pipeline_mode = #tpu.pipeline_mode<synchronous>, transform_indices = @transform_6, window_bounds = array<i64: 1, 512>}, {pipeline_mode = #tpu.pipeline_mode<synchronous>, transform_indices = @transform_7, window_bounds = array<i64: 1, 512>}, {transform_indices = @transform_8, window_bounds = array<i64: 1, 1024, 100>}, {transform_indices = @transform_9, window_bounds = array<i64: 1, 1024, 100>}, {pipeline_mode = #tpu.pipeline_mode<synchronous>, transform_indices = @transform_10, window_bounds = array<i64: 1024, 100>}, {pipeline_mode = #tpu.pipeline_mode<synchronous>, transform_indices = @transform_11, window_bounds = array<i64: 1024, 100>}]} {
    %eq3A = arith.constant 0 : i32
    %eq3A_0 = arith.cmpi eq, %arg0, %eq3A : i32
    %convert_element_type3A = arith.extui %eq3A_0 : i1 to i32
    %cond3A = arith.constant 0 : i32
    %cond3A_1 = arith.cmpi ne, %convert_element_type3A, %cond3A : i32
    scf.if %cond3A_1 {
      %broadcast_in_dim3A = arith.constant 0.000000e+00 : bf16
      %broadcast_in_dim3A_164 = vector.broadcast %broadcast_in_dim3A : bf16 to vector<1024x128xbf16>
      %swap3A_165 = arith.constant 0 : index
      %swap3A_166 = arith.constant 0 : index
      %swap3A_167 = vector.load %arg13[%swap3A_165, %swap3A_166] : memref<1024x128xbf16, #tpu.memory_space<vmem>>, vector<1024x128xbf16>
      tpu.vector_store %arg13[%swap3A_165, %swap3A_166], %broadcast_in_dim3A_164 {strides = array<i32>} : memref<1024x128xbf16, #tpu.memory_space<vmem>>, vector<1024x128xbf16>,
      %broadcast_in_dim3A_168 = arith.constant 0.000000e+00 : f32
      %broadcast_in_dim3A_169 = vector.broadcast %broadcast_in_dim3A_168 : f32 to vector<1024x128xf32>
      %swap3A_170 = arith.constant 0 : index
      %swap3A_171 = arith.constant 0 : index
      %swap3A_172 = vector.load %arg14[%swap3A_170, %swap3A_171] : memref<1024x128xf32, #tpu.memory_space<vmem>>, vector<1024x128xf32>
      tpu.vector_store %arg14[%swap3A_170, %swap3A_171], %broadcast_in_dim3A_169 {strides = array<i32>} : memref<1024x128xf32, #tpu.memory_space<vmem>>, vector<1024x128xf32>,
      %broadcast_in_dim3A_173 = arith.constant 0.000000e+00 : bf16
      %broadcast_in_dim3A_174 = vector.broadcast %broadcast_in_dim3A_173 : bf16 to vector<1024x128xbf16>
      %swap3A_175 = arith.constant 0 : index
      %swap3A_176 = arith.constant 0 : index
      %swap3A_177 = vector.load %arg15[%swap3A_175, %swap3A_176] : memref<1024x128xbf16, #tpu.memory_space<vmem>>, vector<1024x128xbf16>
      tpu.vector_store %arg15[%swap3A_175, %swap3A_176], %broadcast_in_dim3A_174 {strides = array<i32>} : memref<1024x128xbf16, #tpu.memory_space<vmem>>, vector<1024x128xbf16>,
      %broadcast_in_dim3A_178 = arith.constant 0.000000e+00 : f32
      %broadcast_in_dim3A_179 = vector.broadcast %broadcast_in_dim3A_178 : f32 to vector<1024x128xf32>
      %swap3A_180 = arith.constant 0 : index
      %swap3A_181 = arith.constant 0 : index
      %swap3A_182 = vector.load %arg16[%swap3A_180, %swap3A_181] : memref<1024x128xf32, #tpu.memory_space<vmem>>, vector<1024x128xf32>
      tpu.vector_store %arg16[%swap3A_180, %swap3A_181], %broadcast_in_dim3A_179 {strides = array<i32>} : memref<1024x128xf32, #tpu.memory_space<vmem>>, vector<1024x128xf32>,
    } else {
    }
    %get3A = arith.constant 0 : index
    %get3A_2 = arith.constant 0 : index
    %get3A_3 = vector.load %arg13[%get3A, %get3A_2] : memref<1024x128xbf16, #tpu.memory_space<vmem>>, vector<1024x128xbf16>
    %get3A_4 = arith.constant 0 : index
    %get3A_5 = arith.constant 0 : index
    %get3A_6 = vector.load %arg5[%get3A_4, %get3A_5] : memref<128x512xbf16, #tpu.memory_space<vmem>>, vector<128x512xbf16>
    %dot_general3A = arith.constant dense<0.000000e+00> : vector<1024x512xf32>
    %dot_general3A_7 = tpu.matmul %get3A_3, %get3A_6, %dot_general3A {dimension_numbers = #tpu.dot_dimension_numbers<[1], [0], [0], [1], [0, 0, 1, 1], [], []>, transpose_lhs_hint = false} : vector<1024x128xbf16>, vector<128x512xbf16>, vector<1024x512xf32> -> vector<1024x512xf32>
    %get3A_8 = arith.constant 0 : index
    %get3A_9 = arith.constant 0 : index
    %get3A_10 = arith.constant 0 : index
    %get3A_11 = vector.load %arg1[%get3A_8, %get3A_9, %get3A_10] : memref<1x1024x384xf32, #tpu.memory_space<vmem>>, vector<1x1024x384xf32>
    %get3A_12 = vector.shape_cast %get3A_11 : vector<1x1024x384xf32> to vector<1024x384xf32>
    %convert_element_type3A_13 = arith.truncf %get3A_12 : vector<1024x384xf32> to vector<1024x384xbf16>
    %get3A_14 = arith.constant 0 : index
    %get3A_15 = arith.constant 0 : index
    %get3A_16 = vector.load %arg3[%get3A_14, %get3A_15] : memref<384x512xbf16, #tpu.memory_space<vmem>>, vector<384x512xbf16>
    %dot_general3A_17 = arith.constant dense<0.000000e+00> : vector<1024x512xf32>
    %dot_general3A_18 = tpu.matmul %convert_element_type3A_13, %get3A_16, %dot_general3A_17 {dimension_numbers = #tpu.dot_dimension_numbers<[1], [0], [0], [1], [0, 0, 1, 1], [], []>, transpose_lhs_hint = false} : vector<1024x384xbf16>, vector<384x512xbf16>, vector<1024x512xf32> -> vector<1024x512xf32>
    %add3A = arith.addf %dot_general3A_7, %dot_general3A_18 : vector<1024x512xf32>
    %get3A_19 = arith.constant 0 : index
    %get3A_20 = arith.constant 0 : index
    %get3A_21 = vector.load %arg7[%get3A_19, %get3A_20] : memref<1x512xf32, #tpu.memory_space<vmem>>, vector<1x512xf32>
    %add3A_22 = vector.broadcast %get3A_21 : vector<1x512xf32> to vector<1024x512xf32>
    %add3A_23 = arith.addf %add3A, %add3A_22 : vector<1024x512xf32>
    %slice3A = vector.extract_strided_slice %add3A_23 {offsets = [0, 0], sizes = [1024, 128], strides = [1, 1]} : vector<1024x512xf32> to vector<1024x128xf32>
    %mul3A = arith.constant 5.000000e-01 : f32
    %mul3A_24 = vector.broadcast %mul3A : f32 to vector<1024x128xf32>
    %mul3A_25 = arith.mulf %mul3A_24, %slice3A : vector<1024x128xf32>
    %tanh3A = math.tanh %mul3A_25 : vector<1024x128xf32>
    %mul3A_26 = arith.constant 5.000000e-01 : f32
    %mul3A_27 = vector.broadcast %mul3A_26 : f32 to vector<1024x128xf32>
    %mul3A_28 = arith.mulf %mul3A_27, %tanh3A : vector<1024x128xf32>
    %add3A_29 = arith.constant 5.000000e-01 : f32
    %add3A_30 = vector.broadcast %add3A_29 : f32 to vector<1024x128xf32>
    %add3A_31 = arith.addf %mul3A_28, %add3A_30 : vector<1024x128xf32>
    %slice3A_32 = vector.extract_strided_slice %add3A_23 {offsets = [0, 128], sizes = [1024, 128], strides = [1, 1]} : vector<1024x512xf32> to vector<1024x128xf32>
    %mul3A_33 = arith.constant 5.000000e-01 : f32
    %mul3A_34 = vector.broadcast %mul3A_33 : f32 to vector<1024x128xf32>
    %mul3A_35 = arith.mulf %mul3A_34, %slice3A_32 : vector<1024x128xf32>
    %tanh3A_36 = math.tanh %mul3A_35 : vector<1024x128xf32>
    %mul3A_37 = arith.constant 5.000000e-01 : f32
    %mul3A_38 = vector.broadcast %mul3A_37 : f32 to vector<1024x128xf32>
    %mul3A_39 = arith.mulf %mul3A_38, %tanh3A_36 : vector<1024x128xf32>
    %add3A_40 = arith.constant 5.000000e-01 : f32
    %add3A_41 = vector.broadcast %add3A_40 : f32 to vector<1024x128xf32>
    %add3A_42 = arith.addf %mul3A_39, %add3A_41 : vector<1024x128xf32>
    %slice3A_43 = vector.extract_strided_slice %add3A_23 {offsets = [0, 256], sizes = [1024, 128], strides = [1, 1]} : vector<1024x512xf32> to vector<1024x128xf32>
    %tanh3A_44 = math.tanh %slice3A_43 : vector<1024x128xf32>
    %slice3A_45 = vector.extract_strided_slice %add3A_23 {offsets = [0, 384], sizes = [1024, 128], strides = [1, 1]} : vector<1024x512xf32> to vector<1024x128xf32>
    %mul3A_46 = arith.constant 5.000000e-01 : f32
    %mul3A_47 = vector.broadcast %mul3A_46 : f32 to vector<1024x128xf32>
    %mul3A_48 = arith.mulf %mul3A_47, %slice3A_45 : vector<1024x128xf32>
    %tanh3A_49 = math.tanh %mul3A_48 : vector<1024x128xf32>
    %mul3A_50 = arith.constant 5.000000e-01 : f32
    %mul3A_51 = vector.broadcast %mul3A_50 : f32 to vector<1024x128xf32>
    %mul3A_52 = arith.mulf %mul3A_51, %tanh3A_49 : vector<1024x128xf32>
    %add3A_53 = arith.constant 5.000000e-01 : f32
    %add3A_54 = vector.broadcast %add3A_53 : f32 to vector<1024x128xf32>
    %add3A_55 = arith.addf %mul3A_52, %add3A_54 : vector<1024x128xf32>
    %get3A_56 = arith.constant 0 : index
    %get3A_57 = arith.constant 0 : index
    %get3A_58 = vector.load %arg14[%get3A_56, %get3A_57] : memref<1024x128xf32, #tpu.memory_space<vmem>>, vector<1024x128xf32>
    %mul3A_59 = arith.mulf %add3A_42, %get3A_58 : vector<1024x128xf32>
    %mul3A_60 = arith.mulf %add3A_31, %tanh3A_44 : vector<1024x128xf32>
    %add3A_61 = arith.addf %mul3A_59, %mul3A_60 : vector<1024x128xf32>
    %tanh3A_62 = math.tanh %add3A_61 : vector<1024x128xf32>
    %mul3A_63 = arith.mulf %add3A_55, %tanh3A_62 : vector<1024x128xf32>
    %convert_element_type3A_64 = arith.truncf %mul3A_63 : vector<1024x128xf32> to vector<1024x128xbf16>
    %swap3A = arith.constant 0 : index
    %swap3A_65 = arith.constant 0 : index
    %swap3A_66 = vector.load %arg13[%swap3A, %swap3A_65] : memref<1024x128xbf16, #tpu.memory_space<vmem>>, vector<1024x128xbf16>
    tpu.vector_store %arg13[%swap3A, %swap3A_65], %convert_element_type3A_64 {strides = array<i32>} : memref<1024x128xbf16, #tpu.memory_space<vmem>>, vector<1024x128xbf16>,
    %swap3A_67 = arith.constant 0 : index
    %swap3A_68 = arith.constant 0 : index
    %swap3A_69 = vector.load %arg14[%swap3A_67, %swap3A_68] : memref<1024x128xf32, #tpu.memory_space<vmem>>, vector<1024x128xf32>
    tpu.vector_store %arg14[%swap3A_67, %swap3A_68], %add3A_61 {strides = array<i32>} : memref<1024x128xf32, #tpu.memory_space<vmem>>, vector<1024x128xf32>,
    %get3A_70 = arith.constant 0 : index
    %get3A_71 = arith.constant 0 : index
    %get3A_72 = vector.load %arg15[%get3A_70, %get3A_71] : memref<1024x128xbf16, #tpu.memory_space<vmem>>, vector<1024x128xbf16>
    %get3A_73 = arith.constant 0 : index
    %get3A_74 = arith.constant 0 : index
    %get3A_75 = vector.load %arg6[%get3A_73, %get3A_74] : memref<128x512xbf16, #tpu.memory_space<vmem>>, vector<128x512xbf16>
    %dot_general3A_76 = arith.constant dense<0.000000e+00> : vector<1024x512xf32>
    %dot_general3A_77 = tpu.matmul %get3A_72, %get3A_75, %dot_general3A_76 {dimension_numbers = #tpu.dot_dimension_numbers<[1], [0], [0], [1], [0, 0, 1, 1], [], []>, transpose_lhs_hint = false} : vector<1024x128xbf16>, vector<128x512xbf16>, vector<1024x512xf32> -> vector<1024x512xf32>
    %get3A_78 = arith.constant 0 : index
    %get3A_79 = arith.constant 0 : index
    %get3A_80 = arith.constant 0 : index
    %get3A_81 = vector.load %arg2[%get3A_78, %get3A_79, %get3A_80] : memref<1x1024x384xf32, #tpu.memory_space<vmem>>, vector<1x1024x384xf32>
    %get3A_82 = vector.shape_cast %get3A_81 : vector<1x1024x384xf32> to vector<1024x384xf32>
    %convert_element_type3A_83 = arith.truncf %get3A_82 : vector<1024x384xf32> to vector<1024x384xbf16>
    %get3A_84 = arith.constant 0 : index
    %get3A_85 = arith.constant 0 : index
    %get3A_86 = vector.load %arg4[%get3A_84, %get3A_85] : memref<384x512xbf16, #tpu.memory_space<vmem>>, vector<384x512xbf16>
    %dot_general3A_87 = arith.constant dense<0.000000e+00> : vector<1024x512xf32>
    %dot_general3A_88 = tpu.matmul %convert_element_type3A_83, %get3A_86, %dot_general3A_87 {dimension_numbers = #tpu.dot_dimension_numbers<[1], [0], [0], [1], [0, 0, 1, 1], [], []>, transpose_lhs_hint = false} : vector<1024x384xbf16>, vector<384x512xbf16>, vector<1024x512xf32> -> vector<1024x512xf32>
    %add3A_89 = arith.addf %dot_general3A_77, %dot_general3A_88 : vector<1024x512xf32>
    %get3A_90 = arith.constant 0 : index
    %get3A_91 = arith.constant 0 : index
    %get3A_92 = vector.load %arg8[%get3A_90, %get3A_91] : memref<1x512xf32, #tpu.memory_space<vmem>>, vector<1x512xf32>
    %add3A_93 = vector.broadcast %get3A_92 : vector<1x512xf32> to vector<1024x512xf32>
    %add3A_94 = arith.addf %add3A_89, %add3A_93 : vector<1024x512xf32>
    %slice3A_95 = vector.extract_strided_slice %add3A_94 {offsets = [0, 0], sizes = [1024, 128], strides = [1, 1]} : vector<1024x512xf32> to vector<1024x128xf32>
    %mul3A_96 = arith.constant 5.000000e-01 : f32
    %mul3A_97 = vector.broadcast %mul3A_96 : f32 to vector<1024x128xf32>
    %mul3A_98 = arith.mulf %mul3A_97, %slice3A_95 : vector<1024x128xf32>
    %tanh3A_99 = math.tanh %mul3A_98 : vector<1024x128xf32>
    %mul3A_100 = arith.constant 5.000000e-01 : f32
    %mul3A_101 = vector.broadcast %mul3A_100 : f32 to vector<1024x128xf32>
    %mul3A_102 = arith.mulf %mul3A_101, %tanh3A_99 : vector<1024x128xf32>
    %add3A_103 = arith.constant 5.000000e-01 : f32
    %add3A_104 = vector.broadcast %add3A_103 : f32 to vector<1024x128xf32>
    %add3A_105 = arith.addf %mul3A_102, %add3A_104 : vector<1024x128xf32>
    %slice3A_106 = vector.extract_strided_slice %add3A_94 {offsets = [0, 128], sizes = [1024, 128], strides = [1, 1]} : vector<1024x512xf32> to vector<1024x128xf32>
    %mul3A_107 = arith.constant 5.000000e-01 : f32
    %mul3A_108 = vector.broadcast %mul3A_107 : f32 to vector<1024x128xf32>
    %mul3A_109 = arith.mulf %mul3A_108, %slice3A_106 : vector<1024x128xf32>
    %tanh3A_110 = math.tanh %mul3A_109 : vector<1024x128xf32>
    %mul3A_111 = arith.constant 5.000000e-01 : f32
    %mul3A_112 = vector.broadcast %mul3A_111 : f32 to vector<1024x128xf32>
    %mul3A_113 = arith.mulf %mul3A_112, %tanh3A_110 : vector<1024x128xf32>
    %add3A_114 = arith.constant 5.000000e-01 : f32
    %add3A_115 = vector.broadcast %add3A_114 : f32 to vector<1024x128xf32>
    %add3A_116 = arith.addf %mul3A_113, %add3A_115 : vector<1024x128xf32>
    %slice3A_117 = vector.extract_strided_slice %add3A_94 {offsets = [0, 256], sizes = [1024, 128], strides = [1, 1]} : vector<1024x512xf32> to vector<1024x128xf32>
    %tanh3A_118 = math.tanh %slice3A_117 : vector<1024x128xf32>
    %slice3A_119 = vector.extract_strided_slice %add3A_94 {offsets = [0, 384], sizes = [1024, 128], strides = [1, 1]} : vector<1024x512xf32> to vector<1024x128xf32>
    %mul3A_120 = arith.constant 5.000000e-01 : f32
    %mul3A_121 = vector.broadcast %mul3A_120 : f32 to vector<1024x128xf32>
    %mul3A_122 = arith.mulf %mul3A_121, %slice3A_119 : vector<1024x128xf32>
    %tanh3A_123 = math.tanh %mul3A_122 : vector<1024x128xf32>
    %mul3A_124 = arith.constant 5.000000e-01 : f32
    %mul3A_125 = vector.broadcast %mul3A_124 : f32 to vector<1024x128xf32>
    %mul3A_126 = arith.mulf %mul3A_125, %tanh3A_123 : vector<1024x128xf32>
    %add3A_127 = arith.constant 5.000000e-01 : f32
    %add3A_128 = vector.broadcast %add3A_127 : f32 to vector<1024x128xf32>
    %add3A_129 = arith.addf %mul3A_126, %add3A_128 : vector<1024x128xf32>
    %get3A_130 = arith.constant 0 : index
    %get3A_131 = arith.constant 0 : index
    %get3A_132 = vector.load %arg16[%get3A_130, %get3A_131] : memref<1024x128xf32, #tpu.memory_space<vmem>>, vector<1024x128xf32>
    %mul3A_133 = arith.mulf %add3A_116, %get3A_132 : vector<1024x128xf32>
    %mul3A_134 = arith.mulf %add3A_105, %tanh3A_118 : vector<1024x128xf32>
    %add3A_135 = arith.addf %mul3A_133, %mul3A_134 : vector<1024x128xf32>
    %tanh3A_136 = math.tanh %add3A_135 : vector<1024x128xf32>
    %mul3A_137 = arith.mulf %add3A_129, %tanh3A_136 : vector<1024x128xf32>
    %convert_element_type3A_138 = arith.truncf %mul3A_137 : vector<1024x128xf32> to vector<1024x128xbf16>
    %swap3A_139 = arith.constant 0 : index
    %swap3A_140 = arith.constant 0 : index
    %swap3A_141 = vector.load %arg15[%swap3A_139, %swap3A_140] : memref<1024x128xbf16, #tpu.memory_space<vmem>>, vector<1024x128xbf16>
    tpu.vector_store %arg15[%swap3A_139, %swap3A_140], %convert_element_type3A_138 {strides = array<i32>} : memref<1024x128xbf16, #tpu.memory_space<vmem>>, vector<1024x128xbf16>,
    %swap3A_142 = arith.constant 0 : index
    %swap3A_143 = arith.constant 0 : index
    %swap3A_144 = vector.load %arg16[%swap3A_142, %swap3A_143] : memref<1024x128xf32, #tpu.memory_space<vmem>>, vector<1024x128xf32>
    tpu.vector_store %arg16[%swap3A_142, %swap3A_143], %add3A_135 {strides = array<i32>} : memref<1024x128xf32, #tpu.memory_space<vmem>>, vector<1024x128xf32>,
    %slice3A_145 = vector.extract_strided_slice %mul3A_63 {offsets = [0, 0], sizes = [1024, 100], strides = [1, 1]} : vector<1024x128xf32> to vector<1024x100xf32>
    %swap3A_146 = arith.constant 0 : index
    %swap3A_147 = arith.constant 0 : index
    %swap3A_148 = arith.constant 0 : index
    %swap3A_149 = vector.load %arg9[%swap3A_146, %swap3A_147, %swap3A_148] : memref<1x1024x100xf32, #tpu.memory_space<vmem>>, vector<1x1024x100xf32>
    %swap3A_150 = vector.shape_cast %swap3A_149 : vector<1x1024x100xf32> to vector<1024x100xf32>
    %swap3A_151 = vector.shape_cast %slice3A_145 : vector<1024x100xf32> to vector<1x1024x100xf32>
    tpu.vector_store %arg9[%swap3A_146, %swap3A_147, %swap3A_148], %swap3A_151 {strides = array<i32>} : memref<1x1024x100xf32, #tpu.memory_space<vmem>>, vector<1x1024x100xf32>,
    %slice3A_152 = vector.extract_strided_slice %mul3A_137 {offsets = [0, 0], sizes = [1024, 100], strides = [1, 1]} : vector<1024x128xf32> to vector<1024x100xf32>
    %swap3A_153 = arith.constant 0 : index
    %swap3A_154 = arith.constant 0 : index
    %swap3A_155 = arith.constant 0 : index
    %swap3A_156 = vector.load %arg10[%swap3A_153, %swap3A_154, %swap3A_155] : memref<1x1024x100xf32, #tpu.memory_space<vmem>>, vector<1x1024x100xf32>
    %swap3A_157 = vector.shape_cast %swap3A_156 : vector<1x1024x100xf32> to vector<1024x100xf32>
    %swap3A_158 = vector.shape_cast %slice3A_152 : vector<1024x100xf32> to vector<1x1024x100xf32>
    tpu.vector_store %arg10[%swap3A_153, %swap3A_154, %swap3A_155], %swap3A_158 {strides = array<i32>} : memref<1x1024x100xf32, #tpu.memory_space<vmem>>, vector<1x1024x100xf32>,
    %eq3A_159 = arith.constant 49 : i32
    %eq3A_160 = arith.cmpi eq, %arg0, %eq3A_159 : i32
    %convert_element_type3A_161 = arith.extui %eq3A_160 : i1 to i32
    %cond3A_162 = arith.constant 0 : i32
    %cond3A_163 = arith.cmpi ne, %convert_element_type3A_161, %cond3A_162 : i32
    scf.if %cond3A_163 {
      %slice3A_164 = vector.extract_strided_slice %mul3A_63 {offsets = [0, 0], sizes = [1024, 100], strides = [1, 1]} : vector<1024x128xf32> to vector<1024x100xf32>
      %swap3A_165 = arith.constant 0 : index
      %swap3A_166 = arith.constant 0 : index
      %swap3A_167 = vector.load %arg11[%swap3A_165, %swap3A_166] : memref<1024x100xf32, #tpu.memory_space<vmem>>, vector<1024x100xf32>
      tpu.vector_store %arg11[%swap3A_165, %swap3A_166], %slice3A_164 {strides = array<i32>} : memref<1024x100xf32, #tpu.memory_space<vmem>>, vector<1024x100xf32>,
      %slice3A_168 = vector.extract_strided_slice %mul3A_137 {offsets = [0, 0], sizes = [1024, 100], strides = [1, 1]} : vector<1024x128xf32> to vector<1024x100xf32>
      %swap3A_169 = arith.constant 0 : index
      %swap3A_170 = arith.constant 0 : index
      %swap3A_171 = vector.load %arg12[%swap3A_169, %swap3A_170] : memref<1024x100xf32, #tpu.memory_space<vmem>>, vector<1024x100xf32>
      tpu.vector_store %arg12[%swap3A_169, %swap3A_170], %slice3A_168 {strides = array<i32>} : memref<1024x100xf32, #tpu.memory_space<vmem>>, vector<1024x100xf32>,
    } else {
    }
    return
  }
  func.func @transform_0(%arg0: i32) -> (i32, i32, i32) {
    %c0_i32 = arith.constant 0 : i32
    %c0_i32_0 = arith.constant 0 : i32
    %c0_i32_1 = arith.constant 0 : i32
    return %arg0, %c0_i32, %c0_i32_0 : i32, i32, i32
  }
  func.func @transform_1(%arg0: i32) -> (i32, i32, i32) {
    %sub3A = arith.constant 49 : i32
    %sub3A_0 = arith.subi %sub3A, %arg0 : i32
    %c0_i32 = arith.constant 0 : i32
    %c0_i32_1 = arith.constant 0 : i32
    %c0_i32_2 = arith.constant 0 : i32
    return %sub3A_0, %c0_i32, %c0_i32_1 : i32, i32, i32
  }
  func.func @transform_2(%arg0: i32) -> (i32, i32) {
    %c0_i32 = arith.constant 0 : i32
    %c0_i32_0 = arith.constant 0 : i32
    %c0_i32_1 = arith.constant 0 : i32
    return %c0_i32, %c0_i32_0 : i32, i32
  }
  func.func @transform_3(%arg0: i32) -> (i32, i32) {
    %c0_i32 = arith.constant 0 : i32
    %c0_i32_0 = arith.constant 0 : i32
    %c0_i32_1 = arith.constant 0 : i32
    return %c0_i32, %c0_i32_0 : i32, i32
  }
  func.func @transform_4(%arg0: i32) -> (i32, i32) {
    %c0_i32 = arith.constant 0 : i32
    %c0_i32_0 = arith.constant 0 : i32
    %c0_i32_1 = arith.constant 0 : i32
    return %c0_i32, %c0_i32_0 : i32, i32
  }
  func.func @transform_5(%arg0: i32) -> (i32, i32) {
    %c0_i32 = arith.constant 0 : i32
    %c0_i32_0 = arith.constant 0 : i32
    %c0_i32_1 = arith.constant 0 : i32
    return %c0_i32, %c0_i32_0 : i32, i32
  }
  func.func @transform_6(%arg0: i32) -> (i32, i32) {
    %c0_i32 = arith.constant 0 : i32
    %c0_i32_0 = arith.constant 0 : i32
    %c0_i32_1 = arith.constant 0 : i32
    return %c0_i32, %c0_i32_0 : i32, i32
  }
  func.func @transform_7(%arg0: i32) -> (i32, i32) {
    %c0_i32 = arith.constant 0 : i32
    %c0_i32_0 = arith.constant 0 : i32
    %c0_i32_1 = arith.constant 0 : i32
    return %c0_i32, %c0_i32_0 : i32, i32
  }
  func.func @transform_8(%arg0: i32) -> (i32, i32, i32) {
    %c0_i32 = arith.constant 0 : i32
    %c0_i32_0 = arith.constant 0 : i32
    %c0_i32_1 = arith.constant 0 : i32
    return %arg0, %c0_i32, %c0_i32_0 : i32, i32, i32
  }
  func.func @transform_9(%arg0: i32) -> (i32, i32, i32) {
    %sub3A = arith.constant 49 : i32
    %sub3A_0 = arith.subi %sub3A, %arg0 : i32
    %c0_i32 = arith.constant 0 : i32
    %c0_i32_1 = arith.constant 0 : i32
    %c0_i32_2 = arith.constant 0 : i32
    return %sub3A_0, %c0_i32, %c0_i32_1 : i32, i32, i32
  }
  func.func @transform_10(%arg0: i32) -> (i32, i32) {
    %c0_i32 = arith.constant 0 : i32
    %c0_i32_0 = arith.constant 0 : i32
    %c0_i32_1 = arith.constant 0 : i32
    return %c0_i32, %c0_i32_0 : i32, i32
  }
  func.func @transform_11(%arg0: i32) -> (i32, i32) {
    %c0_i32 = arith.constant 0 : i32
    %c0_i32_0 = arith.constant 0 : i32
    %c0_i32_1 = arith.constant 0 : i32
    return %c0_i32, %c0_i32_0 : i32, i32
  }
}

module attributes {stable_mosaic.version = 14 : i64} {
  func.func @_layer_body(%arg0: i32, %arg1: memref<1x1024x100xf32, #tpu.memory_space<vmem>>, %arg2: memref<1x1024x100xf32, #tpu.memory_space<vmem>>, %arg3: memref<1x1024x100xf32, #tpu.memory_space<vmem>>, %arg4: memref<1x1024x100xf32, #tpu.memory_space<vmem>>, %arg5: memref<100x512xbf16, #tpu.memory_space<vmem>>, %arg6: memref<100x512xbf16, #tpu.memory_space<vmem>>, %arg7: memref<100x512xbf16, #tpu.memory_space<vmem>>, %arg8: memref<100x512xbf16, #tpu.memory_space<vmem>>, %arg9: memref<128x512xbf16, #tpu.memory_space<vmem>>, %arg10: memref<128x512xbf16, #tpu.memory_space<vmem>>, %arg11: memref<1x512xf32, #tpu.memory_space<vmem>>, %arg12: memref<1x512xf32, #tpu.memory_space<vmem>>, %arg13: memref<1x1024x100xf32, #tpu.memory_space<vmem>>, %arg14: memref<1x1024x100xf32, #tpu.memory_space<vmem>>, %arg15: memref<1024x100xf32, #tpu.memory_space<vmem>>, %arg16: memref<1024x100xf32, #tpu.memory_space<vmem>>, %arg17: memref<1024x128xbf16, #tpu.memory_space<vmem>>, %arg18: memref<1024x128xf32, #tpu.memory_space<vmem>>, %arg19: memref<1024x128xbf16, #tpu.memory_space<vmem>>, %arg20: memref<1024x128xf32, #tpu.memory_space<vmem>>) attributes {dimension_semantics = [#tpu.dimension_semantics<arbitrary>], iteration_bounds = array<i64: 50>, scalar_prefetch = 0 : i64, scratch_operands = 4 : i64, tpu.core_type = #tpu.core_type<tc>, window_params = [{transform_indices = @transform_0, window_bounds = array<i64: 1, 1024, 100>}, {transform_indices = @transform_1, window_bounds = array<i64: 1, 1024, 100>}, {transform_indices = @transform_2, window_bounds = array<i64: 1, 1024, 100>}, {transform_indices = @transform_3, window_bounds = array<i64: 1, 1024, 100>}, {pipeline_mode = #tpu.pipeline_mode<synchronous>, transform_indices = @transform_4, window_bounds = array<i64: 100, 512>}, {pipeline_mode = #tpu.pipeline_mode<synchronous>, transform_indices = @transform_5, window_bounds = array<i64: 100, 512>}, {pipeline_mode = #tpu.pipeline_mode<synchronous>, transform_indices = @transform_6, window_bounds = array<i64: 100, 512>}, {pipeline_mode = #tpu.pipeline_mode<synchronous>, transform_indices = @transform_7, window_bounds = array<i64: 100, 512>}, {pipeline_mode = #tpu.pipeline_mode<synchronous>, transform_indices = @transform_8, window_bounds = array<i64: 128, 512>}, {pipeline_mode = #tpu.pipeline_mode<synchronous>, transform_indices = @transform_9, window_bounds = array<i64: 128, 512>}, {pipeline_mode = #tpu.pipeline_mode<synchronous>, transform_indices = @transform_10, window_bounds = array<i64: 1, 512>}, {pipeline_mode = #tpu.pipeline_mode<synchronous>, transform_indices = @transform_11, window_bounds = array<i64: 1, 512>}, {transform_indices = @transform_12, window_bounds = array<i64: 1, 1024, 100>}, {transform_indices = @transform_13, window_bounds = array<i64: 1, 1024, 100>}, {pipeline_mode = #tpu.pipeline_mode<synchronous>, transform_indices = @transform_14, window_bounds = array<i64: 1024, 100>}, {pipeline_mode = #tpu.pipeline_mode<synchronous>, transform_indices = @transform_15, window_bounds = array<i64: 1024, 100>}]} {
    %eq3A = arith.constant 0 : i32
    %eq3A_0 = arith.cmpi eq, %arg0, %eq3A : i32
    %convert_element_type3A = arith.extui %eq3A_0 : i1 to i32
    %cond3A = arith.constant 0 : i32
    %cond3A_1 = arith.cmpi ne, %convert_element_type3A, %cond3A : i32
    scf.if %cond3A_1 {
      %broadcast_in_dim3A = arith.constant 0.000000e+00 : bf16
      %broadcast_in_dim3A_188 = vector.broadcast %broadcast_in_dim3A : bf16 to vector<1024x128xbf16>
      %swap3A_189 = arith.constant 0 : index
      %swap3A_190 = arith.constant 0 : index
      %swap3A_191 = vector.load %arg17[%swap3A_189, %swap3A_190] : memref<1024x128xbf16, #tpu.memory_space<vmem>>, vector<1024x128xbf16>
      tpu.vector_store %arg17[%swap3A_189, %swap3A_190], %broadcast_in_dim3A_188 {strides = array<i32>} : memref<1024x128xbf16, #tpu.memory_space<vmem>>, vector<1024x128xbf16>,
      %broadcast_in_dim3A_192 = arith.constant 0.000000e+00 : f32
      %broadcast_in_dim3A_193 = vector.broadcast %broadcast_in_dim3A_192 : f32 to vector<1024x128xf32>
      %swap3A_194 = arith.constant 0 : index
      %swap3A_195 = arith.constant 0 : index
      %swap3A_196 = vector.load %arg18[%swap3A_194, %swap3A_195] : memref<1024x128xf32, #tpu.memory_space<vmem>>, vector<1024x128xf32>
      tpu.vector_store %arg18[%swap3A_194, %swap3A_195], %broadcast_in_dim3A_193 {strides = array<i32>} : memref<1024x128xf32, #tpu.memory_space<vmem>>, vector<1024x128xf32>,
      %broadcast_in_dim3A_197 = arith.constant 0.000000e+00 : bf16
      %broadcast_in_dim3A_198 = vector.broadcast %broadcast_in_dim3A_197 : bf16 to vector<1024x128xbf16>
      %swap3A_199 = arith.constant 0 : index
      %swap3A_200 = arith.constant 0 : index
      %swap3A_201 = vector.load %arg19[%swap3A_199, %swap3A_200] : memref<1024x128xbf16, #tpu.memory_space<vmem>>, vector<1024x128xbf16>
      tpu.vector_store %arg19[%swap3A_199, %swap3A_200], %broadcast_in_dim3A_198 {strides = array<i32>} : memref<1024x128xbf16, #tpu.memory_space<vmem>>, vector<1024x128xbf16>,
      %broadcast_in_dim3A_202 = arith.constant 0.000000e+00 : f32
      %broadcast_in_dim3A_203 = vector.broadcast %broadcast_in_dim3A_202 : f32 to vector<1024x128xf32>
      %swap3A_204 = arith.constant 0 : index
      %swap3A_205 = arith.constant 0 : index
      %swap3A_206 = vector.load %arg20[%swap3A_204, %swap3A_205] : memref<1024x128xf32, #tpu.memory_space<vmem>>, vector<1024x128xf32>
      tpu.vector_store %arg20[%swap3A_204, %swap3A_205], %broadcast_in_dim3A_203 {strides = array<i32>} : memref<1024x128xf32, #tpu.memory_space<vmem>>, vector<1024x128xf32>,
    } else {
    }
    %get3A = arith.constant 0 : index
    %get3A_2 = arith.constant 0 : index
    %get3A_3 = vector.load %arg17[%get3A, %get3A_2] : memref<1024x128xbf16, #tpu.memory_space<vmem>>, vector<1024x128xbf16>
    %get3A_4 = arith.constant 0 : index
    %get3A_5 = arith.constant 0 : index
    %get3A_6 = vector.load %arg9[%get3A_4, %get3A_5] : memref<128x512xbf16, #tpu.memory_space<vmem>>, vector<128x512xbf16>
    %dot_general3A = arith.constant dense<0.000000e+00> : vector<1024x512xf32>
    %dot_general3A_7 = tpu.matmul %get3A_3, %get3A_6, %dot_general3A {dimension_numbers = #tpu.dot_dimension_numbers<[1], [0], [0], [1], [0, 0, 1, 1], [], []>, transpose_lhs_hint = false} : vector<1024x128xbf16>, vector<128x512xbf16>, vector<1024x512xf32> -> vector<1024x512xf32>
    %get3A_8 = arith.constant 0 : index
    %get3A_9 = arith.constant 0 : index
    %get3A_10 = arith.constant 0 : index
    %get3A_11 = vector.load %arg1[%get3A_8, %get3A_9, %get3A_10] : memref<1x1024x100xf32, #tpu.memory_space<vmem>>, vector<1x1024x100xf32>
    %get3A_12 = vector.shape_cast %get3A_11 : vector<1x1024x100xf32> to vector<1024x100xf32>
    %convert_element_type3A_13 = arith.truncf %get3A_12 : vector<1024x100xf32> to vector<1024x100xbf16>
    %get3A_14 = arith.constant 0 : index
    %get3A_15 = arith.constant 0 : index
    %get3A_16 = vector.load %arg5[%get3A_14, %get3A_15] : memref<100x512xbf16, #tpu.memory_space<vmem>>, vector<100x512xbf16>
    %dot_general3A_17 = arith.constant dense<0.000000e+00> : vector<1024x512xf32>
    %dot_general3A_18 = tpu.matmul %convert_element_type3A_13, %get3A_16, %dot_general3A_17 {dimension_numbers = #tpu.dot_dimension_numbers<[1], [0], [0], [1], [0, 0, 1, 1], [], []>, transpose_lhs_hint = false} : vector<1024x100xbf16>, vector<100x512xbf16>, vector<1024x512xf32> -> vector<1024x512xf32>
    %add3A = arith.addf %dot_general3A_7, %dot_general3A_18 : vector<1024x512xf32>
    %get3A_19 = arith.constant 0 : index
    %get3A_20 = arith.constant 0 : index
    %get3A_21 = arith.constant 0 : index
    %get3A_22 = vector.load %arg2[%get3A_19, %get3A_20, %get3A_21] : memref<1x1024x100xf32, #tpu.memory_space<vmem>>, vector<1x1024x100xf32>
    %get3A_23 = vector.shape_cast %get3A_22 : vector<1x1024x100xf32> to vector<1024x100xf32>
    %convert_element_type3A_24 = arith.truncf %get3A_23 : vector<1024x100xf32> to vector<1024x100xbf16>
    %get3A_25 = arith.constant 0 : index
    %get3A_26 = arith.constant 0 : index
    %get3A_27 = vector.load %arg6[%get3A_25, %get3A_26] : memref<100x512xbf16, #tpu.memory_space<vmem>>, vector<100x512xbf16>
    %dot_general3A_28 = arith.constant dense<0.000000e+00> : vector<1024x512xf32>
    %dot_general3A_29 = tpu.matmul %convert_element_type3A_24, %get3A_27, %dot_general3A_28 {dimension_numbers = #tpu.dot_dimension_numbers<[1], [0], [0], [1], [0, 0, 1, 1], [], []>, transpose_lhs_hint = false} : vector<1024x100xbf16>, vector<100x512xbf16>, vector<1024x512xf32> -> vector<1024x512xf32>
    %add3A_30 = arith.addf %add3A, %dot_general3A_29 : vector<1024x512xf32>
    %get3A_31 = arith.constant 0 : index
    %get3A_32 = arith.constant 0 : index
    %get3A_33 = vector.load %arg11[%get3A_31, %get3A_32] : memref<1x512xf32, #tpu.memory_space<vmem>>, vector<1x512xf32>
    %add3A_34 = vector.broadcast %get3A_33 : vector<1x512xf32> to vector<1024x512xf32>
    %add3A_35 = arith.addf %add3A_30, %add3A_34 : vector<1024x512xf32>
    %slice3A = vector.extract_strided_slice %add3A_35 {offsets = [0, 0], sizes = [1024, 128], strides = [1, 1]} : vector<1024x512xf32> to vector<1024x128xf32>
    %mul3A = arith.constant 5.000000e-01 : f32
    %mul3A_36 = vector.broadcast %mul3A : f32 to vector<1024x128xf32>
    %mul3A_37 = arith.mulf %mul3A_36, %slice3A : vector<1024x128xf32>
    %tanh3A = math.tanh %mul3A_37 : vector<1024x128xf32>
    %mul3A_38 = arith.constant 5.000000e-01 : f32
    %mul3A_39 = vector.broadcast %mul3A_38 : f32 to vector<1024x128xf32>
    %mul3A_40 = arith.mulf %mul3A_39, %tanh3A : vector<1024x128xf32>
    %add3A_41 = arith.constant 5.000000e-01 : f32
    %add3A_42 = vector.broadcast %add3A_41 : f32 to vector<1024x128xf32>
    %add3A_43 = arith.addf %mul3A_40, %add3A_42 : vector<1024x128xf32>
    %slice3A_44 = vector.extract_strided_slice %add3A_35 {offsets = [0, 128], sizes = [1024, 128], strides = [1, 1]} : vector<1024x512xf32> to vector<1024x128xf32>
    %mul3A_45 = arith.constant 5.000000e-01 : f32
    %mul3A_46 = vector.broadcast %mul3A_45 : f32 to vector<1024x128xf32>
    %mul3A_47 = arith.mulf %mul3A_46, %slice3A_44 : vector<1024x128xf32>
    %tanh3A_48 = math.tanh %mul3A_47 : vector<1024x128xf32>
    %mul3A_49 = arith.constant 5.000000e-01 : f32
    %mul3A_50 = vector.broadcast %mul3A_49 : f32 to vector<1024x128xf32>
    %mul3A_51 = arith.mulf %mul3A_50, %tanh3A_48 : vector<1024x128xf32>
    %add3A_52 = arith.constant 5.000000e-01 : f32
    %add3A_53 = vector.broadcast %add3A_52 : f32 to vector<1024x128xf32>
    %add3A_54 = arith.addf %mul3A_51, %add3A_53 : vector<1024x128xf32>
    %slice3A_55 = vector.extract_strided_slice %add3A_35 {offsets = [0, 256], sizes = [1024, 128], strides = [1, 1]} : vector<1024x512xf32> to vector<1024x128xf32>
    %tanh3A_56 = math.tanh %slice3A_55 : vector<1024x128xf32>
    %slice3A_57 = vector.extract_strided_slice %add3A_35 {offsets = [0, 384], sizes = [1024, 128], strides = [1, 1]} : vector<1024x512xf32> to vector<1024x128xf32>
    %mul3A_58 = arith.constant 5.000000e-01 : f32
    %mul3A_59 = vector.broadcast %mul3A_58 : f32 to vector<1024x128xf32>
    %mul3A_60 = arith.mulf %mul3A_59, %slice3A_57 : vector<1024x128xf32>
    %tanh3A_61 = math.tanh %mul3A_60 : vector<1024x128xf32>
    %mul3A_62 = arith.constant 5.000000e-01 : f32
    %mul3A_63 = vector.broadcast %mul3A_62 : f32 to vector<1024x128xf32>
    %mul3A_64 = arith.mulf %mul3A_63, %tanh3A_61 : vector<1024x128xf32>
    %add3A_65 = arith.constant 5.000000e-01 : f32
    %add3A_66 = vector.broadcast %add3A_65 : f32 to vector<1024x128xf32>
    %add3A_67 = arith.addf %mul3A_64, %add3A_66 : vector<1024x128xf32>
    %get3A_68 = arith.constant 0 : index
    %get3A_69 = arith.constant 0 : index
    %get3A_70 = vector.load %arg18[%get3A_68, %get3A_69] : memref<1024x128xf32, #tpu.memory_space<vmem>>, vector<1024x128xf32>
    %mul3A_71 = arith.mulf %add3A_54, %get3A_70 : vector<1024x128xf32>
    %mul3A_72 = arith.mulf %add3A_43, %tanh3A_56 : vector<1024x128xf32>
    %add3A_73 = arith.addf %mul3A_71, %mul3A_72 : vector<1024x128xf32>
    %tanh3A_74 = math.tanh %add3A_73 : vector<1024x128xf32>
    %mul3A_75 = arith.mulf %add3A_67, %tanh3A_74 : vector<1024x128xf32>
    %convert_element_type3A_76 = arith.truncf %mul3A_75 : vector<1024x128xf32> to vector<1024x128xbf16>
    %swap3A = arith.constant 0 : index
    %swap3A_77 = arith.constant 0 : index
    %swap3A_78 = vector.load %arg17[%swap3A, %swap3A_77] : memref<1024x128xbf16, #tpu.memory_space<vmem>>, vector<1024x128xbf16>
    tpu.vector_store %arg17[%swap3A, %swap3A_77], %convert_element_type3A_76 {strides = array<i32>} : memref<1024x128xbf16, #tpu.memory_space<vmem>>, vector<1024x128xbf16>,
    %swap3A_79 = arith.constant 0 : index
    %swap3A_80 = arith.constant 0 : index
    %swap3A_81 = vector.load %arg18[%swap3A_79, %swap3A_80] : memref<1024x128xf32, #tpu.memory_space<vmem>>, vector<1024x128xf32>
    tpu.vector_store %arg18[%swap3A_79, %swap3A_80], %add3A_73 {strides = array<i32>} : memref<1024x128xf32, #tpu.memory_space<vmem>>, vector<1024x128xf32>,
    %get3A_82 = arith.constant 0 : index
    %get3A_83 = arith.constant 0 : index
    %get3A_84 = vector.load %arg19[%get3A_82, %get3A_83] : memref<1024x128xbf16, #tpu.memory_space<vmem>>, vector<1024x128xbf16>
    %get3A_85 = arith.constant 0 : index
    %get3A_86 = arith.constant 0 : index
    %get3A_87 = vector.load %arg10[%get3A_85, %get3A_86] : memref<128x512xbf16, #tpu.memory_space<vmem>>, vector<128x512xbf16>
    %dot_general3A_88 = arith.constant dense<0.000000e+00> : vector<1024x512xf32>
    %dot_general3A_89 = tpu.matmul %get3A_84, %get3A_87, %dot_general3A_88 {dimension_numbers = #tpu.dot_dimension_numbers<[1], [0], [0], [1], [0, 0, 1, 1], [], []>, transpose_lhs_hint = false} : vector<1024x128xbf16>, vector<128x512xbf16>, vector<1024x512xf32> -> vector<1024x512xf32>
    %get3A_90 = arith.constant 0 : index
    %get3A_91 = arith.constant 0 : index
    %get3A_92 = arith.constant 0 : index
    %get3A_93 = vector.load %arg3[%get3A_90, %get3A_91, %get3A_92] : memref<1x1024x100xf32, #tpu.memory_space<vmem>>, vector<1x1024x100xf32>
    %get3A_94 = vector.shape_cast %get3A_93 : vector<1x1024x100xf32> to vector<1024x100xf32>
    %convert_element_type3A_95 = arith.truncf %get3A_94 : vector<1024x100xf32> to vector<1024x100xbf16>
    %get3A_96 = arith.constant 0 : index
    %get3A_97 = arith.constant 0 : index
    %get3A_98 = vector.load %arg7[%get3A_96, %get3A_97] : memref<100x512xbf16, #tpu.memory_space<vmem>>, vector<100x512xbf16>
    %dot_general3A_99 = arith.constant dense<0.000000e+00> : vector<1024x512xf32>
    %dot_general3A_100 = tpu.matmul %convert_element_type3A_95, %get3A_98, %dot_general3A_99 {dimension_numbers = #tpu.dot_dimension_numbers<[1], [0], [0], [1], [0, 0, 1, 1], [], []>, transpose_lhs_hint = false} : vector<1024x100xbf16>, vector<100x512xbf16>, vector<1024x512xf32> -> vector<1024x512xf32>
    %add3A_101 = arith.addf %dot_general3A_89, %dot_general3A_100 : vector<1024x512xf32>
    %get3A_102 = arith.constant 0 : index
    %get3A_103 = arith.constant 0 : index
    %get3A_104 = arith.constant 0 : index
    %get3A_105 = vector.load %arg4[%get3A_102, %get3A_103, %get3A_104] : memref<1x1024x100xf32, #tpu.memory_space<vmem>>, vector<1x1024x100xf32>
    %get3A_106 = vector.shape_cast %get3A_105 : vector<1x1024x100xf32> to vector<1024x100xf32>
    %convert_element_type3A_107 = arith.truncf %get3A_106 : vector<1024x100xf32> to vector<1024x100xbf16>
    %get3A_108 = arith.constant 0 : index
    %get3A_109 = arith.constant 0 : index
    %get3A_110 = vector.load %arg8[%get3A_108, %get3A_109] : memref<100x512xbf16, #tpu.memory_space<vmem>>, vector<100x512xbf16>
    %dot_general3A_111 = arith.constant dense<0.000000e+00> : vector<1024x512xf32>
    %dot_general3A_112 = tpu.matmul %convert_element_type3A_107, %get3A_110, %dot_general3A_111 {dimension_numbers = #tpu.dot_dimension_numbers<[1], [0], [0], [1], [0, 0, 1, 1], [], []>, transpose_lhs_hint = false} : vector<1024x100xbf16>, vector<100x512xbf16>, vector<1024x512xf32> -> vector<1024x512xf32>
    %add3A_113 = arith.addf %add3A_101, %dot_general3A_112 : vector<1024x512xf32>
    %get3A_114 = arith.constant 0 : index
    %get3A_115 = arith.constant 0 : index
    %get3A_116 = vector.load %arg12[%get3A_114, %get3A_115] : memref<1x512xf32, #tpu.memory_space<vmem>>, vector<1x512xf32>
    %add3A_117 = vector.broadcast %get3A_116 : vector<1x512xf32> to vector<1024x512xf32>
    %add3A_118 = arith.addf %add3A_113, %add3A_117 : vector<1024x512xf32>
    %slice3A_119 = vector.extract_strided_slice %add3A_118 {offsets = [0, 0], sizes = [1024, 128], strides = [1, 1]} : vector<1024x512xf32> to vector<1024x128xf32>
    %mul3A_120 = arith.constant 5.000000e-01 : f32
    %mul3A_121 = vector.broadcast %mul3A_120 : f32 to vector<1024x128xf32>
    %mul3A_122 = arith.mulf %mul3A_121, %slice3A_119 : vector<1024x128xf32>
    %tanh3A_123 = math.tanh %mul3A_122 : vector<1024x128xf32>
    %mul3A_124 = arith.constant 5.000000e-01 : f32
    %mul3A_125 = vector.broadcast %mul3A_124 : f32 to vector<1024x128xf32>
    %mul3A_126 = arith.mulf %mul3A_125, %tanh3A_123 : vector<1024x128xf32>
    %add3A_127 = arith.constant 5.000000e-01 : f32
    %add3A_128 = vector.broadcast %add3A_127 : f32 to vector<1024x128xf32>
    %add3A_129 = arith.addf %mul3A_126, %add3A_128 : vector<1024x128xf32>
    %slice3A_130 = vector.extract_strided_slice %add3A_118 {offsets = [0, 128], sizes = [1024, 128], strides = [1, 1]} : vector<1024x512xf32> to vector<1024x128xf32>
    %mul3A_131 = arith.constant 5.000000e-01 : f32
    %mul3A_132 = vector.broadcast %mul3A_131 : f32 to vector<1024x128xf32>
    %mul3A_133 = arith.mulf %mul3A_132, %slice3A_130 : vector<1024x128xf32>
    %tanh3A_134 = math.tanh %mul3A_133 : vector<1024x128xf32>
    %mul3A_135 = arith.constant 5.000000e-01 : f32
    %mul3A_136 = vector.broadcast %mul3A_135 : f32 to vector<1024x128xf32>
    %mul3A_137 = arith.mulf %mul3A_136, %tanh3A_134 : vector<1024x128xf32>
    %add3A_138 = arith.constant 5.000000e-01 : f32
    %add3A_139 = vector.broadcast %add3A_138 : f32 to vector<1024x128xf32>
    %add3A_140 = arith.addf %mul3A_137, %add3A_139 : vector<1024x128xf32>
    %slice3A_141 = vector.extract_strided_slice %add3A_118 {offsets = [0, 256], sizes = [1024, 128], strides = [1, 1]} : vector<1024x512xf32> to vector<1024x128xf32>
    %tanh3A_142 = math.tanh %slice3A_141 : vector<1024x128xf32>
    %slice3A_143 = vector.extract_strided_slice %add3A_118 {offsets = [0, 384], sizes = [1024, 128], strides = [1, 1]} : vector<1024x512xf32> to vector<1024x128xf32>
    %mul3A_144 = arith.constant 5.000000e-01 : f32
    %mul3A_145 = vector.broadcast %mul3A_144 : f32 to vector<1024x128xf32>
    %mul3A_146 = arith.mulf %mul3A_145, %slice3A_143 : vector<1024x128xf32>
    %tanh3A_147 = math.tanh %mul3A_146 : vector<1024x128xf32>
    %mul3A_148 = arith.constant 5.000000e-01 : f32
    %mul3A_149 = vector.broadcast %mul3A_148 : f32 to vector<1024x128xf32>
    %mul3A_150 = arith.mulf %mul3A_149, %tanh3A_147 : vector<1024x128xf32>
    %add3A_151 = arith.constant 5.000000e-01 : f32
    %add3A_152 = vector.broadcast %add3A_151 : f32 to vector<1024x128xf32>
    %add3A_153 = arith.addf %mul3A_150, %add3A_152 : vector<1024x128xf32>
    %get3A_154 = arith.constant 0 : index
    %get3A_155 = arith.constant 0 : index
    %get3A_156 = vector.load %arg20[%get3A_154, %get3A_155] : memref<1024x128xf32, #tpu.memory_space<vmem>>, vector<1024x128xf32>
    %mul3A_157 = arith.mulf %add3A_140, %get3A_156 : vector<1024x128xf32>
    %mul3A_158 = arith.mulf %add3A_129, %tanh3A_142 : vector<1024x128xf32>
    %add3A_159 = arith.addf %mul3A_157, %mul3A_158 : vector<1024x128xf32>
    %tanh3A_160 = math.tanh %add3A_159 : vector<1024x128xf32>
    %mul3A_161 = arith.mulf %add3A_153, %tanh3A_160 : vector<1024x128xf32>
    %convert_element_type3A_162 = arith.truncf %mul3A_161 : vector<1024x128xf32> to vector<1024x128xbf16>
    %swap3A_163 = arith.constant 0 : index
    %swap3A_164 = arith.constant 0 : index
    %swap3A_165 = vector.load %arg19[%swap3A_163, %swap3A_164] : memref<1024x128xbf16, #tpu.memory_space<vmem>>, vector<1024x128xbf16>
    tpu.vector_store %arg19[%swap3A_163, %swap3A_164], %convert_element_type3A_162 {strides = array<i32>} : memref<1024x128xbf16, #tpu.memory_space<vmem>>, vector<1024x128xbf16>,
    %swap3A_166 = arith.constant 0 : index
    %swap3A_167 = arith.constant 0 : index
    %swap3A_168 = vector.load %arg20[%swap3A_166, %swap3A_167] : memref<1024x128xf32, #tpu.memory_space<vmem>>, vector<1024x128xf32>
    tpu.vector_store %arg20[%swap3A_166, %swap3A_167], %add3A_159 {strides = array<i32>} : memref<1024x128xf32, #tpu.memory_space<vmem>>, vector<1024x128xf32>,
    %slice3A_169 = vector.extract_strided_slice %mul3A_75 {offsets = [0, 0], sizes = [1024, 100], strides = [1, 1]} : vector<1024x128xf32> to vector<1024x100xf32>
    %swap3A_170 = arith.constant 0 : index
    %swap3A_171 = arith.constant 0 : index
    %swap3A_172 = arith.constant 0 : index
    %swap3A_173 = vector.load %arg13[%swap3A_170, %swap3A_171, %swap3A_172] : memref<1x1024x100xf32, #tpu.memory_space<vmem>>, vector<1x1024x100xf32>
    %swap3A_174 = vector.shape_cast %swap3A_173 : vector<1x1024x100xf32> to vector<1024x100xf32>
    %swap3A_175 = vector.shape_cast %slice3A_169 : vector<1024x100xf32> to vector<1x1024x100xf32>
    tpu.vector_store %arg13[%swap3A_170, %swap3A_171, %swap3A_172], %swap3A_175 {strides = array<i32>} : memref<1x1024x100xf32, #tpu.memory_space<vmem>>, vector<1x1024x100xf32>,
    %slice3A_176 = vector.extract_strided_slice %mul3A_161 {offsets = [0, 0], sizes = [1024, 100], strides = [1, 1]} : vector<1024x128xf32> to vector<1024x100xf32>
    %swap3A_177 = arith.constant 0 : index
    %swap3A_178 = arith.constant 0 : index
    %swap3A_179 = arith.constant 0 : index
    %swap3A_180 = vector.load %arg14[%swap3A_177, %swap3A_178, %swap3A_179] : memref<1x1024x100xf32, #tpu.memory_space<vmem>>, vector<1x1024x100xf32>
    %swap3A_181 = vector.shape_cast %swap3A_180 : vector<1x1024x100xf32> to vector<1024x100xf32>
    %swap3A_182 = vector.shape_cast %slice3A_176 : vector<1024x100xf32> to vector<1x1024x100xf32>
    tpu.vector_store %arg14[%swap3A_177, %swap3A_178, %swap3A_179], %swap3A_182 {strides = array<i32>} : memref<1x1024x100xf32, #tpu.memory_space<vmem>>, vector<1x1024x100xf32>,
    %eq3A_183 = arith.constant 49 : i32
    %eq3A_184 = arith.cmpi eq, %arg0, %eq3A_183 : i32
    %convert_element_type3A_185 = arith.extui %eq3A_184 : i1 to i32
    %cond3A_186 = arith.constant 0 : i32
    %cond3A_187 = arith.cmpi ne, %convert_element_type3A_185, %cond3A_186 : i32
    scf.if %cond3A_187 {
      %slice3A_188 = vector.extract_strided_slice %mul3A_75 {offsets = [0, 0], sizes = [1024, 100], strides = [1, 1]} : vector<1024x128xf32> to vector<1024x100xf32>
      %swap3A_189 = arith.constant 0 : index
      %swap3A_190 = arith.constant 0 : index
      %swap3A_191 = vector.load %arg15[%swap3A_189, %swap3A_190] : memref<1024x100xf32, #tpu.memory_space<vmem>>, vector<1024x100xf32>
      tpu.vector_store %arg15[%swap3A_189, %swap3A_190], %slice3A_188 {strides = array<i32>} : memref<1024x100xf32, #tpu.memory_space<vmem>>, vector<1024x100xf32>,
      %slice3A_192 = vector.extract_strided_slice %mul3A_161 {offsets = [0, 0], sizes = [1024, 100], strides = [1, 1]} : vector<1024x128xf32> to vector<1024x100xf32>
      %swap3A_193 = arith.constant 0 : index
      %swap3A_194 = arith.constant 0 : index
      %swap3A_195 = vector.load %arg16[%swap3A_193, %swap3A_194] : memref<1024x100xf32, #tpu.memory_space<vmem>>, vector<1024x100xf32>
      tpu.vector_store %arg16[%swap3A_193, %swap3A_194], %slice3A_192 {strides = array<i32>} : memref<1024x100xf32, #tpu.memory_space<vmem>>, vector<1024x100xf32>,
    } else {
    }
    return
  }
  func.func @transform_0(%arg0: i32) -> (i32, i32, i32) {
    %c0_i32 = arith.constant 0 : i32
    %c0_i32_0 = arith.constant 0 : i32
    %c0_i32_1 = arith.constant 0 : i32
    return %arg0, %c0_i32, %c0_i32_0 : i32, i32, i32
  }
  func.func @transform_1(%arg0: i32) -> (i32, i32, i32) {
    %c0_i32 = arith.constant 0 : i32
    %c0_i32_0 = arith.constant 0 : i32
    %c0_i32_1 = arith.constant 0 : i32
    return %arg0, %c0_i32, %c0_i32_0 : i32, i32, i32
  }
  func.func @transform_2(%arg0: i32) -> (i32, i32, i32) {
    %sub3A = arith.constant 49 : i32
    %sub3A_0 = arith.subi %sub3A, %arg0 : i32
    %c0_i32 = arith.constant 0 : i32
    %c0_i32_1 = arith.constant 0 : i32
    %c0_i32_2 = arith.constant 0 : i32
    return %sub3A_0, %c0_i32, %c0_i32_1 : i32, i32, i32
  }
  func.func @transform_3(%arg0: i32) -> (i32, i32, i32) {
    %sub3A = arith.constant 49 : i32
    %sub3A_0 = arith.subi %sub3A, %arg0 : i32
    %c0_i32 = arith.constant 0 : i32
    %c0_i32_1 = arith.constant 0 : i32
    %c0_i32_2 = arith.constant 0 : i32
    return %sub3A_0, %c0_i32, %c0_i32_1 : i32, i32, i32
  }
  func.func @transform_4(%arg0: i32) -> (i32, i32) {
    %c0_i32 = arith.constant 0 : i32
    %c0_i32_0 = arith.constant 0 : i32
    %c0_i32_1 = arith.constant 0 : i32
    return %c0_i32, %c0_i32_0 : i32, i32
  }
  func.func @transform_5(%arg0: i32) -> (i32, i32) {
    %c0_i32 = arith.constant 0 : i32
    %c0_i32_0 = arith.constant 0 : i32
    %c0_i32_1 = arith.constant 0 : i32
    return %c0_i32, %c0_i32_0 : i32, i32
  }
  func.func @transform_6(%arg0: i32) -> (i32, i32) {
    %c0_i32 = arith.constant 0 : i32
    %c0_i32_0 = arith.constant 0 : i32
    %c0_i32_1 = arith.constant 0 : i32
    return %c0_i32, %c0_i32_0 : i32, i32
  }
  func.func @transform_7(%arg0: i32) -> (i32, i32) {
    %c0_i32 = arith.constant 0 : i32
    %c0_i32_0 = arith.constant 0 : i32
    %c0_i32_1 = arith.constant 0 : i32
    return %c0_i32, %c0_i32_0 : i32, i32
  }
  func.func @transform_8(%arg0: i32) -> (i32, i32) {
    %c0_i32 = arith.constant 0 : i32
    %c0_i32_0 = arith.constant 0 : i32
    %c0_i32_1 = arith.constant 0 : i32
    return %c0_i32, %c0_i32_0 : i32, i32
  }
  func.func @transform_9(%arg0: i32) -> (i32, i32) {
    %c0_i32 = arith.constant 0 : i32
    %c0_i32_0 = arith.constant 0 : i32
    %c0_i32_1 = arith.constant 0 : i32
    return %c0_i32, %c0_i32_0 : i32, i32
  }
  func.func @transform_10(%arg0: i32) -> (i32, i32) {
    %c0_i32 = arith.constant 0 : i32
    %c0_i32_0 = arith.constant 0 : i32
    %c0_i32_1 = arith.constant 0 : i32
    return %c0_i32, %c0_i32_0 : i32, i32
  }
  func.func @transform_11(%arg0: i32) -> (i32, i32) {
    %c0_i32 = arith.constant 0 : i32
    %c0_i32_0 = arith.constant 0 : i32
    %c0_i32_1 = arith.constant 0 : i32
    return %c0_i32, %c0_i32_0 : i32, i32
  }
  func.func @transform_12(%arg0: i32) -> (i32, i32, i32) {
    %c0_i32 = arith.constant 0 : i32
    %c0_i32_0 = arith.constant 0 : i32
    %c0_i32_1 = arith.constant 0 : i32
    return %arg0, %c0_i32, %c0_i32_0 : i32, i32, i32
  }
  func.func @transform_13(%arg0: i32) -> (i32, i32, i32) {
    %sub3A = arith.constant 49 : i32
    %sub3A_0 = arith.subi %sub3A, %arg0 : i32
    %c0_i32 = arith.constant 0 : i32
    %c0_i32_1 = arith.constant 0 : i32
    %c0_i32_2 = arith.constant 0 : i32
    return %sub3A_0, %c0_i32, %c0_i32_1 : i32, i32, i32
  }
  func.func @transform_14(%arg0: i32) -> (i32, i32) {
    %c0_i32 = arith.constant 0 : i32
    %c0_i32_0 = arith.constant 0 : i32
    %c0_i32_1 = arith.constant 0 : i32
    return %c0_i32, %c0_i32_0 : i32, i32
  }
  func.func @transform_15(%arg0: i32) -> (i32, i32) {
    %c0_i32 = arith.constant 0 : i32
    %c0_i32_0 = arith.constant 0 : i32
    %c0_i32_1 = arith.constant 0 : i32
    return %c0_i32, %c0_i32_0 : i32, i32
  }
}

module attributes {stable_mosaic.version = 14 : i64} {
  func.func @_layer_body(%arg0: i32, %arg1: memref<1x1024x100xf32, #tpu.memory_space<vmem>>, %arg2: memref<1x1024x100xf32, #tpu.memory_space<vmem>>, %arg3: memref<1x1024x100xf32, #tpu.memory_space<vmem>>, %arg4: memref<1x1024x100xf32, #tpu.memory_space<vmem>>, %arg5: memref<100x512xbf16, #tpu.memory_space<vmem>>, %arg6: memref<100x512xbf16, #tpu.memory_space<vmem>>, %arg7: memref<100x512xbf16, #tpu.memory_space<vmem>>, %arg8: memref<100x512xbf16, #tpu.memory_space<vmem>>, %arg9: memref<128x512xbf16, #tpu.memory_space<vmem>>, %arg10: memref<128x512xbf16, #tpu.memory_space<vmem>>, %arg11: memref<1x512xf32, #tpu.memory_space<vmem>>, %arg12: memref<1x512xf32, #tpu.memory_space<vmem>>, %arg13: memref<1024x100xf32, #tpu.memory_space<vmem>>, %arg14: memref<1024x100xf32, #tpu.memory_space<vmem>>, %arg15: memref<1024x100xf32, #tpu.memory_space<vmem>>, %arg16: memref<1024x100xf32, #tpu.memory_space<vmem>>, %arg17: memref<6x100x10xf32, #tpu.memory_space<vmem>>, %arg18: memref<1x10xf32, #tpu.memory_space<vmem>>, %arg19: memref<1x1024x100xf32, #tpu.memory_space<vmem>>, %arg20: memref<1x1024x100xf32, #tpu.memory_space<vmem>>, %arg21: memref<1024x100xf32, #tpu.memory_space<vmem>>, %arg22: memref<1024x100xf32, #tpu.memory_space<vmem>>, %arg23: memref<1024x10xf32, #tpu.memory_space<vmem>>, %arg24: memref<1024x128xbf16, #tpu.memory_space<vmem>>, %arg25: memref<1024x128xf32, #tpu.memory_space<vmem>>, %arg26: memref<1024x128xbf16, #tpu.memory_space<vmem>>, %arg27: memref<1024x128xf32, #tpu.memory_space<vmem>>) attributes {dimension_semantics = [#tpu.dimension_semantics<arbitrary>], iteration_bounds = array<i64: 50>, scalar_prefetch = 0 : i64, scratch_operands = 4 : i64, tpu.core_type = #tpu.core_type<tc>, window_params = [{transform_indices = @transform_0, window_bounds = array<i64: 1, 1024, 100>}, {transform_indices = @transform_1, window_bounds = array<i64: 1, 1024, 100>}, {transform_indices = @transform_2, window_bounds = array<i64: 1, 1024, 100>}, {transform_indices = @transform_3, window_bounds = array<i64: 1, 1024, 100>}, {pipeline_mode = #tpu.pipeline_mode<synchronous>, transform_indices = @transform_4, window_bounds = array<i64: 100, 512>}, {pipeline_mode = #tpu.pipeline_mode<synchronous>, transform_indices = @transform_5, window_bounds = array<i64: 100, 512>}, {pipeline_mode = #tpu.pipeline_mode<synchronous>, transform_indices = @transform_6, window_bounds = array<i64: 100, 512>}, {pipeline_mode = #tpu.pipeline_mode<synchronous>, transform_indices = @transform_7, window_bounds = array<i64: 100, 512>}, {pipeline_mode = #tpu.pipeline_mode<synchronous>, transform_indices = @transform_8, window_bounds = array<i64: 128, 512>}, {pipeline_mode = #tpu.pipeline_mode<synchronous>, transform_indices = @transform_9, window_bounds = array<i64: 128, 512>}, {pipeline_mode = #tpu.pipeline_mode<synchronous>, transform_indices = @transform_10, window_bounds = array<i64: 1, 512>}, {pipeline_mode = #tpu.pipeline_mode<synchronous>, transform_indices = @transform_11, window_bounds = array<i64: 1, 512>}, {pipeline_mode = #tpu.pipeline_mode<synchronous>, transform_indices = @transform_12, window_bounds = array<i64: 1024, 100>}, {pipeline_mode = #tpu.pipeline_mode<synchronous>, transform_indices = @transform_13, window_bounds = array<i64: 1024, 100>}, {pipeline_mode = #tpu.pipeline_mode<synchronous>, transform_indices = @transform_14, window_bounds = array<i64: 1024, 100>}, {pipeline_mode = #tpu.pipeline_mode<synchronous>, transform_indices = @transform_15, window_bounds = array<i64: 1024, 100>}, {pipeline_mode = #tpu.pipeline_mode<synchronous>, transform_indices = @transform_16, window_bounds = array<i64: 6, 100, 10>}, {pipeline_mode = #tpu.pipeline_mode<synchronous>, transform_indices = @transform_17, window_bounds = array<i64: 1, 10>}, {transform_indices = @transform_18, window_bounds = array<i64: 1, 1024, 100>}, {transform_indices = @transform_19, window_bounds = array<i64: 1, 1024, 100>}, {pipeline_mode = #tpu.pipeline_mode<synchronous>, transform_indices = @transform_20, window_bounds = array<i64: 1024, 100>}, {pipeline_mode = #tpu.pipeline_mode<synchronous>, transform_indices = @transform_21, window_bounds = array<i64: 1024, 100>}, {pipeline_mode = #tpu.pipeline_mode<synchronous>, transform_indices = @transform_22, window_bounds = array<i64: 1024, 10>}]} {
    %eq3A = arith.constant 0 : i32
    %eq3A_0 = arith.cmpi eq, %arg0, %eq3A : i32
    %convert_element_type3A = arith.extui %eq3A_0 : i1 to i32
    %cond3A = arith.constant 0 : i32
    %cond3A_1 = arith.cmpi ne, %convert_element_type3A, %cond3A : i32
    scf.if %cond3A_1 {
      %broadcast_in_dim3A = arith.constant 0.000000e+00 : bf16
      %broadcast_in_dim3A_188 = vector.broadcast %broadcast_in_dim3A : bf16 to vector<1024x128xbf16>
      %swap3A_189 = arith.constant 0 : index
      %swap3A_190 = arith.constant 0 : index
      %swap3A_191 = vector.load %arg24[%swap3A_189, %swap3A_190] : memref<1024x128xbf16, #tpu.memory_space<vmem>>, vector<1024x128xbf16>
      tpu.vector_store %arg24[%swap3A_189, %swap3A_190], %broadcast_in_dim3A_188 {strides = array<i32>} : memref<1024x128xbf16, #tpu.memory_space<vmem>>, vector<1024x128xbf16>,
      %broadcast_in_dim3A_192 = arith.constant 0.000000e+00 : f32
      %broadcast_in_dim3A_193 = vector.broadcast %broadcast_in_dim3A_192 : f32 to vector<1024x128xf32>
      %swap3A_194 = arith.constant 0 : index
      %swap3A_195 = arith.constant 0 : index
      %swap3A_196 = vector.load %arg25[%swap3A_194, %swap3A_195] : memref<1024x128xf32, #tpu.memory_space<vmem>>, vector<1024x128xf32>
      tpu.vector_store %arg25[%swap3A_194, %swap3A_195], %broadcast_in_dim3A_193 {strides = array<i32>} : memref<1024x128xf32, #tpu.memory_space<vmem>>, vector<1024x128xf32>,
      %broadcast_in_dim3A_197 = arith.constant 0.000000e+00 : bf16
      %broadcast_in_dim3A_198 = vector.broadcast %broadcast_in_dim3A_197 : bf16 to vector<1024x128xbf16>
      %swap3A_199 = arith.constant 0 : index
      %swap3A_200 = arith.constant 0 : index
      %swap3A_201 = vector.load %arg26[%swap3A_199, %swap3A_200] : memref<1024x128xbf16, #tpu.memory_space<vmem>>, vector<1024x128xbf16>
      tpu.vector_store %arg26[%swap3A_199, %swap3A_200], %broadcast_in_dim3A_198 {strides = array<i32>} : memref<1024x128xbf16, #tpu.memory_space<vmem>>, vector<1024x128xbf16>,
      %broadcast_in_dim3A_202 = arith.constant 0.000000e+00 : f32
      %broadcast_in_dim3A_203 = vector.broadcast %broadcast_in_dim3A_202 : f32 to vector<1024x128xf32>
      %swap3A_204 = arith.constant 0 : index
      %swap3A_205 = arith.constant 0 : index
      %swap3A_206 = vector.load %arg27[%swap3A_204, %swap3A_205] : memref<1024x128xf32, #tpu.memory_space<vmem>>, vector<1024x128xf32>
      tpu.vector_store %arg27[%swap3A_204, %swap3A_205], %broadcast_in_dim3A_203 {strides = array<i32>} : memref<1024x128xf32, #tpu.memory_space<vmem>>, vector<1024x128xf32>,
    } else {
    }
    %get3A = arith.constant 0 : index
    %get3A_2 = arith.constant 0 : index
    %get3A_3 = vector.load %arg24[%get3A, %get3A_2] : memref<1024x128xbf16, #tpu.memory_space<vmem>>, vector<1024x128xbf16>
    %get3A_4 = arith.constant 0 : index
    %get3A_5 = arith.constant 0 : index
    %get3A_6 = vector.load %arg9[%get3A_4, %get3A_5] : memref<128x512xbf16, #tpu.memory_space<vmem>>, vector<128x512xbf16>
    %dot_general3A = arith.constant dense<0.000000e+00> : vector<1024x512xf32>
    %dot_general3A_7 = tpu.matmul %get3A_3, %get3A_6, %dot_general3A {dimension_numbers = #tpu.dot_dimension_numbers<[1], [0], [0], [1], [0, 0, 1, 1], [], []>, transpose_lhs_hint = false} : vector<1024x128xbf16>, vector<128x512xbf16>, vector<1024x512xf32> -> vector<1024x512xf32>
    %get3A_8 = arith.constant 0 : index
    %get3A_9 = arith.constant 0 : index
    %get3A_10 = arith.constant 0 : index
    %get3A_11 = vector.load %arg1[%get3A_8, %get3A_9, %get3A_10] : memref<1x1024x100xf32, #tpu.memory_space<vmem>>, vector<1x1024x100xf32>
    %get3A_12 = vector.shape_cast %get3A_11 : vector<1x1024x100xf32> to vector<1024x100xf32>
    %convert_element_type3A_13 = arith.truncf %get3A_12 : vector<1024x100xf32> to vector<1024x100xbf16>
    %get3A_14 = arith.constant 0 : index
    %get3A_15 = arith.constant 0 : index
    %get3A_16 = vector.load %arg5[%get3A_14, %get3A_15] : memref<100x512xbf16, #tpu.memory_space<vmem>>, vector<100x512xbf16>
    %dot_general3A_17 = arith.constant dense<0.000000e+00> : vector<1024x512xf32>
    %dot_general3A_18 = tpu.matmul %convert_element_type3A_13, %get3A_16, %dot_general3A_17 {dimension_numbers = #tpu.dot_dimension_numbers<[1], [0], [0], [1], [0, 0, 1, 1], [], []>, transpose_lhs_hint = false} : vector<1024x100xbf16>, vector<100x512xbf16>, vector<1024x512xf32> -> vector<1024x512xf32>
    %add3A = arith.addf %dot_general3A_7, %dot_general3A_18 : vector<1024x512xf32>
    %get3A_19 = arith.constant 0 : index
    %get3A_20 = arith.constant 0 : index
    %get3A_21 = arith.constant 0 : index
    %get3A_22 = vector.load %arg2[%get3A_19, %get3A_20, %get3A_21] : memref<1x1024x100xf32, #tpu.memory_space<vmem>>, vector<1x1024x100xf32>
    %get3A_23 = vector.shape_cast %get3A_22 : vector<1x1024x100xf32> to vector<1024x100xf32>
    %convert_element_type3A_24 = arith.truncf %get3A_23 : vector<1024x100xf32> to vector<1024x100xbf16>
    %get3A_25 = arith.constant 0 : index
    %get3A_26 = arith.constant 0 : index
    %get3A_27 = vector.load %arg6[%get3A_25, %get3A_26] : memref<100x512xbf16, #tpu.memory_space<vmem>>, vector<100x512xbf16>
    %dot_general3A_28 = arith.constant dense<0.000000e+00> : vector<1024x512xf32>
    %dot_general3A_29 = tpu.matmul %convert_element_type3A_24, %get3A_27, %dot_general3A_28 {dimension_numbers = #tpu.dot_dimension_numbers<[1], [0], [0], [1], [0, 0, 1, 1], [], []>, transpose_lhs_hint = false} : vector<1024x100xbf16>, vector<100x512xbf16>, vector<1024x512xf32> -> vector<1024x512xf32>
    %add3A_30 = arith.addf %add3A, %dot_general3A_29 : vector<1024x512xf32>
    %get3A_31 = arith.constant 0 : index
    %get3A_32 = arith.constant 0 : index
    %get3A_33 = vector.load %arg11[%get3A_31, %get3A_32] : memref<1x512xf32, #tpu.memory_space<vmem>>, vector<1x512xf32>
    %add3A_34 = vector.broadcast %get3A_33 : vector<1x512xf32> to vector<1024x512xf32>
    %add3A_35 = arith.addf %add3A_30, %add3A_34 : vector<1024x512xf32>
    %slice3A = vector.extract_strided_slice %add3A_35 {offsets = [0, 0], sizes = [1024, 128], strides = [1, 1]} : vector<1024x512xf32> to vector<1024x128xf32>
    %mul3A = arith.constant 5.000000e-01 : f32
    %mul3A_36 = vector.broadcast %mul3A : f32 to vector<1024x128xf32>
    %mul3A_37 = arith.mulf %mul3A_36, %slice3A : vector<1024x128xf32>
    %tanh3A = math.tanh %mul3A_37 : vector<1024x128xf32>
    %mul3A_38 = arith.constant 5.000000e-01 : f32
    %mul3A_39 = vector.broadcast %mul3A_38 : f32 to vector<1024x128xf32>
    %mul3A_40 = arith.mulf %mul3A_39, %tanh3A : vector<1024x128xf32>
    %add3A_41 = arith.constant 5.000000e-01 : f32
    %add3A_42 = vector.broadcast %add3A_41 : f32 to vector<1024x128xf32>
    %add3A_43 = arith.addf %mul3A_40, %add3A_42 : vector<1024x128xf32>
    %slice3A_44 = vector.extract_strided_slice %add3A_35 {offsets = [0, 128], sizes = [1024, 128], strides = [1, 1]} : vector<1024x512xf32> to vector<1024x128xf32>
    %mul3A_45 = arith.constant 5.000000e-01 : f32
    %mul3A_46 = vector.broadcast %mul3A_45 : f32 to vector<1024x128xf32>
    %mul3A_47 = arith.mulf %mul3A_46, %slice3A_44 : vector<1024x128xf32>
    %tanh3A_48 = math.tanh %mul3A_47 : vector<1024x128xf32>
    %mul3A_49 = arith.constant 5.000000e-01 : f32
    %mul3A_50 = vector.broadcast %mul3A_49 : f32 to vector<1024x128xf32>
    %mul3A_51 = arith.mulf %mul3A_50, %tanh3A_48 : vector<1024x128xf32>
    %add3A_52 = arith.constant 5.000000e-01 : f32
    %add3A_53 = vector.broadcast %add3A_52 : f32 to vector<1024x128xf32>
    %add3A_54 = arith.addf %mul3A_51, %add3A_53 : vector<1024x128xf32>
    %slice3A_55 = vector.extract_strided_slice %add3A_35 {offsets = [0, 256], sizes = [1024, 128], strides = [1, 1]} : vector<1024x512xf32> to vector<1024x128xf32>
    %tanh3A_56 = math.tanh %slice3A_55 : vector<1024x128xf32>
    %slice3A_57 = vector.extract_strided_slice %add3A_35 {offsets = [0, 384], sizes = [1024, 128], strides = [1, 1]} : vector<1024x512xf32> to vector<1024x128xf32>
    %mul3A_58 = arith.constant 5.000000e-01 : f32
    %mul3A_59 = vector.broadcast %mul3A_58 : f32 to vector<1024x128xf32>
    %mul3A_60 = arith.mulf %mul3A_59, %slice3A_57 : vector<1024x128xf32>
    %tanh3A_61 = math.tanh %mul3A_60 : vector<1024x128xf32>
    %mul3A_62 = arith.constant 5.000000e-01 : f32
    %mul3A_63 = vector.broadcast %mul3A_62 : f32 to vector<1024x128xf32>
    %mul3A_64 = arith.mulf %mul3A_63, %tanh3A_61 : vector<1024x128xf32>
    %add3A_65 = arith.constant 5.000000e-01 : f32
    %add3A_66 = vector.broadcast %add3A_65 : f32 to vector<1024x128xf32>
    %add3A_67 = arith.addf %mul3A_64, %add3A_66 : vector<1024x128xf32>
    %get3A_68 = arith.constant 0 : index
    %get3A_69 = arith.constant 0 : index
    %get3A_70 = vector.load %arg25[%get3A_68, %get3A_69] : memref<1024x128xf32, #tpu.memory_space<vmem>>, vector<1024x128xf32>
    %mul3A_71 = arith.mulf %add3A_54, %get3A_70 : vector<1024x128xf32>
    %mul3A_72 = arith.mulf %add3A_43, %tanh3A_56 : vector<1024x128xf32>
    %add3A_73 = arith.addf %mul3A_71, %mul3A_72 : vector<1024x128xf32>
    %tanh3A_74 = math.tanh %add3A_73 : vector<1024x128xf32>
    %mul3A_75 = arith.mulf %add3A_67, %tanh3A_74 : vector<1024x128xf32>
    %convert_element_type3A_76 = arith.truncf %mul3A_75 : vector<1024x128xf32> to vector<1024x128xbf16>
    %swap3A = arith.constant 0 : index
    %swap3A_77 = arith.constant 0 : index
    %swap3A_78 = vector.load %arg24[%swap3A, %swap3A_77] : memref<1024x128xbf16, #tpu.memory_space<vmem>>, vector<1024x128xbf16>
    tpu.vector_store %arg24[%swap3A, %swap3A_77], %convert_element_type3A_76 {strides = array<i32>} : memref<1024x128xbf16, #tpu.memory_space<vmem>>, vector<1024x128xbf16>,
    %swap3A_79 = arith.constant 0 : index
    %swap3A_80 = arith.constant 0 : index
    %swap3A_81 = vector.load %arg25[%swap3A_79, %swap3A_80] : memref<1024x128xf32, #tpu.memory_space<vmem>>, vector<1024x128xf32>
    tpu.vector_store %arg25[%swap3A_79, %swap3A_80], %add3A_73 {strides = array<i32>} : memref<1024x128xf32, #tpu.memory_space<vmem>>, vector<1024x128xf32>,
    %get3A_82 = arith.constant 0 : index
    %get3A_83 = arith.constant 0 : index
    %get3A_84 = vector.load %arg26[%get3A_82, %get3A_83] : memref<1024x128xbf16, #tpu.memory_space<vmem>>, vector<1024x128xbf16>
    %get3A_85 = arith.constant 0 : index
    %get3A_86 = arith.constant 0 : index
    %get3A_87 = vector.load %arg10[%get3A_85, %get3A_86] : memref<128x512xbf16, #tpu.memory_space<vmem>>, vector<128x512xbf16>
    %dot_general3A_88 = arith.constant dense<0.000000e+00> : vector<1024x512xf32>
    %dot_general3A_89 = tpu.matmul %get3A_84, %get3A_87, %dot_general3A_88 {dimension_numbers = #tpu.dot_dimension_numbers<[1], [0], [0], [1], [0, 0, 1, 1], [], []>, transpose_lhs_hint = false} : vector<1024x128xbf16>, vector<128x512xbf16>, vector<1024x512xf32> -> vector<1024x512xf32>
    %get3A_90 = arith.constant 0 : index
    %get3A_91 = arith.constant 0 : index
    %get3A_92 = arith.constant 0 : index
    %get3A_93 = vector.load %arg3[%get3A_90, %get3A_91, %get3A_92] : memref<1x1024x100xf32, #tpu.memory_space<vmem>>, vector<1x1024x100xf32>
    %get3A_94 = vector.shape_cast %get3A_93 : vector<1x1024x100xf32> to vector<1024x100xf32>
    %convert_element_type3A_95 = arith.truncf %get3A_94 : vector<1024x100xf32> to vector<1024x100xbf16>
    %get3A_96 = arith.constant 0 : index
    %get3A_97 = arith.constant 0 : index
    %get3A_98 = vector.load %arg7[%get3A_96, %get3A_97] : memref<100x512xbf16, #tpu.memory_space<vmem>>, vector<100x512xbf16>
    %dot_general3A_99 = arith.constant dense<0.000000e+00> : vector<1024x512xf32>
    %dot_general3A_100 = tpu.matmul %convert_element_type3A_95, %get3A_98, %dot_general3A_99 {dimension_numbers = #tpu.dot_dimension_numbers<[1], [0], [0], [1], [0, 0, 1, 1], [], []>, transpose_lhs_hint = false} : vector<1024x100xbf16>, vector<100x512xbf16>, vector<1024x512xf32> -> vector<1024x512xf32>
    %add3A_101 = arith.addf %dot_general3A_89, %dot_general3A_100 : vector<1024x512xf32>
    %get3A_102 = arith.constant 0 : index
    %get3A_103 = arith.constant 0 : index
    %get3A_104 = arith.constant 0 : index
    %get3A_105 = vector.load %arg4[%get3A_102, %get3A_103, %get3A_104] : memref<1x1024x100xf32, #tpu.memory_space<vmem>>, vector<1x1024x100xf32>
    %get3A_106 = vector.shape_cast %get3A_105 : vector<1x1024x100xf32> to vector<1024x100xf32>
    %convert_element_type3A_107 = arith.truncf %get3A_106 : vector<1024x100xf32> to vector<1024x100xbf16>
    %get3A_108 = arith.constant 0 : index
    %get3A_109 = arith.constant 0 : index
    %get3A_110 = vector.load %arg8[%get3A_108, %get3A_109] : memref<100x512xbf16, #tpu.memory_space<vmem>>, vector<100x512xbf16>
    %dot_general3A_111 = arith.constant dense<0.000000e+00> : vector<1024x512xf32>
    %dot_general3A_112 = tpu.matmul %convert_element_type3A_107, %get3A_110, %dot_general3A_111 {dimension_numbers = #tpu.dot_dimension_numbers<[1], [0], [0], [1], [0, 0, 1, 1], [], []>, transpose_lhs_hint = false} : vector<1024x100xbf16>, vector<100x512xbf16>, vector<1024x512xf32> -> vector<1024x512xf32>
    %add3A_113 = arith.addf %add3A_101, %dot_general3A_112 : vector<1024x512xf32>
    %get3A_114 = arith.constant 0 : index
    %get3A_115 = arith.constant 0 : index
    %get3A_116 = vector.load %arg12[%get3A_114, %get3A_115] : memref<1x512xf32, #tpu.memory_space<vmem>>, vector<1x512xf32>
    %add3A_117 = vector.broadcast %get3A_116 : vector<1x512xf32> to vector<1024x512xf32>
    %add3A_118 = arith.addf %add3A_113, %add3A_117 : vector<1024x512xf32>
    %slice3A_119 = vector.extract_strided_slice %add3A_118 {offsets = [0, 0], sizes = [1024, 128], strides = [1, 1]} : vector<1024x512xf32> to vector<1024x128xf32>
    %mul3A_120 = arith.constant 5.000000e-01 : f32
    %mul3A_121 = vector.broadcast %mul3A_120 : f32 to vector<1024x128xf32>
    %mul3A_122 = arith.mulf %mul3A_121, %slice3A_119 : vector<1024x128xf32>
    %tanh3A_123 = math.tanh %mul3A_122 : vector<1024x128xf32>
    %mul3A_124 = arith.constant 5.000000e-01 : f32
    %mul3A_125 = vector.broadcast %mul3A_124 : f32 to vector<1024x128xf32>
    %mul3A_126 = arith.mulf %mul3A_125, %tanh3A_123 : vector<1024x128xf32>
    %add3A_127 = arith.constant 5.000000e-01 : f32
    %add3A_128 = vector.broadcast %add3A_127 : f32 to vector<1024x128xf32>
    %add3A_129 = arith.addf %mul3A_126, %add3A_128 : vector<1024x128xf32>
    %slice3A_130 = vector.extract_strided_slice %add3A_118 {offsets = [0, 128], sizes = [1024, 128], strides = [1, 1]} : vector<1024x512xf32> to vector<1024x128xf32>
    %mul3A_131 = arith.constant 5.000000e-01 : f32
    %mul3A_132 = vector.broadcast %mul3A_131 : f32 to vector<1024x128xf32>
    %mul3A_133 = arith.mulf %mul3A_132, %slice3A_130 : vector<1024x128xf32>
    %tanh3A_134 = math.tanh %mul3A_133 : vector<1024x128xf32>
    %mul3A_135 = arith.constant 5.000000e-01 : f32
    %mul3A_136 = vector.broadcast %mul3A_135 : f32 to vector<1024x128xf32>
    %mul3A_137 = arith.mulf %mul3A_136, %tanh3A_134 : vector<1024x128xf32>
    %add3A_138 = arith.constant 5.000000e-01 : f32
    %add3A_139 = vector.broadcast %add3A_138 : f32 to vector<1024x128xf32>
    %add3A_140 = arith.addf %mul3A_137, %add3A_139 : vector<1024x128xf32>
    %slice3A_141 = vector.extract_strided_slice %add3A_118 {offsets = [0, 256], sizes = [1024, 128], strides = [1, 1]} : vector<1024x512xf32> to vector<1024x128xf32>
    %tanh3A_142 = math.tanh %slice3A_141 : vector<1024x128xf32>
    %slice3A_143 = vector.extract_strided_slice %add3A_118 {offsets = [0, 384], sizes = [1024, 128], strides = [1, 1]} : vector<1024x512xf32> to vector<1024x128xf32>
    %mul3A_144 = arith.constant 5.000000e-01 : f32
    %mul3A_145 = vector.broadcast %mul3A_144 : f32 to vector<1024x128xf32>
    %mul3A_146 = arith.mulf %mul3A_145, %slice3A_143 : vector<1024x128xf32>
    %tanh3A_147 = math.tanh %mul3A_146 : vector<1024x128xf32>
    %mul3A_148 = arith.constant 5.000000e-01 : f32
    %mul3A_149 = vector.broadcast %mul3A_148 : f32 to vector<1024x128xf32>
    %mul3A_150 = arith.mulf %mul3A_149, %tanh3A_147 : vector<1024x128xf32>
    %add3A_151 = arith.constant 5.000000e-01 : f32
    %add3A_152 = vector.broadcast %add3A_151 : f32 to vector<1024x128xf32>
    %add3A_153 = arith.addf %mul3A_150, %add3A_152 : vector<1024x128xf32>
    %get3A_154 = arith.constant 0 : index
    %get3A_155 = arith.constant 0 : index
    %get3A_156 = vector.load %arg27[%get3A_154, %get3A_155] : memref<1024x128xf32, #tpu.memory_space<vmem>>, vector<1024x128xf32>
    %mul3A_157 = arith.mulf %add3A_140, %get3A_156 : vector<1024x128xf32>
    %mul3A_158 = arith.mulf %add3A_129, %tanh3A_142 : vector<1024x128xf32>
    %add3A_159 = arith.addf %mul3A_157, %mul3A_158 : vector<1024x128xf32>
    %tanh3A_160 = math.tanh %add3A_159 : vector<1024x128xf32>
    %mul3A_161 = arith.mulf %add3A_153, %tanh3A_160 : vector<1024x128xf32>
    %convert_element_type3A_162 = arith.truncf %mul3A_161 : vector<1024x128xf32> to vector<1024x128xbf16>
    %swap3A_163 = arith.constant 0 : index
    %swap3A_164 = arith.constant 0 : index
    %swap3A_165 = vector.load %arg26[%swap3A_163, %swap3A_164] : memref<1024x128xbf16, #tpu.memory_space<vmem>>, vector<1024x128xbf16>
    tpu.vector_store %arg26[%swap3A_163, %swap3A_164], %convert_element_type3A_162 {strides = array<i32>} : memref<1024x128xbf16, #tpu.memory_space<vmem>>, vector<1024x128xbf16>,
    %swap3A_166 = arith.constant 0 : index
    %swap3A_167 = arith.constant 0 : index
    %swap3A_168 = vector.load %arg27[%swap3A_166, %swap3A_167] : memref<1024x128xf32, #tpu.memory_space<vmem>>, vector<1024x128xf32>
    tpu.vector_store %arg27[%swap3A_166, %swap3A_167], %add3A_159 {strides = array<i32>} : memref<1024x128xf32, #tpu.memory_space<vmem>>, vector<1024x128xf32>,
    %slice3A_169 = vector.extract_strided_slice %mul3A_75 {offsets = [0, 0], sizes = [1024, 100], strides = [1, 1]} : vector<1024x128xf32> to vector<1024x100xf32>
    %swap3A_170 = arith.constant 0 : index
    %swap3A_171 = arith.constant 0 : index
    %swap3A_172 = arith.constant 0 : index
    %swap3A_173 = vector.load %arg19[%swap3A_170, %swap3A_171, %swap3A_172] : memref<1x1024x100xf32, #tpu.memory_space<vmem>>, vector<1x1024x100xf32>
    %swap3A_174 = vector.shape_cast %swap3A_173 : vector<1x1024x100xf32> to vector<1024x100xf32>
    %swap3A_175 = vector.shape_cast %slice3A_169 : vector<1024x100xf32> to vector<1x1024x100xf32>
    tpu.vector_store %arg19[%swap3A_170, %swap3A_171, %swap3A_172], %swap3A_175 {strides = array<i32>} : memref<1x1024x100xf32, #tpu.memory_space<vmem>>, vector<1x1024x100xf32>,
    %slice3A_176 = vector.extract_strided_slice %mul3A_161 {offsets = [0, 0], sizes = [1024, 100], strides = [1, 1]} : vector<1024x128xf32> to vector<1024x100xf32>
    %swap3A_177 = arith.constant 0 : index
    %swap3A_178 = arith.constant 0 : index
    %swap3A_179 = arith.constant 0 : index
    %swap3A_180 = vector.load %arg20[%swap3A_177, %swap3A_178, %swap3A_179] : memref<1x1024x100xf32, #tpu.memory_space<vmem>>, vector<1x1024x100xf32>
    %swap3A_181 = vector.shape_cast %swap3A_180 : vector<1x1024x100xf32> to vector<1024x100xf32>
    %swap3A_182 = vector.shape_cast %slice3A_176 : vector<1024x100xf32> to vector<1x1024x100xf32>
    tpu.vector_store %arg20[%swap3A_177, %swap3A_178, %swap3A_179], %swap3A_182 {strides = array<i32>} : memref<1x1024x100xf32, #tpu.memory_space<vmem>>, vector<1x1024x100xf32>,
    %eq3A_183 = arith.constant 49 : i32
    %eq3A_184 = arith.cmpi eq, %arg0, %eq3A_183 : i32
    %convert_element_type3A_185 = arith.extui %eq3A_184 : i1 to i32
    %cond3A_186 = arith.constant 0 : i32
    %cond3A_187 = arith.cmpi ne, %convert_element_type3A_185, %cond3A_186 : i32
    scf.if %cond3A_187 {
      %slice3A_188 = vector.extract_strided_slice %mul3A_75 {offsets = [0, 0], sizes = [1024, 100], strides = [1, 1]} : vector<1024x128xf32> to vector<1024x100xf32>
      %swap3A_189 = arith.constant 0 : index
      %swap3A_190 = arith.constant 0 : index
      %swap3A_191 = vector.load %arg21[%swap3A_189, %swap3A_190] : memref<1024x100xf32, #tpu.memory_space<vmem>>, vector<1024x100xf32>
      tpu.vector_store %arg21[%swap3A_189, %swap3A_190], %slice3A_188 {strides = array<i32>} : memref<1024x100xf32, #tpu.memory_space<vmem>>, vector<1024x100xf32>,
      %slice3A_192 = vector.extract_strided_slice %mul3A_161 {offsets = [0, 0], sizes = [1024, 100], strides = [1, 1]} : vector<1024x128xf32> to vector<1024x100xf32>
      %swap3A_193 = arith.constant 0 : index
      %swap3A_194 = arith.constant 0 : index
      %swap3A_195 = vector.load %arg22[%swap3A_193, %swap3A_194] : memref<1024x100xf32, #tpu.memory_space<vmem>>, vector<1024x100xf32>
      tpu.vector_store %arg22[%swap3A_193, %swap3A_194], %slice3A_192 {strides = array<i32>} : memref<1024x100xf32, #tpu.memory_space<vmem>>, vector<1024x100xf32>,
      %get3A_196 = arith.constant 0 : index
      %get3A_197 = arith.constant 0 : index
      %get3A_198 = vector.load %arg13[%get3A_196, %get3A_197] : memref<1024x100xf32, #tpu.memory_space<vmem>>, vector<1024x100xf32>
      %get3A_199 = arith.constant 0 : index
      %get3A_200 = arith.constant 0 : index
      %get3A_201 = vector.load %arg14[%get3A_199, %get3A_200] : memref<1024x100xf32, #tpu.memory_space<vmem>>, vector<1024x100xf32>
      %get3A_202 = arith.constant 0 : index
      %get3A_203 = arith.constant 0 : index
      %get3A_204 = vector.load %arg15[%get3A_202, %get3A_203] : memref<1024x100xf32, #tpu.memory_space<vmem>>, vector<1024x100xf32>
      %get3A_205 = arith.constant 0 : index
      %get3A_206 = arith.constant 0 : index
      %get3A_207 = vector.load %arg16[%get3A_205, %get3A_206] : memref<1024x100xf32, #tpu.memory_space<vmem>>, vector<1024x100xf32>
      %slice3A_208 = vector.extract_strided_slice %mul3A_75 {offsets = [0, 0], sizes = [1024, 100], strides = [1, 1]} : vector<1024x128xf32> to vector<1024x100xf32>
      %slice3A_209 = vector.extract_strided_slice %mul3A_161 {offsets = [0, 0], sizes = [1024, 100], strides = [1, 1]} : vector<1024x128xf32> to vector<1024x100xf32>
      %get3A_210 = arith.constant 0 : index
      %get3A_211 = arith.constant 0 : index
      %get3A_212 = vector.load %arg18[%get3A_210, %get3A_211] : memref<1x10xf32, #tpu.memory_space<vmem>>, vector<1x10xf32>
      %get3A_213 = arith.constant 0 : index
      %get3A_214 = arith.constant 0 : index
      %get3A_215 = arith.constant 0 : index
      %get3A_216 = vector.load %arg17[%get3A_213, %get3A_214, %get3A_215] : memref<6x100x10xf32, #tpu.memory_space<vmem>>, vector<1x100x10xf32>
      %get3A_217 = vector.shape_cast %get3A_216 : vector<1x100x10xf32> to vector<100x10xf32>
      %dot_general3A_218 = arith.constant dense<0.000000e+00> : vector<1024x10xf32>
      %dot_general3A_219 = tpu.matmul %get3A_198, %get3A_217, %dot_general3A_218 {dimension_numbers = #tpu.dot_dimension_numbers<[1], [0], [0], [1], [0, 0, 1, 1], [], []>, transpose_lhs_hint = false} : vector<1024x100xf32>, vector<100x10xf32>, vector<1024x10xf32> -> vector<1024x10xf32>
      %add3A_220 = vector.broadcast %get3A_212 : vector<1x10xf32> to vector<1024x10xf32>
      %add3A_221 = arith.addf %add3A_220, %dot_general3A_219 : vector<1024x10xf32>
      %get3A_222 = arith.constant 1 : index
      %get3A_223 = arith.constant 0 : index
      %get3A_224 = arith.constant 0 : index
      %get3A_225 = vector.load %arg17[%get3A_222, %get3A_223, %get3A_224] : memref<6x100x10xf32, #tpu.memory_space<vmem>>, vector<1x100x10xf32>
      %get3A_226 = vector.shape_cast %get3A_225 : vector<1x100x10xf32> to vector<100x10xf32>
      %dot_general3A_227 = arith.constant dense<0.000000e+00> : vector<1024x10xf32>
      %dot_general3A_228 = tpu.matmul %get3A_201, %get3A_226, %dot_general3A_227 {dimension_numbers = #tpu.dot_dimension_numbers<[1], [0], [0], [1], [0, 0, 1, 1], [], []>, transpose_lhs_hint = false} : vector<1024x100xf32>, vector<100x10xf32>, vector<1024x10xf32> -> vector<1024x10xf32>
      %add3A_229 = arith.addf %add3A_221, %dot_general3A_228 : vector<1024x10xf32>
      %get3A_230 = arith.constant 2 : index
      %get3A_231 = arith.constant 0 : index
      %get3A_232 = arith.constant 0 : index
      %get3A_233 = vector.load %arg17[%get3A_230, %get3A_231, %get3A_232] : memref<6x100x10xf32, #tpu.memory_space<vmem>>, vector<1x100x10xf32>
      %get3A_234 = vector.shape_cast %get3A_233 : vector<1x100x10xf32> to vector<100x10xf32>
      %dot_general3A_235 = arith.constant dense<0.000000e+00> : vector<1024x10xf32>
      %dot_general3A_236 = tpu.matmul %get3A_204, %get3A_234, %dot_general3A_235 {dimension_numbers = #tpu.dot_dimension_numbers<[1], [0], [0], [1], [0, 0, 1, 1], [], []>, transpose_lhs_hint = false} : vector<1024x100xf32>, vector<100x10xf32>, vector<1024x10xf32> -> vector<1024x10xf32>
      %add3A_237 = arith.addf %add3A_229, %dot_general3A_236 : vector<1024x10xf32>
      %get3A_238 = arith.constant 3 : index
      %get3A_239 = arith.constant 0 : index
      %get3A_240 = arith.constant 0 : index
      %get3A_241 = vector.load %arg17[%get3A_238, %get3A_239, %get3A_240] : memref<6x100x10xf32, #tpu.memory_space<vmem>>, vector<1x100x10xf32>
      %get3A_242 = vector.shape_cast %get3A_241 : vector<1x100x10xf32> to vector<100x10xf32>
      %dot_general3A_243 = arith.constant dense<0.000000e+00> : vector<1024x10xf32>
      %dot_general3A_244 = tpu.matmul %get3A_207, %get3A_242, %dot_general3A_243 {dimension_numbers = #tpu.dot_dimension_numbers<[1], [0], [0], [1], [0, 0, 1, 1], [], []>, transpose_lhs_hint = false} : vector<1024x100xf32>, vector<100x10xf32>, vector<1024x10xf32> -> vector<1024x10xf32>
      %add3A_245 = arith.addf %add3A_237, %dot_general3A_244 : vector<1024x10xf32>
      %get3A_246 = arith.constant 4 : index
      %get3A_247 = arith.constant 0 : index
      %get3A_248 = arith.constant 0 : index
      %get3A_249 = vector.load %arg17[%get3A_246, %get3A_247, %get3A_248] : memref<6x100x10xf32, #tpu.memory_space<vmem>>, vector<1x100x10xf32>
      %get3A_250 = vector.shape_cast %get3A_249 : vector<1x100x10xf32> to vector<100x10xf32>
      %dot_general3A_251 = arith.constant dense<0.000000e+00> : vector<1024x10xf32>
      %dot_general3A_252 = tpu.matmul %slice3A_208, %get3A_250, %dot_general3A_251 {dimension_numbers = #tpu.dot_dimension_numbers<[1], [0], [0], [1], [0, 0, 1, 1], [], []>, transpose_lhs_hint = false} : vector<1024x100xf32>, vector<100x10xf32>, vector<1024x10xf32> -> vector<1024x10xf32>
      %add3A_253 = arith.addf %add3A_245, %dot_general3A_252 : vector<1024x10xf32>
      %get3A_254 = arith.constant 5 : index
      %get3A_255 = arith.constant 0 : index
      %get3A_256 = arith.constant 0 : index
      %get3A_257 = vector.load %arg17[%get3A_254, %get3A_255, %get3A_256] : memref<6x100x10xf32, #tpu.memory_space<vmem>>, vector<1x100x10xf32>
      %get3A_258 = vector.shape_cast %get3A_257 : vector<1x100x10xf32> to vector<100x10xf32>
      %dot_general3A_259 = arith.constant dense<0.000000e+00> : vector<1024x10xf32>
      %dot_general3A_260 = tpu.matmul %slice3A_209, %get3A_258, %dot_general3A_259 {dimension_numbers = #tpu.dot_dimension_numbers<[1], [0], [0], [1], [0, 0, 1, 1], [], []>, transpose_lhs_hint = false} : vector<1024x100xf32>, vector<100x10xf32>, vector<1024x10xf32> -> vector<1024x10xf32>
      %add3A_261 = arith.addf %add3A_253, %dot_general3A_260 : vector<1024x10xf32>
      %swap3A_262 = arith.constant 0 : index
      %swap3A_263 = arith.constant 0 : index
      %swap3A_264 = vector.load %arg23[%swap3A_262, %swap3A_263] : memref<1024x10xf32, #tpu.memory_space<vmem>>, vector<1024x10xf32>
      tpu.vector_store %arg23[%swap3A_262, %swap3A_263], %add3A_261 {strides = array<i32>} : memref<1024x10xf32, #tpu.memory_space<vmem>>, vector<1024x10xf32>,
    } else {
    }
    return
  }
  func.func @transform_0(%arg0: i32) -> (i32, i32, i32) {
    %c0_i32 = arith.constant 0 : i32
    %c0_i32_0 = arith.constant 0 : i32
    %c0_i32_1 = arith.constant 0 : i32
    return %arg0, %c0_i32, %c0_i32_0 : i32, i32, i32
  }
  func.func @transform_1(%arg0: i32) -> (i32, i32, i32) {
    %c0_i32 = arith.constant 0 : i32
    %c0_i32_0 = arith.constant 0 : i32
    %c0_i32_1 = arith.constant 0 : i32
    return %arg0, %c0_i32, %c0_i32_0 : i32, i32, i32
  }
  func.func @transform_2(%arg0: i32) -> (i32, i32, i32) {
    %sub3A = arith.constant 49 : i32
    %sub3A_0 = arith.subi %sub3A, %arg0 : i32
    %c0_i32 = arith.constant 0 : i32
    %c0_i32_1 = arith.constant 0 : i32
    %c0_i32_2 = arith.constant 0 : i32
    return %sub3A_0, %c0_i32, %c0_i32_1 : i32, i32, i32
  }
  func.func @transform_3(%arg0: i32) -> (i32, i32, i32) {
    %sub3A = arith.constant 49 : i32
    %sub3A_0 = arith.subi %sub3A, %arg0 : i32
    %c0_i32 = arith.constant 0 : i32
    %c0_i32_1 = arith.constant 0 : i32
    %c0_i32_2 = arith.constant 0 : i32
    return %sub3A_0, %c0_i32, %c0_i32_1 : i32, i32, i32
  }
  func.func @transform_4(%arg0: i32) -> (i32, i32) {
    %c0_i32 = arith.constant 0 : i32
    %c0_i32_0 = arith.constant 0 : i32
    %c0_i32_1 = arith.constant 0 : i32
    return %c0_i32, %c0_i32_0 : i32, i32
  }
  func.func @transform_5(%arg0: i32) -> (i32, i32) {
    %c0_i32 = arith.constant 0 : i32
    %c0_i32_0 = arith.constant 0 : i32
    %c0_i32_1 = arith.constant 0 : i32
    return %c0_i32, %c0_i32_0 : i32, i32
  }
  func.func @transform_6(%arg0: i32) -> (i32, i32) {
    %c0_i32 = arith.constant 0 : i32
    %c0_i32_0 = arith.constant 0 : i32
    %c0_i32_1 = arith.constant 0 : i32
    return %c0_i32, %c0_i32_0 : i32, i32
  }
  func.func @transform_7(%arg0: i32) -> (i32, i32) {
    %c0_i32 = arith.constant 0 : i32
    %c0_i32_0 = arith.constant 0 : i32
    %c0_i32_1 = arith.constant 0 : i32
    return %c0_i32, %c0_i32_0 : i32, i32
  }
  func.func @transform_8(%arg0: i32) -> (i32, i32) {
    %c0_i32 = arith.constant 0 : i32
    %c0_i32_0 = arith.constant 0 : i32
    %c0_i32_1 = arith.constant 0 : i32
    return %c0_i32, %c0_i32_0 : i32, i32
  }
  func.func @transform_9(%arg0: i32) -> (i32, i32) {
    %c0_i32 = arith.constant 0 : i32
    %c0_i32_0 = arith.constant 0 : i32
    %c0_i32_1 = arith.constant 0 : i32
    return %c0_i32, %c0_i32_0 : i32, i32
  }
  func.func @transform_10(%arg0: i32) -> (i32, i32) {
    %c0_i32 = arith.constant 0 : i32
    %c0_i32_0 = arith.constant 0 : i32
    %c0_i32_1 = arith.constant 0 : i32
    return %c0_i32, %c0_i32_0 : i32, i32
  }
  func.func @transform_11(%arg0: i32) -> (i32, i32) {
    %c0_i32 = arith.constant 0 : i32
    %c0_i32_0 = arith.constant 0 : i32
    %c0_i32_1 = arith.constant 0 : i32
    return %c0_i32, %c0_i32_0 : i32, i32
  }
  func.func @transform_12(%arg0: i32) -> (i32, i32) {
    %c0_i32 = arith.constant 0 : i32
    %c0_i32_0 = arith.constant 0 : i32
    %c0_i32_1 = arith.constant 0 : i32
    return %c0_i32, %c0_i32_0 : i32, i32
  }
  func.func @transform_13(%arg0: i32) -> (i32, i32) {
    %c0_i32 = arith.constant 0 : i32
    %c0_i32_0 = arith.constant 0 : i32
    %c0_i32_1 = arith.constant 0 : i32
    return %c0_i32, %c0_i32_0 : i32, i32
  }
  func.func @transform_14(%arg0: i32) -> (i32, i32) {
    %c0_i32 = arith.constant 0 : i32
    %c0_i32_0 = arith.constant 0 : i32
    %c0_i32_1 = arith.constant 0 : i32
    return %c0_i32, %c0_i32_0 : i32, i32
  }
  func.func @transform_15(%arg0: i32) -> (i32, i32) {
    %c0_i32 = arith.constant 0 : i32
    %c0_i32_0 = arith.constant 0 : i32
    %c0_i32_1 = arith.constant 0 : i32
    return %c0_i32, %c0_i32_0 : i32, i32
  }
  func.func @transform_16(%arg0: i32) -> (i32, i32, i32) {
    %c0_i32 = arith.constant 0 : i32
    %c0_i32_0 = arith.constant 0 : i32
    %c0_i32_1 = arith.constant 0 : i32
    %c0_i32_2 = arith.constant 0 : i32
    return %c0_i32, %c0_i32_0, %c0_i32_1 : i32, i32, i32
  }
  func.func @transform_17(%arg0: i32) -> (i32, i32) {
    %c0_i32 = arith.constant 0 : i32
    %c0_i32_0 = arith.constant 0 : i32
    %c0_i32_1 = arith.constant 0 : i32
    return %c0_i32, %c0_i32_0 : i32, i32
  }
  func.func @transform_18(%arg0: i32) -> (i32, i32, i32) {
    %c0_i32 = arith.constant 0 : i32
    %c0_i32_0 = arith.constant 0 : i32
    %c0_i32_1 = arith.constant 0 : i32
    return %arg0, %c0_i32, %c0_i32_0 : i32, i32, i32
  }
  func.func @transform_19(%arg0: i32) -> (i32, i32, i32) {
    %sub3A = arith.constant 49 : i32
    %sub3A_0 = arith.subi %sub3A, %arg0 : i32
    %c0_i32 = arith.constant 0 : i32
    %c0_i32_1 = arith.constant 0 : i32
    %c0_i32_2 = arith.constant 0 : i32
    return %sub3A_0, %c0_i32, %c0_i32_1 : i32, i32, i32
  }
  func.func @transform_20(%arg0: i32) -> (i32, i32) {
    %c0_i32 = arith.constant 0 : i32
    %c0_i32_0 = arith.constant 0 : i32
    %c0_i32_1 = arith.constant 0 : i32
    return %c0_i32, %c0_i32_0 : i32, i32
  }
  func.func @transform_21(%arg0: i32) -> (i32, i32) {
    %c0_i32 = arith.constant 0 : i32
    %c0_i32_0 = arith.constant 0 : i32
    %c0_i32_1 = arith.constant 0 : i32
    return %c0_i32, %c0_i32_0 : i32, i32
  }
  func.func @transform_22(%arg0: i32) -> (i32, i32) {
    %c0_i32 = arith.constant 0 : i32
    %c0_i32_0 = arith.constant 0 : i32
    %c0_i32_1 = arith.constant 0 : i32
    return %c0_i32, %c0_i32_0 : i32, i32
  }
}

</mosaic_0001>

<sc_bundles>
// kernel: kernel.7.cloned.1.call-start
scs
__scs_entry_jumppad:
0x0: {  	(pc) =	sbr.rel $0x88, $3  }
0x1: {  	(tag) =	ssettag $0x0;
	lr =	simm.s32 $0x1  }
0x2: {  	[smem:$0x3F85] =	sst lr;
	_ =	strace $0xD0000000  }
0x3: {  	_ = 	snop  }
0x4: {  	_ = 	snop  }
0x5: {  	_ = 	snop  }
0x6: {  	_ = 	snop  }
0x7: {  	_ = 	snop  }
__scs_overlays_trampoline_lowered:
0x8: {  	[smem:$0x3F94] =	sst s0  }
0x9: {  	[smem:$0x3F95] =	sst s1  }
0xa: {  	[smem:$0x3F96] =	sst s2  }
0xb: {  	[smem:$0x3F97] =	sst s3  }
0xc: {  	[smem:$0x3F98] =	sst s4  }
0xd: {  	[smem:$0x3F99] =	sst s5  }
0xe: {  	[smem:$0x3F9A] =	sst s6  }
0xf: {  	[smem:$0x3F9B] =	sst s7  }
0x10: {  	[smem:$0x3F9C] =	sst s8  }
0x11: {  	[smem:$0x3F9D] =	sst s9;
	s0 =	simm.s32 @!p0 $0x0  }
0x12: {  	s1 =	sld [smem:$0x3F83];
	s0 =	simm.s32 @p0 $0x1  }
0x13: {  	[smem:$0x3F9E] =	sst s0;
	s0 =	simm.s32 @!p1 $0x0  }
0x14: {  	s2 =	sld [smem:$0x3F82];
	s0 =	simm.s32 @p1 $0x1  }
0x15: {  	[smem:$0x3F9F] =	sst s0;
	s0 =	simm.s32 @!p2 $0x0  }
0x16: {  	s3 =	sld [smem:$0x3FDB];
	s0 =	simm.s32 @p2 $0x1  }
0x17: {  	s4 =	simm.s32 $0x1BF5;
	[smem:$0x3FA1] =	sst s0  }
0x18: {  	s0 =	sld [smem:$0x3F84];
	_ =	swait.ge [sflag:s4], $0x0  }
0x19: {  	s7 =	sld [smem:$0x3F85]  }
0x1a: {  	s8 =	sadd.s32 $0xFFFFE003, lr  }
0x1b: {  	s9 =	sadd.s32 $0xFFFFFEF7, lr;
	s5 =	simm.s32 $0xFFFFFFFF;
	p2 =	slt.u32 s8, $0xFFFFF086  }
0x1c: {  	p1 =	slt.u32 s9, $0xF7A;
	s5 =	simm.s32 @!p2 $0x0  }
0x1d: {  	s5 =	simm.s32 @p1 $0x1;
	p0 =	seq.s32 s7, s2  }
0x1e: {  	s7 =	smul.u32 @!p0 $0xF7A, s2;
	p2 =	seq.s32 @!p0 s5, $0x0  }
0x1f: {  	s9 =	smul.u32 $0xF7A, s1;
	s8 =	simm.s32 @!p0 $0x1BF5;
	p2 =	por !p2, p0  }
0x20: {  	[sflag:s8] =	ssyncset.s32 @!p0 $0xFFFFF086;
	s6 =	sadd.s32 @!p0 s3, s7;
	s7 =	simm.s32 @!p0 $0x108  }
0x21: {  	s3 =	sadd.s32 s3, s9;
	s6 =	sadd.s32 @!p0 $0x88, s6;
	s7 =	simm.s32 @p2 $0x1082  }
0x22: {  	[simem:s7], [sflag:s8] =	dma.local @!p0 [hbm:s6], $0xF7A  }
0x23: {  	s9 =	sor.u32 $0xD0000000, s2;
	s6 =	simm.s32 $0x108;
	_ =	swait.ge @!p0 [sflag:s8], $0x0  }
0x24: {  	s3 =	sadd.s32 $0x88, s3;
	s6 =	simm.s32 @!p1 $0x1082;
	[sflag:s4] =	ssyncset.s32 $0xFFFFF086  }
0x25: {  	[simem:s6], [sflag:s4] =	dma.local [hbm:s3], $0xF7A  }
0x26: {  	[smem:$0x3F85] =	sst s1;
	(tag) =	ssettag s2;
	_ =	strace s9  }
0x27: {  	s1 =	sld [smem:$0x3F95]  }
0x28: {  	s2 =	sld [smem:$0x3F96]  }
0x29: {  	s4 =	sld [smem:$0x3F98]  }
0x2a: {  	p0 =	seq.s32 s5, $0x0;
	s5 =	sld [smem:$0x3F99]  }
0x2b: {  	s6 =	sld [smem:$0x3F9A]  }
0x2c: {  	s7 =	sld [smem:$0x3F9B]  }
0x2d: {  	s3 =	simm.s32 $0x108;
	s8 =	sld [smem:$0x3F9C]  }
0x2e: {  	s3 =	simm.s32 @!p0 $0x1082;
	s9 =	sld [smem:$0x3F9D]  }
0x2f: {  	lr =	sadd.s32 s0, s3;
	s0 =	sld [smem:$0x3F94]  }
0x30: {  	s3 =	sld [smem:$0x3F97]  }
0x31: {  	[smem:$0x3FA0] =	sst s10  }
0x32: {  	s10 =	sld [smem:$0x3F9E];
	_ =	sdelay $0x3  }
0x33: {  	p0 =	seq.s32 s10, $0x1;
	s10 =	sld [smem:$0x3FA0];
	_ =	sdelay $0x3  }
0x34: {  	[smem:$0x3FA0] =	sst s10  }
0x35: {  	s10 =	sld [smem:$0x3F9F];
	_ =	sdelay $0x3  }
0x36: {  	p1 =	seq.s32 s10, $0x1;
	s10 =	sld [smem:$0x3FA0];
	_ =	sdelay $0x3  }
0x37: {  	[smem:$0x3FA0] =	sst s10  }
0x38: {  	s10 =	sld [smem:$0x3FA1]  }
0x39: {  	_ = 	snop;
	(pc) =	sbr.ind lr, $3  }
0x3a: {  	_ = 	snop  }
0x3b: {  	_ = 	snop  }
0x3c: {  	p2 =	seq.s32 s10, $0x1;
	s10 =	sld [smem:$0x3FA0]  }
0x3d: {  	_ =	shalt  }
0x3e: {  	_ =	shalt  }
0x3f: {  	_ =	shalt  }
0x40: {  	_ =	shalt  }
0x41: {  	_ =	shalt  }
0x42: {  	_ =	shalt  }
0x43: {  	_ =	shalt  }
0x44: {  	_ =	shalt  }
0x45: {  	_ =	shalt  }
0x46: {  	_ =	shalt  }
0x47: {  	_ =	shalt  }
0x48: {  	_ =	shalt  }
0x49: {  	_ =	shalt  }
0x4a: {  	_ =	shalt  }
0x4b: {  	_ =	shalt  }
0x4c: {  	_ =	shalt  }
0x4d: {  	_ =	shalt  }
0x4e: {  	_ =	shalt  }
0x4f: {  	_ =	shalt  }
0x50: {  	_ =	shalt  }
0x51: {  	_ =	shalt  }
0x52: {  	_ =	shalt  }
0x53: {  	_ =	shalt  }
0x54: {  	_ =	shalt  }
0x55: {  	_ =	shalt  }
0x56: {  	_ =	shalt  }
0x57: {  	_ =	shalt  }
0x58: {  	_ =	shalt  }
0x59: {  	_ =	shalt  }
0x5a: {  	_ =	shalt  }
0x5b: {  	_ =	shalt  }
0x5c: {  	_ =	shalt  }
0x5d: {  	_ =	shalt  }
0x5e: {  	_ =	shalt  }
0x5f: {  	_ =	shalt  }
0x60: {  	_ =	shalt  }
0x61: {  	_ =	shalt  }
0x62: {  	_ =	shalt  }
0x63: {  	_ =	shalt  }
0x64: {  	_ =	shalt  }
0x65: {  	_ =	shalt  }
0x66: {  	_ =	shalt  }
0x67: {  	_ =	shalt  }
0x68: {  	_ =	shalt  }
0x69: {  	_ =	shalt  }
0x6a: {  	_ =	shalt  }
0x6b: {  	_ =	shalt  }
0x6c: {  	_ =	shalt  }
0x6d: {  	_ =	shalt  }
0x6e: {  	_ =	shalt  }
0x6f: {  	_ =	shalt  }
0x70: {  	_ =	shalt  }
0x71: {  	_ =	shalt  }
0x72: {  	_ =	shalt  }
0x73: {  	_ =	shalt  }
0x74: {  	_ =	shalt  }
0x75: {  	_ =	shalt  }
0x76: {  	_ =	shalt  }
0x77: {  	_ =	shalt  }
0x78: {  	_ =	shalt  }
0x79: {  	_ =	shalt  }
0x7a: {  	_ =	shalt  }
0x7b: {  	_ =	shalt  }
0x7c: {  	_ =	shalt  }
0x7d: {  	_ =	shalt  }
0x7e: {  	_ =	shalt  }
0x7f: {  	_ =	shalt  }
0x80: {  	_ =	shalt  }
0x81: {  	_ =	shalt  }
0x82: {  	_ =	shalt  }
0x83: {  	_ =	shalt  }
0x84: {  	_ =	shalt  }
0x85: {  	_ =	shalt  }
0x86: {  	_ =	shalt  }
0x87: {  	_ =	shalt  }
.Lfunc_end0:
.L_simem_size_0:
called_computation_lowered:
.L_overlay_start_0:
0x88: {  	s2 =	sld [smem:$0x3FD9]  }
0x89: {  	s3 =	sld [smem:$0x3FFE];
	_ =	sdelay $0x1  }
0x8a: {  	s1 =	srdreg.scid  }
0x8b: {  	s0 =	sand.u32 $0x1, s1  }
0x8c: {  	s16 =	sshll.u32 s0, $0xA;
	s2 =	sadd.s32 s3, s2  }
0x8d: {  	s2 =	sadd.s32 s2, s16  }
0x8e: {  	[smem:$0x3FAC] =	sst s2  }
0x8f: {  	_ = 	snop  }
0x90: {  	(tm) =	ssettm $0x1  }
0x91: {  	s17 =	sld [smem:$0x3FFB];
	_ =	sdelay $0x3  }
0x92: {  	_ =	strace s17  }
0x93: {  	s2 =	sld [smem:$0x3FFC];
	_ =	sdelay $0x3  }
0x94: {  	_ =	strace s2  }
0x95: {  	s2 =	sld [smem:$0x3FFD];
	_ =	sdelay $0x3  }
0x96: {  	_ =	strace s2  }
0x97: {  	_ =	strace $0x8FFFFFFF  }
0x98: {  	s18 =	sld [smem:$0x3FDB];
	_ =	sdelay $0x1  }
0x99: {  	s19 =	simm.s32 $_scs_section_size  }
0x9a: {  	s4 =	simm.s32 $_size__tile_overlayer_lowered;
	s5 =	simm.s32 $_tile_overlayer_lowered  }
0x9b: {  	s22 =	simm.s32 $0x1BFF;
	s21 =	sshll.u32 s5, $0x1;
	s2 =	sadd.s32 s19, s18  }
0x9c: {  	s6 =	simm.s32 $0x0;
	s20 =	sshll.u32 s4, $0x1;
	s4 =	sadd.s32 s21, s2  }
0x9d: {  	[timem:s6], [sflag:s22] =	dma.local [hbm:s4], s20  }
0x9e: {  	_ =	swait.ge [sflag:s22], s20  }
0x9f: {  	s3 =	ssub.s32 $0x0, s20;
	[sflag:s22] =	ssyncset.done $0x0  }
0xa0: {  	[sflag:s22] =	ssyncadd.s32 s3;
	_ =	sdelay $0x1  }
0xa1: {  	s23 =	simm.s32 $0x1B8B  }
0xa2: {  	_ =	swait.ge [sflag:s23], $0x1  }
0xa3: {  	[sflag:s23] =	ssyncset.done $0x0  }
0xa4: {  	s25 =	simm.s32 $0x1B8E;
	s24 =	sld [smem:$0x3FFE];
	[sflag:s23] =	ssyncadd.s32 $0xFFFFFFFF  }
0xa5: {  	s26 =	simm.s32 $execute0_lowered;
	[smem:$0x3FD2] =	sst s25  }
0xa6: {  	s4 =	sshll.u32 s26, $0x1;
	_ =	strace $0x80000046;
	[dreg:$0x1] =	wrdreg $0xFFFFFFFF  }
0xa7: {  	s28 =	simm.s32 $_size_execute0_lowered;
	s2 =	sadd.s32 s2, s4;
	[dreg:$0x0] =	wrdreg $0x0  }
0xa8: {  	s4 =	sshll.u32 s28, $0x1;
	[dreg:$0x2] =	wrdreg s2  }
0xa9: {  	[dreg:$0x3] =	wrdreg s4  }
0xaa: {  	[dreg:$0x4] =	wrdreg $0xC0  }
0xab: {  	_ =	task [dreg:s6], $0x5FFFF  }
0xac: {  	[dreg:$0x1] =	wrdreg $0xFFFFFFFF  }
0xad: {  	[dreg:$0x0] =	wrdreg $0x60  }
0xae: {  	[dreg:$0x2] =	wrdreg s24  }
0xaf: {  	[dreg:$0x3] =	wrdreg $0x9  }
0xb0: {  	_ =	task.clear_ibuf [dreg:s6], $0x4FFFF;
	_ =	strace $0x90000046  }
0xb1: {  	s29 =	simm.s32 $0x9;
	_ =	strace $0x80000048  }
0xb2: {  	_ =	swait.ge [sflag:s29], $0x1  }
0xb3: {  	[sflag:s29] =	ssyncadd.s32 $0xFFFFFFFF  }
0xb4: {  	_ =	strace $0x90000048  }
0xb5: {  	_ =	sfence  }
0xb6: {  	s30 =	sld [smem:$0x0];
	_ =	sdelay $0x2  }
0xb7: {  	s31 =	sshll.u32 s1, $0xD;
	s1 =	sshrl.u32 s1, $0x2  }
0xb8: {  	s3 =	sand.u32 $0x4000, s31;
	s1 =	sadd.s32 s1, s30  }
0xb9: {  	s0 =	sor.u32 s3, s0;
	s1 =	sshll.u32 s1, $0x11  }
0xba: {  	s0 =	sor.u32 s1, s0  }
0xbb: {  	s0 =	sadd.s32 $0x8F2B, s0  }
0xbc: {  	[sflag:s0] =	ssyncadd.remote.s32 $0x1  }
0xbd: {  	_ =	sfence.sel $0xFFFF  }
0xbe: {  	[dreg:$0x0] =	wrdreg $0xFFFFFFFF;
	(pc) =	sbr.abs _section_cstart, $3  }
0xbf: {  	[dreg:$0x1] =	wrdreg $0xFFFFFFFF  }
0xc0: {  	_ =	task.clear_ibuf [dreg:s6], $0x2FFFF;
	_ =	strace $0x9FFFFFFF  }
0xc1: {  	(tm) =	ssettm $0x7FFFFFFF  }
tec
execute0_lowered:
.L_overlay_start_1:
0x0: {  	(tag) =	ssettag $0x1  }
0x1: {  	s0 =	srdreg.scid;
	s1 =	stileid.u32  }
0x2: {  	s0 =	sand.u32 $0x1, s0;
	s1 =	sshll.u32 s1, $0x1  }
0x3: {  	s1 =	sor.u32 s0, s1  }
0x4: {  	s1 =	smul.u32 $0x640, s1;
	_ =	sdelay $0x1  }
0x5: {  	s1 =	sshrl.u32 s1, $0x3  }
0x6: {  	s4 =	rddreg [dreg:$0x0];
	s3 =	smul.u32 $0x180, s1  }
0x7: {  	s2 =	simm.s32 $0x0;
	s1 =	sadd.s32 s1, s4  }
0x8: {  	[smem:$0x7FF] =	sst s2;
	s1 =	sadd.s32 $0x497E00, s1;
	s5 =	sadd.s32 s3, s4  }
0x9: {  	_ =	strace $0x80000047;
	[dreg:$0x2] =	wrdreg s1;
	s10 =	sadd.s32 $0x499800, s5  }
0xa: {  	s11 =	sadd.s32 $0x49A700, s5;
	[dreg:$0x3] =	wrdreg s10  }
0xb: {  	s12 =	sadd.s32 $0x49B600, s5;
	[dreg:$0x4] =	wrdreg s11  }
0xc: {  	s13 =	sadd.s32 $0x49C500, s5;
	[dreg:$0x5] =	wrdreg s12  }
0xd: {  	s14 =	sadd.s32 $0x49D400, s5;
	[dreg:$0x6] =	wrdreg s13  }
0xe: {  	s15 =	sadd.s32 $0x49E300, s5;
	[dreg:$0x7] =	wrdreg s14  }
0xf: {  	s16 =	sadd.s32 $0x49F200, s5;
	[dreg:$0x8] =	wrdreg s15  }
0x10: {  	s17 =	sadd.s32 $0x4A0100, s5;
	[dreg:$0x9] =	wrdreg s16  }
0x11: {  	s18 =	sadd.s32 $0x4A1000, s5;
	[dreg:$0xa] =	wrdreg s17  }
0x12: {  	s19 =	sadd.s32 $0x4A1F00, s5;
	[dreg:$0xb] =	wrdreg s18  }
0x13: {  	s20 =	sadd.s32 $0x4A2E00, s5;
	[dreg:$0xc] =	wrdreg s19  }
0x14: {  	s21 =	sadd.s32 $0x4A3D00, s5;
	[dreg:$0xd] =	wrdreg s20  }
0x15: {  	s22 =	sadd.s32 $0x4A4C00, s5;
	[dreg:$0xe] =	wrdreg s21  }
0x16: {  	s23 =	sadd.s32 $0x4A5B00, s5;
	[dreg:$0xf] =	wrdreg s22  }
0x17: {  	s28 =	simm.s32 $0x7E80;
	s24 =	sadd.s32 $0x4A6A00, s5;
	[dreg:$0x10] =	wrdreg s23  }
0x18: {  	s0 =	ssub.s32 $0x2, s0;
	s25 =	sadd.s32 $0x4A7900, s5;
	[dreg:$0x11] =	wrdreg s24  }
0x19: {  	s6 =	sshrl.u32 s0, $0x1;
	s26 =	sadd.s32 $0x4A8800, s5;
	[dreg:$0x12] =	wrdreg s25  }
0x1a: {  	s0 =	ssub.s32 s0, s6;
	s29 =	sadd.s32 $0x4A9700, s5;
	[dreg:$0x13] =	wrdreg s26  }
0x1b: {  	s6 =	simm.s32 $0x3;
	s30 =	sadd.s32 $0x4AA600, s5;
	[dreg:$0x14] =	wrdreg s29  }
0x1c: {  	v2 =	vlaneseq.u32;
	s0 =	smax.u32 s0, $0x1;
	s31 =	sadd.s32 $0x4AB500, s5;
	[dreg:$0x15] =	wrdreg s30  }
0x1d: {  	vm0 =	vmmov $0xffff;
	vm1 =	vmmov $0xff;
	v1 =	vshrl.u32 v2, $0x3;
	s3 =	sadd.s32 $0x4000, s4;
	s4 =	sadd.s32 $0x4100, s4;
	[dreg:$0x16] =	wrdreg s31  }
0x1e: {  	v0 =	vand.u32 $0x7, v2;
	v2 =	vor.u32 $0x8, v2;
	v1 =	vmul.u32 $0x8, v1;
	s13 =	simm.s32 $0x680;
	s22 =	simm.s32 $0x1;
	s23 =	simm.s32 $0x2  }
.LBB2_1:
0x1f: {  	[dreg:$0x17] =	wrdreg s0  }
0x20: {  	s24 =	rddreg [dreg:$0x2]  }
0x21: {  	[tilespmem:s2], [sflag:$0x3] =	stream.linear.gather [hbm4b:s24+s2], $0x640, $0x38;
	[tilespmem:$0xF680] =	vst v63  }
0x22: {  	_ =	swait.ge [sflag:s6], $0x640  }
0x23: {  	[sflag:s6] =	ssyncset.done $0x0  }
0x24: {  	[sflag:s6] =	ssyncadd.s32 $0xFFFFF9C0  }
0x25: {  	v3 =	vld [tilespmem:$0x0];
	_ =	sdelay $0x4  }
0x26: {  	v4 =	vshrl.u32 v3, $0x3  }
0x27: {  	v4 =	vmul.u32 $0x18, v4  }
0x28: {  	v3 =	vand.u32 $0x7, v3  }
0x29: {  	v3 =	vor.u32 v3, v4  }
0x2a: {  	v4 =	vperm.xlane v3, v0;
	_ =	sdelay $0x1  }
0x2b: {  	v4 =	vadd.s32 v1, v4;
	_ =	sdelay $0x1  }
0x2c: {  	v3 =	vperm.xlane v3, v2;
	_ =	sdelay $0x1  }
0x2d: {  	v3 =	vadd.s32 v1, v3  }
0x2e: {  	[tilespmem:s13], [sflag:$0x1] =	stream.indirect_vreg.gather [hbm4b:s3+s2], $0x80, v4, vm0, $0xb8;
	[tilespmem:$0xF680] =	vst v63  }
0x2f: {  	s14 =	simm.s32 $0xE80  }
0x30: {  	[tilespmem:s14], [sflag:$0x1] =	stream.indirect_vreg.gather [hbm4b:s4+s2], $0x80, v4, vm1, $0xb8;
	[tilespmem:$0xF680] =	vst v63  }
0x31: {  	s15 =	simm.s32 $0x1280  }
0x32: {  	[tilespmem:s15], [sflag:$0x1] =	stream.indirect_vreg.gather [hbm4b:s3+s2], $0x80, v3, vm0, $0xb8;
	[tilespmem:$0xF680] =	vst v63  }
0x33: {  	s16 =	simm.s32 $0x1A80  }
0x34: {  	[tilespmem:s16], [sflag:$0x1] =	stream.indirect_vreg.gather [hbm4b:s4+s2], $0x80, v3, vm1, $0xb8;
	[tilespmem:$0xF680] =	vst v63  }
0x35: {  	v3 =	vld [tilespmem:$0x10];
	_ =	sdelay $0x4  }
0x36: {  	v21 =	vshrl.u32 v3, $0x3  }
0x37: {  	v4 =	vmul.u32 $0x18, v21  }
0x38: {  	v3 =	vand.u32 $0x7, v3  }
0x39: {  	v3 =	vor.u32 v3, v4  }
0x3a: {  	v4 =	vperm.xlane v3, v0;
	_ =	sdelay $0x1  }
0x3b: {  	v4 =	vadd.s32 v1, v4;
	_ =	sdelay $0x1  }
0x3c: {  	v3 =	vperm.xlane v3, v2;
	_ =	sdelay $0x1  }
0x3d: {  	s18 =	simm.s32 $0x1E80;
	v3 =	vadd.s32 v1, v3  }
0x3e: {  	[tilespmem:s18], [sflag:$0x1] =	stream.indirect_vreg.gather [hbm4b:s3+s2], $0x80, v4, vm0, $0xb8;
	[tilespmem:$0xF680] =	vst v63  }
0x3f: {  	s19 =	simm.s32 $0x2680  }
0x40: {  	[tilespmem:s19], [sflag:$0x1] =	stream.indirect_vreg.gather [hbm4b:s4+s2], $0x80, v4, vm1, $0xb8;
	[tilespmem:$0xF680] =	vst v63  }
0x41: {  	s20 =	simm.s32 $0x2A80  }
0x42: {  	[tilespmem:s20], [sflag:$0x1] =	stream.indirect_vreg.gather [hbm4b:s3+s2], $0x80, v3, vm0, $0xb8;
	[tilespmem:$0xF680] =	vst v63  }
0x43: {  	s21 =	simm.s32 $0x3280  }
0x44: {  	[tilespmem:s21], [sflag:$0x1] =	stream.indirect_vreg.gather [hbm4b:s4+s2], $0x80, v3, vm1, $0xb8;
	[tilespmem:$0xF680] =	vst v63  }
0x45: {  	v3 =	vld [tilespmem:$0x20];
	_ =	sdelay $0x4  }
0x46: {  	v22 =	vshrl.u32 v3, $0x3  }
0x47: {  	v4 =	vmul.u32 $0x18, v22  }
0x48: {  	v3 =	vand.u32 $0x7, v3  }
0x49: {  	v3 =	vor.u32 v3, v4  }
0x4a: {  	v4 =	vperm.xlane v3, v0;
	_ =	sdelay $0x1  }
0x4b: {  	v4 =	vadd.s32 v1, v4;
	_ =	sdelay $0x1  }
0x4c: {  	v3 =	vperm.xlane v3, v2;
	_ =	sdelay $0x1  }
0x4d: {  	s24 =	simm.s32 $0x3680;
	v3 =	vadd.s32 v1, v3  }
0x4e: {  	[tilespmem:s24], [sflag:$0x1] =	stream.indirect_vreg.gather [hbm4b:s3+s2], $0x80, v4, vm0, $0xb8;
	[tilespmem:$0xF680] =	vst v63  }
0x4f: {  	s25 =	simm.s32 $0x3E80  }
0x50: {  	[tilespmem:s25], [sflag:$0x1] =	stream.indirect_vreg.gather [hbm4b:s4+s2], $0x80, v4, vm1, $0xb8;
	[tilespmem:$0xF680] =	vst v63  }
0x51: {  	s26 =	simm.s32 $0x4280  }
0x52: {  	[tilespmem:s26], [sflag:$0x1] =	stream.indirect_vreg.gather [hbm4b:s3+s2], $0x80, v3, vm0, $0xb8;
	[tilespmem:$0xF680] =	vst v63  }
0x53: {  	s29 =	simm.s32 $0x4A80  }
0x54: {  	[tilespmem:s29], [sflag:$0x1] =	stream.indirect_vreg.gather [hbm4b:s4+s2], $0x80, v3, vm1, $0xb8;
	[tilespmem:$0xF680] =	vst v63  }
0x55: {  	v3 =	vld [tilespmem:$0x30];
	_ =	sdelay $0x4  }
0x56: {  	v23 =	vshrl.u32 v3, $0x3  }
0x57: {  	v4 =	vmul.u32 $0x18, v23  }
0x58: {  	v3 =	vand.u32 $0x7, v3  }
0x59: {  	v3 =	vor.u32 v3, v4  }
0x5a: {  	v4 =	vperm.xlane v3, v0;
	_ =	sdelay $0x1  }
0x5b: {  	v4 =	vadd.s32 v1, v4;
	_ =	sdelay $0x1  }
0x5c: {  	v3 =	vperm.xlane v3, v2;
	_ =	sdelay $0x1  }
0x5d: {  	s30 =	simm.s32 $0x4E80;
	v3 =	vadd.s32 v1, v3  }
0x5e: {  	[tilespmem:s30], [sflag:$0x1] =	stream.indirect_vreg.gather [hbm4b:s3+s2], $0x80, v4, vm0, $0xb8;
	[tilespmem:$0xF680] =	vst v63  }
0x5f: {  	s31 =	simm.s32 $0x5680  }
0x60: {  	[tilespmem:s31], [sflag:$0x1] =	stream.indirect_vreg.gather [hbm4b:s4+s2], $0x80, v4, vm1, $0xb8;
	[tilespmem:$0xF680] =	vst v63  }
0x61: {  	s10 =	simm.s32 $0x5A80  }
0x62: {  	[tilespmem:s10], [sflag:$0x1] =	stream.indirect_vreg.gather [hbm4b:s3+s2], $0x80, v3, vm0, $0xb8;
	[tilespmem:$0xF680] =	vst v63  }
0x63: {  	s11 =	simm.s32 $0x6280  }
0x64: {  	[tilespmem:s11], [sflag:$0x1] =	stream.indirect_vreg.gather [hbm4b:s4+s2], $0x80, v3, vm1, $0xb8;
	[tilespmem:$0xF680] =	vst v63  }
0x65: {  	v3 =	vld [tilespmem:$0x40];
	_ =	sdelay $0x4  }
0x66: {  	v24 =	vshrl.u32 v3, $0x3  }
0x67: {  	v4 =	vmul.u32 $0x18, v24  }
0x68: {  	v3 =	vand.u32 $0x7, v3  }
0x69: {  	v3 =	vor.u32 v3, v4  }
0x6a: {  	v4 =	vperm.xlane v3, v0;
	_ =	sdelay $0x1  }
0x6b: {  	v4 =	vadd.s32 v1, v4;
	_ =	sdelay $0x1  }
0x6c: {  	v3 =	vperm.xlane v3, v2;
	_ =	sdelay $0x1  }
0x6d: {  	s12 =	simm.s32 $0x6680;
	v3 =	vadd.s32 v1, v3  }
0x6e: {  	[tilespmem:s12], [sflag:$0x1] =	stream.indirect_vreg.gather [hbm4b:s3+s2], $0x80, v4, vm0, $0xb8;
	[tilespmem:$0xF680] =	vst v63  }
0x6f: {  	s14 =	simm.s32 $0x6E80  }
0x70: {  	[tilespmem:s14], [sflag:$0x1] =	stream.indirect_vreg.gather [hbm4b:s4+s2], $0x80, v4, vm1, $0xb8;
	[tilespmem:$0xF680] =	vst v63  }
0x71: {  	s15 =	simm.s32 $0x7280  }
0x72: {  	[tilespmem:s15], [sflag:$0x1] =	stream.indirect_vreg.gather [hbm4b:s3+s2], $0x80, v3, vm0, $0xb8;
	[tilespmem:$0xF680] =	vst v63  }
0x73: {  	s16 =	simm.s32 $0x7A80  }
0x74: {  	[tilespmem:s16], [sflag:$0x1] =	stream.indirect_vreg.gather [hbm4b:s4+s2], $0x80, v3, vm1, $0xb8;
	[tilespmem:$0xF680] =	vst v63  }
0x75: {  	v3 =	vld [tilespmem:$0x50];
	_ =	sdelay $0x4  }
0x76: {  	v25 =	vshrl.u32 v3, $0x3  }
0x77: {  	v4 =	vmul.u32 $0x18, v25  }
0x78: {  	v3 =	vand.u32 $0x7, v3  }
0x79: {  	v3 =	vor.u32 v3, v4  }
0x7a: {  	v4 =	vperm.xlane v3, v0;
	_ =	sdelay $0x1  }
0x7b: {  	v4 =	vadd.s32 v1, v4;
	_ =	sdelay $0x1  }
0x7c: {  	v3 =	vperm.xlane v3, v2;
	_ =	sdelay $0x1  }
0x7d: {  	v3 =	vadd.s32 v1, v3  }
0x7e: {  	[tilespmem:s28], [sflag:$0x2] =	stream.indirect_vreg.gather [hbm4b:s3+s2], $0x80, v4, vm0, $0xb8;
	[tilespmem:$0xF680] =	vst v63  }
0x7f: {  	s18 =	simm.s32 $0x8680  }
0x80: {  	[tilespmem:s18], [sflag:$0x2] =	stream.indirect_vreg.gather [hbm4b:s4+s2], $0x80, v4, vm1, $0xb8;
	[tilespmem:$0xF680] =	vst v63  }
0x81: {  	s19 =	simm.s32 $0x8A80  }
0x82: {  	[tilespmem:s19], [sflag:$0x2] =	stream.indirect_vreg.gather [hbm4b:s3+s2], $0x80, v3, vm0, $0xb8;
	[tilespmem:$0xF680] =	vst v63  }
0x83: {  	s20 =	simm.s32 $0x9280  }
0x84: {  	[tilespmem:s20], [sflag:$0x2] =	stream.indirect_vreg.gather [hbm4b:s4+s2], $0x80, v3, vm1, $0xb8;
	[tilespmem:$0xF680] =	vst v63  }
0x85: {  	v3 =	vld [tilespmem:$0x60];
	_ =	sdelay $0x4  }
0x86: {  	v26 =	vshrl.u32 v3, $0x3  }
0x87: {  	v4 =	vmul.u32 $0x18, v26  }
0x88: {  	v3 =	vand.u32 $0x7, v3  }
0x89: {  	v3 =	vor.u32 v3, v4  }
0x8a: {  	v4 =	vperm.xlane v3, v0;
	_ =	sdelay $0x1  }
0x8b: {  	v4 =	vadd.s32 v1, v4;
	_ =	sdelay $0x1  }
0x8c: {  	v3 =	vperm.xlane v3, v2;
	_ =	sdelay $0x1  }
0x8d: {  	s21 =	simm.s32 $0x9680;
	v3 =	vadd.s32 v1, v3  }
0x8e: {  	[tilespmem:s21], [sflag:$0x2] =	stream.indirect_vreg.gather [hbm4b:s3+s2], $0x80, v4, vm0, $0xb8;
	[tilespmem:$0xF680] =	vst v63  }
0x8f: {  	s25 =	simm.s32 $0x9E80  }
0x90: {  	[tilespmem:s25], [sflag:$0x2] =	stream.indirect_vreg.gather [hbm4b:s4+s2], $0x80, v4, vm1, $0xb8;
	[tilespmem:$0xF680] =	vst v63  }
0x91: {  	s26 =	simm.s32 $0xA280  }
0x92: {  	[tilespmem:s26], [sflag:$0x2] =	stream.indirect_vreg.gather [hbm4b:s3+s2], $0x80, v3, vm0, $0xb8;
	[tilespmem:$0xF680] =	vst v63  }
0x93: {  	s29 =	simm.s32 $0xAA80  }
0x94: {  	[tilespmem:s29], [sflag:$0x2] =	stream.indirect_vreg.gather [hbm4b:s4+s2], $0x80, v3, vm1, $0xb8;
	[tilespmem:$0xF680] =	vst v63  }
0x95: {  	v3 =	vld [tilespmem:$0x70];
	_ =	sdelay $0x4  }
0x96: {  	v27 =	vshrl.u32 v3, $0x3  }
0x97: {  	v4 =	vmul.u32 $0x18, v27  }
0x98: {  	v3 =	vand.u32 $0x7, v3  }
0x99: {  	v3 =	vor.u32 v3, v4  }
0x9a: {  	v4 =	vperm.xlane v3, v0;
	_ =	sdelay $0x1  }
0x9b: {  	v4 =	vadd.s32 v1, v4;
	_ =	sdelay $0x1  }
0x9c: {  	v3 =	vperm.xlane v3, v2;
	_ =	sdelay $0x1  }
0x9d: {  	s30 =	simm.s32 $0xAE80;
	v3 =	vadd.s32 v1, v3  }
0x9e: {  	[tilespmem:s30], [sflag:$0x2] =	stream.indirect_vreg.gather [hbm4b:s3+s2], $0x80, v4, vm0, $0xb8;
	[tilespmem:$0xF680] =	vst v63  }
0x9f: {  	s31 =	simm.s32 $0xB680  }
0xa0: {  	[tilespmem:s31], [sflag:$0x2] =	stream.indirect_vreg.gather [hbm4b:s4+s2], $0x80, v4, vm1, $0xb8;
	[tilespmem:$0xF680] =	vst v63  }
0xa1: {  	s0 =	simm.s32 $0xBA80  }
0xa2: {  	[tilespmem:s0], [sflag:$0x2] =	stream.indirect_vreg.gather [hbm4b:s3+s2], $0x80, v3, vm0, $0xb8;
	[tilespmem:$0xF680] =	vst v63  }
0xa3: {  	s11 =	simm.s32 $0xC280  }
0xa4: {  	[tilespmem:s11], [sflag:$0x2] =	stream.indirect_vreg.gather [hbm4b:s4+s2], $0x80, v3, vm1, $0xb8;
	[tilespmem:$0xF680] =	vst v63  }
0xa5: {  	v3 =	vld [tilespmem:$0x80];
	_ =	sdelay $0x4  }
0xa6: {  	v28 =	vshrl.u32 v3, $0x3  }
0xa7: {  	v4 =	vmul.u32 $0x18, v28  }
0xa8: {  	v3 =	vand.u32 $0x7, v3  }
0xa9: {  	v3 =	vor.u32 v3, v4  }
0xaa: {  	v4 =	vperm.xlane v3, v0;
	_ =	sdelay $0x1  }
0xab: {  	v4 =	vadd.s32 v1, v4;
	_ =	sdelay $0x1  }
0xac: {  	v3 =	vperm.xlane v3, v2;
	_ =	sdelay $0x1  }
0xad: {  	s12 =	simm.s32 $0xC680;
	v3 =	vadd.s32 v1, v3  }
0xae: {  	[tilespmem:s12], [sflag:$0x2] =	stream.indirect_vreg.gather [hbm4b:s3+s2], $0x80, v4, vm0, $0xb8;
	[tilespmem:$0xF680] =	vst v63  }
0xaf: {  	s25 =	simm.s32 $0xCE80  }
0xb0: {  	[tilespmem:s25], [sflag:$0x2] =	stream.indirect_vreg.gather [hbm4b:s4+s2], $0x80, v4, vm1, $0xb8;
	[tilespmem:$0xF680] =	vst v63  }
0xb1: {  	s26 =	simm.s32 $0xD280  }
0xb2: {  	[tilespmem:s26], [sflag:$0x2] =	stream.indirect_vreg.gather [hbm4b:s3+s2], $0x80, v3, vm0, $0xb8;
	[tilespmem:$0xF680] =	vst v63  }
0xb3: {  	s29 =	simm.s32 $0xDA80  }
0xb4: {  	[tilespmem:s29], [sflag:$0x2] =	stream.indirect_vreg.gather [hbm4b:s4+s2], $0x80, v3, vm1, $0xb8;
	[tilespmem:$0xF680] =	vst v63  }
0xb5: {  	v3 =	vld [tilespmem:$0x90];
	_ =	sdelay $0x4  }
0xb6: {  	v29 =	vshrl.u32 v3, $0x3  }
0xb7: {  	v4 =	vmul.u32 $0x18, v29  }
0xb8: {  	v3 =	vand.u32 $0x7, v3  }
0xb9: {  	v3 =	vor.u32 v3, v4  }
0xba: {  	v4 =	vperm.xlane v3, v0;
	_ =	sdelay $0x1  }
0xbb: {  	v4 =	vadd.s32 v1, v4;
	_ =	sdelay $0x1  }
0xbc: {  	v3 =	vperm.xlane v3, v2;
	_ =	sdelay $0x1  }
0xbd: {  	s30 =	simm.s32 $0xDE80;
	v3 =	vadd.s32 v1, v3  }
0xbe: {  	[tilespmem:s30], [sflag:$0x2] =	stream.indirect_vreg.gather [hbm4b:s3+s2], $0x80, v4, vm0, $0xb8;
	[tilespmem:$0xF680] =	vst v63  }
0xbf: {  	s31 =	simm.s32 $0xE680  }
0xc0: {  	[tilespmem:s31], [sflag:$0x2] =	stream.indirect_vreg.gather [hbm4b:s4+s2], $0x80, v4, vm1, $0xb8;
	[tilespmem:$0xF680] =	vst v63  }
0xc1: {  	s0 =	simm.s32 $0xEA80  }
0xc2: {  	[tilespmem:s0], [sflag:$0x2] =	stream.indirect_vreg.gather [hbm4b:s3+s2], $0x80, v3, vm0, $0xb8;
	[tilespmem:$0xF680] =	vst v63  }
0xc3: {  	s11 =	simm.s32 $0xF280  }
0xc4: {  	[tilespmem:s11], [sflag:$0x2] =	stream.indirect_vreg.gather [hbm4b:s4+s2], $0x80, v3, vm1, $0xb8;
	[tilespmem:$0xF680] =	vst v63  }
0xc5: {  	_ =	swait.ge [sflag:s22], $0x7800  }
0xc6: {  	[sflag:s22] =	ssyncset.done $0x0  }
0xc7: {  	s12 =	rddreg [dreg:$0x3];
	[sflag:s22] =	ssyncadd.s32 $0xFFFF8800  }
0xc8: {  	[hbm4b:s12+s2] =	stream.linear.scatter [tilespmem:s13], [sflag:$0x3], $0x7800, $0x38;
	[tilespmem:$0xF680] =	vst v63  }
0xc9: {  	_ =	swait.ge [sflag:s6], $0x7800  }
0xca: {  	[sflag:s6] =	ssyncset.done $0x0  }
0xcb: {  	[sflag:s6] =	ssyncadd.s32 $0xFFFF8800  }
0xcc: {  	v3 =	vld [tilespmem:$0xA0];
	_ =	sdelay $0x4  }
0xcd: {  	v30 =	vshrl.u32 v3, $0x3  }
0xce: {  	v4 =	vmul.u32 $0x18, v30  }
0xcf: {  	v3 =	vand.u32 $0x7, v3  }
0xd0: {  	v3 =	vor.u32 v3, v4  }
0xd1: {  	v4 =	vperm.xlane v3, v0;
	_ =	sdelay $0x1  }
0xd2: {  	v4 =	vadd.s32 v1, v4;
	_ =	sdelay $0x1  }
0xd3: {  	v3 =	vperm.xlane v3, v2;
	_ =	sdelay $0x1  }
0xd4: {  	v3 =	vadd.s32 v1, v3  }
0xd5: {  	[tilespmem:s13], [sflag:$0x1] =	stream.indirect_vreg.gather [hbm4b:s3+s2], $0x80, v4, vm0, $0xb8;
	[tilespmem:$0xF680] =	vst v63  }
0xd6: {  	s17 =	simm.s32 $0xE80  }
0xd7: {  	[tilespmem:s17], [sflag:$0x1] =	stream.indirect_vreg.gather [hbm4b:s4+s2], $0x80, v4, vm1, $0xb8;
	[tilespmem:$0xF680] =	vst v63  }
0xd8: {  	s29 =	simm.s32 $0x1280  }
0xd9: {  	[tilespmem:s29], [sflag:$0x1] =	stream.indirect_vreg.gather [hbm4b:s3+s2], $0x80, v3, vm0, $0xb8;
	[tilespmem:$0xF680] =	vst v63  }
0xda: {  	s7 =	simm.s32 $0x1A80  }
0xdb: {  	[tilespmem:s7], [sflag:$0x1] =	stream.indirect_vreg.gather [hbm4b:s4+s2], $0x80, v3, vm1, $0xb8;
	[tilespmem:$0xF680] =	vst v63  }
0xdc: {  	v3 =	vld [tilespmem:$0xB0];
	_ =	sdelay $0x4  }
0xdd: {  	v31 =	vshrl.u32 v3, $0x3  }
0xde: {  	v4 =	vmul.u32 $0x18, v31  }
0xdf: {  	v3 =	vand.u32 $0x7, v3  }
0xe0: {  	v3 =	vor.u32 v3, v4  }
0xe1: {  	v4 =	vperm.xlane v3, v0;
	_ =	sdelay $0x1  }
0xe2: {  	v4 =	vadd.s32 v1, v4;
	_ =	sdelay $0x1  }
0xe3: {  	v3 =	vperm.xlane v3, v2;
	_ =	sdelay $0x1  }
0xe4: {  	s1 =	simm.s32 $0x1E80;
	v3 =	vadd.s32 v1, v3  }
0xe5: {  	[tilespmem:s1], [sflag:$0x1] =	stream.indirect_vreg.gather [hbm4b:s3+s2], $0x80, v4, vm0, $0xb8;
	[tilespmem:$0xF680] =	vst v63  }
0xe6: {  	s5 =	simm.s32 $0x2680  }
0xe7: {  	[tilespmem:s5], [sflag:$0x1] =	stream.indirect_vreg.gather [hbm4b:s4+s2], $0x80, v4, vm1, $0xb8;
	[tilespmem:$0xF680] =	vst v63  }
0xe8: {  	s30 =	simm.s32 $0x2A80  }
0xe9: {  	[tilespmem:s30], [sflag:$0x1] =	stream.indirect_vreg.gather [hbm4b:s3+s2], $0x80, v3, vm0, $0xb8;
	[tilespmem:$0xF680] =	vst v63  }
0xea: {  	s8 =	simm.s32 $0x3280  }
0xeb: {  	[tilespmem:s8], [sflag:$0x1] =	stream.indirect_vreg.gather [hbm4b:s4+s2], $0x80, v3, vm1, $0xb8;
	[tilespmem:$0xF680] =	vst v63  }
0xec: {  	v3 =	vld [tilespmem:$0xC0];
	_ =	sdelay $0x4  }
0xed: {  	v32 =	vshrl.u32 v3, $0x3  }
0xee: {  	v4 =	vmul.u32 $0x18, v32  }
0xef: {  	v3 =	vand.u32 $0x7, v3  }
0xf0: {  	v3 =	vor.u32 v3, v4  }
0xf1: {  	v4 =	vperm.xlane v3, v0;
	_ =	sdelay $0x1  }
0xf2: {  	v4 =	vadd.s32 v1, v4;
	_ =	sdelay $0x1  }
0xf3: {  	v3 =	vperm.xlane v3, v2;
	_ =	sdelay $0x1  }
0xf4: {  	s31 =	simm.s32 $0x3680;
	v3 =	vadd.s32 v1, v3  }
0xf5: {  	[tilespmem:s31], [sflag:$0x1] =	stream.indirect_vreg.gather [hbm4b:s3+s2], $0x80, v4, vm0, $0xb8;
	[tilespmem:$0xF680] =	vst v63  }
0xf6: {  	s0 =	simm.s32 $0x3E80  }
0xf7: {  	[tilespmem:s0], [sflag:$0x1] =	stream.indirect_vreg.gather [hbm4b:s4+s2], $0x80, v4, vm1, $0xb8;
	[tilespmem:$0xF680] =	vst v63  }
0xf8: {  	s1 =	simm.s32 $0x4280  }
0xf9: {  	[tilespmem:s1], [sflag:$0x1] =	stream.indirect_vreg.gather [hbm4b:s3+s2], $0x80, v3, vm0, $0xb8;
	[tilespmem:$0xF680] =	vst v63  }
0xfa: {  	s9 =	simm.s32 $0x4A80  }
0xfb: {  	[tilespmem:s9], [sflag:$0x1] =	stream.indirect_vreg.gather [hbm4b:s4+s2], $0x80, v3, vm1, $0xb8;
	[tilespmem:$0xF680] =	vst v63  }
0xfc: {  	v3 =	vld [tilespmem:$0xD0];
	_ =	sdelay $0x4  }
0xfd: {  	v33 =	vshrl.u32 v3, $0x3  }
0xfe: {  	v4 =	vmul.u32 $0x18, v33  }
0xff: {  	v3 =	vand.u32 $0x7, v3  }
0x100: {  	v3 =	vor.u32 v3, v4  }
0x101: {  	v4 =	vperm.xlane v3, v0;
	_ =	sdelay $0x1  }
0x102: {  	v4 =	vadd.s32 v1, v4;
	_ =	sdelay $0x1  }
0x103: {  	v3 =	vperm.xlane v3, v2;
	_ =	sdelay $0x1  }
0x104: {  	s5 =	simm.s32 $0x4E80;
	v3 =	vadd.s32 v1, v3  }
0x105: {  	[tilespmem:s5], [sflag:$0x1] =	stream.indirect_vreg.gather [hbm4b:s3+s2], $0x80, v4, vm0, $0xb8;
	[tilespmem:$0xF680] =	vst v63  }
0x106: {  	s7 =	simm.s32 $0x5680  }
0x107: {  	[tilespmem:s7], [sflag:$0x1] =	stream.indirect_vreg.gather [hbm4b:s4+s2], $0x80, v4, vm1, $0xb8;
	[tilespmem:$0xF680] =	vst v63  }
0x108: {  	s8 =	simm.s32 $0x5A80  }
0x109: {  	[tilespmem:s8], [sflag:$0x1] =	stream.indirect_vreg.gather [hbm4b:s3+s2], $0x80, v3, vm0, $0xb8;
	[tilespmem:$0xF680] =	vst v63  }
0x10a: {  	s10 =	simm.s32 $0x6280  }
0x10b: {  	[tilespmem:s10], [sflag:$0x1] =	stream.indirect_vreg.gather [hbm4b:s4+s2], $0x80, v3, vm1, $0xb8;
	[tilespmem:$0xF680] =	vst v63  }
0x10c: {  	v3 =	vld [tilespmem:$0xE0];
	_ =	sdelay $0x4  }
0x10d: {  	v34 =	vshrl.u32 v3, $0x3  }
0x10e: {  	v4 =	vmul.u32 $0x18, v34  }
0x10f: {  	v3 =	vand.u32 $0x7, v3  }
0x110: {  	v3 =	vor.u32 v3, v4  }
0x111: {  	v4 =	vperm.xlane v3, v0;
	_ =	sdelay $0x1  }
0x112: {  	v4 =	vadd.s32 v1, v4;
	_ =	sdelay $0x1  }
0x113: {  	v3 =	vperm.xlane v3, v2;
	_ =	sdelay $0x1  }
0x114: {  	s9 =	simm.s32 $0x6680;
	v3 =	vadd.s32 v1, v3  }
0x115: {  	[tilespmem:s9], [sflag:$0x1] =	stream.indirect_vreg.gather [hbm4b:s3+s2], $0x80, v4, vm0, $0xb8;
	[tilespmem:$0xF680] =	vst v63  }
0x116: {  	s10 =	simm.s32 $0x6E80  }
0x117: {  	[tilespmem:s10], [sflag:$0x1] =	stream.indirect_vreg.gather [hbm4b:s4+s2], $0x80, v4, vm1, $0xb8;
	[tilespmem:$0xF680] =	vst v63  }
0x118: {  	s11 =	simm.s32 $0x7280  }
0x119: {  	[tilespmem:s11], [sflag:$0x1] =	stream.indirect_vreg.gather [hbm4b:s3+s2], $0x80, v3, vm0, $0xb8;
	[tilespmem:$0xF680] =	vst v63  }
0x11a: {  	s12 =	simm.s32 $0x7A80  }
0x11b: {  	[tilespmem:s12], [sflag:$0x1] =	stream.indirect_vreg.gather [hbm4b:s4+s2], $0x80, v3, vm1, $0xb8;
	[tilespmem:$0xF680] =	vst v63  }
0x11c: {  	_ =	swait.ge [sflag:s23], $0x7800  }
0x11d: {  	[sflag:s23] =	ssyncset.done $0x0  }
0x11e: {  	s17 =	rddreg [dreg:$0x4];
	[sflag:s23] =	ssyncadd.s32 $0xFFFF8800  }
0x11f: {  	[hbm4b:s17+s2] =	stream.linear.scatter [tilespmem:s28], [sflag:$0x3], $0x7800, $0x38;
	[tilespmem:$0xF680] =	vst v63  }
0x120: {  	_ =	swait.ge [sflag:s6], $0x7800  }
0x121: {  	[sflag:s6] =	ssyncset.done $0x0  }
0x122: {  	[sflag:s6] =	ssyncadd.s32 $0xFFFF8800  }
0x123: {  	v3 =	vld [tilespmem:$0xF0];
	_ =	sdelay $0x4  }
0x124: {  	v35 =	vshrl.u32 v3, $0x3  }
0x125: {  	v4 =	vmul.u32 $0x18, v35  }
0x126: {  	v3 =	vand.u32 $0x7, v3  }
0x127: {  	v3 =	vor.u32 v3, v4  }
0x128: {  	v4 =	vperm.xlane v3, v0;
	_ =	sdelay $0x1  }
0x129: {  	v4 =	vadd.s32 v1, v4;
	_ =	sdelay $0x1  }
0x12a: {  	v3 =	vperm.xlane v3, v2;
	_ =	sdelay $0x1  }
0x12b: {  	v3 =	vadd.s32 v1, v3  }
0x12c: {  	[tilespmem:s28], [sflag:$0x2] =	stream.indirect_vreg.gather [hbm4b:s3+s2], $0x80, v4, vm0, $0xb8;
	[tilespmem:$0xF680] =	vst v63  }
0x12d: {  	s17 =	simm.s32 $0x8680  }
0x12e: {  	[tilespmem:s17], [sflag:$0x2] =	stream.indirect_vreg.gather [hbm4b:s4+s2], $0x80, v4, vm1, $0xb8;
	[tilespmem:$0xF680] =	vst v63  }
0x12f: {  	s18 =	simm.s32 $0x8A80  }
0x130: {  	[tilespmem:s18], [sflag:$0x2] =	stream.indirect_vreg.gather [hbm4b:s3+s2], $0x80, v3, vm0, $0xb8;
	[tilespmem:$0xF680] =	vst v63  }
0x131: {  	s19 =	simm.s32 $0x9280  }
0x132: {  	[tilespmem:s19], [sflag:$0x2] =	stream.indirect_vreg.gather [hbm4b:s4+s2], $0x80, v3, vm1, $0xb8;
	[tilespmem:$0xF680] =	vst v63  }
0x133: {  	v3 =	vld [tilespmem:$0x100];
	_ =	sdelay $0x4  }
0x134: {  	v36 =	vshrl.u32 v3, $0x3  }
0x135: {  	v4 =	vmul.u32 $0x18, v36  }
0x136: {  	v3 =	vand.u32 $0x7, v3  }
0x137: {  	v3 =	vor.u32 v3, v4  }
0x138: {  	v4 =	vperm.xlane v3, v0;
	_ =	sdelay $0x1  }
0x139: {  	v4 =	vadd.s32 v1, v4;
	_ =	sdelay $0x1  }
0x13a: {  	v3 =	vperm.xlane v3, v2;
	_ =	sdelay $0x1  }
0x13b: {  	s14 =	simm.s32 $0x9680;
	v3 =	vadd.s32 v1, v3  }
0x13c: {  	[tilespmem:s14], [sflag:$0x2] =	stream.indirect_vreg.gather [hbm4b:s3+s2], $0x80, v4, vm0, $0xb8;
	[tilespmem:$0xF680] =	vst v63  }
0x13d: {  	s15 =	simm.s32 $0x9E80  }
0x13e: {  	[tilespmem:s15], [sflag:$0x2] =	stream.indirect_vreg.gather [hbm4b:s4+s2], $0x80, v4, vm1, $0xb8;
	[tilespmem:$0xF680] =	vst v63  }
0x13f: {  	s16 =	simm.s32 $0xA280  }
0x140: {  	[tilespmem:s16], [sflag:$0x2] =	stream.indirect_vreg.gather [hbm4b:s3+s2], $0x80, v3, vm0, $0xb8;
	[tilespmem:$0xF680] =	vst v63  }
0x141: {  	s20 =	simm.s32 $0xAA80  }
0x142: {  	[tilespmem:s20], [sflag:$0x2] =	stream.indirect_vreg.gather [hbm4b:s4+s2], $0x80, v3, vm1, $0xb8;
	[tilespmem:$0xF680] =	vst v63  }
0x143: {  	v3 =	vld [tilespmem:$0x110];
	_ =	sdelay $0x4  }
0x144: {  	v37 =	vshrl.u32 v3, $0x3  }
0x145: {  	v4 =	vmul.u32 $0x18, v37  }
0x146: {  	v3 =	vand.u32 $0x7, v3  }
0x147: {  	v3 =	vor.u32 v3, v4  }
0x148: {  	v4 =	vperm.xlane v3, v0;
	_ =	sdelay $0x1  }
0x149: {  	v4 =	vadd.s32 v1, v4;
	_ =	sdelay $0x1  }
0x14a: {  	v3 =	vperm.xlane v3, v2;
	_ =	sdelay $0x1  }
0x14b: {  	s19 =	simm.s32 $0xAE80;
	v3 =	vadd.s32 v1, v3  }
0x14c: {  	[tilespmem:s19], [sflag:$0x2] =	stream.indirect_vreg.gather [hbm4b:s3+s2], $0x80, v4, vm0, $0xb8;
	[tilespmem:$0xF680] =	vst v63  }
0x14d: {  	s20 =	simm.s32 $0xB680  }
0x14e: {  	[tilespmem:s20], [sflag:$0x2] =	stream.indirect_vreg.gather [hbm4b:s4+s2], $0x80, v4, vm1, $0xb8;
	[tilespmem:$0xF680] =	vst v63  }
0x14f: {  	s24 =	simm.s32 $0xBA80  }
0x150: {  	[tilespmem:s24], [sflag:$0x2] =	stream.indirect_vreg.gather [hbm4b:s3+s2], $0x80, v3, vm0, $0xb8;
	[tilespmem:$0xF680] =	vst v63  }
0x151: {  	s21 =	simm.s32 $0xC280  }
0x152: {  	[tilespmem:s21], [sflag:$0x2] =	stream.indirect_vreg.gather [hbm4b:s4+s2], $0x80, v3, vm1, $0xb8;
	[tilespmem:$0xF680] =	vst v63  }
0x153: {  	v3 =	vld [tilespmem:$0x120];
	_ =	sdelay $0x4  }
0x154: {  	v38 =	vshrl.u32 v3, $0x3  }
0x155: {  	v4 =	vmul.u32 $0x18, v38  }
0x156: {  	v3 =	vand.u32 $0x7, v3  }
0x157: {  	v3 =	vor.u32 v3, v4  }
0x158: {  	v4 =	vperm.xlane v3, v0;
	_ =	sdelay $0x1  }
0x159: {  	v4 =	vadd.s32 v1, v4;
	_ =	sdelay $0x1  }
0x15a: {  	v3 =	vperm.xlane v3, v2;
	_ =	sdelay $0x1  }
0x15b: {  	s24 =	simm.s32 $0xC680;
	v3 =	vadd.s32 v1, v3  }
0x15c: {  	[tilespmem:s24], [sflag:$0x2] =	stream.indirect_vreg.gather [hbm4b:s3+s2], $0x80, v4, vm0, $0xb8;
	[tilespmem:$0xF680] =	vst v63  }
0x15d: {  	s24 =	simm.s32 $0xCE80  }
0x15e: {  	[tilespmem:s24], [sflag:$0x2] =	stream.indirect_vreg.gather [hbm4b:s4+s2], $0x80, v4, vm1, $0xb8;
	[tilespmem:$0xF680] =	vst v63  }
0x15f: {  	s24 =	simm.s32 $0xD280  }
0x160: {  	[tilespmem:s24], [sflag:$0x2] =	stream.indirect_vreg.gather [hbm4b:s3+s2], $0x80, v3, vm0, $0xb8;
	[tilespmem:$0xF680] =	vst v63  }
0x161: {  	s25 =	simm.s32 $0xDA80  }
0x162: {  	[tilespmem:s25], [sflag:$0x2] =	stream.indirect_vreg.gather [hbm4b:s4+s2], $0x80, v3, vm1, $0xb8;
	[tilespmem:$0xF680] =	vst v63  }
0x163: {  	v3 =	vld [tilespmem:$0x130];
	_ =	sdelay $0x4  }
0x164: {  	v39 =	vshrl.u32 v3, $0x3  }
0x165: {  	v4 =	vmul.u32 $0x18, v39  }
0x166: {  	v3 =	vand.u32 $0x7, v3  }
0x167: {  	v3 =	vor.u32 v3, v4  }
0x168: {  	v4 =	vperm.xlane v3, v0;
	_ =	sdelay $0x1  }
0x169: {  	v4 =	vadd.s32 v1, v4;
	_ =	sdelay $0x1  }
0x16a: {  	v3 =	vperm.xlane v3, v2;
	_ =	sdelay $0x1  }
0x16b: {  	s25 =	simm.s32 $0xDE80;
	v3 =	vadd.s32 v1, v3  }
0x16c: {  	[tilespmem:s25], [sflag:$0x2] =	stream.indirect_vreg.gather [hbm4b:s3+s2], $0x80, v4, vm0, $0xb8;
	[tilespmem:$0xF680] =	vst v63  }
0x16d: {  	s24 =	simm.s32 $0xE680  }
0x16e: {  	[tilespmem:s24], [sflag:$0x2] =	stream.indirect_vreg.gather [hbm4b:s4+s2], $0x80, v4, vm1, $0xb8;
	[tilespmem:$0xF680] =	vst v63  }
0x16f: {  	s24 =	simm.s32 $0xEA80  }
0x170: {  	[tilespmem:s24], [sflag:$0x2] =	stream.indirect_vreg.gather [hbm4b:s3+s2], $0x80, v3, vm0, $0xb8;
	[tilespmem:$0xF680] =	vst v63  }
0x171: {  	s26 =	simm.s32 $0xF280  }
0x172: {  	[tilespmem:s26], [sflag:$0x2] =	stream.indirect_vreg.gather [hbm4b:s4+s2], $0x80, v3, vm1, $0xb8;
	[tilespmem:$0xF680] =	vst v63  }
0x173: {  	_ =	swait.ge [sflag:s22], $0x7800  }
0x174: {  	[sflag:s22] =	ssyncset.done $0x0  }
0x175: {  	s24 =	rddreg [dreg:$0x5];
	[sflag:s22] =	ssyncadd.s32 $0xFFFF8800  }
0x176: {  	[hbm4b:s24+s2] =	stream.linear.scatter [tilespmem:s13], [sflag:$0x3], $0x7800, $0x38;
	[tilespmem:$0xF680] =	vst v63  }
0x177: {  	_ =	swait.ge [sflag:s6], $0x7800  }
0x178: {  	[sflag:s6] =	ssyncset.done $0x0  }
0x179: {  	[sflag:s6] =	ssyncadd.s32 $0xFFFF8800  }
0x17a: {  	v3 =	vld [tilespmem:$0x140];
	_ =	sdelay $0x4  }
0x17b: {  	v40 =	vshrl.u32 v3, $0x3  }
0x17c: {  	v4 =	vmul.u32 $0x18, v40  }
0x17d: {  	v3 =	vand.u32 $0x7, v3  }
0x17e: {  	v3 =	vor.u32 v3, v4  }
0x17f: {  	v4 =	vperm.xlane v3, v0;
	_ =	sdelay $0x1  }
0x180: {  	v4 =	vadd.s32 v1, v4;
	_ =	sdelay $0x1  }
0x181: {  	v3 =	vperm.xlane v3, v2;
	_ =	sdelay $0x1  }
0x182: {  	v3 =	vadd.s32 v1, v3  }
0x183: {  	[tilespmem:s13], [sflag:$0x1] =	stream.indirect_vreg.gather [hbm4b:s3+s2], $0x80, v4, vm0, $0xb8;
	[tilespmem:$0xF680] =	vst v63  }
0x184: {  	s24 =	simm.s32 $0xE80  }
0x185: {  	[tilespmem:s24], [sflag:$0x1] =	stream.indirect_vreg.gather [hbm4b:s4+s2], $0x80, v4, vm1, $0xb8;
	[tilespmem:$0xF680] =	vst v63  }
0x186: {  	_ = 	snop  }
0x187: {  	[tilespmem:s29], [sflag:$0x1] =	stream.indirect_vreg.gather [hbm4b:s3+s2], $0x80, v3, vm0, $0xb8;
	[tilespmem:$0xF680] =	vst v63  }
0x188: {  	s24 =	simm.s32 $0x1A80  }
0x189: {  	[tilespmem:s24], [sflag:$0x1] =	stream.indirect_vreg.gather [hbm4b:s4+s2], $0x80, v3, vm1, $0xb8;
	[tilespmem:$0xF680] =	vst v63  }
0x18a: {  	v3 =	vld [tilespmem:$0x150];
	_ =	sdelay $0x4  }
0x18b: {  	v41 =	vshrl.u32 v3, $0x3  }
0x18c: {  	v4 =	vmul.u32 $0x18, v41  }
0x18d: {  	v3 =	vand.u32 $0x7, v3  }
0x18e: {  	v3 =	vor.u32 v3, v4  }
0x18f: {  	v4 =	vperm.xlane v3, v0;
	_ =	sdelay $0x1  }
0x190: {  	v4 =	vadd.s32 v1, v4;
	_ =	sdelay $0x1  }
0x191: {  	v3 =	vperm.xlane v3, v2;
	_ =	sdelay $0x1  }
0x192: {  	s24 =	simm.s32 $0x1E80;
	v3 =	vadd.s32 v1, v3  }
0x193: {  	[tilespmem:s24], [sflag:$0x1] =	stream.indirect_vreg.gather [hbm4b:s3+s2], $0x80, v4, vm0, $0xb8;
	[tilespmem:$0xF680] =	vst v63  }
0x194: {  	s24 =	simm.s32 $0x2680  }
0x195: {  	[tilespmem:s24], [sflag:$0x1] =	stream.indirect_vreg.gather [hbm4b:s4+s2], $0x80, v4, vm1, $0xb8;
	[tilespmem:$0xF680] =	vst v63  }
0x196: {  	_ = 	snop  }
0x197: {  	[tilespmem:s30], [sflag:$0x1] =	stream.indirect_vreg.gather [hbm4b:s3+s2], $0x80, v3, vm0, $0xb8;
	[tilespmem:$0xF680] =	vst v63  }
0x198: {  	s24 =	simm.s32 $0x3280  }
0x199: {  	[tilespmem:s24], [sflag:$0x1] =	stream.indirect_vreg.gather [hbm4b:s4+s2], $0x80, v3, vm1, $0xb8;
	[tilespmem:$0xF680] =	vst v63  }
0x19a: {  	v3 =	vld [tilespmem:$0x160];
	_ =	sdelay $0x4  }
0x19b: {  	v42 =	vshrl.u32 v3, $0x3  }
0x19c: {  	v4 =	vmul.u32 $0x18, v42  }
0x19d: {  	v3 =	vand.u32 $0x7, v3  }
0x19e: {  	v3 =	vor.u32 v3, v4  }
0x19f: {  	v4 =	vperm.xlane v3, v0;
	_ =	sdelay $0x1  }
0x1a0: {  	v4 =	vadd.s32 v1, v4;
	_ =	sdelay $0x1  }
0x1a1: {  	v3 =	vperm.xlane v3, v2;
	_ =	sdelay $0x1  }
0x1a2: {  	v3 =	vadd.s32 v1, v3  }
0x1a3: {  	[tilespmem:s31], [sflag:$0x1] =	stream.indirect_vreg.gather [hbm4b:s3+s2], $0x80, v4, vm0, $0xb8;
	[tilespmem:$0xF680] =	vst v63  }
0x1a4: {  	_ = 	snop  }
0x1a5: {  	[tilespmem:s0], [sflag:$0x1] =	stream.indirect_vreg.gather [hbm4b:s4+s2], $0x80, v4, vm1, $0xb8;
	[tilespmem:$0xF680] =	vst v63  }
0x1a6: {  	_ = 	snop  }
0x1a7: {  	[tilespmem:s1], [sflag:$0x1] =	stream.indirect_vreg.gather [hbm4b:s3+s2], $0x80, v3, vm0, $0xb8;
	[tilespmem:$0xF680] =	vst v63  }
0x1a8: {  	s24 =	simm.s32 $0x4A80  }
0x1a9: {  	[tilespmem:s24], [sflag:$0x1] =	stream.indirect_vreg.gather [hbm4b:s4+s2], $0x80, v3, vm1, $0xb8;
	[tilespmem:$0xF680] =	vst v63  }
0x1aa: {  	v3 =	vld [tilespmem:$0x170];
	_ =	sdelay $0x4  }
0x1ab: {  	v43 =	vshrl.u32 v3, $0x3  }
0x1ac: {  	v4 =	vmul.u32 $0x18, v43  }
0x1ad: {  	v3 =	vand.u32 $0x7, v3  }
0x1ae: {  	v3 =	vor.u32 v3, v4  }
0x1af: {  	v4 =	vperm.xlane v3, v0;
	_ =	sdelay $0x1  }
0x1b0: {  	v4 =	vadd.s32 v1, v4;
	_ =	sdelay $0x1  }
0x1b1: {  	v3 =	vperm.xlane v3, v2;
	_ =	sdelay $0x1  }
0x1b2: {  	v3 =	vadd.s32 v1, v3  }
0x1b3: {  	[tilespmem:s5], [sflag:$0x1] =	stream.indirect_vreg.gather [hbm4b:s3+s2], $0x80, v4, vm0, $0xb8;
	[tilespmem:$0xF680] =	vst v63  }
0x1b4: {  	_ = 	snop  }
0x1b5: {  	[tilespmem:s7], [sflag:$0x1] =	stream.indirect_vreg.gather [hbm4b:s4+s2], $0x80, v4, vm1, $0xb8;
	[tilespmem:$0xF680] =	vst v63  }
0x1b6: {  	_ = 	snop  }
0x1b7: {  	[tilespmem:s8], [sflag:$0x1] =	stream.indirect_vreg.gather [hbm4b:s3+s2], $0x80, v3, vm0, $0xb8;
	[tilespmem:$0xF680] =	vst v63  }
0x1b8: {  	s24 =	simm.s32 $0x6280  }
0x1b9: {  	[tilespmem:s24], [sflag:$0x1] =	stream.indirect_vreg.gather [hbm4b:s4+s2], $0x80, v3, vm1, $0xb8;
	[tilespmem:$0xF680] =	vst v63  }
0x1ba: {  	v3 =	vld [tilespmem:$0x180];
	_ =	sdelay $0x4  }
0x1bb: {  	v44 =	vshrl.u32 v3, $0x3  }
0x1bc: {  	v4 =	vmul.u32 $0x18, v44  }
0x1bd: {  	v3 =	vand.u32 $0x7, v3  }
0x1be: {  	v3 =	vor.u32 v3, v4  }
0x1bf: {  	v4 =	vperm.xlane v3, v0;
	_ =	sdelay $0x1  }
0x1c0: {  	v4 =	vadd.s32 v1, v4;
	_ =	sdelay $0x1  }
0x1c1: {  	v3 =	vperm.xlane v3, v2;
	_ =	sdelay $0x1  }
0x1c2: {  	v3 =	vadd.s32 v1, v3  }
0x1c3: {  	[tilespmem:s9], [sflag:$0x1] =	stream.indirect_vreg.gather [hbm4b:s3+s2], $0x80, v4, vm0, $0xb8;
	[tilespmem:$0xF680] =	vst v63  }
0x1c4: {  	_ = 	snop  }
0x1c5: {  	[tilespmem:s10], [sflag:$0x1] =	stream.indirect_vreg.gather [hbm4b:s4+s2], $0x80, v4, vm1, $0xb8;
	[tilespmem:$0xF680] =	vst v63  }
0x1c6: {  	_ = 	snop  }
0x1c7: {  	[tilespmem:s11], [sflag:$0x1] =	stream.indirect_vreg.gather [hbm4b:s3+s2], $0x80, v3, vm0, $0xb8;
	[tilespmem:$0xF680] =	vst v63  }
0x1c8: {  	_ = 	snop  }
0x1c9: {  	[tilespmem:s12], [sflag:$0x1] =	stream.indirect_vreg.gather [hbm4b:s4+s2], $0x80, v3, vm1, $0xb8;
	[tilespmem:$0xF680] =	vst v63  }
0x1ca: {  	_ =	swait.ge [sflag:s23], $0x7800  }
0x1cb: {  	[sflag:s23] =	ssyncset.done $0x0  }
0x1cc: {  	s24 =	rddreg [dreg:$0x6];
	[sflag:s23] =	ssyncadd.s32 $0xFFFF8800  }
0x1cd: {  	[hbm4b:s24+s2] =	stream.linear.scatter [tilespmem:s28], [sflag:$0x3], $0x7800, $0x38;
	[tilespmem:$0xF680] =	vst v63  }
0x1ce: {  	_ =	swait.ge [sflag:s6], $0x7800  }
0x1cf: {  	[sflag:s6] =	ssyncset.done $0x0  }
0x1d0: {  	[sflag:s6] =	ssyncadd.s32 $0xFFFF8800  }
0x1d1: {  	v3 =	vld [tilespmem:$0x190];
	_ =	sdelay $0x4  }
0x1d2: {  	v45 =	vshrl.u32 v3, $0x3  }
0x1d3: {  	v4 =	vmul.u32 $0x18, v45  }
0x1d4: {  	v3 =	vand.u32 $0x7, v3  }
0x1d5: {  	v3 =	vor.u32 v3, v4  }
0x1d6: {  	v4 =	vperm.xlane v3, v0;
	_ =	sdelay $0x1  }
0x1d7: {  	v4 =	vadd.s32 v1, v4;
	_ =	sdelay $0x1  }
0x1d8: {  	v3 =	vperm.xlane v3, v2;
	_ =	sdelay $0x1  }
0x1d9: {  	v3 =	vadd.s32 v1, v3  }
0x1da: {  	[tilespmem:s28], [sflag:$0x2] =	stream.indirect_vreg.gather [hbm4b:s3+s2], $0x80, v4, vm0, $0xb8;
	[tilespmem:$0xF680] =	vst v63  }
0x1db: {  	_ = 	snop  }
0x1dc: {  	[tilespmem:s17], [sflag:$0x2] =	stream.indirect_vreg.gather [hbm4b:s4+s2], $0x80, v4, vm1, $0xb8;
	[tilespmem:$0xF680] =	vst v63  }
0x1dd: {  	s24 =	simm.s32 $0x8A80  }
0x1de: {  	[tilespmem:s24], [sflag:$0x2] =	stream.indirect_vreg.gather [hbm4b:s3+s2], $0x80, v3, vm0, $0xb8;
	[tilespmem:$0xF680] =	vst v63  }
0x1df: {  	s24 =	simm.s32 $0x9280  }
0x1e0: {  	[tilespmem:s24], [sflag:$0x2] =	stream.indirect_vreg.gather [hbm4b:s4+s2], $0x80, v3, vm1, $0xb8;
	[tilespmem:$0xF680] =	vst v63  }
0x1e1: {  	v3 =	vld [tilespmem:$0x1A0];
	_ =	sdelay $0x4  }
0x1e2: {  	v46 =	vshrl.u32 v3, $0x3  }
0x1e3: {  	v4 =	vmul.u32 $0x18, v46  }
0x1e4: {  	v3 =	vand.u32 $0x7, v3  }
0x1e5: {  	v3 =	vor.u32 v3, v4  }
0x1e6: {  	v4 =	vperm.xlane v3, v0;
	_ =	sdelay $0x1  }
0x1e7: {  	v4 =	vadd.s32 v1, v4;
	_ =	sdelay $0x1  }
0x1e8: {  	v3 =	vperm.xlane v3, v2;
	_ =	sdelay $0x1  }
0x1e9: {  	s14 =	simm.s32 $0x9680;
	v3 =	vadd.s32 v1, v3  }
0x1ea: {  	[tilespmem:s14], [sflag:$0x2] =	stream.indirect_vreg.gather [hbm4b:s3+s2], $0x80, v4, vm0, $0xb8;
	[tilespmem:$0xF680] =	vst v63  }
0x1eb: {  	s15 =	simm.s32 $0x9E80  }
0x1ec: {  	[tilespmem:s15], [sflag:$0x2] =	stream.indirect_vreg.gather [hbm4b:s4+s2], $0x80, v4, vm1, $0xb8;
	[tilespmem:$0xF680] =	vst v63  }
0x1ed: {  	s16 =	simm.s32 $0xA280  }
0x1ee: {  	[tilespmem:s16], [sflag:$0x2] =	stream.indirect_vreg.gather [hbm4b:s3+s2], $0x80, v3, vm0, $0xb8;
	[tilespmem:$0xF680] =	vst v63  }
0x1ef: {  	s24 =	simm.s32 $0xAA80  }
0x1f0: {  	[tilespmem:s24], [sflag:$0x2] =	stream.indirect_vreg.gather [hbm4b:s4+s2], $0x80, v3, vm1, $0xb8;
	[tilespmem:$0xF680] =	vst v63  }
0x1f1: {  	v3 =	vld [tilespmem:$0x1B0];
	_ =	sdelay $0x4  }
0x1f2: {  	v47 =	vshrl.u32 v3, $0x3  }
0x1f3: {  	v4 =	vmul.u32 $0x18, v47  }
0x1f4: {  	v3 =	vand.u32 $0x7, v3  }
0x1f5: {  	v3 =	vor.u32 v3, v4  }
0x1f6: {  	v4 =	vperm.xlane v3, v0;
	_ =	sdelay $0x1  }
0x1f7: {  	v4 =	vadd.s32 v1, v4;
	_ =	sdelay $0x1  }
0x1f8: {  	v3 =	vperm.xlane v3, v2;
	_ =	sdelay $0x1  }
0x1f9: {  	s18 =	simm.s32 $0xAE80;
	v3 =	vadd.s32 v1, v3  }
0x1fa: {  	[tilespmem:s18], [sflag:$0x2] =	stream.indirect_vreg.gather [hbm4b:s3+s2], $0x80, v4, vm0, $0xb8;
	[tilespmem:$0xF680] =	vst v63  }
0x1fb: {  	s19 =	simm.s32 $0xB680  }
0x1fc: {  	[tilespmem:s19], [sflag:$0x2] =	stream.indirect_vreg.gather [hbm4b:s4+s2], $0x80, v4, vm1, $0xb8;
	[tilespmem:$0xF680] =	vst v63  }
0x1fd: {  	s20 =	simm.s32 $0xBA80  }
0x1fe: {  	[tilespmem:s20], [sflag:$0x2] =	stream.indirect_vreg.gather [hbm4b:s3+s2], $0x80, v3, vm0, $0xb8;
	[tilespmem:$0xF680] =	vst v63  }
0x1ff: {  	s24 =	simm.s32 $0xC280  }
0x200: {  	[tilespmem:s24], [sflag:$0x2] =	stream.indirect_vreg.gather [hbm4b:s4+s2], $0x80, v3, vm1, $0xb8;
	[tilespmem:$0xF680] =	vst v63  }
0x201: {  	v3 =	vld [tilespmem:$0x1C0];
	_ =	sdelay $0x4  }
0x202: {  	v48 =	vshrl.u32 v3, $0x3  }
0x203: {  	v4 =	vmul.u32 $0x18, v48  }
0x204: {  	v3 =	vand.u32 $0x7, v3  }
0x205: {  	v3 =	vor.u32 v3, v4  }
0x206: {  	v4 =	vperm.xlane v3, v0;
	_ =	sdelay $0x1  }
0x207: {  	v4 =	vadd.s32 v1, v4;
	_ =	sdelay $0x1  }
0x208: {  	v3 =	vperm.xlane v3, v2;
	_ =	sdelay $0x1  }
0x209: {  	s21 =	simm.s32 $0xC680;
	v3 =	vadd.s32 v1, v3  }
0x20a: {  	[tilespmem:s21], [sflag:$0x2] =	stream.indirect_vreg.gather [hbm4b:s3+s2], $0x80, v4, vm0, $0xb8;
	[tilespmem:$0xF680] =	vst v63  }
0x20b: {  	s24 =	simm.s32 $0xCE80  }
0x20c: {  	[tilespmem:s24], [sflag:$0x2] =	stream.indirect_vreg.gather [hbm4b:s4+s2], $0x80, v4, vm1, $0xb8;
	[tilespmem:$0xF680] =	vst v63  }
0x20d: {  	s24 =	simm.s32 $0xD280  }
0x20e: {  	[tilespmem:s24], [sflag:$0x2] =	stream.indirect_vreg.gather [hbm4b:s3+s2], $0x80, v3, vm0, $0xb8;
	[tilespmem:$0xF680] =	vst v63  }
0x20f: {  	s24 =	simm.s32 $0xDA80  }
0x210: {  	[tilespmem:s24], [sflag:$0x2] =	stream.indirect_vreg.gather [hbm4b:s4+s2], $0x80, v3, vm1, $0xb8;
	[tilespmem:$0xF680] =	vst v63  }
0x211: {  	v3 =	vld [tilespmem:$0x1D0];
	_ =	sdelay $0x4  }
0x212: {  	v49 =	vshrl.u32 v3, $0x3  }
0x213: {  	v4 =	vmul.u32 $0x18, v49  }
0x214: {  	v3 =	vand.u32 $0x7, v3  }
0x215: {  	v3 =	vor.u32 v3, v4  }
0x216: {  	v4 =	vperm.xlane v3, v0;
	_ =	sdelay $0x1  }
0x217: {  	v4 =	vadd.s32 v1, v4;
	_ =	sdelay $0x1  }
0x218: {  	v3 =	vperm.xlane v3, v2;
	_ =	sdelay $0x1  }
0x219: {  	s25 =	simm.s32 $0xDE80;
	v3 =	vadd.s32 v1, v3  }
0x21a: {  	[tilespmem:s25], [sflag:$0x2] =	stream.indirect_vreg.gather [hbm4b:s3+s2], $0x80, v4, vm0, $0xb8;
	[tilespmem:$0xF680] =	vst v63  }
0x21b: {  	s24 =	simm.s32 $0xE680  }
0x21c: {  	[tilespmem:s24], [sflag:$0x2] =	stream.indirect_vreg.gather [hbm4b:s4+s2], $0x80, v4, vm1, $0xb8;
	[tilespmem:$0xF680] =	vst v63  }
0x21d: {  	s24 =	simm.s32 $0xEA80  }
0x21e: {  	[tilespmem:s24], [sflag:$0x2] =	stream.indirect_vreg.gather [hbm4b:s3+s2], $0x80, v3, vm0, $0xb8;
	[tilespmem:$0xF680] =	vst v63  }
0x21f: {  	s26 =	simm.s32 $0xF280  }
0x220: {  	[tilespmem:s26], [sflag:$0x2] =	stream.indirect_vreg.gather [hbm4b:s4+s2], $0x80, v3, vm1, $0xb8;
	[tilespmem:$0xF680] =	vst v63  }
0x221: {  	_ =	swait.ge [sflag:s22], $0x7800  }
0x222: {  	[sflag:s22] =	ssyncset.done $0x0  }
0x223: {  	s24 =	rddreg [dreg:$0x7];
	[sflag:s22] =	ssyncadd.s32 $0xFFFF8800  }
0x224: {  	[hbm4b:s24+s2] =	stream.linear.scatter [tilespmem:s13], [sflag:$0x3], $0x7800, $0x38;
	[tilespmem:$0xF680] =	vst v63  }
0x225: {  	_ =	swait.ge [sflag:s6], $0x7800  }
0x226: {  	[sflag:s6] =	ssyncset.done $0x0  }
0x227: {  	[sflag:s6] =	ssyncadd.s32 $0xFFFF8800  }
0x228: {  	v3 =	vld [tilespmem:$0x1E0];
	_ =	sdelay $0x4  }
0x229: {  	v50 =	vshrl.u32 v3, $0x3  }
0x22a: {  	v4 =	vmul.u32 $0x18, v50  }
0x22b: {  	v3 =	vand.u32 $0x7, v3  }
0x22c: {  	v3 =	vor.u32 v3, v4  }
0x22d: {  	v4 =	vperm.xlane v3, v0;
	_ =	sdelay $0x1  }
0x22e: {  	v4 =	vadd.s32 v1, v4;
	_ =	sdelay $0x1  }
0x22f: {  	v3 =	vperm.xlane v3, v2;
	_ =	sdelay $0x1  }
0x230: {  	v3 =	vadd.s32 v1, v3  }
0x231: {  	[tilespmem:s13], [sflag:$0x1] =	stream.indirect_vreg.gather [hbm4b:s3+s2], $0x80, v4, vm0, $0xb8;
	[tilespmem:$0xF680] =	vst v63  }
0x232: {  	s24 =	simm.s32 $0xE80  }
0x233: {  	[tilespmem:s24], [sflag:$0x1] =	stream.indirect_vreg.gather [hbm4b:s4+s2], $0x80, v4, vm1, $0xb8;
	[tilespmem:$0xF680] =	vst v63  }
0x234: {  	s29 =	simm.s32 $0x1280  }
0x235: {  	[tilespmem:s29], [sflag:$0x1] =	stream.indirect_vreg.gather [hbm4b:s3+s2], $0x80, v3, vm0, $0xb8;
	[tilespmem:$0xF680] =	vst v63  }
0x236: {  	s24 =	simm.s32 $0x1A80  }
0x237: {  	[tilespmem:s24], [sflag:$0x1] =	stream.indirect_vreg.gather [hbm4b:s4+s2], $0x80, v3, vm1, $0xb8;
	[tilespmem:$0xF680] =	vst v63  }
0x238: {  	v3 =	vld [tilespmem:$0x1F0];
	_ =	sdelay $0x4  }
0x239: {  	v51 =	vshrl.u32 v3, $0x3  }
0x23a: {  	v4 =	vmul.u32 $0x18, v51  }
0x23b: {  	v3 =	vand.u32 $0x7, v3  }
0x23c: {  	v3 =	vor.u32 v3, v4  }
0x23d: {  	v4 =	vperm.xlane v3, v0;
	_ =	sdelay $0x1  }
0x23e: {  	v4 =	vadd.s32 v1, v4;
	_ =	sdelay $0x1  }
0x23f: {  	v3 =	vperm.xlane v3, v2;
	_ =	sdelay $0x1  }
0x240: {  	s24 =	simm.s32 $0x1E80;
	v3 =	vadd.s32 v1, v3  }
0x241: {  	[tilespmem:s24], [sflag:$0x1] =	stream.indirect_vreg.gather [hbm4b:s3+s2], $0x80, v4, vm0, $0xb8;
	[tilespmem:$0xF680] =	vst v63  }
0x242: {  	s24 =	simm.s32 $0x2680  }
0x243: {  	[tilespmem:s24], [sflag:$0x1] =	stream.indirect_vreg.gather [hbm4b:s4+s2], $0x80, v4, vm1, $0xb8;
	[tilespmem:$0xF680] =	vst v63  }
0x244: {  	s30 =	simm.s32 $0x2A80  }
0x245: {  	[tilespmem:s30], [sflag:$0x1] =	stream.indirect_vreg.gather [hbm4b:s3+s2], $0x80, v3, vm0, $0xb8;
	[tilespmem:$0xF680] =	vst v63  }
0x246: {  	s24 =	simm.s32 $0x3280  }
0x247: {  	[tilespmem:s24], [sflag:$0x1] =	stream.indirect_vreg.gather [hbm4b:s4+s2], $0x80, v3, vm1, $0xb8;
	[tilespmem:$0xF680] =	vst v63  }
0x248: {  	v3 =	vld [tilespmem:$0x200];
	_ =	sdelay $0x4  }
0x249: {  	v52 =	vshrl.u32 v3, $0x3  }
0x24a: {  	v4 =	vmul.u32 $0x18, v52  }
0x24b: {  	v3 =	vand.u32 $0x7, v3  }
0x24c: {  	v3 =	vor.u32 v3, v4  }
0x24d: {  	v4 =	vperm.xlane v3, v0;
	_ =	sdelay $0x1  }
0x24e: {  	v4 =	vadd.s32 v1, v4;
	_ =	sdelay $0x1  }
0x24f: {  	v3 =	vperm.xlane v3, v2;
	_ =	sdelay $0x1  }
0x250: {  	s31 =	simm.s32 $0x3680;
	v3 =	vadd.s32 v1, v3  }
0x251: {  	[tilespmem:s31], [sflag:$0x1] =	stream.indirect_vreg.gather [hbm4b:s3+s2], $0x80, v4, vm0, $0xb8;
	[tilespmem:$0xF680] =	vst v63  }
0x252: {  	s0 =	simm.s32 $0x3E80  }
0x253: {  	[tilespmem:s0], [sflag:$0x1] =	stream.indirect_vreg.gather [hbm4b:s4+s2], $0x80, v4, vm1, $0xb8;
	[tilespmem:$0xF680] =	vst v63  }
0x254: {  	s1 =	simm.s32 $0x4280  }
0x255: {  	[tilespmem:s1], [sflag:$0x1] =	stream.indirect_vreg.gather [hbm4b:s3+s2], $0x80, v3, vm0, $0xb8;
	[tilespmem:$0xF680] =	vst v63  }
0x256: {  	s24 =	simm.s32 $0x4A80  }
0x257: {  	[tilespmem:s24], [sflag:$0x1] =	stream.indirect_vreg.gather [hbm4b:s4+s2], $0x80, v3, vm1, $0xb8;
	[tilespmem:$0xF680] =	vst v63  }
0x258: {  	v3 =	vld [tilespmem:$0x210];
	_ =	sdelay $0x4  }
0x259: {  	v53 =	vshrl.u32 v3, $0x3  }
0x25a: {  	v4 =	vmul.u32 $0x18, v53  }
0x25b: {  	v3 =	vand.u32 $0x7, v3  }
0x25c: {  	v3 =	vor.u32 v3, v4  }
0x25d: {  	v4 =	vperm.xlane v3, v0;
	_ =	sdelay $0x1  }
0x25e: {  	v4 =	vadd.s32 v1, v4;
	_ =	sdelay $0x1  }
0x25f: {  	v3 =	vperm.xlane v3, v2;
	_ =	sdelay $0x1  }
0x260: {  	s5 =	simm.s32 $0x4E80;
	v3 =	vadd.s32 v1, v3  }
0x261: {  	[tilespmem:s5], [sflag:$0x1] =	stream.indirect_vreg.gather [hbm4b:s3+s2], $0x80, v4, vm0, $0xb8;
	[tilespmem:$0xF680] =	vst v63  }
0x262: {  	s7 =	simm.s32 $0x5680  }
0x263: {  	[tilespmem:s7], [sflag:$0x1] =	stream.indirect_vreg.gather [hbm4b:s4+s2], $0x80, v4, vm1, $0xb8;
	[tilespmem:$0xF680] =	vst v63  }
0x264: {  	s8 =	simm.s32 $0x5A80  }
0x265: {  	[tilespmem:s8], [sflag:$0x1] =	stream.indirect_vreg.gather [hbm4b:s3+s2], $0x80, v3, vm0, $0xb8;
	[tilespmem:$0xF680] =	vst v63  }
0x266: {  	s24 =	simm.s32 $0x6280  }
0x267: {  	[tilespmem:s24], [sflag:$0x1] =	stream.indirect_vreg.gather [hbm4b:s4+s2], $0x80, v3, vm1, $0xb8;
	[tilespmem:$0xF680] =	vst v63  }
0x268: {  	v3 =	vld [tilespmem:$0x220];
	_ =	sdelay $0x4  }
0x269: {  	v54 =	vshrl.u32 v3, $0x3  }
0x26a: {  	v4 =	vmul.u32 $0x18, v54  }
0x26b: {  	v3 =	vand.u32 $0x7, v3  }
0x26c: {  	v3 =	vor.u32 v3, v4  }
0x26d: {  	v4 =	vperm.xlane v3, v0;
	_ =	sdelay $0x1  }
0x26e: {  	v4 =	vadd.s32 v1, v4;
	_ =	sdelay $0x1  }
0x26f: {  	v3 =	vperm.xlane v3, v2;
	_ =	sdelay $0x1  }
0x270: {  	s9 =	simm.s32 $0x6680;
	v3 =	vadd.s32 v1, v3  }
0x271: {  	[tilespmem:s9], [sflag:$0x1] =	stream.indirect_vreg.gather [hbm4b:s3+s2], $0x80, v4, vm0, $0xb8;
	[tilespmem:$0xF680] =	vst v63  }
0x272: {  	s10 =	simm.s32 $0x6E80  }
0x273: {  	[tilespmem:s10], [sflag:$0x1] =	stream.indirect_vreg.gather [hbm4b:s4+s2], $0x80, v4, vm1, $0xb8;
	[tilespmem:$0xF680] =	vst v63  }
0x274: {  	s11 =	simm.s32 $0x7280  }
0x275: {  	[tilespmem:s11], [sflag:$0x1] =	stream.indirect_vreg.gather [hbm4b:s3+s2], $0x80, v3, vm0, $0xb8;
	[tilespmem:$0xF680] =	vst v63  }
0x276: {  	s12 =	simm.s32 $0x7A80  }
0x277: {  	[tilespmem:s12], [sflag:$0x1] =	stream.indirect_vreg.gather [hbm4b:s4+s2], $0x80, v3, vm1, $0xb8;
	[tilespmem:$0xF680] =	vst v63  }
0x278: {  	_ =	swait.ge [sflag:s23], $0x7800  }
0x279: {  	[sflag:s23] =	ssyncset.done $0x0  }
0x27a: {  	s24 =	rddreg [dreg:$0x8];
	[sflag:s23] =	ssyncadd.s32 $0xFFFF8800  }
0x27b: {  	[hbm4b:s24+s2] =	stream.linear.scatter [tilespmem:s28], [sflag:$0x3], $0x7800, $0x38;
	[tilespmem:$0xF680] =	vst v63  }
0x27c: {  	_ =	swait.ge [sflag:s6], $0x7800  }
0x27d: {  	[sflag:s6] =	ssyncset.done $0x0  }
0x27e: {  	[sflag:s6] =	ssyncadd.s32 $0xFFFF8800  }
0x27f: {  	v3 =	vld [tilespmem:$0x230];
	_ =	sdelay $0x4  }
0x280: {  	v55 =	vshrl.u32 v3, $0x3  }
0x281: {  	v4 =	vmul.u32 $0x18, v55  }
0x282: {  	v3 =	vand.u32 $0x7, v3  }
0x283: {  	v3 =	vor.u32 v3, v4  }
0x284: {  	v4 =	vperm.xlane v3, v0;
	_ =	sdelay $0x1  }
0x285: {  	v4 =	vadd.s32 v1, v4;
	_ =	sdelay $0x1  }
0x286: {  	v3 =	vperm.xlane v3, v2;
	_ =	sdelay $0x1  }
0x287: {  	v3 =	vadd.s32 v1, v3  }
0x288: {  	[tilespmem:s28], [sflag:$0x2] =	stream.indirect_vreg.gather [hbm4b:s3+s2], $0x80, v4, vm0, $0xb8;
	[tilespmem:$0xF680] =	vst v63  }
0x289: {  	s17 =	simm.s32 $0x8680  }
0x28a: {  	[tilespmem:s17], [sflag:$0x2] =	stream.indirect_vreg.gather [hbm4b:s4+s2], $0x80, v4, vm1, $0xb8;
	[tilespmem:$0xF680] =	vst v63  }
0x28b: {  	s24 =	simm.s32 $0x8A80  }
0x28c: {  	[tilespmem:s24], [sflag:$0x2] =	stream.indirect_vreg.gather [hbm4b:s3+s2], $0x80, v3, vm0, $0xb8;
	[tilespmem:$0xF680] =	vst v63  }
0x28d: {  	s24 =	simm.s32 $0x9280  }
0x28e: {  	[tilespmem:s24], [sflag:$0x2] =	stream.indirect_vreg.gather [hbm4b:s4+s2], $0x80, v3, vm1, $0xb8;
	[tilespmem:$0xF680] =	vst v63  }
0x28f: {  	v3 =	vld [tilespmem:$0x240];
	_ =	sdelay $0x4  }
0x290: {  	v56 =	vshrl.u32 v3, $0x3  }
0x291: {  	v4 =	vmul.u32 $0x18, v56  }
0x292: {  	v3 =	vand.u32 $0x7, v3  }
0x293: {  	v3 =	vor.u32 v3, v4  }
0x294: {  	v4 =	vperm.xlane v3, v0;
	_ =	sdelay $0x1  }
0x295: {  	v4 =	vadd.s32 v1, v4;
	_ =	sdelay $0x1  }
0x296: {  	v3 =	vperm.xlane v3, v2;
	_ =	sdelay $0x1  }
0x297: {  	s14 =	simm.s32 $0x9680;
	v3 =	vadd.s32 v1, v3  }
0x298: {  	[tilespmem:s14], [sflag:$0x2] =	stream.indirect_vreg.gather [hbm4b:s3+s2], $0x80, v4, vm0, $0xb8;
	[tilespmem:$0xF680] =	vst v63  }
0x299: {  	s15 =	simm.s32 $0x9E80  }
0x29a: {  	[tilespmem:s15], [sflag:$0x2] =	stream.indirect_vreg.gather [hbm4b:s4+s2], $0x80, v4, vm1, $0xb8;
	[tilespmem:$0xF680] =	vst v63  }
0x29b: {  	s16 =	simm.s32 $0xA280  }
0x29c: {  	[tilespmem:s16], [sflag:$0x2] =	stream.indirect_vreg.gather [hbm4b:s3+s2], $0x80, v3, vm0, $0xb8;
	[tilespmem:$0xF680] =	vst v63  }
0x29d: {  	s24 =	simm.s32 $0xAA80  }
0x29e: {  	[tilespmem:s24], [sflag:$0x2] =	stream.indirect_vreg.gather [hbm4b:s4+s2], $0x80, v3, vm1, $0xb8;
	[tilespmem:$0xF680] =	vst v63  }
0x29f: {  	v3 =	vld [tilespmem:$0x250];
	_ =	sdelay $0x4  }
0x2a0: {  	v57 =	vshrl.u32 v3, $0x3  }
0x2a1: {  	v4 =	vmul.u32 $0x18, v57  }
0x2a2: {  	v3 =	vand.u32 $0x7, v3  }
0x2a3: {  	v3 =	vor.u32 v3, v4  }
0x2a4: {  	v4 =	vperm.xlane v3, v0;
	_ =	sdelay $0x1  }
0x2a5: {  	v4 =	vadd.s32 v1, v4;
	_ =	sdelay $0x1  }
0x2a6: {  	v3 =	vperm.xlane v3, v2;
	_ =	sdelay $0x1  }
0x2a7: {  	s18 =	simm.s32 $0xAE80;
	v3 =	vadd.s32 v1, v3  }
0x2a8: {  	[tilespmem:s18], [sflag:$0x2] =	stream.indirect_vreg.gather [hbm4b:s3+s2], $0x80, v4, vm0, $0xb8;
	[tilespmem:$0xF680] =	vst v63  }
0x2a9: {  	s19 =	simm.s32 $0xB680  }
0x2aa: {  	[tilespmem:s19], [sflag:$0x2] =	stream.indirect_vreg.gather [hbm4b:s4+s2], $0x80, v4, vm1, $0xb8;
	[tilespmem:$0xF680] =	vst v63  }
0x2ab: {  	s20 =	simm.s32 $0xBA80  }
0x2ac: {  	[tilespmem:s20], [sflag:$0x2] =	stream.indirect_vreg.gather [hbm4b:s3+s2], $0x80, v3, vm0, $0xb8;
	[tilespmem:$0xF680] =	vst v63  }
0x2ad: {  	s24 =	simm.s32 $0xC280  }
0x2ae: {  	[tilespmem:s24], [sflag:$0x2] =	stream.indirect_vreg.gather [hbm4b:s4+s2], $0x80, v3, vm1, $0xb8;
	[tilespmem:$0xF680] =	vst v63  }
0x2af: {  	v3 =	vld [tilespmem:$0x260];
	_ =	sdelay $0x4  }
0x2b0: {  	v58 =	vshrl.u32 v3, $0x3  }
0x2b1: {  	v4 =	vmul.u32 $0x18, v58  }
0x2b2: {  	v3 =	vand.u32 $0x7, v3  }
0x2b3: {  	v3 =	vor.u32 v3, v4  }
0x2b4: {  	v4 =	vperm.xlane v3, v0;
	_ =	sdelay $0x1  }
0x2b5: {  	v4 =	vadd.s32 v1, v4;
	_ =	sdelay $0x1  }
0x2b6: {  	v3 =	vperm.xlane v3, v2;
	_ =	sdelay $0x1  }
0x2b7: {  	s21 =	simm.s32 $0xC680;
	v3 =	vadd.s32 v1, v3  }
0x2b8: {  	[tilespmem:s21], [sflag:$0x2] =	stream.indirect_vreg.gather [hbm4b:s3+s2], $0x80, v4, vm0, $0xb8;
	[tilespmem:$0xF680] =	vst v63  }
0x2b9: {  	s24 =	simm.s32 $0xCE80  }
0x2ba: {  	[tilespmem:s24], [sflag:$0x2] =	stream.indirect_vreg.gather [hbm4b:s4+s2], $0x80, v4, vm1, $0xb8;
	[tilespmem:$0xF680] =	vst v63  }
0x2bb: {  	s24 =	simm.s32 $0xD280  }
0x2bc: {  	[tilespmem:s24], [sflag:$0x2] =	stream.indirect_vreg.gather [hbm4b:s3+s2], $0x80, v3, vm0, $0xb8;
	[tilespmem:$0xF680] =	vst v63  }
0x2bd: {  	s24 =	simm.s32 $0xDA80  }
0x2be: {  	[tilespmem:s24], [sflag:$0x2] =	stream.indirect_vreg.gather [hbm4b:s4+s2], $0x80, v3, vm1, $0xb8;
	[tilespmem:$0xF680] =	vst v63  }
0x2bf: {  	v3 =	vld [tilespmem:$0x270];
	_ =	sdelay $0x4  }
0x2c0: {  	v59 =	vshrl.u32 v3, $0x3  }
0x2c1: {  	v4 =	vmul.u32 $0x18, v59  }
0x2c2: {  	v3 =	vand.u32 $0x7, v3  }
0x2c3: {  	v3 =	vor.u32 v3, v4  }
0x2c4: {  	v4 =	vperm.xlane v3, v0;
	_ =	sdelay $0x1  }
0x2c5: {  	v4 =	vadd.s32 v1, v4;
	_ =	sdelay $0x1  }
0x2c6: {  	v3 =	vperm.xlane v3, v2;
	_ =	sdelay $0x1  }
0x2c7: {  	s25 =	simm.s32 $0xDE80;
	v3 =	vadd.s32 v1, v3  }
0x2c8: {  	[tilespmem:s25], [sflag:$0x2] =	stream.indirect_vreg.gather [hbm4b:s3+s2], $0x80, v4, vm0, $0xb8;
	[tilespmem:$0xF680] =	vst v63  }
0x2c9: {  	s24 =	simm.s32 $0xE680  }
0x2ca: {  	[tilespmem:s24], [sflag:$0x2] =	stream.indirect_vreg.gather [hbm4b:s4+s2], $0x80, v4, vm1, $0xb8;
	[tilespmem:$0xF680] =	vst v63  }
0x2cb: {  	s24 =	simm.s32 $0xEA80  }
0x2cc: {  	[tilespmem:s24], [sflag:$0x2] =	stream.indirect_vreg.gather [hbm4b:s3+s2], $0x80, v3, vm0, $0xb8;
	[tilespmem:$0xF680] =	vst v63  }
0x2cd: {  	s26 =	simm.s32 $0xF280  }
0x2ce: {  	[tilespmem:s26], [sflag:$0x2] =	stream.indirect_vreg.gather [hbm4b:s4+s2], $0x80, v3, vm1, $0xb8;
	[tilespmem:$0xF680] =	vst v63  }
0x2cf: {  	_ =	swait.ge [sflag:s22], $0x7800  }
0x2d0: {  	[sflag:s22] =	ssyncset.done $0x0  }
0x2d1: {  	s24 =	rddreg [dreg:$0x9];
	[sflag:s22] =	ssyncadd.s32 $0xFFFF8800  }
0x2d2: {  	[hbm4b:s24+s2] =	stream.linear.scatter [tilespmem:s13], [sflag:$0x3], $0x7800, $0x38;
	[tilespmem:$0xF680] =	vst v63  }
0x2d3: {  	_ =	swait.ge [sflag:s6], $0x7800  }
0x2d4: {  	[sflag:s6] =	ssyncset.done $0x0  }
0x2d5: {  	[sflag:s6] =	ssyncadd.s32 $0xFFFF8800  }
0x2d6: {  	v3 =	vld [tilespmem:$0x280];
	_ =	sdelay $0x4  }
0x2d7: {  	v60 =	vshrl.u32 v3, $0x3  }
0x2d8: {  	v4 =	vmul.u32 $0x18, v60  }
0x2d9: {  	v3 =	vand.u32 $0x7, v3  }
0x2da: {  	v3 =	vor.u32 v3, v4  }
0x2db: {  	v4 =	vperm.xlane v3, v0;
	_ =	sdelay $0x1  }
0x2dc: {  	v4 =	vadd.s32 v1, v4;
	_ =	sdelay $0x1  }
0x2dd: {  	v3 =	vperm.xlane v3, v2;
	_ =	sdelay $0x1  }
0x2de: {  	v3 =	vadd.s32 v1, v3  }
0x2df: {  	[tilespmem:s13], [sflag:$0x1] =	stream.indirect_vreg.gather [hbm4b:s3+s2], $0x80, v4, vm0, $0xb8;
	[tilespmem:$0xF680] =	vst v63  }
0x2e0: {  	s24 =	simm.s32 $0xE80  }
0x2e1: {  	[tilespmem:s24], [sflag:$0x1] =	stream.indirect_vreg.gather [hbm4b:s4+s2], $0x80, v4, vm1, $0xb8;
	[tilespmem:$0xF680] =	vst v63  }
0x2e2: {  	s29 =	simm.s32 $0x1280  }
0x2e3: {  	[tilespmem:s29], [sflag:$0x1] =	stream.indirect_vreg.gather [hbm4b:s3+s2], $0x80, v3, vm0, $0xb8;
	[tilespmem:$0xF680] =	vst v63  }
0x2e4: {  	s24 =	simm.s32 $0x1A80  }
0x2e5: {  	[tilespmem:s24], [sflag:$0x1] =	stream.indirect_vreg.gather [hbm4b:s4+s2], $0x80, v3, vm1, $0xb8;
	[tilespmem:$0xF680] =	vst v63  }
0x2e6: {  	v3 =	vld [tilespmem:$0x290];
	_ =	sdelay $0x4  }
0x2e7: {  	v61 =	vshrl.u32 v3, $0x3  }
0x2e8: {  	v4 =	vmul.u32 $0x18, v61  }
0x2e9: {  	v3 =	vand.u32 $0x7, v3  }
0x2ea: {  	v3 =	vor.u32 v3, v4  }
0x2eb: {  	v4 =	vperm.xlane v3, v0;
	_ =	sdelay $0x1  }
0x2ec: {  	v4 =	vadd.s32 v1, v4;
	_ =	sdelay $0x1  }
0x2ed: {  	v3 =	vperm.xlane v3, v2;
	_ =	sdelay $0x1  }
0x2ee: {  	s24 =	simm.s32 $0x1E80;
	v3 =	vadd.s32 v1, v3  }
0x2ef: {  	[tilespmem:s24], [sflag:$0x1] =	stream.indirect_vreg.gather [hbm4b:s3+s2], $0x80, v4, vm0, $0xb8;
	[tilespmem:$0xF680] =	vst v63  }
0x2f0: {  	s24 =	simm.s32 $0x2680  }
0x2f1: {  	[tilespmem:s24], [sflag:$0x1] =	stream.indirect_vreg.gather [hbm4b:s4+s2], $0x80, v4, vm1, $0xb8;
	[tilespmem:$0xF680] =	vst v63  }
0x2f2: {  	s30 =	simm.s32 $0x2A80  }
0x2f3: {  	[tilespmem:s30], [sflag:$0x1] =	stream.indirect_vreg.gather [hbm4b:s3+s2], $0x80, v3, vm0, $0xb8;
	[tilespmem:$0xF680] =	vst v63  }
0x2f4: {  	s24 =	simm.s32 $0x3280  }
0x2f5: {  	[tilespmem:s24], [sflag:$0x1] =	stream.indirect_vreg.gather [hbm4b:s4+s2], $0x80, v3, vm1, $0xb8;
	[tilespmem:$0xF680] =	vst v63  }
0x2f6: {  	v3 =	vld [tilespmem:$0x2A0];
	_ =	sdelay $0x4  }
0x2f7: {  	v62 =	vshrl.u32 v3, $0x3  }
0x2f8: {  	v4 =	vmul.u32 $0x18, v62  }
0x2f9: {  	v3 =	vand.u32 $0x7, v3  }
0x2fa: {  	v3 =	vor.u32 v3, v4  }
0x2fb: {  	v4 =	vperm.xlane v3, v0;
	_ =	sdelay $0x1  }
0x2fc: {  	v4 =	vadd.s32 v1, v4;
	_ =	sdelay $0x1  }
0x2fd: {  	v3 =	vperm.xlane v3, v2;
	_ =	sdelay $0x1  }
0x2fe: {  	s31 =	simm.s32 $0x3680;
	v3 =	vadd.s32 v1, v3  }
0x2ff: {  	[tilespmem:s31], [sflag:$0x1] =	stream.indirect_vreg.gather [hbm4b:s3+s2], $0x80, v4, vm0, $0xb8;
	[tilespmem:$0xF680] =	vst v63  }
0x300: {  	s0 =	simm.s32 $0x3E80  }
0x301: {  	[tilespmem:s0], [sflag:$0x1] =	stream.indirect_vreg.gather [hbm4b:s4+s2], $0x80, v4, vm1, $0xb8;
	[tilespmem:$0xF680] =	vst v63  }
0x302: {  	s1 =	simm.s32 $0x4280  }
0x303: {  	[tilespmem:s1], [sflag:$0x1] =	stream.indirect_vreg.gather [hbm4b:s3+s2], $0x80, v3, vm0, $0xb8;
	[tilespmem:$0xF680] =	vst v63  }
0x304: {  	s24 =	simm.s32 $0x4A80  }
0x305: {  	[tilespmem:s24], [sflag:$0x1] =	stream.indirect_vreg.gather [hbm4b:s4+s2], $0x80, v3, vm1, $0xb8;
	[tilespmem:$0xF680] =	vst v63  }
0x306: {  	v3 =	vld [tilespmem:$0x2B0];
	_ =	sdelay $0x4  }
0x307: {  	v63 =	vshrl.u32 v3, $0x3  }
0x308: {  	v4 =	vmul.u32 $0x18, v63  }
0x309: {  	v3 =	vand.u32 $0x7, v3  }
0x30a: {  	v3 =	vor.u32 v3, v4  }
0x30b: {  	v4 =	vperm.xlane v3, v0;
	_ =	sdelay $0x1  }
0x30c: {  	v4 =	vadd.s32 v1, v4;
	_ =	sdelay $0x1  }
0x30d: {  	v3 =	vperm.xlane v3, v2;
	_ =	sdelay $0x1  }
0x30e: {  	s5 =	simm.s32 $0x4E80;
	v3 =	vadd.s32 v1, v3  }
0x30f: {  	[tilespmem:s5], [sflag:$0x1] =	stream.indirect_vreg.gather [hbm4b:s3+s2], $0x80, v4, vm0, $0xb8;
	[tilespmem:$0xF680] =	vst v63  }
0x310: {  	s7 =	simm.s32 $0x5680  }
0x311: {  	[tilespmem:s7], [sflag:$0x1] =	stream.indirect_vreg.gather [hbm4b:s4+s2], $0x80, v4, vm1, $0xb8;
	[tilespmem:$0xF680] =	vst v63  }
0x312: {  	s8 =	simm.s32 $0x5A80  }
0x313: {  	[tilespmem:s8], [sflag:$0x1] =	stream.indirect_vreg.gather [hbm4b:s3+s2], $0x80, v3, vm0, $0xb8;
	[tilespmem:$0xF680] =	vst v63  }
0x314: {  	s24 =	simm.s32 $0x6280  }
0x315: {  	[tilespmem:s24], [sflag:$0x1] =	stream.indirect_vreg.gather [hbm4b:s4+s2], $0x80, v3, vm1, $0xb8;
	[tilespmem:$0xF680] =	vst v63  }
0x316: {  	v3 =	vld [tilespmem:$0x2C0];
	_ =	sdelay $0x4  }
0x317: {  	v8 =	vshrl.u32 v3, $0x3  }
0x318: {  	v4 =	vmul.u32 $0x18, v8  }
0x319: {  	v3 =	vand.u32 $0x7, v3  }
0x31a: {  	v3 =	vor.u32 v3, v4  }
0x31b: {  	v4 =	vperm.xlane v3, v0;
	_ =	sdelay $0x1  }
0x31c: {  	v4 =	vadd.s32 v1, v4;
	_ =	sdelay $0x1  }
0x31d: {  	v3 =	vperm.xlane v3, v2;
	_ =	sdelay $0x1  }
0x31e: {  	s9 =	simm.s32 $0x6680;
	v3 =	vadd.s32 v1, v3  }
0x31f: {  	[tilespmem:s9], [sflag:$0x1] =	stream.indirect_vreg.gather [hbm4b:s3+s2], $0x80, v4, vm0, $0xb8;
	[tilespmem:$0xF680] =	vst v63  }
0x320: {  	s10 =	simm.s32 $0x6E80  }
0x321: {  	[tilespmem:s10], [sflag:$0x1] =	stream.indirect_vreg.gather [hbm4b:s4+s2], $0x80, v4, vm1, $0xb8;
	[tilespmem:$0xF680] =	vst v63  }
0x322: {  	s11 =	simm.s32 $0x7280  }
0x323: {  	[tilespmem:s11], [sflag:$0x1] =	stream.indirect_vreg.gather [hbm4b:s3+s2], $0x80, v3, vm0, $0xb8;
	[tilespmem:$0xF680] =	vst v63  }
0x324: {  	s12 =	simm.s32 $0x7A80  }
0x325: {  	[tilespmem:s12], [sflag:$0x1] =	stream.indirect_vreg.gather [hbm4b:s4+s2], $0x80, v3, vm1, $0xb8;
	[tilespmem:$0xF680] =	vst v63  }
0x326: {  	_ =	swait.ge [sflag:s23], $0x7800  }
0x327: {  	[sflag:s23] =	ssyncset.done $0x0  }
0x328: {  	s24 =	rddreg [dreg:$0xa];
	[sflag:s23] =	ssyncadd.s32 $0xFFFF8800  }
0x329: {  	[hbm4b:s24+s2] =	stream.linear.scatter [tilespmem:s28], [sflag:$0x3], $0x7800, $0x38;
	[tilespmem:$0xF680] =	vst v63  }
0x32a: {  	_ =	swait.ge [sflag:s6], $0x7800  }
0x32b: {  	[sflag:s6] =	ssyncset.done $0x0  }
0x32c: {  	[sflag:s6] =	ssyncadd.s32 $0xFFFF8800  }
0x32d: {  	v3 =	vld [tilespmem:$0x2D0];
	_ =	sdelay $0x4  }
0x32e: {  	v9 =	vshrl.u32 v3, $0x3  }
0x32f: {  	v4 =	vmul.u32 $0x18, v9  }
0x330: {  	v3 =	vand.u32 $0x7, v3  }
0x331: {  	v3 =	vor.u32 v3, v4  }
0x332: {  	v4 =	vperm.xlane v3, v0;
	_ =	sdelay $0x1  }
0x333: {  	v4 =	vadd.s32 v1, v4;
	_ =	sdelay $0x1  }
0x334: {  	v3 =	vperm.xlane v3, v2;
	_ =	sdelay $0x1  }
0x335: {  	v3 =	vadd.s32 v1, v3  }
0x336: {  	[tilespmem:s28], [sflag:$0x2] =	stream.indirect_vreg.gather [hbm4b:s3+s2], $0x80, v4, vm0, $0xb8;
	[tilespmem:$0xF680] =	vst v63  }
0x337: {  	s17 =	simm.s32 $0x8680  }
0x338: {  	[tilespmem:s17], [sflag:$0x2] =	stream.indirect_vreg.gather [hbm4b:s4+s2], $0x80, v4, vm1, $0xb8;
	[tilespmem:$0xF680] =	vst v63  }
0x339: {  	s24 =	simm.s32 $0x8A80  }
0x33a: {  	[tilespmem:s24], [sflag:$0x2] =	stream.indirect_vreg.gather [hbm4b:s3+s2], $0x80, v3, vm0, $0xb8;
	[tilespmem:$0xF680] =	vst v63  }
0x33b: {  	s24 =	simm.s32 $0x9280  }
0x33c: {  	[tilespmem:s24], [sflag:$0x2] =	stream.indirect_vreg.gather [hbm4b:s4+s2], $0x80, v3, vm1, $0xb8;
	[tilespmem:$0xF680] =	vst v63  }
0x33d: {  	v3 =	vld [tilespmem:$0x2E0];
	_ =	sdelay $0x4  }
0x33e: {  	v10 =	vshrl.u32 v3, $0x3  }
0x33f: {  	v4 =	vmul.u32 $0x18, v10  }
0x340: {  	v3 =	vand.u32 $0x7, v3  }
0x341: {  	v3 =	vor.u32 v3, v4  }
0x342: {  	v4 =	vperm.xlane v3, v0;
	_ =	sdelay $0x1  }
0x343: {  	v4 =	vadd.s32 v1, v4;
	_ =	sdelay $0x1  }
0x344: {  	v3 =	vperm.xlane v3, v2;
	_ =	sdelay $0x1  }
0x345: {  	s14 =	simm.s32 $0x9680;
	v3 =	vadd.s32 v1, v3  }
0x346: {  	[tilespmem:s14], [sflag:$0x2] =	stream.indirect_vreg.gather [hbm4b:s3+s2], $0x80, v4, vm0, $0xb8;
	[tilespmem:$0xF680] =	vst v63  }
0x347: {  	s15 =	simm.s32 $0x9E80  }
0x348: {  	[tilespmem:s15], [sflag:$0x2] =	stream.indirect_vreg.gather [hbm4b:s4+s2], $0x80, v4, vm1, $0xb8;
	[tilespmem:$0xF680] =	vst v63  }
0x349: {  	s16 =	simm.s32 $0xA280  }
0x34a: {  	[tilespmem:s16], [sflag:$0x2] =	stream.indirect_vreg.gather [hbm4b:s3+s2], $0x80, v3, vm0, $0xb8;
	[tilespmem:$0xF680] =	vst v63  }
0x34b: {  	s24 =	simm.s32 $0xAA80  }
0x34c: {  	[tilespmem:s24], [sflag:$0x2] =	stream.indirect_vreg.gather [hbm4b:s4+s2], $0x80, v3, vm1, $0xb8;
	[tilespmem:$0xF680] =	vst v63  }
0x34d: {  	v3 =	vld [tilespmem:$0x2F0];
	_ =	sdelay $0x4  }
0x34e: {  	v11 =	vshrl.u32 v3, $0x3  }
0x34f: {  	v4 =	vmul.u32 $0x18, v11  }
0x350: {  	v3 =	vand.u32 $0x7, v3  }
0x351: {  	v3 =	vor.u32 v3, v4  }
0x352: {  	v4 =	vperm.xlane v3, v0;
	_ =	sdelay $0x1  }
0x353: {  	v4 =	vadd.s32 v1, v4;
	_ =	sdelay $0x1  }
0x354: {  	v3 =	vperm.xlane v3, v2;
	_ =	sdelay $0x1  }
0x355: {  	s18 =	simm.s32 $0xAE80;
	v3 =	vadd.s32 v1, v3  }
0x356: {  	[tilespmem:s18], [sflag:$0x2] =	stream.indirect_vreg.gather [hbm4b:s3+s2], $0x80, v4, vm0, $0xb8;
	[tilespmem:$0xF680] =	vst v63  }
0x357: {  	s19 =	simm.s32 $0xB680  }
0x358: {  	[tilespmem:s19], [sflag:$0x2] =	stream.indirect_vreg.gather [hbm4b:s4+s2], $0x80, v4, vm1, $0xb8;
	[tilespmem:$0xF680] =	vst v63  }
0x359: {  	s20 =	simm.s32 $0xBA80  }
0x35a: {  	[tilespmem:s20], [sflag:$0x2] =	stream.indirect_vreg.gather [hbm4b:s3+s2], $0x80, v3, vm0, $0xb8;
	[tilespmem:$0xF680] =	vst v63  }
0x35b: {  	s24 =	simm.s32 $0xC280  }
0x35c: {  	[tilespmem:s24], [sflag:$0x2] =	stream.indirect_vreg.gather [hbm4b:s4+s2], $0x80, v3, vm1, $0xb8;
	[tilespmem:$0xF680] =	vst v63  }
0x35d: {  	v3 =	vld [tilespmem:$0x300];
	_ =	sdelay $0x4  }
0x35e: {  	v12 =	vshrl.u32 v3, $0x3  }
0x35f: {  	v4 =	vmul.u32 $0x18, v12  }
0x360: {  	v3 =	vand.u32 $0x7, v3  }
0x361: {  	v3 =	vor.u32 v3, v4  }
0x362: {  	v4 =	vperm.xlane v3, v0;
	_ =	sdelay $0x1  }
0x363: {  	v4 =	vadd.s32 v1, v4;
	_ =	sdelay $0x1  }
0x364: {  	v3 =	vperm.xlane v3, v2;
	_ =	sdelay $0x1  }
0x365: {  	s21 =	simm.s32 $0xC680;
	v3 =	vadd.s32 v1, v3  }
0x366: {  	[tilespmem:s21], [sflag:$0x2] =	stream.indirect_vreg.gather [hbm4b:s3+s2], $0x80, v4, vm0, $0xb8;
	[tilespmem:$0xF680] =	vst v63  }
0x367: {  	s24 =	simm.s32 $0xCE80  }
0x368: {  	[tilespmem:s24], [sflag:$0x2] =	stream.indirect_vreg.gather [hbm4b:s4+s2], $0x80, v4, vm1, $0xb8;
	[tilespmem:$0xF680] =	vst v63  }
0x369: {  	s24 =	simm.s32 $0xD280  }
0x36a: {  	[tilespmem:s24], [sflag:$0x2] =	stream.indirect_vreg.gather [hbm4b:s3+s2], $0x80, v3, vm0, $0xb8;
	[tilespmem:$0xF680] =	vst v63  }
0x36b: {  	s24 =	simm.s32 $0xDA80  }
0x36c: {  	[tilespmem:s24], [sflag:$0x2] =	stream.indirect_vreg.gather [hbm4b:s4+s2], $0x80, v3, vm1, $0xb8;
	[tilespmem:$0xF680] =	vst v63  }
0x36d: {  	v3 =	vld [tilespmem:$0x310];
	_ =	sdelay $0x4  }
0x36e: {  	v13 =	vshrl.u32 v3, $0x3  }
0x36f: {  	v4 =	vmul.u32 $0x18, v13  }
0x370: {  	v3 =	vand.u32 $0x7, v3  }
0x371: {  	v3 =	vor.u32 v3, v4  }
0x372: {  	v4 =	vperm.xlane v3, v0;
	_ =	sdelay $0x1  }
0x373: {  	v4 =	vadd.s32 v1, v4;
	_ =	sdelay $0x1  }
0x374: {  	v3 =	vperm.xlane v3, v2;
	_ =	sdelay $0x1  }
0x375: {  	s25 =	simm.s32 $0xDE80;
	v3 =	vadd.s32 v1, v3  }
0x376: {  	[tilespmem:s25], [sflag:$0x2] =	stream.indirect_vreg.gather [hbm4b:s3+s2], $0x80, v4, vm0, $0xb8;
	[tilespmem:$0xF680] =	vst v63  }
0x377: {  	s24 =	simm.s32 $0xE680  }
0x378: {  	[tilespmem:s24], [sflag:$0x2] =	stream.indirect_vreg.gather [hbm4b:s4+s2], $0x80, v4, vm1, $0xb8;
	[tilespmem:$0xF680] =	vst v63  }
0x379: {  	s24 =	simm.s32 $0xEA80  }
0x37a: {  	[tilespmem:s24], [sflag:$0x2] =	stream.indirect_vreg.gather [hbm4b:s3+s2], $0x80, v3, vm0, $0xb8;
	[tilespmem:$0xF680] =	vst v63  }
0x37b: {  	s26 =	simm.s32 $0xF280  }
0x37c: {  	[tilespmem:s26], [sflag:$0x2] =	stream.indirect_vreg.gather [hbm4b:s4+s2], $0x80, v3, vm1, $0xb8;
	[tilespmem:$0xF680] =	vst v63  }
0x37d: {  	_ =	swait.ge [sflag:s22], $0x7800  }
0x37e: {  	[sflag:s22] =	ssyncset.done $0x0  }
0x37f: {  	s24 =	rddreg [dreg:$0xb];
	[sflag:s22] =	ssyncadd.s32 $0xFFFF8800  }
0x380: {  	[hbm4b:s24+s2] =	stream.linear.scatter [tilespmem:s13], [sflag:$0x3], $0x7800, $0x38;
	[tilespmem:$0xF680] =	vst v63  }
0x381: {  	_ =	swait.ge [sflag:s6], $0x7800  }
0x382: {  	[sflag:s6] =	ssyncset.done $0x0  }
0x383: {  	[sflag:s6] =	ssyncadd.s32 $0xFFFF8800  }
0x384: {  	v3 =	vld [tilespmem:$0x320];
	_ =	sdelay $0x4  }
0x385: {  	v14 =	vshrl.u32 v3, $0x3  }
0x386: {  	v4 =	vmul.u32 $0x18, v14  }
0x387: {  	v3 =	vand.u32 $0x7, v3  }
0x388: {  	v3 =	vor.u32 v3, v4  }
0x389: {  	v4 =	vperm.xlane v3, v0;
	_ =	sdelay $0x1  }
0x38a: {  	v4 =	vadd.s32 v1, v4;
	_ =	sdelay $0x1  }
0x38b: {  	v3 =	vperm.xlane v3, v2;
	_ =	sdelay $0x1  }
0x38c: {  	v3 =	vadd.s32 v1, v3  }
0x38d: {  	[tilespmem:s13], [sflag:$0x1] =	stream.indirect_vreg.gather [hbm4b:s3+s2], $0x80, v4, vm0, $0xb8;
	[tilespmem:$0xF680] =	vst v63  }
0x38e: {  	s24 =	simm.s32 $0xE80  }
0x38f: {  	[tilespmem:s24], [sflag:$0x1] =	stream.indirect_vreg.gather [hbm4b:s4+s2], $0x80, v4, vm1, $0xb8;
	[tilespmem:$0xF680] =	vst v63  }
0x390: {  	s29 =	simm.s32 $0x1280  }
0x391: {  	[tilespmem:s29], [sflag:$0x1] =	stream.indirect_vreg.gather [hbm4b:s3+s2], $0x80, v3, vm0, $0xb8;
	[tilespmem:$0xF680] =	vst v63  }
0x392: {  	s24 =	simm.s32 $0x1A80  }
0x393: {  	[tilespmem:s24], [sflag:$0x1] =	stream.indirect_vreg.gather [hbm4b:s4+s2], $0x80, v3, vm1, $0xb8;
	[tilespmem:$0xF680] =	vst v63  }
0x394: {  	v3 =	vld [tilespmem:$0x330];
	_ =	sdelay $0x4  }
0x395: {  	v15 =	vshrl.u32 v3, $0x3  }
0x396: {  	v4 =	vmul.u32 $0x18, v15  }
0x397: {  	v3 =	vand.u32 $0x7, v3  }
0x398: {  	v3 =	vor.u32 v3, v4  }
0x399: {  	v4 =	vperm.xlane v3, v0;
	_ =	sdelay $0x1  }
0x39a: {  	v4 =	vadd.s32 v1, v4;
	_ =	sdelay $0x1  }
0x39b: {  	v3 =	vperm.xlane v3, v2;
	_ =	sdelay $0x1  }
0x39c: {  	s24 =	simm.s32 $0x1E80;
	v3 =	vadd.s32 v1, v3  }
0x39d: {  	[tilespmem:s24], [sflag:$0x1] =	stream.indirect_vreg.gather [hbm4b:s3+s2], $0x80, v4, vm0, $0xb8;
	[tilespmem:$0xF680] =	vst v63  }
0x39e: {  	s24 =	simm.s32 $0x2680  }
0x39f: {  	[tilespmem:s24], [sflag:$0x1] =	stream.indirect_vreg.gather [hbm4b:s4+s2], $0x80, v4, vm1, $0xb8;
	[tilespmem:$0xF680] =	vst v63  }
0x3a0: {  	s30 =	simm.s32 $0x2A80  }
0x3a1: {  	[tilespmem:s30], [sflag:$0x1] =	stream.indirect_vreg.gather [hbm4b:s3+s2], $0x80, v3, vm0, $0xb8;
	[tilespmem:$0xF680] =	vst v63  }
0x3a2: {  	s24 =	simm.s32 $0x3280  }
0x3a3: {  	[tilespmem:s24], [sflag:$0x1] =	stream.indirect_vreg.gather [hbm4b:s4+s2], $0x80, v3, vm1, $0xb8;
	[tilespmem:$0xF680] =	vst v63  }
0x3a4: {  	v3 =	vld [tilespmem:$0x340];
	_ =	sdelay $0x4  }
0x3a5: {  	v16 =	vshrl.u32 v3, $0x3  }
0x3a6: {  	v4 =	vmul.u32 $0x18, v16  }
0x3a7: {  	v3 =	vand.u32 $0x7, v3  }
0x3a8: {  	v3 =	vor.u32 v3, v4  }
0x3a9: {  	v4 =	vperm.xlane v3, v0;
	_ =	sdelay $0x1  }
0x3aa: {  	v4 =	vadd.s32 v1, v4;
	_ =	sdelay $0x1  }
0x3ab: {  	v3 =	vperm.xlane v3, v2;
	_ =	sdelay $0x1  }
0x3ac: {  	s31 =	simm.s32 $0x3680;
	v3 =	vadd.s32 v1, v3  }
0x3ad: {  	[tilespmem:s31], [sflag:$0x1] =	stream.indirect_vreg.gather [hbm4b:s3+s2], $0x80, v4, vm0, $0xb8;
	[tilespmem:$0xF680] =	vst v63  }
0x3ae: {  	s0 =	simm.s32 $0x3E80  }
0x3af: {  	[tilespmem:s0], [sflag:$0x1] =	stream.indirect_vreg.gather [hbm4b:s4+s2], $0x80, v4, vm1, $0xb8;
	[tilespmem:$0xF680] =	vst v63  }
0x3b0: {  	s1 =	simm.s32 $0x4280  }
0x3b1: {  	[tilespmem:s1], [sflag:$0x1] =	stream.indirect_vreg.gather [hbm4b:s3+s2], $0x80, v3, vm0, $0xb8;
	[tilespmem:$0xF680] =	vst v63  }
0x3b2: {  	s24 =	simm.s32 $0x4A80  }
0x3b3: {  	[tilespmem:s24], [sflag:$0x1] =	stream.indirect_vreg.gather [hbm4b:s4+s2], $0x80, v3, vm1, $0xb8;
	[tilespmem:$0xF680] =	vst v63  }
0x3b4: {  	v3 =	vld [tilespmem:$0x350];
	_ =	sdelay $0x4  }
0x3b5: {  	v17 =	vshrl.u32 v3, $0x3  }
0x3b6: {  	v4 =	vmul.u32 $0x18, v17  }
0x3b7: {  	v3 =	vand.u32 $0x7, v3  }
0x3b8: {  	v3 =	vor.u32 v3, v4  }
0x3b9: {  	v4 =	vperm.xlane v3, v0;
	_ =	sdelay $0x1  }
0x3ba: {  	v4 =	vadd.s32 v1, v4;
	_ =	sdelay $0x1  }
0x3bb: {  	v3 =	vperm.xlane v3, v2;
	_ =	sdelay $0x1  }
0x3bc: {  	s5 =	simm.s32 $0x4E80;
	v3 =	vadd.s32 v1, v3  }
0x3bd: {  	[tilespmem:s5], [sflag:$0x1] =	stream.indirect_vreg.gather [hbm4b:s3+s2], $0x80, v4, vm0, $0xb8;
	[tilespmem:$0xF680] =	vst v63  }
0x3be: {  	s7 =	simm.s32 $0x5680  }
0x3bf: {  	[tilespmem:s7], [sflag:$0x1] =	stream.indirect_vreg.gather [hbm4b:s4+s2], $0x80, v4, vm1, $0xb8;
	[tilespmem:$0xF680] =	vst v63  }
0x3c0: {  	s8 =	simm.s32 $0x5A80  }
0x3c1: {  	[tilespmem:s8], [sflag:$0x1] =	stream.indirect_vreg.gather [hbm4b:s3+s2], $0x80, v3, vm0, $0xb8;
	[tilespmem:$0xF680] =	vst v63  }
0x3c2: {  	s24 =	simm.s32 $0x6280  }
0x3c3: {  	[tilespmem:s24], [sflag:$0x1] =	stream.indirect_vreg.gather [hbm4b:s4+s2], $0x80, v3, vm1, $0xb8;
	[tilespmem:$0xF680] =	vst v63  }
0x3c4: {  	v3 =	vld [tilespmem:$0x360];
	_ =	sdelay $0x4  }
0x3c5: {  	v18 =	vshrl.u32 v3, $0x3  }
0x3c6: {  	v4 =	vmul.u32 $0x18, v18  }
0x3c7: {  	v3 =	vand.u32 $0x7, v3  }
0x3c8: {  	v3 =	vor.u32 v3, v4  }
0x3c9: {  	v4 =	vperm.xlane v3, v0;
	_ =	sdelay $0x1  }
0x3ca: {  	v4 =	vadd.s32 v1, v4;
	_ =	sdelay $0x1  }
0x3cb: {  	v3 =	vperm.xlane v3, v2;
	_ =	sdelay $0x1  }
0x3cc: {  	s9 =	simm.s32 $0x6680;
	v3 =	vadd.s32 v1, v3  }
0x3cd: {  	[tilespmem:s9], [sflag:$0x1] =	stream.indirect_vreg.gather [hbm4b:s3+s2], $0x80, v4, vm0, $0xb8;
	[tilespmem:$0xF680] =	vst v63  }
0x3ce: {  	s10 =	simm.s32 $0x6E80  }
0x3cf: {  	[tilespmem:s10], [sflag:$0x1] =	stream.indirect_vreg.gather [hbm4b:s4+s2], $0x80, v4, vm1, $0xb8;
	[tilespmem:$0xF680] =	vst v63  }
0x3d0: {  	s11 =	simm.s32 $0x7280  }
0x3d1: {  	[tilespmem:s11], [sflag:$0x1] =	stream.indirect_vreg.gather [hbm4b:s3+s2], $0x80, v3, vm0, $0xb8;
	[tilespmem:$0xF680] =	vst v63  }
0x3d2: {  	s12 =	simm.s32 $0x7A80  }
0x3d3: {  	[tilespmem:s12], [sflag:$0x1] =	stream.indirect_vreg.gather [hbm4b:s4+s2], $0x80, v3, vm1, $0xb8;
	[tilespmem:$0xF680] =	vst v63  }
0x3d4: {  	_ =	swait.ge [sflag:s23], $0x7800  }
0x3d5: {  	[sflag:s23] =	ssyncset.done $0x0  }
0x3d6: {  	s24 =	rddreg [dreg:$0xc];
	[sflag:s23] =	ssyncadd.s32 $0xFFFF8800  }
0x3d7: {  	[hbm4b:s24+s2] =	stream.linear.scatter [tilespmem:s28], [sflag:$0x3], $0x7800, $0x38;
	[tilespmem:$0xF680] =	vst v63  }
0x3d8: {  	_ =	swait.ge [sflag:s6], $0x7800  }
0x3d9: {  	[sflag:s6] =	ssyncset.done $0x0  }
0x3da: {  	[sflag:s6] =	ssyncadd.s32 $0xFFFF8800  }
0x3db: {  	v3 =	vld [tilespmem:$0x370];
	_ =	sdelay $0x4  }
0x3dc: {  	v19 =	vshrl.u32 v3, $0x3  }
0x3dd: {  	v4 =	vmul.u32 $0x18, v19  }
0x3de: {  	v3 =	vand.u32 $0x7, v3  }
0x3df: {  	v3 =	vor.u32 v3, v4  }
0x3e0: {  	v4 =	vperm.xlane v3, v0;
	_ =	sdelay $0x1  }
0x3e1: {  	v4 =	vadd.s32 v1, v4;
	_ =	sdelay $0x1  }
0x3e2: {  	v3 =	vperm.xlane v3, v2;
	_ =	sdelay $0x1  }
0x3e3: {  	v3 =	vadd.s32 v1, v3  }
0x3e4: {  	[tilespmem:s28], [sflag:$0x2] =	stream.indirect_vreg.gather [hbm4b:s3+s2], $0x80, v4, vm0, $0xb8;
	[tilespmem:$0xF680] =	vst v63  }
0x3e5: {  	s17 =	simm.s32 $0x8680  }
0x3e6: {  	[tilespmem:s17], [sflag:$0x2] =	stream.indirect_vreg.gather [hbm4b:s4+s2], $0x80, v4, vm1, $0xb8;
	[tilespmem:$0xF680] =	vst v63  }
0x3e7: {  	s24 =	simm.s32 $0x8A80  }
0x3e8: {  	[tilespmem:s24], [sflag:$0x2] =	stream.indirect_vreg.gather [hbm4b:s3+s2], $0x80, v3, vm0, $0xb8;
	[tilespmem:$0xF680] =	vst v63  }
0x3e9: {  	s24 =	simm.s32 $0x9280  }
0x3ea: {  	[tilespmem:s24], [sflag:$0x2] =	stream.indirect_vreg.gather [hbm4b:s4+s2], $0x80, v3, vm1, $0xb8;
	[tilespmem:$0xF680] =	vst v63  }
0x3eb: {  	v3 =	vld [tilespmem:$0x380];
	_ =	sdelay $0x4  }
0x3ec: {  	v20 =	vshrl.u32 v3, $0x3  }
0x3ed: {  	v4 =	vmul.u32 $0x18, v20  }
0x3ee: {  	v3 =	vand.u32 $0x7, v3  }
0x3ef: {  	v3 =	vor.u32 v3, v4  }
0x3f0: {  	v4 =	vperm.xlane v3, v0;
	_ =	sdelay $0x1  }
0x3f1: {  	v4 =	vadd.s32 v1, v4;
	_ =	sdelay $0x1  }
0x3f2: {  	v3 =	vperm.xlane v3, v2;
	_ =	sdelay $0x1  }
0x3f3: {  	s14 =	simm.s32 $0x9680;
	v3 =	vadd.s32 v1, v3  }
0x3f4: {  	[tilespmem:s14], [sflag:$0x2] =	stream.indirect_vreg.gather [hbm4b:s3+s2], $0x80, v4, vm0, $0xb8;
	[tilespmem:$0xF680] =	vst v63  }
0x3f5: {  	s15 =	simm.s32 $0x9E80  }
0x3f6: {  	[tilespmem:s15], [sflag:$0x2] =	stream.indirect_vreg.gather [hbm4b:s4+s2], $0x80, v4, vm1, $0xb8;
	[tilespmem:$0xF680] =	vst v63  }
0x3f7: {  	s16 =	simm.s32 $0xA280  }
0x3f8: {  	[tilespmem:s16], [sflag:$0x2] =	stream.indirect_vreg.gather [hbm4b:s3+s2], $0x80, v3, vm0, $0xb8;
	[tilespmem:$0xF680] =	vst v63  }
0x3f9: {  	s24 =	simm.s32 $0xAA80  }
0x3fa: {  	[tilespmem:s24], [sflag:$0x2] =	stream.indirect_vreg.gather [hbm4b:s4+s2], $0x80, v3, vm1, $0xb8;
	[tilespmem:$0xF680] =	vst v63  }
0x3fb: {  	v3 =	vld [tilespmem:$0x390];
	_ =	sdelay $0x4  }
0x3fc: {  	v21 =	vshrl.u32 v3, $0x3  }
0x3fd: {  	v4 =	vmul.u32 $0x18, v21  }
0x3fe: {  	v3 =	vand.u32 $0x7, v3  }
0x3ff: {  	v3 =	vor.u32 v3, v4  }
0x400: {  	v4 =	vperm.xlane v3, v0;
	_ =	sdelay $0x1  }
0x401: {  	v4 =	vadd.s32 v1, v4;
	_ =	sdelay $0x1  }
0x402: {  	v3 =	vperm.xlane v3, v2;
	_ =	sdelay $0x1  }
0x403: {  	s18 =	simm.s32 $0xAE80;
	v3 =	vadd.s32 v1, v3  }
0x404: {  	[tilespmem:s18], [sflag:$0x2] =	stream.indirect_vreg.gather [hbm4b:s3+s2], $0x80, v4, vm0, $0xb8;
	[tilespmem:$0xF680] =	vst v63  }
0x405: {  	s19 =	simm.s32 $0xB680  }
0x406: {  	[tilespmem:s19], [sflag:$0x2] =	stream.indirect_vreg.gather [hbm4b:s4+s2], $0x80, v4, vm1, $0xb8;
	[tilespmem:$0xF680] =	vst v63  }
0x407: {  	s20 =	simm.s32 $0xBA80  }
0x408: {  	[tilespmem:s20], [sflag:$0x2] =	stream.indirect_vreg.gather [hbm4b:s3+s2], $0x80, v3, vm0, $0xb8;
	[tilespmem:$0xF680] =	vst v63  }
0x409: {  	s24 =	simm.s32 $0xC280  }
0x40a: {  	[tilespmem:s24], [sflag:$0x2] =	stream.indirect_vreg.gather [hbm4b:s4+s2], $0x80, v3, vm1, $0xb8;
	[tilespmem:$0xF680] =	vst v63  }
0x40b: {  	v3 =	vld [tilespmem:$0x3A0];
	_ =	sdelay $0x4  }
0x40c: {  	v22 =	vshrl.u32 v3, $0x3  }
0x40d: {  	v4 =	vmul.u32 $0x18, v22  }
0x40e: {  	v3 =	vand.u32 $0x7, v3  }
0x40f: {  	v3 =	vor.u32 v3, v4  }
0x410: {  	v4 =	vperm.xlane v3, v0;
	_ =	sdelay $0x1  }
0x411: {  	v4 =	vadd.s32 v1, v4;
	_ =	sdelay $0x1  }
0x412: {  	v3 =	vperm.xlane v3, v2;
	_ =	sdelay $0x1  }
0x413: {  	s21 =	simm.s32 $0xC680;
	v3 =	vadd.s32 v1, v3  }
0x414: {  	[tilespmem:s21], [sflag:$0x2] =	stream.indirect_vreg.gather [hbm4b:s3+s2], $0x80, v4, vm0, $0xb8;
	[tilespmem:$0xF680] =	vst v63  }
0x415: {  	s24 =	simm.s32 $0xCE80  }
0x416: {  	[tilespmem:s24], [sflag:$0x2] =	stream.indirect_vreg.gather [hbm4b:s4+s2], $0x80, v4, vm1, $0xb8;
	[tilespmem:$0xF680] =	vst v63  }
0x417: {  	s24 =	simm.s32 $0xD280  }
0x418: {  	[tilespmem:s24], [sflag:$0x2] =	stream.indirect_vreg.gather [hbm4b:s3+s2], $0x80, v3, vm0, $0xb8;
	[tilespmem:$0xF680] =	vst v63  }
0x419: {  	s24 =	simm.s32 $0xDA80  }
0x41a: {  	[tilespmem:s24], [sflag:$0x2] =	stream.indirect_vreg.gather [hbm4b:s4+s2], $0x80, v3, vm1, $0xb8;
	[tilespmem:$0xF680] =	vst v63  }
0x41b: {  	v3 =	vld [tilespmem:$0x3B0];
	_ =	sdelay $0x4  }
0x41c: {  	v23 =	vshrl.u32 v3, $0x3  }
0x41d: {  	v4 =	vmul.u32 $0x18, v23  }
0x41e: {  	v3 =	vand.u32 $0x7, v3  }
0x41f: {  	v3 =	vor.u32 v3, v4  }
0x420: {  	v4 =	vperm.xlane v3, v0;
	_ =	sdelay $0x1  }
0x421: {  	v4 =	vadd.s32 v1, v4;
	_ =	sdelay $0x1  }
0x422: {  	v3 =	vperm.xlane v3, v2;
	_ =	sdelay $0x1  }
0x423: {  	s25 =	simm.s32 $0xDE80;
	v3 =	vadd.s32 v1, v3  }
0x424: {  	[tilespmem:s25], [sflag:$0x2] =	stream.indirect_vreg.gather [hbm4b:s3+s2], $0x80, v4, vm0, $0xb8;
	[tilespmem:$0xF680] =	vst v63  }
0x425: {  	s24 =	simm.s32 $0xE680  }
0x426: {  	[tilespmem:s24], [sflag:$0x2] =	stream.indirect_vreg.gather [hbm4b:s4+s2], $0x80, v4, vm1, $0xb8;
	[tilespmem:$0xF680] =	vst v63  }
0x427: {  	s24 =	simm.s32 $0xEA80  }
0x428: {  	[tilespmem:s24], [sflag:$0x2] =	stream.indirect_vreg.gather [hbm4b:s3+s2], $0x80, v3, vm0, $0xb8;
	[tilespmem:$0xF680] =	vst v63  }
0x429: {  	s26 =	simm.s32 $0xF280  }
0x42a: {  	[tilespmem:s26], [sflag:$0x2] =	stream.indirect_vreg.gather [hbm4b:s4+s2], $0x80, v3, vm1, $0xb8;
	[tilespmem:$0xF680] =	vst v63  }
0x42b: {  	_ =	swait.ge [sflag:s22], $0x7800  }
0x42c: {  	[sflag:s22] =	ssyncset.done $0x0  }
0x42d: {  	s24 =	rddreg [dreg:$0xd];
	[sflag:s22] =	ssyncadd.s32 $0xFFFF8800  }
0x42e: {  	[hbm4b:s24+s2] =	stream.linear.scatter [tilespmem:s13], [sflag:$0x3], $0x7800, $0x38;
	[tilespmem:$0xF680] =	vst v63  }
0x42f: {  	_ =	swait.ge [sflag:s6], $0x7800  }
0x430: {  	[sflag:s6] =	ssyncset.done $0x0  }
0x431: {  	[sflag:s6] =	ssyncadd.s32 $0xFFFF8800  }
0x432: {  	v3 =	vld [tilespmem:$0x3C0];
	_ =	sdelay $0x4  }
0x433: {  	v24 =	vshrl.u32 v3, $0x3  }
0x434: {  	v4 =	vmul.u32 $0x18, v24  }
0x435: {  	v3 =	vand.u32 $0x7, v3  }
0x436: {  	v3 =	vor.u32 v3, v4  }
0x437: {  	v4 =	vperm.xlane v3, v0;
	_ =	sdelay $0x1  }
0x438: {  	v4 =	vadd.s32 v1, v4;
	_ =	sdelay $0x1  }
0x439: {  	v3 =	vperm.xlane v3, v2;
	_ =	sdelay $0x1  }
0x43a: {  	v3 =	vadd.s32 v1, v3  }
0x43b: {  	[tilespmem:s13], [sflag:$0x1] =	stream.indirect_vreg.gather [hbm4b:s3+s2], $0x80, v4, vm0, $0xb8;
	[tilespmem:$0xF680] =	vst v63  }
0x43c: {  	s24 =	simm.s32 $0xE80  }
0x43d: {  	[tilespmem:s24], [sflag:$0x1] =	stream.indirect_vreg.gather [hbm4b:s4+s2], $0x80, v4, vm1, $0xb8;
	[tilespmem:$0xF680] =	vst v63  }
0x43e: {  	s29 =	simm.s32 $0x1280  }
0x43f: {  	[tilespmem:s29], [sflag:$0x1] =	stream.indirect_vreg.gather [hbm4b:s3+s2], $0x80, v3, vm0, $0xb8;
	[tilespmem:$0xF680] =	vst v63  }
0x440: {  	s24 =	simm.s32 $0x1A80  }
0x441: {  	[tilespmem:s24], [sflag:$0x1] =	stream.indirect_vreg.gather [hbm4b:s4+s2], $0x80, v3, vm1, $0xb8;
	[tilespmem:$0xF680] =	vst v63  }
0x442: {  	v3 =	vld [tilespmem:$0x3D0];
	_ =	sdelay $0x4  }
0x443: {  	v25 =	vshrl.u32 v3, $0x3  }
0x444: {  	v4 =	vmul.u32 $0x18, v25  }
0x445: {  	v3 =	vand.u32 $0x7, v3  }
0x446: {  	v3 =	vor.u32 v3, v4  }
0x447: {  	v4 =	vperm.xlane v3, v0;
	_ =	sdelay $0x1  }
0x448: {  	v4 =	vadd.s32 v1, v4;
	_ =	sdelay $0x1  }
0x449: {  	v3 =	vperm.xlane v3, v2;
	_ =	sdelay $0x1  }
0x44a: {  	s24 =	simm.s32 $0x1E80;
	v3 =	vadd.s32 v1, v3  }
0x44b: {  	[tilespmem:s24], [sflag:$0x1] =	stream.indirect_vreg.gather [hbm4b:s3+s2], $0x80, v4, vm0, $0xb8;
	[tilespmem:$0xF680] =	vst v63  }
0x44c: {  	s24 =	simm.s32 $0x2680  }
0x44d: {  	[tilespmem:s24], [sflag:$0x1] =	stream.indirect_vreg.gather [hbm4b:s4+s2], $0x80, v4, vm1, $0xb8;
	[tilespmem:$0xF680] =	vst v63  }
0x44e: {  	s30 =	simm.s32 $0x2A80  }
0x44f: {  	[tilespmem:s30], [sflag:$0x1] =	stream.indirect_vreg.gather [hbm4b:s3+s2], $0x80, v3, vm0, $0xb8;
	[tilespmem:$0xF680] =	vst v63  }
0x450: {  	s24 =	simm.s32 $0x3280  }
0x451: {  	[tilespmem:s24], [sflag:$0x1] =	stream.indirect_vreg.gather [hbm4b:s4+s2], $0x80, v3, vm1, $0xb8;
	[tilespmem:$0xF680] =	vst v63  }
0x452: {  	v3 =	vld [tilespmem:$0x3E0];
	_ =	sdelay $0x4  }
0x453: {  	v26 =	vshrl.u32 v3, $0x3  }
0x454: {  	v4 =	vmul.u32 $0x18, v26  }
0x455: {  	v3 =	vand.u32 $0x7, v3  }
0x456: {  	v3 =	vor.u32 v3, v4  }
0x457: {  	v4 =	vperm.xlane v3, v0;
	_ =	sdelay $0x1  }
0x458: {  	v4 =	vadd.s32 v1, v4;
	_ =	sdelay $0x1  }
0x459: {  	v3 =	vperm.xlane v3, v2;
	_ =	sdelay $0x1  }
0x45a: {  	s31 =	simm.s32 $0x3680;
	v3 =	vadd.s32 v1, v3  }
0x45b: {  	[tilespmem:s31], [sflag:$0x1] =	stream.indirect_vreg.gather [hbm4b:s3+s2], $0x80, v4, vm0, $0xb8;
	[tilespmem:$0xF680] =	vst v63  }
0x45c: {  	s0 =	simm.s32 $0x3E80  }
0x45d: {  	[tilespmem:s0], [sflag:$0x1] =	stream.indirect_vreg.gather [hbm4b:s4+s2], $0x80, v4, vm1, $0xb8;
	[tilespmem:$0xF680] =	vst v63  }
0x45e: {  	s1 =	simm.s32 $0x4280  }
0x45f: {  	[tilespmem:s1], [sflag:$0x1] =	stream.indirect_vreg.gather [hbm4b:s3+s2], $0x80, v3, vm0, $0xb8;
	[tilespmem:$0xF680] =	vst v63  }
0x460: {  	s24 =	simm.s32 $0x4A80  }
0x461: {  	[tilespmem:s24], [sflag:$0x1] =	stream.indirect_vreg.gather [hbm4b:s4+s2], $0x80, v3, vm1, $0xb8;
	[tilespmem:$0xF680] =	vst v63  }
0x462: {  	v3 =	vld [tilespmem:$0x3F0];
	_ =	sdelay $0x4  }
0x463: {  	v27 =	vshrl.u32 v3, $0x3  }
0x464: {  	v4 =	vmul.u32 $0x18, v27  }
0x465: {  	v3 =	vand.u32 $0x7, v3  }
0x466: {  	v3 =	vor.u32 v3, v4  }
0x467: {  	v4 =	vperm.xlane v3, v0;
	_ =	sdelay $0x1  }
0x468: {  	v4 =	vadd.s32 v1, v4;
	_ =	sdelay $0x1  }
0x469: {  	v3 =	vperm.xlane v3, v2;
	_ =	sdelay $0x1  }
0x46a: {  	s5 =	simm.s32 $0x4E80;
	v3 =	vadd.s32 v1, v3  }
0x46b: {  	[tilespmem:s5], [sflag:$0x1] =	stream.indirect_vreg.gather [hbm4b:s3+s2], $0x80, v4, vm0, $0xb8;
	[tilespmem:$0xF680] =	vst v63  }
0x46c: {  	s7 =	simm.s32 $0x5680  }
0x46d: {  	[tilespmem:s7], [sflag:$0x1] =	stream.indirect_vreg.gather [hbm4b:s4+s2], $0x80, v4, vm1, $0xb8;
	[tilespmem:$0xF680] =	vst v63  }
0x46e: {  	s8 =	simm.s32 $0x5A80  }
0x46f: {  	[tilespmem:s8], [sflag:$0x1] =	stream.indirect_vreg.gather [hbm4b:s3+s2], $0x80, v3, vm0, $0xb8;
	[tilespmem:$0xF680] =	vst v63  }
0x470: {  	s24 =	simm.s32 $0x6280  }
0x471: {  	[tilespmem:s24], [sflag:$0x1] =	stream.indirect_vreg.gather [hbm4b:s4+s2], $0x80, v3, vm1, $0xb8;
	[tilespmem:$0xF680] =	vst v63  }
0x472: {  	v3 =	vld [tilespmem:$0x400];
	_ =	sdelay $0x4  }
0x473: {  	v28 =	vshrl.u32 v3, $0x3  }
0x474: {  	v4 =	vmul.u32 $0x18, v28  }
0x475: {  	v3 =	vand.u32 $0x7, v3  }
0x476: {  	v3 =	vor.u32 v3, v4  }
0x477: {  	v4 =	vperm.xlane v3, v0;
	_ =	sdelay $0x1  }
0x478: {  	v4 =	vadd.s32 v1, v4;
	_ =	sdelay $0x1  }
0x479: {  	v3 =	vperm.xlane v3, v2;
	_ =	sdelay $0x1  }
0x47a: {  	s9 =	simm.s32 $0x6680;
	v3 =	vadd.s32 v1, v3  }
0x47b: {  	[tilespmem:s9], [sflag:$0x1] =	stream.indirect_vreg.gather [hbm4b:s3+s2], $0x80, v4, vm0, $0xb8;
	[tilespmem:$0xF680] =	vst v63  }
0x47c: {  	s10 =	simm.s32 $0x6E80  }
0x47d: {  	[tilespmem:s10], [sflag:$0x1] =	stream.indirect_vreg.gather [hbm4b:s4+s2], $0x80, v4, vm1, $0xb8;
	[tilespmem:$0xF680] =	vst v63  }
0x47e: {  	s11 =	simm.s32 $0x7280  }
0x47f: {  	[tilespmem:s11], [sflag:$0x1] =	stream.indirect_vreg.gather [hbm4b:s3+s2], $0x80, v3, vm0, $0xb8;
	[tilespmem:$0xF680] =	vst v63  }
0x480: {  	s12 =	simm.s32 $0x7A80  }
0x481: {  	[tilespmem:s12], [sflag:$0x1] =	stream.indirect_vreg.gather [hbm4b:s4+s2], $0x80, v3, vm1, $0xb8;
	[tilespmem:$0xF680] =	vst v63  }
0x482: {  	_ =	swait.ge [sflag:s23], $0x7800  }
0x483: {  	[sflag:s23] =	ssyncset.done $0x0  }
0x484: {  	s24 =	rddreg [dreg:$0xe];
	[sflag:s23] =	ssyncadd.s32 $0xFFFF8800  }
0x485: {  	[hbm4b:s24+s2] =	stream.linear.scatter [tilespmem:s28], [sflag:$0x3], $0x7800, $0x38;
	[tilespmem:$0xF680] =	vst v63  }
0x486: {  	_ =	swait.ge [sflag:s6], $0x7800  }
0x487: {  	[sflag:s6] =	ssyncset.done $0x0  }
0x488: {  	[sflag:s6] =	ssyncadd.s32 $0xFFFF8800  }
0x489: {  	v3 =	vld [tilespmem:$0x410];
	_ =	sdelay $0x4  }
0x48a: {  	v29 =	vshrl.u32 v3, $0x3  }
0x48b: {  	v4 =	vmul.u32 $0x18, v29  }
0x48c: {  	v3 =	vand.u32 $0x7, v3  }
0x48d: {  	v3 =	vor.u32 v3, v4  }
0x48e: {  	v4 =	vperm.xlane v3, v0;
	_ =	sdelay $0x1  }
0x48f: {  	v4 =	vadd.s32 v1, v4;
	_ =	sdelay $0x1  }
0x490: {  	v3 =	vperm.xlane v3, v2;
	_ =	sdelay $0x1  }
0x491: {  	v3 =	vadd.s32 v1, v3  }
0x492: {  	[tilespmem:s28], [sflag:$0x2] =	stream.indirect_vreg.gather [hbm4b:s3+s2], $0x80, v4, vm0, $0xb8;
	[tilespmem:$0xF680] =	vst v63  }
0x493: {  	s17 =	simm.s32 $0x8680  }
0x494: {  	[tilespmem:s17], [sflag:$0x2] =	stream.indirect_vreg.gather [hbm4b:s4+s2], $0x80, v4, vm1, $0xb8;
	[tilespmem:$0xF680] =	vst v63  }
0x495: {  	s24 =	simm.s32 $0x8A80  }
0x496: {  	[tilespmem:s24], [sflag:$0x2] =	stream.indirect_vreg.gather [hbm4b:s3+s2], $0x80, v3, vm0, $0xb8;
	[tilespmem:$0xF680] =	vst v63  }
0x497: {  	s24 =	simm.s32 $0x9280  }
0x498: {  	[tilespmem:s24], [sflag:$0x2] =	stream.indirect_vreg.gather [hbm4b:s4+s2], $0x80, v3, vm1, $0xb8;
	[tilespmem:$0xF680] =	vst v63  }
0x499: {  	v3 =	vld [tilespmem:$0x420];
	_ =	sdelay $0x4  }
0x49a: {  	v30 =	vshrl.u32 v3, $0x3  }
0x49b: {  	v4 =	vmul.u32 $0x18, v30  }
0x49c: {  	v3 =	vand.u32 $0x7, v3  }
0x49d: {  	v3 =	vor.u32 v3, v4  }
0x49e: {  	v4 =	vperm.xlane v3, v0;
	_ =	sdelay $0x1  }
0x49f: {  	v4 =	vadd.s32 v1, v4;
	_ =	sdelay $0x1  }
0x4a0: {  	v3 =	vperm.xlane v3, v2;
	_ =	sdelay $0x1  }
0x4a1: {  	s14 =	simm.s32 $0x9680;
	v3 =	vadd.s32 v1, v3  }
0x4a2: {  	[tilespmem:s14], [sflag:$0x2] =	stream.indirect_vreg.gather [hbm4b:s3+s2], $0x80, v4, vm0, $0xb8;
	[tilespmem:$0xF680] =	vst v63  }
0x4a3: {  	s15 =	simm.s32 $0x9E80  }
0x4a4: {  	[tilespmem:s15], [sflag:$0x2] =	stream.indirect_vreg.gather [hbm4b:s4+s2], $0x80, v4, vm1, $0xb8;
	[tilespmem:$0xF680] =	vst v63  }
0x4a5: {  	s16 =	simm.s32 $0xA280  }
0x4a6: {  	[tilespmem:s16], [sflag:$0x2] =	stream.indirect_vreg.gather [hbm4b:s3+s2], $0x80, v3, vm0, $0xb8;
	[tilespmem:$0xF680] =	vst v63  }
0x4a7: {  	s24 =	simm.s32 $0xAA80  }
0x4a8: {  	[tilespmem:s24], [sflag:$0x2] =	stream.indirect_vreg.gather [hbm4b:s4+s2], $0x80, v3, vm1, $0xb8;
	[tilespmem:$0xF680] =	vst v63  }
0x4a9: {  	v3 =	vld [tilespmem:$0x430];
	_ =	sdelay $0x4  }
0x4aa: {  	v31 =	vshrl.u32 v3, $0x3  }
0x4ab: {  	v4 =	vmul.u32 $0x18, v31  }
0x4ac: {  	v3 =	vand.u32 $0x7, v3  }
0x4ad: {  	v3 =	vor.u32 v3, v4  }
0x4ae: {  	v4 =	vperm.xlane v3, v0;
	_ =	sdelay $0x1  }
0x4af: {  	v4 =	vadd.s32 v1, v4;
	_ =	sdelay $0x1  }
0x4b0: {  	v3 =	vperm.xlane v3, v2;
	_ =	sdelay $0x1  }
0x4b1: {  	s18 =	simm.s32 $0xAE80;
	v3 =	vadd.s32 v1, v3  }
0x4b2: {  	[tilespmem:s18], [sflag:$0x2] =	stream.indirect_vreg.gather [hbm4b:s3+s2], $0x80, v4, vm0, $0xb8;
	[tilespmem:$0xF680] =	vst v63  }
0x4b3: {  	s19 =	simm.s32 $0xB680  }
0x4b4: {  	[tilespmem:s19], [sflag:$0x2] =	stream.indirect_vreg.gather [hbm4b:s4+s2], $0x80, v4, vm1, $0xb8;
	[tilespmem:$0xF680] =	vst v63  }
0x4b5: {  	s20 =	simm.s32 $0xBA80  }
0x4b6: {  	[tilespmem:s20], [sflag:$0x2] =	stream.indirect_vreg.gather [hbm4b:s3+s2], $0x80, v3, vm0, $0xb8;
	[tilespmem:$0xF680] =	vst v63  }
0x4b7: {  	s24 =	simm.s32 $0xC280  }
0x4b8: {  	[tilespmem:s24], [sflag:$0x2] =	stream.indirect_vreg.gather [hbm4b:s4+s2], $0x80, v3, vm1, $0xb8;
	[tilespmem:$0xF680] =	vst v63  }
0x4b9: {  	v3 =	vld [tilespmem:$0x440];
	_ =	sdelay $0x4  }
0x4ba: {  	v32 =	vshrl.u32 v3, $0x3  }
0x4bb: {  	v4 =	vmul.u32 $0x18, v32  }
0x4bc: {  	v3 =	vand.u32 $0x7, v3  }
0x4bd: {  	v3 =	vor.u32 v3, v4  }
0x4be: {  	v4 =	vperm.xlane v3, v0;
	_ =	sdelay $0x1  }
0x4bf: {  	v4 =	vadd.s32 v1, v4;
	_ =	sdelay $0x1  }
0x4c0: {  	v3 =	vperm.xlane v3, v2;
	_ =	sdelay $0x1  }
0x4c1: {  	s21 =	simm.s32 $0xC680;
	v3 =	vadd.s32 v1, v3  }
0x4c2: {  	[tilespmem:s21], [sflag:$0x2] =	stream.indirect_vreg.gather [hbm4b:s3+s2], $0x80, v4, vm0, $0xb8;
	[tilespmem:$0xF680] =	vst v63  }
0x4c3: {  	s24 =	simm.s32 $0xCE80  }
0x4c4: {  	[tilespmem:s24], [sflag:$0x2] =	stream.indirect_vreg.gather [hbm4b:s4+s2], $0x80, v4, vm1, $0xb8;
	[tilespmem:$0xF680] =	vst v63  }
0x4c5: {  	s24 =	simm.s32 $0xD280  }
0x4c6: {  	[tilespmem:s24], [sflag:$0x2] =	stream.indirect_vreg.gather [hbm4b:s3+s2], $0x80, v3, vm0, $0xb8;
	[tilespmem:$0xF680] =	vst v63  }
0x4c7: {  	s24 =	simm.s32 $0xDA80  }
0x4c8: {  	[tilespmem:s24], [sflag:$0x2] =	stream.indirect_vreg.gather [hbm4b:s4+s2], $0x80, v3, vm1, $0xb8;
	[tilespmem:$0xF680] =	vst v63  }
0x4c9: {  	v3 =	vld [tilespmem:$0x450];
	_ =	sdelay $0x4  }
0x4ca: {  	v33 =	vshrl.u32 v3, $0x3  }
0x4cb: {  	v4 =	vmul.u32 $0x18, v33  }
0x4cc: {  	v3 =	vand.u32 $0x7, v3  }
0x4cd: {  	v3 =	vor.u32 v3, v4  }
0x4ce: {  	v4 =	vperm.xlane v3, v0;
	_ =	sdelay $0x1  }
0x4cf: {  	v4 =	vadd.s32 v1, v4;
	_ =	sdelay $0x1  }
0x4d0: {  	v3 =	vperm.xlane v3, v2;
	_ =	sdelay $0x1  }
0x4d1: {  	s25 =	simm.s32 $0xDE80;
	v3 =	vadd.s32 v1, v3  }
0x4d2: {  	[tilespmem:s25], [sflag:$0x2] =	stream.indirect_vreg.gather [hbm4b:s3+s2], $0x80, v4, vm0, $0xb8;
	[tilespmem:$0xF680] =	vst v63  }
0x4d3: {  	s24 =	simm.s32 $0xE680  }
0x4d4: {  	[tilespmem:s24], [sflag:$0x2] =	stream.indirect_vreg.gather [hbm4b:s4+s2], $0x80, v4, vm1, $0xb8;
	[tilespmem:$0xF680] =	vst v63  }
0x4d5: {  	s24 =	simm.s32 $0xEA80  }
0x4d6: {  	[tilespmem:s24], [sflag:$0x2] =	stream.indirect_vreg.gather [hbm4b:s3+s2], $0x80, v3, vm0, $0xb8;
	[tilespmem:$0xF680] =	vst v63  }
0x4d7: {  	s26 =	simm.s32 $0xF280  }
0x4d8: {  	[tilespmem:s26], [sflag:$0x2] =	stream.indirect_vreg.gather [hbm4b:s4+s2], $0x80, v3, vm1, $0xb8;
	[tilespmem:$0xF680] =	vst v63  }
0x4d9: {  	_ =	swait.ge [sflag:s22], $0x7800  }
0x4da: {  	[sflag:s22] =	ssyncset.done $0x0  }
0x4db: {  	s24 =	rddreg [dreg:$0xf];
	[sflag:s22] =	ssyncadd.s32 $0xFFFF8800  }
0x4dc: {  	[hbm4b:s24+s2] =	stream.linear.scatter [tilespmem:s13], [sflag:$0x3], $0x7800, $0x38;
	[tilespmem:$0xF680] =	vst v63  }
0x4dd: {  	_ =	swait.ge [sflag:s6], $0x7800  }
0x4de: {  	[sflag:s6] =	ssyncset.done $0x0  }
0x4df: {  	[sflag:s6] =	ssyncadd.s32 $0xFFFF8800  }
0x4e0: {  	v3 =	vld [tilespmem:$0x460];
	_ =	sdelay $0x4  }
0x4e1: {  	v34 =	vshrl.u32 v3, $0x3  }
0x4e2: {  	v4 =	vmul.u32 $0x18, v34  }
0x4e3: {  	v3 =	vand.u32 $0x7, v3  }
0x4e4: {  	v3 =	vor.u32 v3, v4  }
0x4e5: {  	v4 =	vperm.xlane v3, v0;
	_ =	sdelay $0x1  }
0x4e6: {  	v4 =	vadd.s32 v1, v4;
	_ =	sdelay $0x1  }
0x4e7: {  	v3 =	vperm.xlane v3, v2;
	_ =	sdelay $0x1  }
0x4e8: {  	v3 =	vadd.s32 v1, v3  }
0x4e9: {  	[tilespmem:s13], [sflag:$0x1] =	stream.indirect_vreg.gather [hbm4b:s3+s2], $0x80, v4, vm0, $0xb8;
	[tilespmem:$0xF680] =	vst v63  }
0x4ea: {  	s24 =	simm.s32 $0xE80  }
0x4eb: {  	[tilespmem:s24], [sflag:$0x1] =	stream.indirect_vreg.gather [hbm4b:s4+s2], $0x80, v4, vm1, $0xb8;
	[tilespmem:$0xF680] =	vst v63  }
0x4ec: {  	s29 =	simm.s32 $0x1280  }
0x4ed: {  	[tilespmem:s29], [sflag:$0x1] =	stream.indirect_vreg.gather [hbm4b:s3+s2], $0x80, v3, vm0, $0xb8;
	[tilespmem:$0xF680] =	vst v63  }
0x4ee: {  	s24 =	simm.s32 $0x1A80  }
0x4ef: {  	[tilespmem:s24], [sflag:$0x1] =	stream.indirect_vreg.gather [hbm4b:s4+s2], $0x80, v3, vm1, $0xb8;
	[tilespmem:$0xF680] =	vst v63  }
0x4f0: {  	v3 =	vld [tilespmem:$0x470];
	_ =	sdelay $0x4  }
0x4f1: {  	v35 =	vshrl.u32 v3, $0x3  }
0x4f2: {  	v4 =	vmul.u32 $0x18, v35  }
0x4f3: {  	v3 =	vand.u32 $0x7, v3  }
0x4f4: {  	v3 =	vor.u32 v3, v4  }
0x4f5: {  	v4 =	vperm.xlane v3, v0;
	_ =	sdelay $0x1  }
0x4f6: {  	v4 =	vadd.s32 v1, v4;
	_ =	sdelay $0x1  }
0x4f7: {  	v3 =	vperm.xlane v3, v2;
	_ =	sdelay $0x1  }
0x4f8: {  	s24 =	simm.s32 $0x1E80;
	v3 =	vadd.s32 v1, v3  }
0x4f9: {  	[tilespmem:s24], [sflag:$0x1] =	stream.indirect_vreg.gather [hbm4b:s3+s2], $0x80, v4, vm0, $0xb8;
	[tilespmem:$0xF680] =	vst v63  }
0x4fa: {  	s24 =	simm.s32 $0x2680  }
0x4fb: {  	[tilespmem:s24], [sflag:$0x1] =	stream.indirect_vreg.gather [hbm4b:s4+s2], $0x80, v4, vm1, $0xb8;
	[tilespmem:$0xF680] =	vst v63  }
0x4fc: {  	s30 =	simm.s32 $0x2A80  }
0x4fd: {  	[tilespmem:s30], [sflag:$0x1] =	stream.indirect_vreg.gather [hbm4b:s3+s2], $0x80, v3, vm0, $0xb8;
	[tilespmem:$0xF680] =	vst v63  }
0x4fe: {  	s24 =	simm.s32 $0x3280  }
0x4ff: {  	[tilespmem:s24], [sflag:$0x1] =	stream.indirect_vreg.gather [hbm4b:s4+s2], $0x80, v3, vm1, $0xb8;
	[tilespmem:$0xF680] =	vst v63  }
0x500: {  	v3 =	vld [tilespmem:$0x480];
	_ =	sdelay $0x4  }
0x501: {  	v36 =	vshrl.u32 v3, $0x3  }
0x502: {  	v4 =	vmul.u32 $0x18, v36  }
0x503: {  	v3 =	vand.u32 $0x7, v3  }
0x504: {  	v3 =	vor.u32 v3, v4  }
0x505: {  	v4 =	vperm.xlane v3, v0;
	_ =	sdelay $0x1  }
0x506: {  	v4 =	vadd.s32 v1, v4;
	_ =	sdelay $0x1  }
0x507: {  	v3 =	vperm.xlane v3, v2;
	_ =	sdelay $0x1  }
0x508: {  	s31 =	simm.s32 $0x3680;
	v3 =	vadd.s32 v1, v3  }
0x509: {  	[tilespmem:s31], [sflag:$0x1] =	stream.indirect_vreg.gather [hbm4b:s3+s2], $0x80, v4, vm0, $0xb8;
	[tilespmem:$0xF680] =	vst v63  }
0x50a: {  	s0 =	simm.s32 $0x3E80  }
0x50b: {  	[tilespmem:s0], [sflag:$0x1] =	stream.indirect_vreg.gather [hbm4b:s4+s2], $0x80, v4, vm1, $0xb8;
	[tilespmem:$0xF680] =	vst v63  }
0x50c: {  	s1 =	simm.s32 $0x4280  }
0x50d: {  	[tilespmem:s1], [sflag:$0x1] =	stream.indirect_vreg.gather [hbm4b:s3+s2], $0x80, v3, vm0, $0xb8;
	[tilespmem:$0xF680] =	vst v63  }
0x50e: {  	s24 =	simm.s32 $0x4A80  }
0x50f: {  	[tilespmem:s24], [sflag:$0x1] =	stream.indirect_vreg.gather [hbm4b:s4+s2], $0x80, v3, vm1, $0xb8;
	[tilespmem:$0xF680] =	vst v63  }
0x510: {  	v3 =	vld [tilespmem:$0x490];
	_ =	sdelay $0x4  }
0x511: {  	v37 =	vshrl.u32 v3, $0x3  }
0x512: {  	v4 =	vmul.u32 $0x18, v37  }
0x513: {  	v3 =	vand.u32 $0x7, v3  }
0x514: {  	v3 =	vor.u32 v3, v4  }
0x515: {  	v4 =	vperm.xlane v3, v0;
	_ =	sdelay $0x1  }
0x516: {  	v4 =	vadd.s32 v1, v4;
	_ =	sdelay $0x1  }
0x517: {  	v3 =	vperm.xlane v3, v2;
	_ =	sdelay $0x1  }
0x518: {  	s5 =	simm.s32 $0x4E80;
	v3 =	vadd.s32 v1, v3  }
0x519: {  	[tilespmem:s5], [sflag:$0x1] =	stream.indirect_vreg.gather [hbm4b:s3+s2], $0x80, v4, vm0, $0xb8;
	[tilespmem:$0xF680] =	vst v63  }
0x51a: {  	s7 =	simm.s32 $0x5680  }
0x51b: {  	[tilespmem:s7], [sflag:$0x1] =	stream.indirect_vreg.gather [hbm4b:s4+s2], $0x80, v4, vm1, $0xb8;
	[tilespmem:$0xF680] =	vst v63  }
0x51c: {  	s8 =	simm.s32 $0x5A80  }
0x51d: {  	[tilespmem:s8], [sflag:$0x1] =	stream.indirect_vreg.gather [hbm4b:s3+s2], $0x80, v3, vm0, $0xb8;
	[tilespmem:$0xF680] =	vst v63  }
0x51e: {  	s24 =	simm.s32 $0x6280  }
0x51f: {  	[tilespmem:s24], [sflag:$0x1] =	stream.indirect_vreg.gather [hbm4b:s4+s2], $0x80, v3, vm1, $0xb8;
	[tilespmem:$0xF680] =	vst v63  }
0x520: {  	v3 =	vld [tilespmem:$0x4A0];
	_ =	sdelay $0x4  }
0x521: {  	v38 =	vshrl.u32 v3, $0x3  }
0x522: {  	v4 =	vmul.u32 $0x18, v38  }
0x523: {  	v3 =	vand.u32 $0x7, v3  }
0x524: {  	v3 =	vor.u32 v3, v4  }
0x525: {  	v4 =	vperm.xlane v3, v0;
	_ =	sdelay $0x1  }
0x526: {  	v4 =	vadd.s32 v1, v4;
	_ =	sdelay $0x1  }
0x527: {  	v3 =	vperm.xlane v3, v2;
	_ =	sdelay $0x1  }
0x528: {  	s9 =	simm.s32 $0x6680;
	v3 =	vadd.s32 v1, v3  }
0x529: {  	[tilespmem:s9], [sflag:$0x1] =	stream.indirect_vreg.gather [hbm4b:s3+s2], $0x80, v4, vm0, $0xb8;
	[tilespmem:$0xF680] =	vst v63  }
0x52a: {  	s10 =	simm.s32 $0x6E80  }
0x52b: {  	[tilespmem:s10], [sflag:$0x1] =	stream.indirect_vreg.gather [hbm4b:s4+s2], $0x80, v4, vm1, $0xb8;
	[tilespmem:$0xF680] =	vst v63  }
0x52c: {  	s11 =	simm.s32 $0x7280  }
0x52d: {  	[tilespmem:s11], [sflag:$0x1] =	stream.indirect_vreg.gather [hbm4b:s3+s2], $0x80, v3, vm0, $0xb8;
	[tilespmem:$0xF680] =	vst v63  }
0x52e: {  	s12 =	simm.s32 $0x7A80  }
0x52f: {  	[tilespmem:s12], [sflag:$0x1] =	stream.indirect_vreg.gather [hbm4b:s4+s2], $0x80, v3, vm1, $0xb8;
	[tilespmem:$0xF680] =	vst v63  }
0x530: {  	_ =	swait.ge [sflag:s23], $0x7800  }
0x531: {  	[sflag:s23] =	ssyncset.done $0x0  }
0x532: {  	s24 =	rddreg [dreg:$0x10];
	[sflag:s23] =	ssyncadd.s32 $0xFFFF8800  }
0x533: {  	[hbm4b:s24+s2] =	stream.linear.scatter [tilespmem:s28], [sflag:$0x3], $0x7800, $0x38;
	[tilespmem:$0xF680] =	vst v63  }
0x534: {  	_ =	swait.ge [sflag:s6], $0x7800  }
0x535: {  	[sflag:s6] =	ssyncset.done $0x0  }
0x536: {  	[sflag:s6] =	ssyncadd.s32 $0xFFFF8800  }
0x537: {  	v3 =	vld [tilespmem:$0x4B0];
	_ =	sdelay $0x4  }
0x538: {  	v39 =	vshrl.u32 v3, $0x3  }
0x539: {  	v4 =	vmul.u32 $0x18, v39  }
0x53a: {  	v3 =	vand.u32 $0x7, v3  }
0x53b: {  	v3 =	vor.u32 v3, v4  }
0x53c: {  	v4 =	vperm.xlane v3, v0;
	_ =	sdelay $0x1  }
0x53d: {  	v4 =	vadd.s32 v1, v4;
	_ =	sdelay $0x1  }
0x53e: {  	v3 =	vperm.xlane v3, v2;
	_ =	sdelay $0x1  }
0x53f: {  	v3 =	vadd.s32 v1, v3  }
0x540: {  	[tilespmem:s28], [sflag:$0x2] =	stream.indirect_vreg.gather [hbm4b:s3+s2], $0x80, v4, vm0, $0xb8;
	[tilespmem:$0xF680] =	vst v63  }
0x541: {  	s17 =	simm.s32 $0x8680  }
0x542: {  	[tilespmem:s17], [sflag:$0x2] =	stream.indirect_vreg.gather [hbm4b:s4+s2], $0x80, v4, vm1, $0xb8;
	[tilespmem:$0xF680] =	vst v63  }
0x543: {  	s24 =	simm.s32 $0x8A80  }
0x544: {  	[tilespmem:s24], [sflag:$0x2] =	stream.indirect_vreg.gather [hbm4b:s3+s2], $0x80, v3, vm0, $0xb8;
	[tilespmem:$0xF680] =	vst v63  }
0x545: {  	s24 =	simm.s32 $0x9280  }
0x546: {  	[tilespmem:s24], [sflag:$0x2] =	stream.indirect_vreg.gather [hbm4b:s4+s2], $0x80, v3, vm1, $0xb8;
	[tilespmem:$0xF680] =	vst v63  }
0x547: {  	v3 =	vld [tilespmem:$0x4C0];
	_ =	sdelay $0x4  }
0x548: {  	v40 =	vshrl.u32 v3, $0x3  }
0x549: {  	v4 =	vmul.u32 $0x18, v40  }
0x54a: {  	v3 =	vand.u32 $0x7, v3  }
0x54b: {  	v3 =	vor.u32 v3, v4  }
0x54c: {  	v4 =	vperm.xlane v3, v0;
	_ =	sdelay $0x1  }
0x54d: {  	v4 =	vadd.s32 v1, v4;
	_ =	sdelay $0x1  }
0x54e: {  	v3 =	vperm.xlane v3, v2;
	_ =	sdelay $0x1  }
0x54f: {  	s14 =	simm.s32 $0x9680;
	v3 =	vadd.s32 v1, v3  }
0x550: {  	[tilespmem:s14], [sflag:$0x2] =	stream.indirect_vreg.gather [hbm4b:s3+s2], $0x80, v4, vm0, $0xb8;
	[tilespmem:$0xF680] =	vst v63  }
0x551: {  	s15 =	simm.s32 $0x9E80  }
0x552: {  	[tilespmem:s15], [sflag:$0x2] =	stream.indirect_vreg.gather [hbm4b:s4+s2], $0x80, v4, vm1, $0xb8;
	[tilespmem:$0xF680] =	vst v63  }
0x553: {  	s16 =	simm.s32 $0xA280  }
0x554: {  	[tilespmem:s16], [sflag:$0x2] =	stream.indirect_vreg.gather [hbm4b:s3+s2], $0x80, v3, vm0, $0xb8;
	[tilespmem:$0xF680] =	vst v63  }
0x555: {  	s24 =	simm.s32 $0xAA80  }
0x556: {  	[tilespmem:s24], [sflag:$0x2] =	stream.indirect_vreg.gather [hbm4b:s4+s2], $0x80, v3, vm1, $0xb8;
	[tilespmem:$0xF680] =	vst v63  }
0x557: {  	v3 =	vld [tilespmem:$0x4D0];
	_ =	sdelay $0x4  }
0x558: {  	v41 =	vshrl.u32 v3, $0x3  }
0x559: {  	v4 =	vmul.u32 $0x18, v41  }
0x55a: {  	v3 =	vand.u32 $0x7, v3  }
0x55b: {  	v3 =	vor.u32 v3, v4  }
0x55c: {  	v4 =	vperm.xlane v3, v0;
	_ =	sdelay $0x1  }
0x55d: {  	v4 =	vadd.s32 v1, v4;
	_ =	sdelay $0x1  }
0x55e: {  	v3 =	vperm.xlane v3, v2;
	_ =	sdelay $0x1  }
0x55f: {  	s18 =	simm.s32 $0xAE80;
	v3 =	vadd.s32 v1, v3  }
0x560: {  	[tilespmem:s18], [sflag:$0x2] =	stream.indirect_vreg.gather [hbm4b:s3+s2], $0x80, v4, vm0, $0xb8;
	[tilespmem:$0xF680] =	vst v63  }
0x561: {  	s19 =	simm.s32 $0xB680  }
0x562: {  	[tilespmem:s19], [sflag:$0x2] =	stream.indirect_vreg.gather [hbm4b:s4+s2], $0x80, v4, vm1, $0xb8;
	[tilespmem:$0xF680] =	vst v63  }
0x563: {  	s20 =	simm.s32 $0xBA80  }
0x564: {  	[tilespmem:s20], [sflag:$0x2] =	stream.indirect_vreg.gather [hbm4b:s3+s2], $0x80, v3, vm0, $0xb8;
	[tilespmem:$0xF680] =	vst v63  }
0x565: {  	s24 =	simm.s32 $0xC280  }
0x566: {  	[tilespmem:s24], [sflag:$0x2] =	stream.indirect_vreg.gather [hbm4b:s4+s2], $0x80, v3, vm1, $0xb8;
	[tilespmem:$0xF680] =	vst v63  }
0x567: {  	v3 =	vld [tilespmem:$0x4E0];
	_ =	sdelay $0x4  }
0x568: {  	v42 =	vshrl.u32 v3, $0x3  }
0x569: {  	v4 =	vmul.u32 $0x18, v42  }
0x56a: {  	v3 =	vand.u32 $0x7, v3  }
0x56b: {  	v3 =	vor.u32 v3, v4  }
0x56c: {  	v4 =	vperm.xlane v3, v0;
	_ =	sdelay $0x1  }
0x56d: {  	v4 =	vadd.s32 v1, v4;
	_ =	sdelay $0x1  }
0x56e: {  	v3 =	vperm.xlane v3, v2;
	_ =	sdelay $0x1  }
0x56f: {  	s21 =	simm.s32 $0xC680;
	v3 =	vadd.s32 v1, v3  }
0x570: {  	[tilespmem:s21], [sflag:$0x2] =	stream.indirect_vreg.gather [hbm4b:s3+s2], $0x80, v4, vm0, $0xb8;
	[tilespmem:$0xF680] =	vst v63  }
0x571: {  	s18 =	simm.s32 $0xCE80  }
0x572: {  	[tilespmem:s18], [sflag:$0x2] =	stream.indirect_vreg.gather [hbm4b:s4+s2], $0x80, v4, vm1, $0xb8;
	[tilespmem:$0xF680] =	vst v63  }
0x573: {  	s24 =	simm.s32 $0xD280  }
0x574: {  	[tilespmem:s24], [sflag:$0x2] =	stream.indirect_vreg.gather [hbm4b:s3+s2], $0x80, v3, vm0, $0xb8;
	[tilespmem:$0xF680] =	vst v63  }
0x575: {  	s18 =	simm.s32 $0xDA80  }
0x576: {  	[tilespmem:s18], [sflag:$0x2] =	stream.indirect_vreg.gather [hbm4b:s4+s2], $0x80, v3, vm1, $0xb8;
	[tilespmem:$0xF680] =	vst v63  }
0x577: {  	v3 =	vld [tilespmem:$0x4F0];
	_ =	sdelay $0x4  }
0x578: {  	v43 =	vshrl.u32 v3, $0x3  }
0x579: {  	v4 =	vmul.u32 $0x18, v43  }
0x57a: {  	v3 =	vand.u32 $0x7, v3  }
0x57b: {  	v3 =	vor.u32 v3, v4  }
0x57c: {  	v4 =	vperm.xlane v3, v0;
	_ =	sdelay $0x1  }
0x57d: {  	v4 =	vadd.s32 v1, v4;
	_ =	sdelay $0x1  }
0x57e: {  	v3 =	vperm.xlane v3, v2;
	_ =	sdelay $0x1  }
0x57f: {  	s25 =	simm.s32 $0xDE80;
	v3 =	vadd.s32 v1, v3  }
0x580: {  	[tilespmem:s25], [sflag:$0x2] =	stream.indirect_vreg.gather [hbm4b:s3+s2], $0x80, v4, vm0, $0xb8;
	[tilespmem:$0xF680] =	vst v63  }
0x581: {  	s24 =	simm.s32 $0xE680  }
0x582: {  	[tilespmem:s24], [sflag:$0x2] =	stream.indirect_vreg.gather [hbm4b:s4+s2], $0x80, v4, vm1, $0xb8;
	[tilespmem:$0xF680] =	vst v63  }
0x583: {  	s25 =	simm.s32 $0xEA80  }
0x584: {  	[tilespmem:s25], [sflag:$0x2] =	stream.indirect_vreg.gather [hbm4b:s3+s2], $0x80, v3, vm0, $0xb8;
	[tilespmem:$0xF680] =	vst v63  }
0x585: {  	s26 =	simm.s32 $0xF280  }
0x586: {  	[tilespmem:s26], [sflag:$0x2] =	stream.indirect_vreg.gather [hbm4b:s4+s2], $0x80, v3, vm1, $0xb8;
	[tilespmem:$0xF680] =	vst v63  }
0x587: {  	_ =	swait.ge [sflag:s22], $0x7800  }
0x588: {  	[sflag:s22] =	ssyncset.done $0x0  }
0x589: {  	s14 =	rddreg [dreg:$0x11];
	[sflag:s22] =	ssyncadd.s32 $0xFFFF8800  }
0x58a: {  	[hbm4b:s14+s2] =	stream.linear.scatter [tilespmem:s13], [sflag:$0x3], $0x7800, $0x38;
	[tilespmem:$0xF680] =	vst v63  }
0x58b: {  	_ =	swait.ge [sflag:s6], $0x7800  }
0x58c: {  	[sflag:s6] =	ssyncset.done $0x0  }
0x58d: {  	[sflag:s6] =	ssyncadd.s32 $0xFFFF8800  }
0x58e: {  	v3 =	vld [tilespmem:$0x500];
	_ =	sdelay $0x4  }
0x58f: {  	v44 =	vshrl.u32 v3, $0x3  }
0x590: {  	v4 =	vmul.u32 $0x18, v44  }
0x591: {  	v3 =	vand.u32 $0x7, v3  }
0x592: {  	v3 =	vor.u32 v3, v4  }
0x593: {  	v4 =	vperm.xlane v3, v0;
	_ =	sdelay $0x1  }
0x594: {  	v4 =	vadd.s32 v1, v4;
	_ =	sdelay $0x1  }
0x595: {  	v3 =	vperm.xlane v3, v2;
	_ =	sdelay $0x1  }
0x596: {  	v3 =	vadd.s32 v1, v3  }
0x597: {  	[tilespmem:s13], [sflag:$0x1] =	stream.indirect_vreg.gather [hbm4b:s3+s2], $0x80, v4, vm0, $0xb8;
	[tilespmem:$0xF680] =	vst v63  }
0x598: {  	s18 =	simm.s32 $0xE80  }
0x599: {  	[tilespmem:s18], [sflag:$0x1] =	stream.indirect_vreg.gather [hbm4b:s4+s2], $0x80, v4, vm1, $0xb8;
	[tilespmem:$0xF680] =	vst v63  }
0x59a: {  	s29 =	simm.s32 $0x1280  }
0x59b: {  	[tilespmem:s29], [sflag:$0x1] =	stream.indirect_vreg.gather [hbm4b:s3+s2], $0x80, v3, vm0, $0xb8;
	[tilespmem:$0xF680] =	vst v63  }
0x59c: {  	s24 =	simm.s32 $0x1A80  }
0x59d: {  	[tilespmem:s24], [sflag:$0x1] =	stream.indirect_vreg.gather [hbm4b:s4+s2], $0x80, v3, vm1, $0xb8;
	[tilespmem:$0xF680] =	vst v63  }
0x59e: {  	v3 =	vld [tilespmem:$0x510];
	_ =	sdelay $0x4  }
0x59f: {  	v45 =	vshrl.u32 v3, $0x3  }
0x5a0: {  	v4 =	vmul.u32 $0x18, v45  }
0x5a1: {  	v3 =	vand.u32 $0x7, v3  }
0x5a2: {  	v3 =	vor.u32 v3, v4  }
0x5a3: {  	v4 =	vperm.xlane v3, v0;
	_ =	sdelay $0x1  }
0x5a4: {  	v4 =	vadd.s32 v1, v4;
	_ =	sdelay $0x1  }
0x5a5: {  	v3 =	vperm.xlane v3, v2;
	_ =	sdelay $0x1  }
0x5a6: {  	s25 =	simm.s32 $0x1E80;
	v3 =	vadd.s32 v1, v3  }
0x5a7: {  	[tilespmem:s25], [sflag:$0x1] =	stream.indirect_vreg.gather [hbm4b:s3+s2], $0x80, v4, vm0, $0xb8;
	[tilespmem:$0xF680] =	vst v63  }
0x5a8: {  	s29 =	simm.s32 $0x2680  }
0x5a9: {  	[tilespmem:s29], [sflag:$0x1] =	stream.indirect_vreg.gather [hbm4b:s4+s2], $0x80, v4, vm1, $0xb8;
	[tilespmem:$0xF680] =	vst v63  }
0x5aa: {  	s30 =	simm.s32 $0x2A80  }
0x5ab: {  	[tilespmem:s30], [sflag:$0x1] =	stream.indirect_vreg.gather [hbm4b:s3+s2], $0x80, v3, vm0, $0xb8;
	[tilespmem:$0xF680] =	vst v63  }
0x5ac: {  	s30 =	simm.s32 $0x3280  }
0x5ad: {  	[tilespmem:s30], [sflag:$0x1] =	stream.indirect_vreg.gather [hbm4b:s4+s2], $0x80, v3, vm1, $0xb8;
	[tilespmem:$0xF680] =	vst v63  }
0x5ae: {  	v3 =	vld [tilespmem:$0x520];
	_ =	sdelay $0x4  }
0x5af: {  	v46 =	vshrl.u32 v3, $0x3  }
0x5b0: {  	v4 =	vmul.u32 $0x18, v46  }
0x5b1: {  	v3 =	vand.u32 $0x7, v3  }
0x5b2: {  	v3 =	vor.u32 v3, v4  }
0x5b3: {  	v4 =	vperm.xlane v3, v0;
	_ =	sdelay $0x1  }
0x5b4: {  	v4 =	vadd.s32 v1, v4;
	_ =	sdelay $0x1  }
0x5b5: {  	v3 =	vperm.xlane v3, v2;
	_ =	sdelay $0x1  }
0x5b6: {  	s31 =	simm.s32 $0x3680;
	v3 =	vadd.s32 v1, v3  }
0x5b7: {  	[tilespmem:s31], [sflag:$0x1] =	stream.indirect_vreg.gather [hbm4b:s3+s2], $0x80, v4, vm0, $0xb8;
	[tilespmem:$0xF680] =	vst v63  }
0x5b8: {  	s0 =	simm.s32 $0x3E80  }
0x5b9: {  	[tilespmem:s0], [sflag:$0x1] =	stream.indirect_vreg.gather [hbm4b:s4+s2], $0x80, v4, vm1, $0xb8;
	[tilespmem:$0xF680] =	vst v63  }
0x5ba: {  	s1 =	simm.s32 $0x4280  }
0x5bb: {  	[tilespmem:s1], [sflag:$0x1] =	stream.indirect_vreg.gather [hbm4b:s3+s2], $0x80, v3, vm0, $0xb8;
	[tilespmem:$0xF680] =	vst v63  }
0x5bc: {  	s24 =	simm.s32 $0x4A80  }
0x5bd: {  	[tilespmem:s24], [sflag:$0x1] =	stream.indirect_vreg.gather [hbm4b:s4+s2], $0x80, v3, vm1, $0xb8;
	[tilespmem:$0xF680] =	vst v63  }
0x5be: {  	v3 =	vld [tilespmem:$0x530];
	_ =	sdelay $0x4  }
0x5bf: {  	v47 =	vshrl.u32 v3, $0x3  }
0x5c0: {  	v4 =	vmul.u32 $0x18, v47  }
0x5c1: {  	v3 =	vand.u32 $0x7, v3  }
0x5c2: {  	v3 =	vor.u32 v3, v4  }
0x5c3: {  	v4 =	vperm.xlane v3, v0;
	_ =	sdelay $0x1  }
0x5c4: {  	v4 =	vadd.s32 v1, v4;
	_ =	sdelay $0x1  }
0x5c5: {  	v3 =	vperm.xlane v3, v2;
	_ =	sdelay $0x1  }
0x5c6: {  	s5 =	simm.s32 $0x4E80;
	v3 =	vadd.s32 v1, v3  }
0x5c7: {  	[tilespmem:s5], [sflag:$0x1] =	stream.indirect_vreg.gather [hbm4b:s3+s2], $0x80, v4, vm0, $0xb8;
	[tilespmem:$0xF680] =	vst v63  }
0x5c8: {  	s7 =	simm.s32 $0x5680  }
0x5c9: {  	[tilespmem:s7], [sflag:$0x1] =	stream.indirect_vreg.gather [hbm4b:s4+s2], $0x80, v4, vm1, $0xb8;
	[tilespmem:$0xF680] =	vst v63  }
0x5ca: {  	s8 =	simm.s32 $0x5A80  }
0x5cb: {  	[tilespmem:s8], [sflag:$0x1] =	stream.indirect_vreg.gather [hbm4b:s3+s2], $0x80, v3, vm0, $0xb8;
	[tilespmem:$0xF680] =	vst v63  }
0x5cc: {  	s25 =	simm.s32 $0x6280  }
0x5cd: {  	[tilespmem:s25], [sflag:$0x1] =	stream.indirect_vreg.gather [hbm4b:s4+s2], $0x80, v3, vm1, $0xb8;
	[tilespmem:$0xF680] =	vst v63  }
0x5ce: {  	v3 =	vld [tilespmem:$0x540];
	_ =	sdelay $0x4  }
0x5cf: {  	v48 =	vshrl.u32 v3, $0x3  }
0x5d0: {  	v4 =	vmul.u32 $0x18, v48  }
0x5d1: {  	v3 =	vand.u32 $0x7, v3  }
0x5d2: {  	v3 =	vor.u32 v3, v4  }
0x5d3: {  	v4 =	vperm.xlane v3, v0;
	_ =	sdelay $0x1  }
0x5d4: {  	v4 =	vadd.s32 v1, v4;
	_ =	sdelay $0x1  }
0x5d5: {  	v3 =	vperm.xlane v3, v2;
	_ =	sdelay $0x1  }
0x5d6: {  	s9 =	simm.s32 $0x6680;
	v3 =	vadd.s32 v1, v3  }
0x5d7: {  	[tilespmem:s9], [sflag:$0x1] =	stream.indirect_vreg.gather [hbm4b:s3+s2], $0x80, v4, vm0, $0xb8;
	[tilespmem:$0xF680] =	vst v63  }
0x5d8: {  	s10 =	simm.s32 $0x6E80  }
0x5d9: {  	[tilespmem:s10], [sflag:$0x1] =	stream.indirect_vreg.gather [hbm4b:s4+s2], $0x80, v4, vm1, $0xb8;
	[tilespmem:$0xF680] =	vst v63  }
0x5da: {  	s11 =	simm.s32 $0x7280  }
0x5db: {  	[tilespmem:s11], [sflag:$0x1] =	stream.indirect_vreg.gather [hbm4b:s3+s2], $0x80, v3, vm0, $0xb8;
	[tilespmem:$0xF680] =	vst v63  }
0x5dc: {  	s12 =	simm.s32 $0x7A80  }
0x5dd: {  	[tilespmem:s12], [sflag:$0x1] =	stream.indirect_vreg.gather [hbm4b:s4+s2], $0x80, v3, vm1, $0xb8;
	[tilespmem:$0xF680] =	vst v63  }
0x5de: {  	_ =	swait.ge [sflag:s23], $0x7800  }
0x5df: {  	[sflag:s23] =	ssyncset.done $0x0  }
0x5e0: {  	s18 =	rddreg [dreg:$0x12];
	[sflag:s23] =	ssyncadd.s32 $0xFFFF8800  }
0x5e1: {  	[hbm4b:s18+s2] =	stream.linear.scatter [tilespmem:s28], [sflag:$0x3], $0x7800, $0x38;
	[tilespmem:$0xF680] =	vst v63  }
0x5e2: {  	_ =	swait.ge [sflag:s6], $0x7800  }
0x5e3: {  	[sflag:s6] =	ssyncset.done $0x0  }
0x5e4: {  	[sflag:s6] =	ssyncadd.s32 $0xFFFF8800  }
0x5e5: {  	v3 =	vld [tilespmem:$0x550];
	_ =	sdelay $0x4  }
0x5e6: {  	v49 =	vshrl.u32 v3, $0x3  }
0x5e7: {  	v4 =	vmul.u32 $0x18, v49  }
0x5e8: {  	v3 =	vand.u32 $0x7, v3  }
0x5e9: {  	v3 =	vor.u32 v3, v4  }
0x5ea: {  	v4 =	vperm.xlane v3, v0;
	_ =	sdelay $0x1  }
0x5eb: {  	v4 =	vadd.s32 v1, v4;
	_ =	sdelay $0x1  }
0x5ec: {  	v3 =	vperm.xlane v3, v2;
	_ =	sdelay $0x1  }
0x5ed: {  	v3 =	vadd.s32 v1, v3  }
0x5ee: {  	[tilespmem:s28], [sflag:$0x2] =	stream.indirect_vreg.gather [hbm4b:s3+s2], $0x80, v4, vm0, $0xb8;
	[tilespmem:$0xF680] =	vst v63  }
0x5ef: {  	s24 =	simm.s32 $0x8680  }
0x5f0: {  	[tilespmem:s24], [sflag:$0x2] =	stream.indirect_vreg.gather [hbm4b:s4+s2], $0x80, v4, vm1, $0xb8;
	[tilespmem:$0xF680] =	vst v63  }
0x5f1: {  	s25 =	simm.s32 $0x8A80  }
0x5f2: {  	[tilespmem:s25], [sflag:$0x2] =	stream.indirect_vreg.gather [hbm4b:s3+s2], $0x80, v3, vm0, $0xb8;
	[tilespmem:$0xF680] =	vst v63  }
0x5f3: {  	s24 =	simm.s32 $0x9280  }
0x5f4: {  	[tilespmem:s24], [sflag:$0x2] =	stream.indirect_vreg.gather [hbm4b:s4+s2], $0x80, v3, vm1, $0xb8;
	[tilespmem:$0xF680] =	vst v63  }
0x5f5: {  	v3 =	vld [tilespmem:$0x560];
	_ =	sdelay $0x4  }
0x5f6: {  	v50 =	vshrl.u32 v3, $0x3  }
0x5f7: {  	v4 =	vmul.u32 $0x18, v50  }
0x5f8: {  	v3 =	vand.u32 $0x7, v3  }
0x5f9: {  	v3 =	vor.u32 v3, v4  }
0x5fa: {  	v4 =	vperm.xlane v3, v0;
	_ =	sdelay $0x1  }
0x5fb: {  	v4 =	vadd.s32 v1, v4;
	_ =	sdelay $0x1  }
0x5fc: {  	v3 =	vperm.xlane v3, v2;
	_ =	sdelay $0x1  }
0x5fd: {  	s17 =	simm.s32 $0x9680;
	v3 =	vadd.s32 v1, v3  }
0x5fe: {  	[tilespmem:s17], [sflag:$0x2] =	stream.indirect_vreg.gather [hbm4b:s3+s2], $0x80, v4, vm0, $0xb8;
	[tilespmem:$0xF680] =	vst v63  }
0x5ff: {  	s15 =	simm.s32 $0x9E80  }
0x600: {  	[tilespmem:s15], [sflag:$0x2] =	stream.indirect_vreg.gather [hbm4b:s4+s2], $0x80, v4, vm1, $0xb8;
	[tilespmem:$0xF680] =	vst v63  }
0x601: {  	s16 =	simm.s32 $0xA280  }
0x602: {  	[tilespmem:s16], [sflag:$0x2] =	stream.indirect_vreg.gather [hbm4b:s3+s2], $0x80, v3, vm0, $0xb8;
	[tilespmem:$0xF680] =	vst v63  }
0x603: {  	s25 =	simm.s32 $0xAA80  }
0x604: {  	[tilespmem:s25], [sflag:$0x2] =	stream.indirect_vreg.gather [hbm4b:s4+s2], $0x80, v3, vm1, $0xb8;
	[tilespmem:$0xF680] =	vst v63  }
0x605: {  	v3 =	vld [tilespmem:$0x570];
	_ =	sdelay $0x4  }
0x606: {  	v51 =	vshrl.u32 v3, $0x3  }
0x607: {  	v4 =	vmul.u32 $0x18, v51  }
0x608: {  	v3 =	vand.u32 $0x7, v3  }
0x609: {  	v3 =	vor.u32 v3, v4  }
0x60a: {  	v4 =	vperm.xlane v3, v0;
	_ =	sdelay $0x1  }
0x60b: {  	v4 =	vadd.s32 v1, v4;
	_ =	sdelay $0x1  }
0x60c: {  	v3 =	vperm.xlane v3, v2;
	_ =	sdelay $0x1  }
0x60d: {  	s24 =	simm.s32 $0xAE80;
	v3 =	vadd.s32 v1, v3  }
0x60e: {  	[tilespmem:s24], [sflag:$0x2] =	stream.indirect_vreg.gather [hbm4b:s3+s2], $0x80, v4, vm0, $0xb8;
	[tilespmem:$0xF680] =	vst v63  }
0x60f: {  	s19 =	simm.s32 $0xB680  }
0x610: {  	[tilespmem:s19], [sflag:$0x2] =	stream.indirect_vreg.gather [hbm4b:s4+s2], $0x80, v4, vm1, $0xb8;
	[tilespmem:$0xF680] =	vst v63  }
0x611: {  	s20 =	simm.s32 $0xBA80  }
0x612: {  	[tilespmem:s20], [sflag:$0x2] =	stream.indirect_vreg.gather [hbm4b:s3+s2], $0x80, v3, vm0, $0xb8;
	[tilespmem:$0xF680] =	vst v63  }
0x613: {  	s25 =	simm.s32 $0xC280  }
0x614: {  	[tilespmem:s25], [sflag:$0x2] =	stream.indirect_vreg.gather [hbm4b:s4+s2], $0x80, v3, vm1, $0xb8;
	[tilespmem:$0xF680] =	vst v63  }
0x615: {  	v3 =	vld [tilespmem:$0x580];
	_ =	sdelay $0x4  }
0x616: {  	v52 =	vshrl.u32 v3, $0x3  }
0x617: {  	v4 =	vmul.u32 $0x18, v52  }
0x618: {  	v3 =	vand.u32 $0x7, v3  }
0x619: {  	v3 =	vor.u32 v3, v4  }
0x61a: {  	v4 =	vperm.xlane v3, v0;
	_ =	sdelay $0x1  }
0x61b: {  	v4 =	vadd.s32 v1, v4;
	_ =	sdelay $0x1  }
0x61c: {  	v3 =	vperm.xlane v3, v2;
	_ =	sdelay $0x1  }
0x61d: {  	s21 =	simm.s32 $0xC680;
	v3 =	vadd.s32 v1, v3  }
0x61e: {  	[tilespmem:s21], [sflag:$0x2] =	stream.indirect_vreg.gather [hbm4b:s3+s2], $0x80, v4, vm0, $0xb8;
	[tilespmem:$0xF680] =	vst v63  }
0x61f: {  	s25 =	simm.s32 $0xCE80  }
0x620: {  	[tilespmem:s25], [sflag:$0x2] =	stream.indirect_vreg.gather [hbm4b:s4+s2], $0x80, v4, vm1, $0xb8;
	[tilespmem:$0xF680] =	vst v63  }
0x621: {  	s24 =	simm.s32 $0xD280  }
0x622: {  	[tilespmem:s24], [sflag:$0x2] =	stream.indirect_vreg.gather [hbm4b:s3+s2], $0x80, v3, vm0, $0xb8;
	[tilespmem:$0xF680] =	vst v63  }
0x623: {  	s24 =	simm.s32 $0xDA80  }
0x624: {  	[tilespmem:s24], [sflag:$0x2] =	stream.indirect_vreg.gather [hbm4b:s4+s2], $0x80, v3, vm1, $0xb8;
	[tilespmem:$0xF680] =	vst v63  }
0x625: {  	v3 =	vld [tilespmem:$0x590];
	_ =	sdelay $0x4  }
0x626: {  	v53 =	vshrl.u32 v3, $0x3  }
0x627: {  	v4 =	vmul.u32 $0x18, v53  }
0x628: {  	v3 =	vand.u32 $0x7, v3  }
0x629: {  	v3 =	vor.u32 v3, v4  }
0x62a: {  	v4 =	vperm.xlane v3, v0;
	_ =	sdelay $0x1  }
0x62b: {  	v4 =	vadd.s32 v1, v4;
	_ =	sdelay $0x1  }
0x62c: {  	v3 =	vperm.xlane v3, v2;
	_ =	sdelay $0x1  }
0x62d: {  	s24 =	simm.s32 $0xDE80;
	v3 =	vadd.s32 v1, v3  }
0x62e: {  	[tilespmem:s24], [sflag:$0x2] =	stream.indirect_vreg.gather [hbm4b:s3+s2], $0x80, v4, vm0, $0xb8;
	[tilespmem:$0xF680] =	vst v63  }
0x62f: {  	s24 =	simm.s32 $0xE680  }
0x630: {  	[tilespmem:s24], [sflag:$0x2] =	stream.indirect_vreg.gather [hbm4b:s4+s2], $0x80, v4, vm1, $0xb8;
	[tilespmem:$0xF680] =	vst v63  }
0x631: {  	s24 =	simm.s32 $0xEA80  }
0x632: {  	[tilespmem:s24], [sflag:$0x2] =	stream.indirect_vreg.gather [hbm4b:s3+s2], $0x80, v3, vm0, $0xb8;
	[tilespmem:$0xF680] =	vst v63  }
0x633: {  	s24 =	simm.s32 $0xF280  }
0x634: {  	[tilespmem:s24], [sflag:$0x2] =	stream.indirect_vreg.gather [hbm4b:s4+s2], $0x80, v3, vm1, $0xb8;
	[tilespmem:$0xF680] =	vst v63  }
0x635: {  	_ =	swait.ge [sflag:s22], $0x7800  }
0x636: {  	[sflag:s22] =	ssyncset.done $0x0  }
0x637: {  	s24 =	rddreg [dreg:$0x13];
	[sflag:s22] =	ssyncadd.s32 $0xFFFF8800  }
0x638: {  	[hbm4b:s24+s2] =	stream.linear.scatter [tilespmem:s13], [sflag:$0x3], $0x7800, $0x38;
	[tilespmem:$0xF680] =	vst v63  }
0x639: {  	_ =	swait.ge [sflag:s6], $0x7800  }
0x63a: {  	[sflag:s6] =	ssyncset.done $0x0  }
0x63b: {  	[sflag:s6] =	ssyncadd.s32 $0xFFFF8800  }
0x63c: {  	v3 =	vld [tilespmem:$0x5A0];
	_ =	sdelay $0x4  }
0x63d: {  	v54 =	vshrl.u32 v3, $0x3  }
0x63e: {  	v4 =	vmul.u32 $0x18, v54  }
0x63f: {  	v3 =	vand.u32 $0x7, v3  }
0x640: {  	v3 =	vor.u32 v3, v4  }
0x641: {  	v4 =	vperm.xlane v3, v0;
	_ =	sdelay $0x1  }
0x642: {  	v4 =	vadd.s32 v1, v4;
	_ =	sdelay $0x1  }
0x643: {  	v3 =	vperm.xlane v3, v2;
	_ =	sdelay $0x1  }
0x644: {  	v3 =	vadd.s32 v1, v3  }
0x645: {  	[tilespmem:s13], [sflag:$0x1] =	stream.indirect_vreg.gather [hbm4b:s3+s2], $0x80, v4, vm0, $0xb8;
	[tilespmem:$0xF680] =	vst v63  }
0x646: {  	s24 =	simm.s32 $0xE80  }
0x647: {  	[tilespmem:s24], [sflag:$0x1] =	stream.indirect_vreg.gather [hbm4b:s4+s2], $0x80, v4, vm1, $0xb8;
	[tilespmem:$0xF680] =	vst v63  }
0x648: {  	s26 =	simm.s32 $0x1280  }
0x649: {  	[tilespmem:s26], [sflag:$0x1] =	stream.indirect_vreg.gather [hbm4b:s3+s2], $0x80, v3, vm0, $0xb8;
	[tilespmem:$0xF680] =	vst v63  }
0x64a: {  	s26 =	simm.s32 $0x1A80  }
0x64b: {  	[tilespmem:s26], [sflag:$0x1] =	stream.indirect_vreg.gather [hbm4b:s4+s2], $0x80, v3, vm1, $0xb8;
	[tilespmem:$0xF680] =	vst v63  }
0x64c: {  	v3 =	vld [tilespmem:$0x5B0];
	_ =	sdelay $0x4  }
0x64d: {  	v55 =	vshrl.u32 v3, $0x3  }
0x64e: {  	v4 =	vmul.u32 $0x18, v55  }
0x64f: {  	v3 =	vand.u32 $0x7, v3  }
0x650: {  	v3 =	vor.u32 v3, v4  }
0x651: {  	v4 =	vperm.xlane v3, v0;
	_ =	sdelay $0x1  }
0x652: {  	v4 =	vadd.s32 v1, v4;
	_ =	sdelay $0x1  }
0x653: {  	v3 =	vperm.xlane v3, v2;
	_ =	sdelay $0x1  }
0x654: {  	s26 =	simm.s32 $0x1E80;
	v3 =	vadd.s32 v1, v3  }
0x655: {  	[tilespmem:s26], [sflag:$0x1] =	stream.indirect_vreg.gather [hbm4b:s3+s2], $0x80, v4, vm0, $0xb8;
	[tilespmem:$0xF680] =	vst v63  }
0x656: {  	s14 =	simm.s32 $0x2680  }
0x657: {  	[tilespmem:s14], [sflag:$0x1] =	stream.indirect_vreg.gather [hbm4b:s4+s2], $0x80, v4, vm1, $0xb8;
	[tilespmem:$0xF680] =	vst v63  }
0x658: {  	s29 =	simm.s32 $0x2A80  }
0x659: {  	[tilespmem:s29], [sflag:$0x1] =	stream.indirect_vreg.gather [hbm4b:s3+s2], $0x80, v3, vm0, $0xb8;
	[tilespmem:$0xF680] =	vst v63  }
0x65a: {  	s29 =	simm.s32 $0x3280  }
0x65b: {  	[tilespmem:s29], [sflag:$0x1] =	stream.indirect_vreg.gather [hbm4b:s4+s2], $0x80, v3, vm1, $0xb8;
	[tilespmem:$0xF680] =	vst v63  }
0x65c: {  	v3 =	vld [tilespmem:$0x5C0];
	_ =	sdelay $0x4  }
0x65d: {  	v56 =	vshrl.u32 v3, $0x3  }
0x65e: {  	v4 =	vmul.u32 $0x18, v56  }
0x65f: {  	v3 =	vand.u32 $0x7, v3  }
0x660: {  	v3 =	vor.u32 v3, v4  }
0x661: {  	v4 =	vperm.xlane v3, v0;
	_ =	sdelay $0x1  }
0x662: {  	v4 =	vadd.s32 v1, v4;
	_ =	sdelay $0x1  }
0x663: {  	v3 =	vperm.xlane v3, v2;
	_ =	sdelay $0x1  }
0x664: {  	s30 =	simm.s32 $0x3680;
	v3 =	vadd.s32 v1, v3  }
0x665: {  	[tilespmem:s30], [sflag:$0x1] =	stream.indirect_vreg.gather [hbm4b:s3+s2], $0x80, v4, vm0, $0xb8;
	[tilespmem:$0xF680] =	vst v63  }
0x666: {  	s31 =	simm.s32 $0x3E80  }
0x667: {  	[tilespmem:s31], [sflag:$0x1] =	stream.indirect_vreg.gather [hbm4b:s4+s2], $0x80, v4, vm1, $0xb8;
	[tilespmem:$0xF680] =	vst v63  }
0x668: {  	s0 =	simm.s32 $0x4280  }
0x669: {  	[tilespmem:s0], [sflag:$0x1] =	stream.indirect_vreg.gather [hbm4b:s3+s2], $0x80, v3, vm0, $0xb8;
	[tilespmem:$0xF680] =	vst v63  }
0x66a: {  	s31 =	simm.s32 $0x4A80  }
0x66b: {  	[tilespmem:s31], [sflag:$0x1] =	stream.indirect_vreg.gather [hbm4b:s4+s2], $0x80, v3, vm1, $0xb8;
	[tilespmem:$0xF680] =	vst v63  }
0x66c: {  	v3 =	vld [tilespmem:$0x5D0];
	_ =	sdelay $0x4  }
0x66d: {  	v57 =	vshrl.u32 v3, $0x3  }
0x66e: {  	v4 =	vmul.u32 $0x18, v57  }
0x66f: {  	v3 =	vand.u32 $0x7, v3  }
0x670: {  	v3 =	vor.u32 v3, v4  }
0x671: {  	v4 =	vperm.xlane v3, v0;
	_ =	sdelay $0x1  }
0x672: {  	v4 =	vadd.s32 v1, v4;
	_ =	sdelay $0x1  }
0x673: {  	v3 =	vperm.xlane v3, v2;
	_ =	sdelay $0x1  }
0x674: {  	s1 =	simm.s32 $0x4E80;
	v3 =	vadd.s32 v1, v3  }
0x675: {  	[tilespmem:s1], [sflag:$0x1] =	stream.indirect_vreg.gather [hbm4b:s3+s2], $0x80, v4, vm0, $0xb8;
	[tilespmem:$0xF680] =	vst v63  }
0x676: {  	s5 =	simm.s32 $0x5680  }
0x677: {  	[tilespmem:s5], [sflag:$0x1] =	stream.indirect_vreg.gather [hbm4b:s4+s2], $0x80, v4, vm1, $0xb8;
	[tilespmem:$0xF680] =	vst v63  }
0x678: {  	s7 =	simm.s32 $0x5A80  }
0x679: {  	[tilespmem:s7], [sflag:$0x1] =	stream.indirect_vreg.gather [hbm4b:s3+s2], $0x80, v3, vm0, $0xb8;
	[tilespmem:$0xF680] =	vst v63  }
0x67a: {  	s7 =	simm.s32 $0x6280  }
0x67b: {  	[tilespmem:s7], [sflag:$0x1] =	stream.indirect_vreg.gather [hbm4b:s4+s2], $0x80, v3, vm1, $0xb8;
	[tilespmem:$0xF680] =	vst v63  }
0x67c: {  	v3 =	vld [tilespmem:$0x5E0];
	_ =	sdelay $0x4  }
0x67d: {  	v58 =	vshrl.u32 v3, $0x3  }
0x67e: {  	v4 =	vmul.u32 $0x18, v58  }
0x67f: {  	v3 =	vand.u32 $0x7, v3  }
0x680: {  	v3 =	vor.u32 v3, v4  }
0x681: {  	v4 =	vperm.xlane v3, v0;
	_ =	sdelay $0x1  }
0x682: {  	v4 =	vadd.s32 v1, v4;
	_ =	sdelay $0x1  }
0x683: {  	v3 =	vperm.xlane v3, v2;
	_ =	sdelay $0x1  }
0x684: {  	s8 =	simm.s32 $0x6680;
	v3 =	vadd.s32 v1, v3  }
0x685: {  	[tilespmem:s8], [sflag:$0x1] =	stream.indirect_vreg.gather [hbm4b:s3+s2], $0x80, v4, vm0, $0xb8;
	[tilespmem:$0xF680] =	vst v63  }
0x686: {  	s9 =	simm.s32 $0x6E80  }
0x687: {  	[tilespmem:s9], [sflag:$0x1] =	stream.indirect_vreg.gather [hbm4b:s4+s2], $0x80, v4, vm1, $0xb8;
	[tilespmem:$0xF680] =	vst v63  }
0x688: {  	s10 =	simm.s32 $0x7280  }
0x689: {  	[tilespmem:s10], [sflag:$0x1] =	stream.indirect_vreg.gather [hbm4b:s3+s2], $0x80, v3, vm0, $0xb8;
	[tilespmem:$0xF680] =	vst v63  }
0x68a: {  	s11 =	simm.s32 $0x7A80  }
0x68b: {  	[tilespmem:s11], [sflag:$0x1] =	stream.indirect_vreg.gather [hbm4b:s4+s2], $0x80, v3, vm1, $0xb8;
	[tilespmem:$0xF680] =	vst v63  }
0x68c: {  	_ =	swait.ge [sflag:s23], $0x7800  }
0x68d: {  	[sflag:s23] =	ssyncset.done $0x0  }
0x68e: {  	s10 =	rddreg [dreg:$0x14];
	[sflag:s23] =	ssyncadd.s32 $0xFFFF8800  }
0x68f: {  	[hbm4b:s10+s2] =	stream.linear.scatter [tilespmem:s28], [sflag:$0x3], $0x7800, $0x38;
	[tilespmem:$0xF680] =	vst v63  }
0x690: {  	_ =	swait.ge [sflag:s6], $0x7800  }
0x691: {  	[sflag:s6] =	ssyncset.done $0x0  }
0x692: {  	[sflag:s6] =	ssyncadd.s32 $0xFFFF8800  }
0x693: {  	v3 =	vld [tilespmem:$0x5F0];
	_ =	sdelay $0x4  }
0x694: {  	v59 =	vshrl.u32 v3, $0x3  }
0x695: {  	v4 =	vmul.u32 $0x18, v59  }
0x696: {  	v3 =	vand.u32 $0x7, v3  }
0x697: {  	v3 =	vor.u32 v3, v4  }
0x698: {  	v4 =	vperm.xlane v3, v0;
	_ =	sdelay $0x1  }
0x699: {  	v4 =	vadd.s32 v1, v4;
	_ =	sdelay $0x1  }
0x69a: {  	v3 =	vperm.xlane v3, v2;
	_ =	sdelay $0x1  }
0x69b: {  	v3 =	vadd.s32 v1, v3  }
0x69c: {  	[tilespmem:s28], [sflag:$0x2] =	stream.indirect_vreg.gather [hbm4b:s3+s2], $0x80, v4, vm0, $0xb8;
	[tilespmem:$0xF680] =	vst v63  }
0x69d: {  	s18 =	simm.s32 $0x8680  }
0x69e: {  	[tilespmem:s18], [sflag:$0x2] =	stream.indirect_vreg.gather [hbm4b:s4+s2], $0x80, v4, vm1, $0xb8;
	[tilespmem:$0xF680] =	vst v63  }
0x69f: {  	s11 =	simm.s32 $0x8A80  }
0x6a0: {  	[tilespmem:s11], [sflag:$0x2] =	stream.indirect_vreg.gather [hbm4b:s3+s2], $0x80, v3, vm0, $0xb8;
	[tilespmem:$0xF680] =	vst v63  }
0x6a1: {  	s14 =	simm.s32 $0x9280  }
0x6a2: {  	[tilespmem:s14], [sflag:$0x2] =	stream.indirect_vreg.gather [hbm4b:s4+s2], $0x80, v3, vm1, $0xb8;
	[tilespmem:$0xF680] =	vst v63  }
0x6a3: {  	v3 =	vld [tilespmem:$0x600];
	_ =	sdelay $0x4  }
0x6a4: {  	v60 =	vshrl.u32 v3, $0x3  }
0x6a5: {  	v4 =	vmul.u32 $0x18, v60  }
0x6a6: {  	v3 =	vand.u32 $0x7, v3  }
0x6a7: {  	v3 =	vor.u32 v3, v4  }
0x6a8: {  	v4 =	vperm.xlane v3, v0;
	_ =	sdelay $0x1  }
0x6a9: {  	v4 =	vadd.s32 v1, v4;
	_ =	sdelay $0x1  }
0x6aa: {  	v3 =	vperm.xlane v3, v2;
	_ =	sdelay $0x1  }
0x6ab: {  	s12 =	simm.s32 $0x9680;
	v3 =	vadd.s32 v1, v3  }
0x6ac: {  	[tilespmem:s12], [sflag:$0x2] =	stream.indirect_vreg.gather [hbm4b:s3+s2], $0x80, v4, vm0, $0xb8;
	[tilespmem:$0xF680] =	vst v63  }
0x6ad: {  	s17 =	simm.s32 $0x9E80  }
0x6ae: {  	[tilespmem:s17], [sflag:$0x2] =	stream.indirect_vreg.gather [hbm4b:s4+s2], $0x80, v4, vm1, $0xb8;
	[tilespmem:$0xF680] =	vst v63  }
0x6af: {  	s15 =	simm.s32 $0xA280  }
0x6b0: {  	[tilespmem:s15], [sflag:$0x2] =	stream.indirect_vreg.gather [hbm4b:s3+s2], $0x80, v3, vm0, $0xb8;
	[tilespmem:$0xF680] =	vst v63  }
0x6b1: {  	s18 =	simm.s32 $0xAA80  }
0x6b2: {  	[tilespmem:s18], [sflag:$0x2] =	stream.indirect_vreg.gather [hbm4b:s4+s2], $0x80, v3, vm1, $0xb8;
	[tilespmem:$0xF680] =	vst v63  }
0x6b3: {  	v3 =	vld [tilespmem:$0x610];
	_ =	sdelay $0x4  }
0x6b4: {  	v61 =	vshrl.u32 v3, $0x3  }
0x6b5: {  	v4 =	vmul.u32 $0x18, v61  }
0x6b6: {  	v3 =	vand.u32 $0x7, v3  }
0x6b7: {  	v3 =	vor.u32 v3, v4  }
0x6b8: {  	v4 =	vperm.xlane v3, v0;
	_ =	sdelay $0x1  }
0x6b9: {  	v4 =	vadd.s32 v1, v4;
	_ =	sdelay $0x1  }
0x6ba: {  	v3 =	vperm.xlane v3, v2;
	_ =	sdelay $0x1  }
0x6bb: {  	s16 =	simm.s32 $0xAE80;
	v3 =	vadd.s32 v1, v3  }
0x6bc: {  	[tilespmem:s16], [sflag:$0x2] =	stream.indirect_vreg.gather [hbm4b:s3+s2], $0x80, v4, vm0, $0xb8;
	[tilespmem:$0xF680] =	vst v63  }
0x6bd: {  	s19 =	simm.s32 $0xB680  }
0x6be: {  	[tilespmem:s19], [sflag:$0x2] =	stream.indirect_vreg.gather [hbm4b:s4+s2], $0x80, v4, vm1, $0xb8;
	[tilespmem:$0xF680] =	vst v63  }
0x6bf: {  	s20 =	simm.s32 $0xBA80  }
0x6c0: {  	[tilespmem:s20], [sflag:$0x2] =	stream.indirect_vreg.gather [hbm4b:s3+s2], $0x80, v3, vm0, $0xb8;
	[tilespmem:$0xF680] =	vst v63  }
0x6c1: {  	s19 =	simm.s32 $0xC280  }
0x6c2: {  	[tilespmem:s19], [sflag:$0x2] =	stream.indirect_vreg.gather [hbm4b:s4+s2], $0x80, v3, vm1, $0xb8;
	[tilespmem:$0xF680] =	vst v63  }
0x6c3: {  	v3 =	vld [tilespmem:$0x620];
	_ =	sdelay $0x4  }
0x6c4: {  	v62 =	vshrl.u32 v3, $0x3  }
0x6c5: {  	v4 =	vmul.u32 $0x18, v62  }
0x6c6: {  	v3 =	vand.u32 $0x7, v3  }
0x6c7: {  	v3 =	vor.u32 v3, v4  }
0x6c8: {  	v4 =	vperm.xlane v3, v0;
	_ =	sdelay $0x1  }
0x6c9: {  	v4 =	vadd.s32 v1, v4;
	_ =	sdelay $0x1  }
0x6ca: {  	v3 =	vperm.xlane v3, v2;
	_ =	sdelay $0x1  }
0x6cb: {  	s21 =	simm.s32 $0xC680;
	v3 =	vadd.s32 v1, v3  }
0x6cc: {  	[tilespmem:s21], [sflag:$0x2] =	stream.indirect_vreg.gather [hbm4b:s3+s2], $0x80, v4, vm0, $0xb8;
	[tilespmem:$0xF680] =	vst v63  }
0x6cd: {  	s25 =	simm.s32 $0xCE80  }
0x6ce: {  	[tilespmem:s25], [sflag:$0x2] =	stream.indirect_vreg.gather [hbm4b:s4+s2], $0x80, v4, vm1, $0xb8;
	[tilespmem:$0xF680] =	vst v63  }
0x6cf: {  	s20 =	simm.s32 $0xD280  }
0x6d0: {  	[tilespmem:s20], [sflag:$0x2] =	stream.indirect_vreg.gather [hbm4b:s3+s2], $0x80, v3, vm0, $0xb8;
	[tilespmem:$0xF680] =	vst v63  }
0x6d1: {  	s21 =	simm.s32 $0xDA80  }
0x6d2: {  	[tilespmem:s21], [sflag:$0x2] =	stream.indirect_vreg.gather [hbm4b:s4+s2], $0x80, v3, vm1, $0xb8;
	[tilespmem:$0xF680] =	vst v63  }
0x6d3: {  	v3 =	vld [tilespmem:$0x630];
	_ =	sdelay $0x4  }
0x6d4: {  	v63 =	vshrl.u32 v3, $0x3  }
0x6d5: {  	v4 =	vmul.u32 $0x18, v63  }
0x6d6: {  	v3 =	vand.u32 $0x7, v3  }
0x6d7: {  	v3 =	vor.u32 v3, v4  }
0x6d8: {  	v4 =	vperm.xlane v3, v0;
	_ =	sdelay $0x1  }
0x6d9: {  	v4 =	vadd.s32 v1, v4;
	_ =	sdelay $0x1  }
0x6da: {  	v3 =	vperm.xlane v3, v2;
	_ =	sdelay $0x1  }
0x6db: {  	s24 =	simm.s32 $0xDE80;
	v3 =	vadd.s32 v1, v3  }
0x6dc: {  	[tilespmem:s24], [sflag:$0x2] =	stream.indirect_vreg.gather [hbm4b:s3+s2], $0x80, v4, vm0, $0xb8;
	[tilespmem:$0xF680] =	vst v63  }
0x6dd: {  	s25 =	simm.s32 $0xE680  }
0x6de: {  	[tilespmem:s25], [sflag:$0x2] =	stream.indirect_vreg.gather [hbm4b:s4+s2], $0x80, v4, vm1, $0xb8;
	[tilespmem:$0xF680] =	vst v63  }
0x6df: {  	s26 =	simm.s32 $0xEA80  }
0x6e0: {  	[tilespmem:s26], [sflag:$0x2] =	stream.indirect_vreg.gather [hbm4b:s3+s2], $0x80, v3, vm0, $0xb8;
	[tilespmem:$0xF680] =	vst v63  }
0x6e1: {  	s29 =	simm.s32 $0xF280  }
0x6e2: {  	[tilespmem:s29], [sflag:$0x2] =	stream.indirect_vreg.gather [hbm4b:s4+s2], $0x80, v3, vm1, $0xb8;
	[tilespmem:$0xF680] =	vst v63  }
0x6e3: {  	s17 =	rddreg [dreg:$0x17];
	_ =	swait.ge [sflag:s22], $0x7800  }
0x6e4: {  	[sflag:s22] =	ssyncset.done $0x0  }
0x6e5: {  	s30 =	rddreg [dreg:$0x15];
	[sflag:s22] =	ssyncadd.s32 $0xFFFF8800  }
0x6e6: {  	[hbm4b:s30+s2] =	stream.linear.scatter [tilespmem:s13], [sflag:$0x3], $0x7800, $0x38;
	[tilespmem:$0xF680] =	vst v63  }
0x6e7: {  	_ =	swait.ge [sflag:s6], $0x7800  }
0x6e8: {  	[sflag:s6] =	ssyncset.done $0x0  }
0x6e9: {  	[sflag:s6] =	ssyncadd.s32 $0xFFFF8800  }
0x6ea: {  	_ =	swait.ge [sflag:s23], $0x7800  }
0x6eb: {  	p0 =	sne.s32 s17, $0x1;
	[sflag:s23] =	ssyncset.done $0x0  }
.Ltmp0:
0x6ec: {  	s31 =	rddreg [dreg:$0x16];
	[sflag:s23] =	ssyncadd.s32 $0xFFFF8800;
	(pc) =	sbr.rel @p0 .LBB2_1-.Ltmp0, $4  }
0x6ed: {  	[hbm4b:s31+s2] =	stream.linear.scatter [tilespmem:s28], [sflag:$0x3], $0x7800, $0x38;
	[tilespmem:$0xF680] =	vst v63  }
0x6ee: {  	_ =	swait.ge [sflag:s6], $0x7800  }
0x6ef: {  	[sflag:s6] =	ssyncset.done $0x0  }
0x6f0: {  	s0 =	sadd.s32 $0xFFFFFFFF, s17;
	[sflag:s6] =	ssyncadd.s32 $0xFFFF8800  }
0x6f1: {  	_ =	sfence.sel $0x180000  }
0x6f2: {  	[bflag:$0x0] =	sbarrier.arrive $0xFFFF  }
0x6f3: {  	_ =	strace $0x90000047  }
0x6f4: {  	s0 =	stileid.u32;
	[bflag:$0x2] =	sbarrier.arrive $0xFFFF  }
0x6f5: {  	p0 =	sne.s32 s0, $0x0;
	s0 =	rddreg [dreg:$0x1]  }
0x6f6: {  	s0 =	sadd.s32 @!p0 $0x100000, s0  }
0x6f7: {  	[sflag:s0] =	ssyncadd.tile.s32 @!p0 $0x1;
	_ =	shalt  }
.Lfunc_end2:
_tile_overlayer_lowered:
.L_overlay_start_2:
0x6f8: {  	(tag) =	ssettag $0x2  }
0x6f9: {  	s0 =	rddreg [dreg:$0x0];
	s2 =	stileid.u32  }
0x6fa: {  	s1 =	rddreg [dreg:$0x1];
	p0 =	sne.s32 s2, $0x0  }
0x6fb: {  	s3 =	rddreg [dreg:$0x2];
	[bflag:$0x3] =	sbarrier.arrive $0xFFFF;
	s2 =	simm.s32 @!p0 $0x1C03  }
0x6fc: {  	[timem:s3], [sflag:s2] =	dma.local @!p0 [hbm:s0], s1  }
0x6fd: {  	s0 =	simm.s32 @!p0 $0x3  }
0x6fe: {  	_ =	swait.ge @!p0 [sflag:s0], s1  }
0x6ff: {  	s1 =	ssub.s32 @!p0 $0x0, s1;
	[sflag:s0] =	ssyncset.done @!p0 $0x0  }
0x700: {  	[sflag:s0] =	ssyncadd.s32 @!p0 s1  }
0x701: {  	[bflag:$0x3] =	sbarrier.arrive $0xFFFF  }
0x702: {  	_ =	shalt  }

</sc_bundles>
